<compile_context>
chip_gen: v7x
topology: tpu7x:2x2x1
jax: 0.10.2.dev20260603
libtpu: 0.0.44.dev20260713+nightly
codegen_flags: <defaults>
</compile_context>

<pallas_src>
import functools

import jax
import jax.numpy as jnp
from jax import lax
from jax.experimental import pallas as pl
from jax.experimental.pallas import tpu as pltpu
from jax.experimental.pallas import tpu_sc as plsc

NN = 10000
NE = 320000
NPAD = 10112
RPS = NPAD // 16
NTILES = 32
EPT = NE // NTILES

_SC_MESH = plsc.VectorSubcoreMesh(core_axis_name="c", subcore_axis_name="s")
_SC_PARAMS = pltpu.CompilerParams(use_tc_tiling_on_sc=False)



def _deg_body(ei_hbm, ones_hbm, zeros_hbm, out_hbm,
              ones_v, d0, d1, acc_sh, ssem0, ssem1):
    blk = 1000
    nb = EPT // blk
    c = lax.axis_index("c")
    s = lax.axis_index("s")
    wid = c * 16 + s
    e0 = wid * EPT
    pltpu.sync_copy(zeros_hbm.at[pl.ds(s * RPS, RPS)], acc_sh.at[pl.ds(s * RPS, RPS)])
    pltpu.sync_copy(ones_hbm, ones_v)
    plsc.subcore_barrier()

    def body(j2, carry):
        p = e0 + j2 * (2 * blk)

        @pl.when(j2 > 0)
        def _():
            pltpu.make_async_copy(ones_v, acc_sh.at[d0], ssem0).wait()
            pltpu.make_async_copy(ones_v, acc_sh.at[d1], ssem1).wait()

        pltpu.sync_copy(ei_hbm.at[1, pl.ds(p, blk)], d0)
        pltpu.async_copy(ones_v, acc_sh.at[d0], ssem0, add=True)
        pltpu.sync_copy(ei_hbm.at[1, pl.ds(p + blk, blk)], d1)
        pltpu.async_copy(ones_v, acc_sh.at[d1], ssem1, add=True)
        return carry

    lax.fori_loop(0, nb // 2, body, 0)
    pltpu.make_async_copy(ones_v, acc_sh.at[d0], ssem0).wait()
    pltpu.make_async_copy(ones_v, acc_sh.at[d1], ssem1).wait()
    plsc.subcore_barrier()
    pltpu.sync_copy(acc_sh.at[pl.ds(s * RPS, RPS)], out_hbm.at[c, pl.ds(s * RPS, RPS)])


def _make_deg():
    blk = 1000
    return pl.kernel(
        _deg_body,
        out_type=jax.ShapeDtypeStruct((2, NPAD, 8), jnp.float32),
        mesh=_SC_MESH,
        scratch_types=[
            pltpu.VMEM((blk, 8), jnp.float32),
            pltpu.VMEM((blk,), jnp.int32),
            pltpu.VMEM((blk,), jnp.int32),
            pltpu.VMEM_SHARED((NPAD, 8), jnp.float32),
            pltpu.SemaphoreType.DMA,
            pltpu.SemaphoreType.DMA,
        ],
        compiler_params=_SC_PARAMS,
    )


def _agg_body(blk, g_hbm, ei_hbm, zeros_hbm, out_hbm,
              e0b, e1b, r0, r1, acc_sh, is0, is1, gs0, gs1, ss0, ss1):
    nb = EPT // blk
    c = lax.axis_index("c")
    s = lax.axis_index("s")
    wid = c * 16 + s
    e0 = wid * EPT
    pltpu.sync_copy(zeros_hbm.at[pl.ds(s * RPS, RPS)], acc_sh.at[pl.ds(s * RPS, RPS)])
    plsc.subcore_barrier()

    def body(j2, carry):
        p = e0 + j2 * (2 * blk)

        @pl.when(j2 > 0)
        def _():
            pltpu.make_async_copy(r0, acc_sh.at[e0b.at[1]], ss0).wait()
            pltpu.make_async_copy(r1, acc_sh.at[e1b.at[1]], ss1).wait()

        i0a = pltpu.async_copy(ei_hbm.at[0, pl.ds(p, blk)], e0b.at[0], is0)
        i0b = pltpu.async_copy(ei_hbm.at[1, pl.ds(p, blk)], e0b.at[1], is0)
        i1a = pltpu.async_copy(ei_hbm.at[0, pl.ds(p + blk, blk)], e1b.at[0], is1)
        i1b = pltpu.async_copy(ei_hbm.at[1, pl.ds(p + blk, blk)], e1b.at[1], is1)
        i0a.wait()
        i0b.wait()
        g0 = pltpu.async_copy(g_hbm.at[e0b.at[0]], r0, gs0)
        i1a.wait()
        i1b.wait()
        g1 = pltpu.async_copy(g_hbm.at[e1b.at[0]], r1, gs1)
        g0.wait()
        pltpu.async_copy(r0, acc_sh.at[e0b.at[1]], ss0, add=True)
        g1.wait()
        pltpu.async_copy(r1, acc_sh.at[e1b.at[1]], ss1, add=True)
        return carry

    lax.fori_loop(0, nb // 2, body, 0)
    if nb % 2:
        pltpu.make_async_copy(r0, acc_sh.at[e0b.at[1]], ss0).wait()
        p = e0 + (nb - 1) * blk
        pltpu.sync_copy(ei_hbm.at[:, pl.ds(p, blk)], e0b)
        pltpu.async_copy(g_hbm.at[e0b.at[0]], r0, gs0).wait()
        pltpu.async_copy(r0, acc_sh.at[e0b.at[1]], ss0, add=True)
    pltpu.make_async_copy(r0, acc_sh.at[e0b.at[1]], ss0).wait()
    pltpu.make_async_copy(r1, acc_sh.at[e1b.at[1]], ss1).wait()
    plsc.subcore_barrier()
    pltpu.sync_copy(acc_sh.at[pl.ds(s * RPS, RPS)], out_hbm.at[c, pl.ds(s * RPS, RPS)])


def _make_agg(feat, blk):
    return pl.kernel(
        functools.partial(_agg_body, blk),
        out_type=jax.ShapeDtypeStruct((2, NPAD, feat), jnp.float32),
        mesh=_SC_MESH,
        scratch_types=[
            pltpu.VMEM((2, blk), jnp.int32),
            pltpu.VMEM((2, blk), jnp.int32),
            pltpu.VMEM((blk, feat), jnp.float32),
            pltpu.VMEM((blk, feat), jnp.float32),
            pltpu.VMEM_SHARED((NPAD, feat), jnp.float32),
            pltpu.SemaphoreType.DMA,
            pltpu.SemaphoreType.DMA,
            pltpu.SemaphoreType.DMA,
            pltpu.SemaphoreType.DMA,
            pltpu.SemaphoreType.DMA,
            pltpu.SemaphoreType.DMA,
        ],
        compiler_params=_SC_PARAMS,
    )



def _pre_tc(x_ref, degp_ref, w_ref, ga_ref, gb_ref, dis_ref):
    deg = jnp.sum(degp_ref[...], axis=(0, 2)) * (1.0 / 8.0) + 1.0
    dis = (1.0 / jnp.sqrt(deg))[:, None]
    dis_ref[...] = dis
    h = jnp.dot(x_ref[...], w_ref[...], preferred_element_type=jnp.float32) * dis
    ga_ref[...] = h[:, :64]
    gb_ref[...] = h[:, 64:]


def _mid1_tc(ta_ref, tb_ref, ga_ref, gb_ref, dis_ref, ba_ref, bb_ref,
             wa_ref, wb_ref, o_ref):
    dis = dis_ref[...]
    za = jnp.maximum((ta_ref[0] + ta_ref[1] + ga_ref[...]) * dis + ba_ref[...], 0.0)
    zb = jnp.maximum((tb_ref[0] + tb_ref[1] + gb_ref[...]) * dis + bb_ref[...], 0.0)
    o_ref[...] = (jnp.dot(za, wa_ref[...], preferred_element_type=jnp.float32)
                  + jnp.dot(zb, wb_ref[...], preferred_element_type=jnp.float32)) * dis


def _mid_tc(tp_ref, g_ref, dis_ref, b_ref, w_ref, o_ref):
    dis = dis_ref[...]
    u = (tp_ref[0] + tp_ref[1] + g_ref[...]) * dis + b_ref[...]
    z = jnp.maximum(u, 0.0)
    o_ref[...] = jnp.dot(z, w_ref[...], preferred_element_type=jnp.float32) * dis


def _fin_tc(tp_ref, g_ref, dis_ref, b_ref, wl_ref, bl_ref, o_ref):
    dis = dis_ref[...]
    u = (tp_ref[0] + tp_ref[1] + g_ref[...]) * dis + b_ref[...]
    z = jnp.maximum(u, 0.0)
    o_ref[...] = jnp.dot(z, wl_ref[...], preferred_element_type=jnp.float32) + bl_ref[...]


_RB = 2000


def _pre_call(x, degp, w):
    fi = w.shape[0]
    return pl.pallas_call(
        _pre_tc,
        grid=(NN // _RB,),
        in_specs=[
            pl.BlockSpec((_RB, fi), lambda i: (i, 0)),
            pl.BlockSpec((2, _RB, 8), lambda i: (0, i, 0)),
            pl.BlockSpec((fi, 128), lambda i: (0, 0)),
        ],
        out_specs=[
            pl.BlockSpec((_RB, 64), lambda i: (i, 0)),
            pl.BlockSpec((_RB, 64), lambda i: (i, 0)),
            pl.BlockSpec((_RB, 1), lambda i: (i, 0)),
        ],
        out_shape=[
            jax.ShapeDtypeStruct((NN, 64), jnp.float32),
            jax.ShapeDtypeStruct((NN, 64), jnp.float32),
            jax.ShapeDtypeStruct((NN, 1), jnp.float32),
        ],
    )(x, degp, w)


def _mid1_call(ta, tb, ga, gb, dis_col, b, w):
    fo = w.shape[1]
    return pl.pallas_call(
        _mid1_tc,
        grid=(NN // _RB,),
        in_specs=[
            pl.BlockSpec((2, _RB, 64), lambda i: (0, i, 0)),
            pl.BlockSpec((2, _RB, 64), lambda i: (0, i, 0)),
            pl.BlockSpec((_RB, 64), lambda i: (i, 0)),
            pl.BlockSpec((_RB, 64), lambda i: (i, 0)),
            pl.BlockSpec((_RB, 1), lambda i: (i, 0)),
            pl.BlockSpec((1, 64), lambda i: (0, 0)),
            pl.BlockSpec((1, 64), lambda i: (0, 0)),
            pl.BlockSpec((64, fo), lambda i: (0, 0)),
            pl.BlockSpec((64, fo), lambda i: (0, 0)),
        ],
        out_specs=pl.BlockSpec((_RB, fo), lambda i: (i, 0)),
        out_shape=jax.ShapeDtypeStruct((NN, fo), jnp.float32),
    )(ta, tb, ga, gb, dis_col, b[:, :64], b[:, 64:], w[:64], w[64:])


def _mid_call(tp, g, dis_col, b, w):
    fi, fo = w.shape
    return pl.pallas_call(
        _mid_tc,
        grid=(NN // _RB,),
        in_specs=[
            pl.BlockSpec((2, _RB, fi), lambda i: (0, i, 0)),
            pl.BlockSpec((_RB, fi), lambda i: (i, 0)),
            pl.BlockSpec((_RB, 1), lambda i: (i, 0)),
            pl.BlockSpec((1, fi), lambda i: (0, 0)),
            pl.BlockSpec((fi, fo), lambda i: (0, 0)),
        ],
        out_specs=pl.BlockSpec((_RB, fo), lambda i: (i, 0)),
        out_shape=jax.ShapeDtypeStruct((NN, fo), jnp.float32),
    )(tp, g, dis_col, b, w)


def _fin_call(tp, g, dis_col, b, wl, bl):
    fi, fo = wl.shape
    return pl.pallas_call(
        _fin_tc,
        grid=(NN // _RB,),
        in_specs=[
            pl.BlockSpec((2, _RB, fi), lambda i: (0, i, 0)),
            pl.BlockSpec((_RB, fi), lambda i: (i, 0)),
            pl.BlockSpec((_RB, 1), lambda i: (i, 0)),
            pl.BlockSpec((1, fi), lambda i: (0, 0)),
            pl.BlockSpec((fi, fo), lambda i: (0, 0)),
            pl.BlockSpec((1, fo), lambda i: (0, 0)),
        ],
        out_specs=pl.BlockSpec((_RB, fo), lambda i: (i, 0)),
        out_shape=jax.ShapeDtypeStruct((NN, fo), jnp.float32),
    )(tp, g, dis_col, b, wl, bl)



def kernel(x, edge_index, W1, b1, W2, b2, W3, b3, Wl, bl):
    ei = edge_index.astype(jnp.int32)
    ones8 = jnp.ones((1000, 8), jnp.float32)
    z8 = jnp.zeros((NPAD, 8), jnp.float32)
    z64 = jnp.zeros((NPAD, 64), jnp.float32)
    z32 = jnp.zeros((NPAD, 32), jnp.float32)

    degp = _make_deg()(ei, ones8, z8)
    g1a, g1b, dis_col = _pre_call(x, degp, W1)

    agg64 = _make_agg(64, 400)
    t1a = agg64(g1a, ei, z64)
    t1b = agg64(g1b, ei, z64)
    g2 = _mid1_call(t1a, t1b, g1a, g1b, dis_col, b1.reshape(1, -1), W2)
    t2 = agg64(g2, ei, z64)
    g3 = _mid_call(t2, g2, dis_col, b2.reshape(1, -1), W3)
    t3 = _make_agg(32, 1000)(g3, ei, z32)
    return _fin_call(t3, g3, dis_col, b3.reshape(1, -1), Wl, bl.reshape(1, -1))

# --- scband reference (transcript-rebuilt; emitter-appended) ---
"""Pipeline reference for scband-gcn-1116691497086 (READ-ONLY COPY).

The authoritative reference and input builder live on the scoring server;
editing this copy changes nothing except your own understanding.
"""

import jax, jax.numpy as jnp
import numpy as np

N_NODES = 10000
N_EDGES = 320000
IN_CH = 128
HID = 32
OUT_CH = 1


def glorot(key, shape):
    fan_in, fan_out = shape[0], shape[1]
    limit = np.sqrt(6.0 / (fan_in + fan_out))
    return jax.random.uniform(key, shape, jnp.float32, -limit, limit)


def setup_inputs(seed: int = 0) -> dict:
    key = jax.random.key(seed)
    ks = jax.random.split(key, 12)
    x = jax.random.normal(ks[0], (N_NODES, IN_CH), dtype=jnp.float32)
    edge_index = jax.random.randint(ks[1], (2, N_EDGES), 0, N_NODES, dtype=jnp.int64 if jax.config.jax_enable_x64 else jnp.int32)
    W1 = glorot(ks[2], (IN_CH, HID * 4))
    b1 = jnp.zeros((HID * 4,), jnp.float32)
    W2 = glorot(ks[3], (HID * 4, HID * 2))
    b2 = jnp.zeros((HID * 2,), jnp.float32)
    W3 = glorot(ks[4], (HID * 2, HID))
    b3 = jnp.zeros((HID,), jnp.float32)
    Wl = glorot(ks[5], (HID, OUT_CH))
    bl = jnp.zeros((OUT_CH,), jnp.float32)
    return {"x": x, "edge_index": edge_index, "W1": W1, "b1": b1, "W2": W2, "b2": b2, "W3": W3, "b3": b3, "Wl": Wl, "bl": bl}


def gcn_conv(x, edge_index, W, b):
    # PyG GCNConv: add self-loops, symmetric normalization D^-1/2 A D^-1/2, then linear
    N = x.shape[0]
    loop = jnp.arange(N, dtype=edge_index.dtype)
    src = jnp.concatenate([edge_index[0], loop])
    dst = jnp.concatenate([edge_index[1], loop])
    deg = jnp.zeros((N,), jnp.float32).at[dst].add(1.0)
    deg_inv_sqrt = jnp.where(deg > 0, 1.0 / jnp.sqrt(deg), 0.0)
    norm = deg_inv_sqrt[src] * deg_inv_sqrt[dst]
    h = x @ W
    msg = h[src] * norm[:, None]
    out = jnp.zeros((N, W.shape[1]), jnp.float32).at[dst].add(msg)
    return out + b


def reference(x, edge_index, W1, b1, W2, b2, W3, b3, Wl, bl):
    # dropout is identity in eval mode
    h = gcn_conv(x, edge_index, W1, b1)
    h = jax.nn.relu(h)
    h = gcn_conv(h, edge_index, W2, b2)
    h = jax.nn.relu(h)
    h = gcn_conv(h, edge_index, W3, b3)
    h = jax.nn.relu(h)
    out = h @ Wl + bl
    return out

if __name__ == "__main__":
    import jax
    _d = setup_inputs()
    print(jax.jit(kernel)(*tuple(_d.values())))

</pallas_src>

<mosaic_0001>
#map = affine_map<(d0, d1) -> (0, 0)>
#map1 = affine_map<(d0, d1) -> (0, 0, 0)>
module attributes {stable_mosaic.version = 14 : i64} {
  func.func @_agg_body(%arg0: i32, %arg1: i32, %arg2: memref<10000x64xf32, #tpu.memory_space<hbm>>, %arg3: memref<2x320000xi32, #tpu.memory_space<hbm>>, %arg4: memref<10112x64xf32, #tpu.memory_space<hbm>>, %arg5: memref<2x10112x64xf32, #tpu.memory_space<hbm>>, %arg6: memref<2x400xi32, #tpu.memory_space<vmem>>, %arg7: memref<2x400xi32, #tpu.memory_space<vmem>>, %arg8: memref<400x64xf32, #tpu.memory_space<vmem>>, %arg9: memref<400x64xf32, #tpu.memory_space<vmem>>, %arg10: memref<10112x64xf32, #tpu.memory_space<vmem_shared>>, %arg11: memref<!tpu.dma_semaphore, #tpu.memory_space<semaphore_mem>>, %arg12: memref<!tpu.dma_semaphore, #tpu.memory_space<semaphore_mem>>, %arg13: memref<!tpu.dma_semaphore, #tpu.memory_space<semaphore_mem>>, %arg14: memref<!tpu.dma_semaphore, #tpu.memory_space<semaphore_mem>>, %arg15: memref<!tpu.dma_semaphore, #tpu.memory_space<semaphore_mem>>, %arg16: memref<!tpu.dma_semaphore, #tpu.memory_space<semaphore_mem>>) attributes {dimension_semantics = [#tpu.dimension_semantics<core_parallel>, #tpu.dimension_semantics<subcore_parallel>], iteration_bounds = array<i64: 2, 16>, scalar_prefetch = 0 : i64, scratch_operands = 11 : i64, tpu.core_type = #tpu.core_type<sc_vector_subcore>, window_params = [{transform_indices = #map}, {transform_indices = #map}, {transform_indices = #map}, {transform_indices = #map1}]} {
    %mul3A = arith.constant 16 : i32
    %mul3A_0 = arith.muli %arg0, %mul3A : i32
    %add3A = arith.addi %mul3A_0, %arg1 : i32
    %mul3A_1 = arith.constant 10000 : i32
    %mul3A_2 = arith.muli %add3A, %mul3A_1 : i32
    %mul3A_3 = arith.constant 632 : i32
    %mul3A_4 = arith.muli %arg1, %mul3A_3 : i32
    %mul3A_5 = arith.constant 632 : i32
    %mul3A_6 = arith.muli %arg1, %mul3A_5 : i32
    "tpu.region"() ({
      %run_scoped3A = tpu.sem_alloc : memref<!tpu.dma_semaphore, #tpu.memory_space<semaphore_mem>>
      %dma_start3A_59 = arith.constant 0 : i32
      %dma_start3A_60 = tpu.memref_slice %arg10[%mul3A_6, %dma_start3A_59] : memref<10112x64xf32, #tpu.memory_space<vmem_shared>> -> memref<632x64xf32, #tpu.memory_space<vmem_shared>>
      %dma_start3A_61 = arith.constant 0 : i32
      %dma_start3A_62 = tpu.memref_slice %arg4[%mul3A_4, %dma_start3A_61] : memref<10112x64xf32, #tpu.memory_space<hbm>> -> memref<632x64xf32, #tpu.memory_space<hbm>>
      tpu.enqueue_dma source(%dma_start3A_62 : memref<632x64xf32, #tpu.memory_space<hbm>>) target(%dma_start3A_60 : memref<632x64xf32, #tpu.memory_space<vmem_shared>>) target_semaphore(%run_scoped3A : memref<!tpu.dma_semaphore, #tpu.memory_space<semaphore_mem>>)
      %dma_wait3A_63 = arith.constant 0 : i32
      %dma_wait3A_64 = tpu.memref_slice %arg10[%mul3A_6, %dma_wait3A_63] : memref<10112x64xf32, #tpu.memory_space<vmem_shared>> -> memref<632x64xf32, #tpu.memory_space<vmem_shared>>
      %dma_wait3A_65 = arith.constant 0 : i32
      %dma_wait3A_66 = tpu.memref_slice %arg4[%mul3A_4, %dma_wait3A_65] : memref<10112x64xf32, #tpu.memory_space<hbm>> -> memref<632x64xf32, #tpu.memory_space<hbm>>
      tpu.wait_dma2 semaphore(%run_scoped3A : memref<!tpu.dma_semaphore, #tpu.memory_space<semaphore_mem>>) src(%dma_wait3A_66 : memref<632x64xf32, #tpu.memory_space<hbm>>) dst(%dma_wait3A_64 : memref<632x64xf32, #tpu.memory_space<vmem_shared>>)
      tpu.yield
    }) : () -> ()
    %barrier3A = arith.constant 0 : index
    tpu.barrier barrier_id(%barrier3A)
    %scan3A = arith.constant 0 : i32
    %scan3A_7 = arith.constant 0 : i32
    %scan3A_8 = arith.constant 12 : i32
    %scan3A_9 = arith.addi %scan3A_7, %scan3A_8 : i32
    %scan3A_10 = arith.constant 1 : i32
    scf.for %scan3A_59 = %scan3A_7 to %scan3A_9 step %scan3A_10  : i32 {
      %mul3A_60 = arith.constant 800 : i32
      %mul3A_61 = arith.muli %scan3A_59, %mul3A_60 : i32
      %add3A_62 = arith.addi %mul3A_2, %mul3A_61 : i32
      %gt3A = arith.constant 0 : i32
      %gt3A_63 = arith.cmpi sgt, %scan3A_59, %gt3A : i32
      %convert_element_type3A = arith.extui %gt3A_63 : i1 to i32
      %cond3A = arith.constant 0 : i32
      %cond3A_64 = arith.cmpi ne, %convert_element_type3A, %cond3A : i32
      scf.if %cond3A_64 {
        %dma_wait3A_207 = arith.constant 1 : i32
        %dma_wait3A_208 = arith.constant 0 : i32
        %dma_wait3A_209 = tpu.memref_slice %arg6[%dma_wait3A_207, %dma_wait3A_208] : memref<2x400xi32, #tpu.memory_space<vmem>> -> memref<1x400xi32, #tpu.memory_space<vmem>>
        %dma_wait3A_210 = tpu.memref_squeeze %dma_wait3A_209 : memref<1x400xi32, #tpu.memory_space<vmem>> -> memref<400xi32, #tpu.memory_space<vmem>>
        %dma_wait3A_211 = arith.constant 0 : i32
        %dma_wait3A_212 = arith.constant 0 : i32
        %dma_wait3A_213 = tpu.memref_slice %arg10[%dma_wait3A_211, %dma_wait3A_212] : memref<10112x64xf32, #tpu.memory_space<vmem_shared>> -> memref<10112x64xf32, #tpu.memory_space<vmem_shared>>
        tpu.wait_indirect_dma semaphore(%arg15 : memref<!tpu.dma_semaphore, #tpu.memory_space<semaphore_mem>>) src(%arg8 : memref<400x64xf32, #tpu.memory_space<vmem>>) dst(%dma_wait3A_213 : memref<10112x64xf32, #tpu.memory_space<vmem_shared>>)
        %dma_wait3A_214 = arith.constant 1 : i32
        %dma_wait3A_215 = arith.constant 0 : i32
        %dma_wait3A_216 = tpu.memref_slice %arg7[%dma_wait3A_214, %dma_wait3A_215] : memref<2x400xi32, #tpu.memory_space<vmem>> -> memref<1x400xi32, #tpu.memory_space<vmem>>
        %dma_wait3A_217 = tpu.memref_squeeze %dma_wait3A_216 : memref<1x400xi32, #tpu.memory_space<vmem>> -> memref<400xi32, #tpu.memory_space<vmem>>
        %dma_wait3A_218 = arith.constant 0 : i32
        %dma_wait3A_219 = arith.constant 0 : i32
        %dma_wait3A_220 = tpu.memref_slice %arg10[%dma_wait3A_218, %dma_wait3A_219] : memref<10112x64xf32, #tpu.memory_space<vmem_shared>> -> memref<10112x64xf32, #tpu.memory_space<vmem_shared>>
        tpu.wait_indirect_dma semaphore(%arg16 : memref<!tpu.dma_semaphore, #tpu.memory_space<semaphore_mem>>) src(%arg9 : memref<400x64xf32, #tpu.memory_space<vmem>>) dst(%dma_wait3A_220 : memref<10112x64xf32, #tpu.memory_space<vmem_shared>>)
      } else {
      }
      %dma_start3A_65 = arith.constant 0 : i32
      %dma_start3A_66 = arith.constant 0 : i32
      %dma_start3A_67 = arith.constant 0 : i32
      %dma_start3A_68 = tpu.memref_slice %arg6[%dma_start3A_66, %dma_start3A_67] : memref<2x400xi32, #tpu.memory_space<vmem>> -> memref<1x400xi32, #tpu.memory_space<vmem>>
      %dma_start3A_69 = tpu.memref_squeeze %dma_start3A_68 : memref<1x400xi32, #tpu.memory_space<vmem>> -> memref<400xi32, #tpu.memory_space<vmem>>
      %dma_start3A_70 = tpu.memref_slice %arg3[%dma_start3A_65, %add3A_62] : memref<2x320000xi32, #tpu.memory_space<hbm>> -> memref<1x400xi32, #tpu.memory_space<hbm>>
      %dma_start3A_71 = tpu.memref_squeeze %dma_start3A_70 : memref<1x400xi32, #tpu.memory_space<hbm>> -> memref<400xi32, #tpu.memory_space<hbm>>
      %dma_start3A_72 = arith.constant 0 : i32
      %dma_start3A_73 = tpu.memref_slice %arg6[%dma_start3A_66, %dma_start3A_72] : memref<2x400xi32, #tpu.memory_space<vmem>> -> memref<1x400xi32, #tpu.memory_space<vmem>>
      %dma_start3A_74 = tpu.memref_squeeze %dma_start3A_73 : memref<1x400xi32, #tpu.memory_space<vmem>> -> memref<400xi32, #tpu.memory_space<vmem>>
      %dma_start3A_75 = tpu.memref_slice %arg3[%dma_start3A_65, %add3A_62] : memref<2x320000xi32, #tpu.memory_space<hbm>> -> memref<1x400xi32, #tpu.memory_space<hbm>>
      %dma_start3A_76 = tpu.memref_squeeze %dma_start3A_75 : memref<1x400xi32, #tpu.memory_space<hbm>> -> memref<400xi32, #tpu.memory_space<hbm>>
      tpu.enqueue_dma source(%dma_start3A_76 : memref<400xi32, #tpu.memory_space<hbm>>) target(%dma_start3A_74 : memref<400xi32, #tpu.memory_space<vmem>>) target_semaphore(%arg11 : memref<!tpu.dma_semaphore, #tpu.memory_space<semaphore_mem>>)
      %dma_start3A_77 = arith.constant 1 : i32
      %dma_start3A_78 = arith.constant 1 : i32
      %dma_start3A_79 = arith.constant 0 : i32
      %dma_start3A_80 = tpu.memref_slice %arg6[%dma_start3A_78, %dma_start3A_79] : memref<2x400xi32, #tpu.memory_space<vmem>> -> memref<1x400xi32, #tpu.memory_space<vmem>>
      %dma_start3A_81 = tpu.memref_squeeze %dma_start3A_80 : memref<1x400xi32, #tpu.memory_space<vmem>> -> memref<400xi32, #tpu.memory_space<vmem>>
      %dma_start3A_82 = tpu.memref_slice %arg3[%dma_start3A_77, %add3A_62] : memref<2x320000xi32, #tpu.memory_space<hbm>> -> memref<1x400xi32, #tpu.memory_space<hbm>>
      %dma_start3A_83 = tpu.memref_squeeze %dma_start3A_82 : memref<1x400xi32, #tpu.memory_space<hbm>> -> memref<400xi32, #tpu.memory_space<hbm>>
      %dma_start3A_84 = arith.constant 0 : i32
      %dma_start3A_85 = tpu.memref_slice %arg6[%dma_start3A_78, %dma_start3A_84] : memref<2x400xi32, #tpu.memory_space<vmem>> -> memref<1x400xi32, #tpu.memory_space<vmem>>
      %dma_start3A_86 = tpu.memref_squeeze %dma_start3A_85 : memref<1x400xi32, #tpu.memory_space<vmem>> -> memref<400xi32, #tpu.memory_space<vmem>>
      %dma_start3A_87 = tpu.memref_slice %arg3[%dma_start3A_77, %add3A_62] : memref<2x320000xi32, #tpu.memory_space<hbm>> -> memref<1x400xi32, #tpu.memory_space<hbm>>
      %dma_start3A_88 = tpu.memref_squeeze %dma_start3A_87 : memref<1x400xi32, #tpu.memory_space<hbm>> -> memref<400xi32, #tpu.memory_space<hbm>>
      tpu.enqueue_dma source(%dma_start3A_88 : memref<400xi32, #tpu.memory_space<hbm>>) target(%dma_start3A_86 : memref<400xi32, #tpu.memory_space<vmem>>) target_semaphore(%arg11 : memref<!tpu.dma_semaphore, #tpu.memory_space<semaphore_mem>>)
      %add3A_89 = arith.constant 400 : i32
      %add3A_90 = arith.addi %add3A_62, %add3A_89 : i32
      %dma_start3A_91 = arith.constant 0 : i32
      %dma_start3A_92 = arith.constant 0 : i32
      %dma_start3A_93 = arith.constant 0 : i32
      %dma_start3A_94 = tpu.memref_slice %arg7[%dma_start3A_92, %dma_start3A_93] : memref<2x400xi32, #tpu.memory_space<vmem>> -> memref<1x400xi32, #tpu.memory_space<vmem>>
      %dma_start3A_95 = tpu.memref_squeeze %dma_start3A_94 : memref<1x400xi32, #tpu.memory_space<vmem>> -> memref<400xi32, #tpu.memory_space<vmem>>
      %dma_start3A_96 = tpu.memref_slice %arg3[%dma_start3A_91, %add3A_90] : memref<2x320000xi32, #tpu.memory_space<hbm>> -> memref<1x400xi32, #tpu.memory_space<hbm>>
      %dma_start3A_97 = tpu.memref_squeeze %dma_start3A_96 : memref<1x400xi32, #tpu.memory_space<hbm>> -> memref<400xi32, #tpu.memory_space<hbm>>
      %dma_start3A_98 = arith.constant 0 : i32
      %dma_start3A_99 = tpu.memref_slice %arg7[%dma_start3A_92, %dma_start3A_98] : memref<2x400xi32, #tpu.memory_space<vmem>> -> memref<1x400xi32, #tpu.memory_space<vmem>>
      %dma_start3A_100 = tpu.memref_squeeze %dma_start3A_99 : memref<1x400xi32, #tpu.memory_space<vmem>> -> memref<400xi32, #tpu.memory_space<vmem>>
      %dma_start3A_101 = tpu.memref_slice %arg3[%dma_start3A_91, %add3A_90] : memref<2x320000xi32, #tpu.memory_space<hbm>> -> memref<1x400xi32, #tpu.memory_space<hbm>>
      %dma_start3A_102 = tpu.memref_squeeze %dma_start3A_101 : memref<1x400xi32, #tpu.memory_space<hbm>> -> memref<400xi32, #tpu.memory_space<hbm>>
      tpu.enqueue_dma source(%dma_start3A_102 : memref<400xi32, #tpu.memory_space<hbm>>) target(%dma_start3A_100 : memref<400xi32, #tpu.memory_space<vmem>>) target_semaphore(%arg12 : memref<!tpu.dma_semaphore, #tpu.memory_space<semaphore_mem>>)
      %add3A_103 = arith.constant 400 : i32
      %add3A_104 = arith.addi %add3A_62, %add3A_103 : i32
      %dma_start3A_105 = arith.constant 1 : i32
      %dma_start3A_106 = arith.constant 1 : i32
      %dma_start3A_107 = arith.constant 0 : i32
      %dma_start3A_108 = tpu.memref_slice %arg7[%dma_start3A_106, %dma_start3A_107] : memref<2x400xi32, #tpu.memory_space<vmem>> -> memref<1x400xi32, #tpu.memory_space<vmem>>
      %dma_start3A_109 = tpu.memref_squeeze %dma_start3A_108 : memref<1x400xi32, #tpu.memory_space<vmem>> -> memref<400xi32, #tpu.memory_space<vmem>>
      %dma_start3A_110 = tpu.memref_slice %arg3[%dma_start3A_105, %add3A_104] : memref<2x320000xi32, #tpu.memory_space<hbm>> -> memref<1x400xi32, #tpu.memory_space<hbm>>
      %dma_start3A_111 = tpu.memref_squeeze %dma_start3A_110 : memref<1x400xi32, #tpu.memory_space<hbm>> -> memref<400xi32, #tpu.memory_space<hbm>>
      %dma_start3A_112 = arith.constant 0 : i32
      %dma_start3A_113 = tpu.memref_slice %arg7[%dma_start3A_106, %dma_start3A_112] : memref<2x400xi32, #tpu.memory_space<vmem>> -> memref<1x400xi32, #tpu.memory_space<vmem>>
      %dma_start3A_114 = tpu.memref_squeeze %dma_start3A_113 : memref<1x400xi32, #tpu.memory_space<vmem>> -> memref<400xi32, #tpu.memory_space<vmem>>
      %dma_start3A_115 = tpu.memref_slice %arg3[%dma_start3A_105, %add3A_104] : memref<2x320000xi32, #tpu.memory_space<hbm>> -> memref<1x400xi32, #tpu.memory_space<hbm>>
      %dma_start3A_116 = tpu.memref_squeeze %dma_start3A_115 : memref<1x400xi32, #tpu.memory_space<hbm>> -> memref<400xi32, #tpu.memory_space<hbm>>
      tpu.enqueue_dma source(%dma_start3A_116 : memref<400xi32, #tpu.memory_space<hbm>>) target(%dma_start3A_114 : memref<400xi32, #tpu.memory_space<vmem>>) target_semaphore(%arg12 : memref<!tpu.dma_semaphore, #tpu.memory_space<semaphore_mem>>)
      %dma_wait3A_117 = arith.constant 0 : i32
      %dma_wait3A_118 = arith.constant 0 : i32
      %dma_wait3A_119 = arith.constant 0 : i32
      %dma_wait3A_120 = tpu.memref_slice %arg6[%dma_wait3A_118, %dma_wait3A_119] : memref<2x400xi32, #tpu.memory_space<vmem>> -> memref<1x400xi32, #tpu.memory_space<vmem>>
      %dma_wait3A_121 = tpu.memref_squeeze %dma_wait3A_120 : memref<1x400xi32, #tpu.memory_space<vmem>> -> memref<400xi32, #tpu.memory_space<vmem>>
      %dma_wait3A_122 = tpu.memref_slice %arg3[%dma_wait3A_117, %add3A_62] : memref<2x320000xi32, #tpu.memory_space<hbm>> -> memref<1x400xi32, #tpu.memory_space<hbm>>
      %dma_wait3A_123 = tpu.memref_squeeze %dma_wait3A_122 : memref<1x400xi32, #tpu.memory_space<hbm>> -> memref<400xi32, #tpu.memory_space<hbm>>
      %dma_wait3A_124 = arith.constant 0 : i32
      %dma_wait3A_125 = tpu.memref_slice %arg6[%dma_wait3A_118, %dma_wait3A_124] : memref<2x400xi32, #tpu.memory_space<vmem>> -> memref<1x400xi32, #tpu.memory_space<vmem>>
      %dma_wait3A_126 = tpu.memref_squeeze %dma_wait3A_125 : memref<1x400xi32, #tpu.memory_space<vmem>> -> memref<400xi32, #tpu.memory_space<vmem>>
      %dma_wait3A_127 = tpu.memref_slice %arg3[%dma_wait3A_117, %add3A_62] : memref<2x320000xi32, #tpu.memory_space<hbm>> -> memref<1x400xi32, #tpu.memory_space<hbm>>
      %dma_wait3A_128 = tpu.memref_squeeze %dma_wait3A_127 : memref<1x400xi32, #tpu.memory_space<hbm>> -> memref<400xi32, #tpu.memory_space<hbm>>
      tpu.wait_dma2 semaphore(%arg11 : memref<!tpu.dma_semaphore, #tpu.memory_space<semaphore_mem>>) src(%dma_wait3A_128 : memref<400xi32, #tpu.memory_space<hbm>>) dst(%dma_wait3A_126 : memref<400xi32, #tpu.memory_space<vmem>>)
      %dma_wait3A_129 = arith.constant 1 : i32
      %dma_wait3A_130 = arith.constant 1 : i32
      %dma_wait3A_131 = arith.constant 0 : i32
      %dma_wait3A_132 = tpu.memref_slice %arg6[%dma_wait3A_130, %dma_wait3A_131] : memref<2x400xi32, #tpu.memory_space<vmem>> -> memref<1x400xi32, #tpu.memory_space<vmem>>
      %dma_wait3A_133 = tpu.memref_squeeze %dma_wait3A_132 : memref<1x400xi32, #tpu.memory_space<vmem>> -> memref<400xi32, #tpu.memory_space<vmem>>
      %dma_wait3A_134 = tpu.memref_slice %arg3[%dma_wait3A_129, %add3A_62] : memref<2x320000xi32, #tpu.memory_space<hbm>> -> memref<1x400xi32, #tpu.memory_space<hbm>>
      %dma_wait3A_135 = tpu.memref_squeeze %dma_wait3A_134 : memref<1x400xi32, #tpu.memory_space<hbm>> -> memref<400xi32, #tpu.memory_space<hbm>>
      %dma_wait3A_136 = arith.constant 0 : i32
      %dma_wait3A_137 = tpu.memref_slice %arg6[%dma_wait3A_130, %dma_wait3A_136] : memref<2x400xi32, #tpu.memory_space<vmem>> -> memref<1x400xi32, #tpu.memory_space<vmem>>
      %dma_wait3A_138 = tpu.memref_squeeze %dma_wait3A_137 : memref<1x400xi32, #tpu.memory_space<vmem>> -> memref<400xi32, #tpu.memory_space<vmem>>
      %dma_wait3A_139 = tpu.memref_slice %arg3[%dma_wait3A_129, %add3A_62] : memref<2x320000xi32, #tpu.memory_space<hbm>> -> memref<1x400xi32, #tpu.memory_space<hbm>>
      %dma_wait3A_140 = tpu.memref_squeeze %dma_wait3A_139 : memref<1x400xi32, #tpu.memory_space<hbm>> -> memref<400xi32, #tpu.memory_space<hbm>>
      tpu.wait_dma2 semaphore(%arg11 : memref<!tpu.dma_semaphore, #tpu.memory_space<semaphore_mem>>) src(%dma_wait3A_140 : memref<400xi32, #tpu.memory_space<hbm>>) dst(%dma_wait3A_138 : memref<400xi32, #tpu.memory_space<vmem>>)
      %dma_start3A_141 = arith.constant 0 : i32
      %dma_start3A_142 = arith.constant 0 : i32
      %dma_start3A_143 = tpu.memref_slice %arg6[%dma_start3A_141, %dma_start3A_142] : memref<2x400xi32, #tpu.memory_space<vmem>> -> memref<1x400xi32, #tpu.memory_space<vmem>>
      %dma_start3A_144 = tpu.memref_squeeze %dma_start3A_143 : memref<1x400xi32, #tpu.memory_space<vmem>> -> memref<400xi32, #tpu.memory_space<vmem>>
      %dma_start3A_145 = arith.constant 0 : i32
      %dma_start3A_146 = arith.constant 0 : i32
      %dma_start3A_147 = tpu.memref_slice %arg2[%dma_start3A_145, %dma_start3A_146] : memref<10000x64xf32, #tpu.memory_space<hbm>> -> memref<10000x64xf32, #tpu.memory_space<hbm>>
      tpu.enqueue_indirect_dma source(%dma_start3A_147 : memref<10000x64xf32, #tpu.memory_space<hbm>>) target(%arg8 : memref<400x64xf32, #tpu.memory_space<vmem>>) offsets(%dma_start3A_144 : memref<400xi32, #tpu.memory_space<vmem>>) semaphore(%arg13 : memref<!tpu.dma_semaphore, #tpu.memory_space<semaphore_mem>>)
      %dma_wait3A_148 = arith.constant 0 : i32
      %dma_wait3A_149 = arith.constant 0 : i32
      %dma_wait3A_150 = arith.constant 0 : i32
      %dma_wait3A_151 = tpu.memref_slice %arg7[%dma_wait3A_149, %dma_wait3A_150] : memref<2x400xi32, #tpu.memory_space<vmem>> -> memref<1x400xi32, #tpu.memory_space<vmem>>
      %dma_wait3A_152 = tpu.memref_squeeze %dma_wait3A_151 : memref<1x400xi32, #tpu.memory_space<vmem>> -> memref<400xi32, #tpu.memory_space<vmem>>
      %dma_wait3A_153 = tpu.memref_slice %arg3[%dma_wait3A_148, %add3A_90] : memref<2x320000xi32, #tpu.memory_space<hbm>> -> memref<1x400xi32, #tpu.memory_space<hbm>>
      %dma_wait3A_154 = tpu.memref_squeeze %dma_wait3A_153 : memref<1x400xi32, #tpu.memory_space<hbm>> -> memref<400xi32, #tpu.memory_space<hbm>>
      %dma_wait3A_155 = arith.constant 0 : i32
      %dma_wait3A_156 = tpu.memref_slice %arg7[%dma_wait3A_149, %dma_wait3A_155] : memref<2x400xi32, #tpu.memory_space<vmem>> -> memref<1x400xi32, #tpu.memory_space<vmem>>
      %dma_wait3A_157 = tpu.memref_squeeze %dma_wait3A_156 : memref<1x400xi32, #tpu.memory_space<vmem>> -> memref<400xi32, #tpu.memory_space<vmem>>
      %dma_wait3A_158 = tpu.memref_slice %arg3[%dma_wait3A_148, %add3A_90] : memref<2x320000xi32, #tpu.memory_space<hbm>> -> memref<1x400xi32, #tpu.memory_space<hbm>>
      %dma_wait3A_159 = tpu.memref_squeeze %dma_wait3A_158 : memref<1x400xi32, #tpu.memory_space<hbm>> -> memref<400xi32, #tpu.memory_space<hbm>>
      tpu.wait_dma2 semaphore(%arg12 : memref<!tpu.dma_semaphore, #tpu.memory_space<semaphore_mem>>) src(%dma_wait3A_159 : memref<400xi32, #tpu.memory_space<hbm>>) dst(%dma_wait3A_157 : memref<400xi32, #tpu.memory_space<vmem>>)
      %dma_wait3A_160 = arith.constant 1 : i32
      %dma_wait3A_161 = arith.constant 1 : i32
      %dma_wait3A_162 = arith.constant 0 : i32
      %dma_wait3A_163 = tpu.memref_slice %arg7[%dma_wait3A_161, %dma_wait3A_162] : memref<2x400xi32, #tpu.memory_space<vmem>> -> memref<1x400xi32, #tpu.memory_space<vmem>>
      %dma_wait3A_164 = tpu.memref_squeeze %dma_wait3A_163 : memref<1x400xi32, #tpu.memory_space<vmem>> -> memref<400xi32, #tpu.memory_space<vmem>>
      %dma_wait3A_165 = tpu.memref_slice %arg3[%dma_wait3A_160, %add3A_104] : memref<2x320000xi32, #tpu.memory_space<hbm>> -> memref<1x400xi32, #tpu.memory_space<hbm>>
      %dma_wait3A_166 = tpu.memref_squeeze %dma_wait3A_165 : memref<1x400xi32, #tpu.memory_space<hbm>> -> memref<400xi32, #tpu.memory_space<hbm>>
      %dma_wait3A_167 = arith.constant 0 : i32
      %dma_wait3A_168 = tpu.memref_slice %arg7[%dma_wait3A_161, %dma_wait3A_167] : memref<2x400xi32, #tpu.memory_space<vmem>> -> memref<1x400xi32, #tpu.memory_space<vmem>>
      %dma_wait3A_169 = tpu.memref_squeeze %dma_wait3A_168 : memref<1x400xi32, #tpu.memory_space<vmem>> -> memref<400xi32, #tpu.memory_space<vmem>>
      %dma_wait3A_170 = tpu.memref_slice %arg3[%dma_wait3A_160, %add3A_104] : memref<2x320000xi32, #tpu.memory_space<hbm>> -> memref<1x400xi32, #tpu.memory_space<hbm>>
      %dma_wait3A_171 = tpu.memref_squeeze %dma_wait3A_170 : memref<1x400xi32, #tpu.memory_space<hbm>> -> memref<400xi32, #tpu.memory_space<hbm>>
      tpu.wait_dma2 semaphore(%arg12 : memref<!tpu.dma_semaphore, #tpu.memory_space<semaphore_mem>>) src(%dma_wait3A_171 : memref<400xi32, #tpu.memory_space<hbm>>) dst(%dma_wait3A_169 : memref<400xi32, #tpu.memory_space<vmem>>)
      %dma_start3A_172 = arith.constant 0 : i32
      %dma_start3A_173 = arith.constant 0 : i32
      %dma_start3A_174 = tpu.memref_slice %arg7[%dma_start3A_172, %dma_start3A_173] : memref<2x400xi32, #tpu.memory_space<vmem>> -> memref<1x400xi32, #tpu.memory_space<vmem>>
      %dma_start3A_175 = tpu.memref_squeeze %dma_start3A_174 : memref<1x400xi32, #tpu.memory_space<vmem>> -> memref<400xi32, #tpu.memory_space<vmem>>
      %dma_start3A_176 = arith.constant 0 : i32
      %dma_start3A_177 = arith.constant 0 : i32
      %dma_start3A_178 = tpu.memref_slice %arg2[%dma_start3A_176, %dma_start3A_177] : memref<10000x64xf32, #tpu.memory_space<hbm>> -> memref<10000x64xf32, #tpu.memory_space<hbm>>
      tpu.enqueue_indirect_dma source(%dma_start3A_178 : memref<10000x64xf32, #tpu.memory_space<hbm>>) target(%arg9 : memref<400x64xf32, #tpu.memory_space<vmem>>) offsets(%dma_start3A_175 : memref<400xi32, #tpu.memory_space<vmem>>) semaphore(%arg14 : memref<!tpu.dma_semaphore, #tpu.memory_space<semaphore_mem>>)
      %dma_wait3A_179 = arith.constant 0 : i32
      %dma_wait3A_180 = arith.constant 0 : i32
      %dma_wait3A_181 = tpu.memref_slice %arg6[%dma_wait3A_179, %dma_wait3A_180] : memref<2x400xi32, #tpu.memory_space<vmem>> -> memref<1x400xi32, #tpu.memory_space<vmem>>
      %dma_wait3A_182 = tpu.memref_squeeze %dma_wait3A_181 : memref<1x400xi32, #tpu.memory_space<vmem>> -> memref<400xi32, #tpu.memory_space<vmem>>
      %dma_wait3A_183 = arith.constant 0 : i32
      %dma_wait3A_184 = arith.constant 0 : i32
      %dma_wait3A_185 = tpu.memref_slice %arg2[%dma_wait3A_183, %dma_wait3A_184] : memref<10000x64xf32, #tpu.memory_space<hbm>> -> memref<10000x64xf32, #tpu.memory_space<hbm>>
      tpu.wait_indirect_dma semaphore(%arg13 : memref<!tpu.dma_semaphore, #tpu.memory_space<semaphore_mem>>) src(%dma_wait3A_185 : memref<10000x64xf32, #tpu.memory_space<hbm>>) dst(%arg8 : memref<400x64xf32, #tpu.memory_space<vmem>>)
      %dma_start3A_186 = arith.constant 1 : i32
      %dma_start3A_187 = arith.constant 0 : i32
      %dma_start3A_188 = tpu.memref_slice %arg6[%dma_start3A_186, %dma_start3A_187] : memref<2x400xi32, #tpu.memory_space<vmem>> -> memref<1x400xi32, #tpu.memory_space<vmem>>
      %dma_start3A_189 = tpu.memref_squeeze %dma_start3A_188 : memref<1x400xi32, #tpu.memory_space<vmem>> -> memref<400xi32, #tpu.memory_space<vmem>>
      %dma_start3A_190 = arith.constant 0 : i32
      %dma_start3A_191 = arith.constant 0 : i32
      %dma_start3A_192 = tpu.memref_slice %arg10[%dma_start3A_190, %dma_start3A_191] : memref<10112x64xf32, #tpu.memory_space<vmem_shared>> -> memref<10112x64xf32, #tpu.memory_space<vmem_shared>>
      tpu.enqueue_indirect_dma source(%arg8 : memref<400x64xf32, #tpu.memory_space<vmem>>) target(%dma_start3A_192 : memref<10112x64xf32, #tpu.memory_space<vmem_shared>>) offsets(%dma_start3A_189 : memref<400xi32, #tpu.memory_space<vmem>>) semaphore(%arg15 : memref<!tpu.dma_semaphore, #tpu.memory_space<semaphore_mem>>) {add = true}
      %dma_wait3A_193 = arith.constant 0 : i32
      %dma_wait3A_194 = arith.constant 0 : i32
      %dma_wait3A_195 = tpu.memref_slice %arg7[%dma_wait3A_193, %dma_wait3A_194] : memref<2x400xi32, #tpu.memory_space<vmem>> -> memref<1x400xi32, #tpu.memory_space<vmem>>
      %dma_wait3A_196 = tpu.memref_squeeze %dma_wait3A_195 : memref<1x400xi32, #tpu.memory_space<vmem>> -> memref<400xi32, #tpu.memory_space<vmem>>
      %dma_wait3A_197 = arith.constant 0 : i32
      %dma_wait3A_198 = arith.constant 0 : i32
      %dma_wait3A_199 = tpu.memref_slice %arg2[%dma_wait3A_197, %dma_wait3A_198] : memref<10000x64xf32, #tpu.memory_space<hbm>> -> memref<10000x64xf32, #tpu.memory_space<hbm>>
      tpu.wait_indirect_dma semaphore(%arg14 : memref<!tpu.dma_semaphore, #tpu.memory_space<semaphore_mem>>) src(%dma_wait3A_199 : memref<10000x64xf32, #tpu.memory_space<hbm>>) dst(%arg9 : memref<400x64xf32, #tpu.memory_space<vmem>>)
      %dma_start3A_200 = arith.constant 1 : i32
      %dma_start3A_201 = arith.constant 0 : i32
      %dma_start3A_202 = tpu.memref_slice %arg7[%dma_start3A_200, %dma_start3A_201] : memref<2x400xi32, #tpu.memory_space<vmem>> -> memref<1x400xi32, #tpu.memory_space<vmem>>
      %dma_start3A_203 = tpu.memref_squeeze %dma_start3A_202 : memref<1x400xi32, #tpu.memory_space<vmem>> -> memref<400xi32, #tpu.memory_space<vmem>>
      %dma_start3A_204 = arith.constant 0 : i32
      %dma_start3A_205 = arith.constant 0 : i32
      %dma_start3A_206 = tpu.memref_slice %arg10[%dma_start3A_204, %dma_start3A_205] : memref<10112x64xf32, #tpu.memory_space<vmem_shared>> -> memref<10112x64xf32, #tpu.memory_space<vmem_shared>>
      tpu.enqueue_indirect_dma source(%arg9 : memref<400x64xf32, #tpu.memory_space<vmem>>) target(%dma_start3A_206 : memref<10112x64xf32, #tpu.memory_space<vmem_shared>>) offsets(%dma_start3A_203 : memref<400xi32, #tpu.memory_space<vmem>>) semaphore(%arg16 : memref<!tpu.dma_semaphore, #tpu.memory_space<semaphore_mem>>) {add = true}
    }
    %scan3A_11 = arith.constant 12 : i32
    %dma_wait3A = arith.constant 1 : i32
    %dma_wait3A_12 = arith.constant 0 : i32
    %dma_wait3A_13 = tpu.memref_slice %arg6[%dma_wait3A, %dma_wait3A_12] : memref<2x400xi32, #tpu.memory_space<vmem>> -> memref<1x400xi32, #tpu.memory_space<vmem>>
    %dma_wait3A_14 = tpu.memref_squeeze %dma_wait3A_13 : memref<1x400xi32, #tpu.memory_space<vmem>> -> memref<400xi32, #tpu.memory_space<vmem>>
    %dma_wait3A_15 = arith.constant 0 : i32
    %dma_wait3A_16 = arith.constant 0 : i32
    %dma_wait3A_17 = tpu.memref_slice %arg10[%dma_wait3A_15, %dma_wait3A_16] : memref<10112x64xf32, #tpu.memory_space<vmem_shared>> -> memref<10112x64xf32, #tpu.memory_space<vmem_shared>>
    tpu.wait_indirect_dma semaphore(%arg15 : memref<!tpu.dma_semaphore, #tpu.memory_space<semaphore_mem>>) src(%arg8 : memref<400x64xf32, #tpu.memory_space<vmem>>) dst(%dma_wait3A_17 : memref<10112x64xf32, #tpu.memory_space<vmem_shared>>)
    %add3A_18 = arith.constant 9600 : i32
    %add3A_19 = arith.addi %mul3A_2, %add3A_18 : i32
    "tpu.region"() ({
      %run_scoped3A = tpu.sem_alloc : memref<!tpu.dma_semaphore, #tpu.memory_space<semaphore_mem>>
      %dma_start3A_59 = arith.constant 0 : i32
      %dma_start3A_60 = tpu.memref_slice %arg3[%dma_start3A_59, %add3A_19] : memref<2x320000xi32, #tpu.memory_space<hbm>> -> memref<2x400xi32, #tpu.memory_space<hbm>>
      %dma_start3A_61 = arith.constant 0 : i32
      %dma_start3A_62 = tpu.memref_slice %arg3[%dma_start3A_61, %add3A_19] : memref<2x320000xi32, #tpu.memory_space<hbm>> -> memref<2x400xi32, #tpu.memory_space<hbm>>
      tpu.enqueue_dma source(%dma_start3A_62 : memref<2x400xi32, #tpu.memory_space<hbm>>) target(%arg6 : memref<2x400xi32, #tpu.memory_space<vmem>>) target_semaphore(%run_scoped3A : memref<!tpu.dma_semaphore, #tpu.memory_space<semaphore_mem>>)
      %dma_wait3A_63 = arith.constant 0 : i32
      %dma_wait3A_64 = tpu.memref_slice %arg3[%dma_wait3A_63, %add3A_19] : memref<2x320000xi32, #tpu.memory_space<hbm>> -> memref<2x400xi32, #tpu.memory_space<hbm>>
      %dma_wait3A_65 = arith.constant 0 : i32
      %dma_wait3A_66 = tpu.memref_slice %arg3[%dma_wait3A_65, %add3A_19] : memref<2x320000xi32, #tpu.memory_space<hbm>> -> memref<2x400xi32, #tpu.memory_space<hbm>>
      tpu.wait_dma2 semaphore(%run_scoped3A : memref<!tpu.dma_semaphore, #tpu.memory_space<semaphore_mem>>) src(%dma_wait3A_66 : memref<2x400xi32, #tpu.memory_space<hbm>>) dst(%arg6 : memref<2x400xi32, #tpu.memory_space<vmem>>)
      tpu.yield
    }) : () -> ()
    %dma_start3A = arith.constant 0 : i32
    %dma_start3A_20 = arith.constant 0 : i32
    %dma_start3A_21 = tpu.memref_slice %arg6[%dma_start3A, %dma_start3A_20] : memref<2x400xi32, #tpu.memory_space<vmem>> -> memref<1x400xi32, #tpu.memory_space<vmem>>
    %dma_start3A_22 = tpu.memref_squeeze %dma_start3A_21 : memref<1x400xi32, #tpu.memory_space<vmem>> -> memref<400xi32, #tpu.memory_space<vmem>>
    %dma_start3A_23 = arith.constant 0 : i32
    %dma_start3A_24 = arith.constant 0 : i32
    %dma_start3A_25 = tpu.memref_slice %arg2[%dma_start3A_23, %dma_start3A_24] : memref<10000x64xf32, #tpu.memory_space<hbm>> -> memref<10000x64xf32, #tpu.memory_space<hbm>>
    tpu.enqueue_indirect_dma source(%dma_start3A_25 : memref<10000x64xf32, #tpu.memory_space<hbm>>) target(%arg8 : memref<400x64xf32, #tpu.memory_space<vmem>>) offsets(%dma_start3A_22 : memref<400xi32, #tpu.memory_space<vmem>>) semaphore(%arg13 : memref<!tpu.dma_semaphore, #tpu.memory_space<semaphore_mem>>)
    %dma_wait3A_26 = arith.constant 0 : i32
    %dma_wait3A_27 = arith.constant 0 : i32
    %dma_wait3A_28 = tpu.memref_slice %arg6[%dma_wait3A_26, %dma_wait3A_27] : memref<2x400xi32, #tpu.memory_space<vmem>> -> memref<1x400xi32, #tpu.memory_space<vmem>>
    %dma_wait3A_29 = tpu.memref_squeeze %dma_wait3A_28 : memref<1x400xi32, #tpu.memory_space<vmem>> -> memref<400xi32, #tpu.memory_space<vmem>>
    %dma_wait3A_30 = arith.constant 0 : i32
    %dma_wait3A_31 = arith.constant 0 : i32
    %dma_wait3A_32 = tpu.memref_slice %arg2[%dma_wait3A_30, %dma_wait3A_31] : memref<10000x64xf32, #tpu.memory_space<hbm>> -> memref<10000x64xf32, #tpu.memory_space<hbm>>
    tpu.wait_indirect_dma semaphore(%arg13 : memref<!tpu.dma_semaphore, #tpu.memory_space<semaphore_mem>>) src(%dma_wait3A_32 : memref<10000x64xf32, #tpu.memory_space<hbm>>) dst(%arg8 : memref<400x64xf32, #tpu.memory_space<vmem>>)
    %dma_start3A_33 = arith.constant 1 : i32
    %dma_start3A_34 = arith.constant 0 : i32
    %dma_start3A_35 = tpu.memref_slice %arg6[%dma_start3A_33, %dma_start3A_34] : memref<2x400xi32, #tpu.memory_space<vmem>> -> memref<1x400xi32, #tpu.memory_space<vmem>>
    %dma_start3A_36 = tpu.memref_squeeze %dma_start3A_35 : memref<1x400xi32, #tpu.memory_space<vmem>> -> memref<400xi32, #tpu.memory_space<vmem>>
    %dma_start3A_37 = arith.constant 0 : i32
    %dma_start3A_38 = arith.constant 0 : i32
    %dma_start3A_39 = tpu.memref_slice %arg10[%dma_start3A_37, %dma_start3A_38] : memref<10112x64xf32, #tpu.memory_space<vmem_shared>> -> memref<10112x64xf32, #tpu.memory_space<vmem_shared>>
    tpu.enqueue_indirect_dma source(%arg8 : memref<400x64xf32, #tpu.memory_space<vmem>>) target(%dma_start3A_39 : memref<10112x64xf32, #tpu.memory_space<vmem_shared>>) offsets(%dma_start3A_36 : memref<400xi32, #tpu.memory_space<vmem>>) semaphore(%arg15 : memref<!tpu.dma_semaphore, #tpu.memory_space<semaphore_mem>>) {add = true}
    %dma_wait3A_40 = arith.constant 1 : i32
    %dma_wait3A_41 = arith.constant 0 : i32
    %dma_wait3A_42 = tpu.memref_slice %arg6[%dma_wait3A_40, %dma_wait3A_41] : memref<2x400xi32, #tpu.memory_space<vmem>> -> memref<1x400xi32, #tpu.memory_space<vmem>>
    %dma_wait3A_43 = tpu.memref_squeeze %dma_wait3A_42 : memref<1x400xi32, #tpu.memory_space<vmem>> -> memref<400xi32, #tpu.memory_space<vmem>>
    %dma_wait3A_44 = arith.constant 0 : i32
    %dma_wait3A_45 = arith.constant 0 : i32
    %dma_wait3A_46 = tpu.memref_slice %arg10[%dma_wait3A_44, %dma_wait3A_45] : memref<10112x64xf32, #tpu.memory_space<vmem_shared>> -> memref<10112x64xf32, #tpu.memory_space<vmem_shared>>
    tpu.wait_indirect_dma semaphore(%arg15 : memref<!tpu.dma_semaphore, #tpu.memory_space<semaphore_mem>>) src(%arg8 : memref<400x64xf32, #tpu.memory_space<vmem>>) dst(%dma_wait3A_46 : memref<10112x64xf32, #tpu.memory_space<vmem_shared>>)
    %dma_wait3A_47 = arith.constant 1 : i32
    %dma_wait3A_48 = arith.constant 0 : i32
    %dma_wait3A_49 = tpu.memref_slice %arg7[%dma_wait3A_47, %dma_wait3A_48] : memref<2x400xi32, #tpu.memory_space<vmem>> -> memref<1x400xi32, #tpu.memory_space<vmem>>
    %dma_wait3A_50 = tpu.memref_squeeze %dma_wait3A_49 : memref<1x400xi32, #tpu.memory_space<vmem>> -> memref<400xi32, #tpu.memory_space<vmem>>
    %dma_wait3A_51 = arith.constant 0 : i32
    %dma_wait3A_52 = arith.constant 0 : i32
    %dma_wait3A_53 = tpu.memref_slice %arg10[%dma_wait3A_51, %dma_wait3A_52] : memref<10112x64xf32, #tpu.memory_space<vmem_shared>> -> memref<10112x64xf32, #tpu.memory_space<vmem_shared>>
    tpu.wait_indirect_dma semaphore(%arg16 : memref<!tpu.dma_semaphore, #tpu.memory_space<semaphore_mem>>) src(%arg9 : memref<400x64xf32, #tpu.memory_space<vmem>>) dst(%dma_wait3A_53 : memref<10112x64xf32, #tpu.memory_space<vmem_shared>>)
    %barrier3A_54 = arith.constant 0 : index
    tpu.barrier barrier_id(%barrier3A_54)
    %mul3A_55 = arith.constant 632 : i32
    %mul3A_56 = arith.muli %arg1, %mul3A_55 : i32
    %mul3A_57 = arith.constant 632 : i32
    %mul3A_58 = arith.muli %arg1, %mul3A_57 : i32
    "tpu.region"() ({
      %run_scoped3A = tpu.sem_alloc : memref<!tpu.dma_semaphore, #tpu.memory_space<semaphore_mem>>
      %dma_start3A_59 = arith.constant 0 : i32
      %dma_start3A_60 = tpu.memref_slice %arg5[%arg0, %mul3A_58, %dma_start3A_59] : memref<2x10112x64xf32, #tpu.memory_space<hbm>> -> memref<1x632x64xf32, #tpu.memory_space<hbm>>
      %dma_start3A_61 = tpu.memref_squeeze %dma_start3A_60 : memref<1x632x64xf32, #tpu.memory_space<hbm>> -> memref<632x64xf32, #tpu.memory_space<hbm>>
      %dma_start3A_62 = arith.constant 0 : i32
      %dma_start3A_63 = tpu.memref_slice %arg10[%mul3A_56, %dma_start3A_62] : memref<10112x64xf32, #tpu.memory_space<vmem_shared>> -> memref<632x64xf32, #tpu.memory_space<vmem_shared>>
      tpu.enqueue_dma source(%dma_start3A_63 : memref<632x64xf32, #tpu.memory_space<vmem_shared>>) target(%dma_start3A_61 : memref<632x64xf32, #tpu.memory_space<hbm>>) target_semaphore(%run_scoped3A : memref<!tpu.dma_semaphore, #tpu.memory_space<semaphore_mem>>)
      %dma_wait3A_64 = arith.constant 0 : i32
      %dma_wait3A_65 = tpu.memref_slice %arg5[%arg0, %mul3A_58, %dma_wait3A_64] : memref<2x10112x64xf32, #tpu.memory_space<hbm>> -> memref<1x632x64xf32, #tpu.memory_space<hbm>>
      %dma_wait3A_66 = tpu.memref_squeeze %dma_wait3A_65 : memref<1x632x64xf32, #tpu.memory_space<hbm>> -> memref<632x64xf32, #tpu.memory_space<hbm>>
      %dma_wait3A_67 = arith.constant 0 : i32
      %dma_wait3A_68 = tpu.memref_slice %arg10[%mul3A_56, %dma_wait3A_67] : memref<10112x64xf32, #tpu.memory_space<vmem_shared>> -> memref<632x64xf32, #tpu.memory_space<vmem_shared>>
      tpu.wait_dma2 semaphore(%run_scoped3A : memref<!tpu.dma_semaphore, #tpu.memory_space<semaphore_mem>>) src(%dma_wait3A_68 : memref<632x64xf32, #tpu.memory_space<vmem_shared>>) dst(%dma_wait3A_66 : memref<632x64xf32, #tpu.memory_space<hbm>>)
      tpu.yield
    }) : () -> ()
    return
  }
}

#map = affine_map<(d0, d1) -> (0, 0)>
#map1 = affine_map<(d0, d1) -> (0, 0, 0)>
module attributes {stable_mosaic.version = 14 : i64} {
  func.func @_agg_body(%arg0: i32, %arg1: i32, %arg2: memref<10000x64xf32, #tpu.memory_space<hbm>>, %arg3: memref<2x320000xi32, #tpu.memory_space<hbm>>, %arg4: memref<10112x64xf32, #tpu.memory_space<hbm>>, %arg5: memref<2x10112x64xf32, #tpu.memory_space<hbm>>, %arg6: memref<2x400xi32, #tpu.memory_space<vmem>>, %arg7: memref<2x400xi32, #tpu.memory_space<vmem>>, %arg8: memref<400x64xf32, #tpu.memory_space<vmem>>, %arg9: memref<400x64xf32, #tpu.memory_space<vmem>>, %arg10: memref<10112x64xf32, #tpu.memory_space<vmem_shared>>, %arg11: memref<!tpu.dma_semaphore, #tpu.memory_space<semaphore_mem>>, %arg12: memref<!tpu.dma_semaphore, #tpu.memory_space<semaphore_mem>>, %arg13: memref<!tpu.dma_semaphore, #tpu.memory_space<semaphore_mem>>, %arg14: memref<!tpu.dma_semaphore, #tpu.memory_space<semaphore_mem>>, %arg15: memref<!tpu.dma_semaphore, #tpu.memory_space<semaphore_mem>>, %arg16: memref<!tpu.dma_semaphore, #tpu.memory_space<semaphore_mem>>) attributes {dimension_semantics = [#tpu.dimension_semantics<core_parallel>, #tpu.dimension_semantics<subcore_parallel>], iteration_bounds = array<i64: 2, 16>, scalar_prefetch = 0 : i64, scratch_operands = 11 : i64, tpu.core_type = #tpu.core_type<sc_vector_subcore>, window_params = [{transform_indices = #map}, {transform_indices = #map}, {transform_indices = #map}, {transform_indices = #map1}]} {
    %mul3A = arith.constant 16 : i32
    %mul3A_0 = arith.muli %arg0, %mul3A : i32
    %add3A = arith.addi %mul3A_0, %arg1 : i32
    %mul3A_1 = arith.constant 10000 : i32
    %mul3A_2 = arith.muli %add3A, %mul3A_1 : i32
    %mul3A_3 = arith.constant 632 : i32
    %mul3A_4 = arith.muli %arg1, %mul3A_3 : i32
    %mul3A_5 = arith.constant 632 : i32
    %mul3A_6 = arith.muli %arg1, %mul3A_5 : i32
    "tpu.region"() ({
      %run_scoped3A = tpu.sem_alloc : memref<!tpu.dma_semaphore, #tpu.memory_space<semaphore_mem>>
      %dma_start3A_59 = arith.constant 0 : i32
      %dma_start3A_60 = tpu.memref_slice %arg10[%mul3A_6, %dma_start3A_59] : memref<10112x64xf32, #tpu.memory_space<vmem_shared>> -> memref<632x64xf32, #tpu.memory_space<vmem_shared>>
      %dma_start3A_61 = arith.constant 0 : i32
      %dma_start3A_62 = tpu.memref_slice %arg4[%mul3A_4, %dma_start3A_61] : memref<10112x64xf32, #tpu.memory_space<hbm>> -> memref<632x64xf32, #tpu.memory_space<hbm>>
      tpu.enqueue_dma source(%dma_start3A_62 : memref<632x64xf32, #tpu.memory_space<hbm>>) target(%dma_start3A_60 : memref<632x64xf32, #tpu.memory_space<vmem_shared>>) target_semaphore(%run_scoped3A : memref<!tpu.dma_semaphore, #tpu.memory_space<semaphore_mem>>)
      %dma_wait3A_63 = arith.constant 0 : i32
      %dma_wait3A_64 = tpu.memref_slice %arg10[%mul3A_6, %dma_wait3A_63] : memref<10112x64xf32, #tpu.memory_space<vmem_shared>> -> memref<632x64xf32, #tpu.memory_space<vmem_shared>>
      %dma_wait3A_65 = arith.constant 0 : i32
      %dma_wait3A_66 = tpu.memref_slice %arg4[%mul3A_4, %dma_wait3A_65] : memref<10112x64xf32, #tpu.memory_space<hbm>> -> memref<632x64xf32, #tpu.memory_space<hbm>>
      tpu.wait_dma2 semaphore(%run_scoped3A : memref<!tpu.dma_semaphore, #tpu.memory_space<semaphore_mem>>) src(%dma_wait3A_66 : memref<632x64xf32, #tpu.memory_space<hbm>>) dst(%dma_wait3A_64 : memref<632x64xf32, #tpu.memory_space<vmem_shared>>)
      tpu.yield
    }) : () -> ()
    %barrier3A = arith.constant 0 : index
    tpu.barrier barrier_id(%barrier3A)
    %scan3A = arith.constant 0 : i32
    %scan3A_7 = arith.constant 0 : i32
    %scan3A_8 = arith.constant 12 : i32
    %scan3A_9 = arith.addi %scan3A_7, %scan3A_8 : i32
    %scan3A_10 = arith.constant 1 : i32
    scf.for %scan3A_59 = %scan3A_7 to %scan3A_9 step %scan3A_10  : i32 {
      %mul3A_60 = arith.constant 800 : i32
      %mul3A_61 = arith.muli %scan3A_59, %mul3A_60 : i32
      %add3A_62 = arith.addi %mul3A_2, %mul3A_61 : i32
      %gt3A = arith.constant 0 : i32
      %gt3A_63 = arith.cmpi sgt, %scan3A_59, %gt3A : i32
      %convert_element_type3A = arith.extui %gt3A_63 : i1 to i32
      %cond3A = arith.constant 0 : i32
      %cond3A_64 = arith.cmpi ne, %convert_element_type3A, %cond3A : i32
      scf.if %cond3A_64 {
        %dma_wait3A_207 = arith.constant 1 : i32
        %dma_wait3A_208 = arith.constant 0 : i32
        %dma_wait3A_209 = tpu.memref_slice %arg6[%dma_wait3A_207, %dma_wait3A_208] : memref<2x400xi32, #tpu.memory_space<vmem>> -> memref<1x400xi32, #tpu.memory_space<vmem>>
        %dma_wait3A_210 = tpu.memref_squeeze %dma_wait3A_209 : memref<1x400xi32, #tpu.memory_space<vmem>> -> memref<400xi32, #tpu.memory_space<vmem>>
        %dma_wait3A_211 = arith.constant 0 : i32
        %dma_wait3A_212 = arith.constant 0 : i32
        %dma_wait3A_213 = tpu.memref_slice %arg10[%dma_wait3A_211, %dma_wait3A_212] : memref<10112x64xf32, #tpu.memory_space<vmem_shared>> -> memref<10112x64xf32, #tpu.memory_space<vmem_shared>>
        tpu.wait_indirect_dma semaphore(%arg15 : memref<!tpu.dma_semaphore, #tpu.memory_space<semaphore_mem>>) src(%arg8 : memref<400x64xf32, #tpu.memory_space<vmem>>) dst(%dma_wait3A_213 : memref<10112x64xf32, #tpu.memory_space<vmem_shared>>)
        %dma_wait3A_214 = arith.constant 1 : i32
        %dma_wait3A_215 = arith.constant 0 : i32
        %dma_wait3A_216 = tpu.memref_slice %arg7[%dma_wait3A_214, %dma_wait3A_215] : memref<2x400xi32, #tpu.memory_space<vmem>> -> memref<1x400xi32, #tpu.memory_space<vmem>>
        %dma_wait3A_217 = tpu.memref_squeeze %dma_wait3A_216 : memref<1x400xi32, #tpu.memory_space<vmem>> -> memref<400xi32, #tpu.memory_space<vmem>>
        %dma_wait3A_218 = arith.constant 0 : i32
        %dma_wait3A_219 = arith.constant 0 : i32
        %dma_wait3A_220 = tpu.memref_slice %arg10[%dma_wait3A_218, %dma_wait3A_219] : memref<10112x64xf32, #tpu.memory_space<vmem_shared>> -> memref<10112x64xf32, #tpu.memory_space<vmem_shared>>
        tpu.wait_indirect_dma semaphore(%arg16 : memref<!tpu.dma_semaphore, #tpu.memory_space<semaphore_mem>>) src(%arg9 : memref<400x64xf32, #tpu.memory_space<vmem>>) dst(%dma_wait3A_220 : memref<10112x64xf32, #tpu.memory_space<vmem_shared>>)
      } else {
      }
      %dma_start3A_65 = arith.constant 0 : i32
      %dma_start3A_66 = arith.constant 0 : i32
      %dma_start3A_67 = arith.constant 0 : i32
      %dma_start3A_68 = tpu.memref_slice %arg6[%dma_start3A_66, %dma_start3A_67] : memref<2x400xi32, #tpu.memory_space<vmem>> -> memref<1x400xi32, #tpu.memory_space<vmem>>
      %dma_start3A_69 = tpu.memref_squeeze %dma_start3A_68 : memref<1x400xi32, #tpu.memory_space<vmem>> -> memref<400xi32, #tpu.memory_space<vmem>>
      %dma_start3A_70 = tpu.memref_slice %arg3[%dma_start3A_65, %add3A_62] : memref<2x320000xi32, #tpu.memory_space<hbm>> -> memref<1x400xi32, #tpu.memory_space<hbm>>
      %dma_start3A_71 = tpu.memref_squeeze %dma_start3A_70 : memref<1x400xi32, #tpu.memory_space<hbm>> -> memref<400xi32, #tpu.memory_space<hbm>>
      %dma_start3A_72 = arith.constant 0 : i32
      %dma_start3A_73 = tpu.memref_slice %arg6[%dma_start3A_66, %dma_start3A_72] : memref<2x400xi32, #tpu.memory_space<vmem>> -> memref<1x400xi32, #tpu.memory_space<vmem>>
      %dma_start3A_74 = tpu.memref_squeeze %dma_start3A_73 : memref<1x400xi32, #tpu.memory_space<vmem>> -> memref<400xi32, #tpu.memory_space<vmem>>
      %dma_start3A_75 = tpu.memref_slice %arg3[%dma_start3A_65, %add3A_62] : memref<2x320000xi32, #tpu.memory_space<hbm>> -> memref<1x400xi32, #tpu.memory_space<hbm>>
      %dma_start3A_76 = tpu.memref_squeeze %dma_start3A_75 : memref<1x400xi32, #tpu.memory_space<hbm>> -> memref<400xi32, #tpu.memory_space<hbm>>
      tpu.enqueue_dma source(%dma_start3A_76 : memref<400xi32, #tpu.memory_space<hbm>>) target(%dma_start3A_74 : memref<400xi32, #tpu.memory_space<vmem>>) target_semaphore(%arg11 : memref<!tpu.dma_semaphore, #tpu.memory_space<semaphore_mem>>)
      %dma_start3A_77 = arith.constant 1 : i32
      %dma_start3A_78 = arith.constant 1 : i32
      %dma_start3A_79 = arith.constant 0 : i32
      %dma_start3A_80 = tpu.memref_slice %arg6[%dma_start3A_78, %dma_start3A_79] : memref<2x400xi32, #tpu.memory_space<vmem>> -> memref<1x400xi32, #tpu.memory_space<vmem>>
      %dma_start3A_81 = tpu.memref_squeeze %dma_start3A_80 : memref<1x400xi32, #tpu.memory_space<vmem>> -> memref<400xi32, #tpu.memory_space<vmem>>
      %dma_start3A_82 = tpu.memref_slice %arg3[%dma_start3A_77, %add3A_62] : memref<2x320000xi32, #tpu.memory_space<hbm>> -> memref<1x400xi32, #tpu.memory_space<hbm>>
      %dma_start3A_83 = tpu.memref_squeeze %dma_start3A_82 : memref<1x400xi32, #tpu.memory_space<hbm>> -> memref<400xi32, #tpu.memory_space<hbm>>
      %dma_start3A_84 = arith.constant 0 : i32
      %dma_start3A_85 = tpu.memref_slice %arg6[%dma_start3A_78, %dma_start3A_84] : memref<2x400xi32, #tpu.memory_space<vmem>> -> memref<1x400xi32, #tpu.memory_space<vmem>>
      %dma_start3A_86 = tpu.memref_squeeze %dma_start3A_85 : memref<1x400xi32, #tpu.memory_space<vmem>> -> memref<400xi32, #tpu.memory_space<vmem>>
      %dma_start3A_87 = tpu.memref_slice %arg3[%dma_start3A_77, %add3A_62] : memref<2x320000xi32, #tpu.memory_space<hbm>> -> memref<1x400xi32, #tpu.memory_space<hbm>>
      %dma_start3A_88 = tpu.memref_squeeze %dma_start3A_87 : memref<1x400xi32, #tpu.memory_space<hbm>> -> memref<400xi32, #tpu.memory_space<hbm>>
      tpu.enqueue_dma source(%dma_start3A_88 : memref<400xi32, #tpu.memory_space<hbm>>) target(%dma_start3A_86 : memref<400xi32, #tpu.memory_space<vmem>>) target_semaphore(%arg11 : memref<!tpu.dma_semaphore, #tpu.memory_space<semaphore_mem>>)
      %add3A_89 = arith.constant 400 : i32
      %add3A_90 = arith.addi %add3A_62, %add3A_89 : i32
      %dma_start3A_91 = arith.constant 0 : i32
      %dma_start3A_92 = arith.constant 0 : i32
      %dma_start3A_93 = arith.constant 0 : i32
      %dma_start3A_94 = tpu.memref_slice %arg7[%dma_start3A_92, %dma_start3A_93] : memref<2x400xi32, #tpu.memory_space<vmem>> -> memref<1x400xi32, #tpu.memory_space<vmem>>
      %dma_start3A_95 = tpu.memref_squeeze %dma_start3A_94 : memref<1x400xi32, #tpu.memory_space<vmem>> -> memref<400xi32, #tpu.memory_space<vmem>>
      %dma_start3A_96 = tpu.memref_slice %arg3[%dma_start3A_91, %add3A_90] : memref<2x320000xi32, #tpu.memory_space<hbm>> -> memref<1x400xi32, #tpu.memory_space<hbm>>
      %dma_start3A_97 = tpu.memref_squeeze %dma_start3A_96 : memref<1x400xi32, #tpu.memory_space<hbm>> -> memref<400xi32, #tpu.memory_space<hbm>>
      %dma_start3A_98 = arith.constant 0 : i32
      %dma_start3A_99 = tpu.memref_slice %arg7[%dma_start3A_92, %dma_start3A_98] : memref<2x400xi32, #tpu.memory_space<vmem>> -> memref<1x400xi32, #tpu.memory_space<vmem>>
      %dma_start3A_100 = tpu.memref_squeeze %dma_start3A_99 : memref<1x400xi32, #tpu.memory_space<vmem>> -> memref<400xi32, #tpu.memory_space<vmem>>
      %dma_start3A_101 = tpu.memref_slice %arg3[%dma_start3A_91, %add3A_90] : memref<2x320000xi32, #tpu.memory_space<hbm>> -> memref<1x400xi32, #tpu.memory_space<hbm>>
      %dma_start3A_102 = tpu.memref_squeeze %dma_start3A_101 : memref<1x400xi32, #tpu.memory_space<hbm>> -> memref<400xi32, #tpu.memory_space<hbm>>
      tpu.enqueue_dma source(%dma_start3A_102 : memref<400xi32, #tpu.memory_space<hbm>>) target(%dma_start3A_100 : memref<400xi32, #tpu.memory_space<vmem>>) target_semaphore(%arg12 : memref<!tpu.dma_semaphore, #tpu.memory_space<semaphore_mem>>)
      %add3A_103 = arith.constant 400 : i32
      %add3A_104 = arith.addi %add3A_62, %add3A_103 : i32
      %dma_start3A_105 = arith.constant 1 : i32
      %dma_start3A_106 = arith.constant 1 : i32
      %dma_start3A_107 = arith.constant 0 : i32
      %dma_start3A_108 = tpu.memref_slice %arg7[%dma_start3A_106, %dma_start3A_107] : memref<2x400xi32, #tpu.memory_space<vmem>> -> memref<1x400xi32, #tpu.memory_space<vmem>>
      %dma_start3A_109 = tpu.memref_squeeze %dma_start3A_108 : memref<1x400xi32, #tpu.memory_space<vmem>> -> memref<400xi32, #tpu.memory_space<vmem>>
      %dma_start3A_110 = tpu.memref_slice %arg3[%dma_start3A_105, %add3A_104] : memref<2x320000xi32, #tpu.memory_space<hbm>> -> memref<1x400xi32, #tpu.memory_space<hbm>>
      %dma_start3A_111 = tpu.memref_squeeze %dma_start3A_110 : memref<1x400xi32, #tpu.memory_space<hbm>> -> memref<400xi32, #tpu.memory_space<hbm>>
      %dma_start3A_112 = arith.constant 0 : i32
      %dma_start3A_113 = tpu.memref_slice %arg7[%dma_start3A_106, %dma_start3A_112] : memref<2x400xi32, #tpu.memory_space<vmem>> -> memref<1x400xi32, #tpu.memory_space<vmem>>
      %dma_start3A_114 = tpu.memref_squeeze %dma_start3A_113 : memref<1x400xi32, #tpu.memory_space<vmem>> -> memref<400xi32, #tpu.memory_space<vmem>>
      %dma_start3A_115 = tpu.memref_slice %arg3[%dma_start3A_105, %add3A_104] : memref<2x320000xi32, #tpu.memory_space<hbm>> -> memref<1x400xi32, #tpu.memory_space<hbm>>
      %dma_start3A_116 = tpu.memref_squeeze %dma_start3A_115 : memref<1x400xi32, #tpu.memory_space<hbm>> -> memref<400xi32, #tpu.memory_space<hbm>>
      tpu.enqueue_dma source(%dma_start3A_116 : memref<400xi32, #tpu.memory_space<hbm>>) target(%dma_start3A_114 : memref<400xi32, #tpu.memory_space<vmem>>) target_semaphore(%arg12 : memref<!tpu.dma_semaphore, #tpu.memory_space<semaphore_mem>>)
      %dma_wait3A_117 = arith.constant 0 : i32
      %dma_wait3A_118 = arith.constant 0 : i32
      %dma_wait3A_119 = arith.constant 0 : i32
      %dma_wait3A_120 = tpu.memref_slice %arg6[%dma_wait3A_118, %dma_wait3A_119] : memref<2x400xi32, #tpu.memory_space<vmem>> -> memref<1x400xi32, #tpu.memory_space<vmem>>
      %dma_wait3A_121 = tpu.memref_squeeze %dma_wait3A_120 : memref<1x400xi32, #tpu.memory_space<vmem>> -> memref<400xi32, #tpu.memory_space<vmem>>
      %dma_wait3A_122 = tpu.memref_slice %arg3[%dma_wait3A_117, %add3A_62] : memref<2x320000xi32, #tpu.memory_space<hbm>> -> memref<1x400xi32, #tpu.memory_space<hbm>>
      %dma_wait3A_123 = tpu.memref_squeeze %dma_wait3A_122 : memref<1x400xi32, #tpu.memory_space<hbm>> -> memref<400xi32, #tpu.memory_space<hbm>>
      %dma_wait3A_124 = arith.constant 0 : i32
      %dma_wait3A_125 = tpu.memref_slice %arg6[%dma_wait3A_118, %dma_wait3A_124] : memref<2x400xi32, #tpu.memory_space<vmem>> -> memref<1x400xi32, #tpu.memory_space<vmem>>
      %dma_wait3A_126 = tpu.memref_squeeze %dma_wait3A_125 : memref<1x400xi32, #tpu.memory_space<vmem>> -> memref<400xi32, #tpu.memory_space<vmem>>
      %dma_wait3A_127 = tpu.memref_slice %arg3[%dma_wait3A_117, %add3A_62] : memref<2x320000xi32, #tpu.memory_space<hbm>> -> memref<1x400xi32, #tpu.memory_space<hbm>>
      %dma_wait3A_128 = tpu.memref_squeeze %dma_wait3A_127 : memref<1x400xi32, #tpu.memory_space<hbm>> -> memref<400xi32, #tpu.memory_space<hbm>>
      tpu.wait_dma2 semaphore(%arg11 : memref<!tpu.dma_semaphore, #tpu.memory_space<semaphore_mem>>) src(%dma_wait3A_128 : memref<400xi32, #tpu.memory_space<hbm>>) dst(%dma_wait3A_126 : memref<400xi32, #tpu.memory_space<vmem>>)
      %dma_wait3A_129 = arith.constant 1 : i32
      %dma_wait3A_130 = arith.constant 1 : i32
      %dma_wait3A_131 = arith.constant 0 : i32
      %dma_wait3A_132 = tpu.memref_slice %arg6[%dma_wait3A_130, %dma_wait3A_131] : memref<2x400xi32, #tpu.memory_space<vmem>> -> memref<1x400xi32, #tpu.memory_space<vmem>>
      %dma_wait3A_133 = tpu.memref_squeeze %dma_wait3A_132 : memref<1x400xi32, #tpu.memory_space<vmem>> -> memref<400xi32, #tpu.memory_space<vmem>>
      %dma_wait3A_134 = tpu.memref_slice %arg3[%dma_wait3A_129, %add3A_62] : memref<2x320000xi32, #tpu.memory_space<hbm>> -> memref<1x400xi32, #tpu.memory_space<hbm>>
      %dma_wait3A_135 = tpu.memref_squeeze %dma_wait3A_134 : memref<1x400xi32, #tpu.memory_space<hbm>> -> memref<400xi32, #tpu.memory_space<hbm>>
      %dma_wait3A_136 = arith.constant 0 : i32
      %dma_wait3A_137 = tpu.memref_slice %arg6[%dma_wait3A_130, %dma_wait3A_136] : memref<2x400xi32, #tpu.memory_space<vmem>> -> memref<1x400xi32, #tpu.memory_space<vmem>>
      %dma_wait3A_138 = tpu.memref_squeeze %dma_wait3A_137 : memref<1x400xi32, #tpu.memory_space<vmem>> -> memref<400xi32, #tpu.memory_space<vmem>>
      %dma_wait3A_139 = tpu.memref_slice %arg3[%dma_wait3A_129, %add3A_62] : memref<2x320000xi32, #tpu.memory_space<hbm>> -> memref<1x400xi32, #tpu.memory_space<hbm>>
      %dma_wait3A_140 = tpu.memref_squeeze %dma_wait3A_139 : memref<1x400xi32, #tpu.memory_space<hbm>> -> memref<400xi32, #tpu.memory_space<hbm>>
      tpu.wait_dma2 semaphore(%arg11 : memref<!tpu.dma_semaphore, #tpu.memory_space<semaphore_mem>>) src(%dma_wait3A_140 : memref<400xi32, #tpu.memory_space<hbm>>) dst(%dma_wait3A_138 : memref<400xi32, #tpu.memory_space<vmem>>)
      %dma_start3A_141 = arith.constant 0 : i32
      %dma_start3A_142 = arith.constant 0 : i32
      %dma_start3A_143 = tpu.memref_slice %arg6[%dma_start3A_141, %dma_start3A_142] : memref<2x400xi32, #tpu.memory_space<vmem>> -> memref<1x400xi32, #tpu.memory_space<vmem>>
      %dma_start3A_144 = tpu.memref_squeeze %dma_start3A_143 : memref<1x400xi32, #tpu.memory_space<vmem>> -> memref<400xi32, #tpu.memory_space<vmem>>
      %dma_start3A_145 = arith.constant 0 : i32
      %dma_start3A_146 = arith.constant 0 : i32
      %dma_start3A_147 = tpu.memref_slice %arg2[%dma_start3A_145, %dma_start3A_146] : memref<10000x64xf32, #tpu.memory_space<hbm>> -> memref<10000x64xf32, #tpu.memory_space<hbm>>
      tpu.enqueue_indirect_dma source(%dma_start3A_147 : memref<10000x64xf32, #tpu.memory_space<hbm>>) target(%arg8 : memref<400x64xf32, #tpu.memory_space<vmem>>) offsets(%dma_start3A_144 : memref<400xi32, #tpu.memory_space<vmem>>) semaphore(%arg13 : memref<!tpu.dma_semaphore, #tpu.memory_space<semaphore_mem>>)
      %dma_wait3A_148 = arith.constant 0 : i32
      %dma_wait3A_149 = arith.constant 0 : i32
      %dma_wait3A_150 = arith.constant 0 : i32
      %dma_wait3A_151 = tpu.memref_slice %arg7[%dma_wait3A_149, %dma_wait3A_150] : memref<2x400xi32, #tpu.memory_space<vmem>> -> memref<1x400xi32, #tpu.memory_space<vmem>>
      %dma_wait3A_152 = tpu.memref_squeeze %dma_wait3A_151 : memref<1x400xi32, #tpu.memory_space<vmem>> -> memref<400xi32, #tpu.memory_space<vmem>>
      %dma_wait3A_153 = tpu.memref_slice %arg3[%dma_wait3A_148, %add3A_90] : memref<2x320000xi32, #tpu.memory_space<hbm>> -> memref<1x400xi32, #tpu.memory_space<hbm>>
      %dma_wait3A_154 = tpu.memref_squeeze %dma_wait3A_153 : memref<1x400xi32, #tpu.memory_space<hbm>> -> memref<400xi32, #tpu.memory_space<hbm>>
      %dma_wait3A_155 = arith.constant 0 : i32
      %dma_wait3A_156 = tpu.memref_slice %arg7[%dma_wait3A_149, %dma_wait3A_155] : memref<2x400xi32, #tpu.memory_space<vmem>> -> memref<1x400xi32, #tpu.memory_space<vmem>>
      %dma_wait3A_157 = tpu.memref_squeeze %dma_wait3A_156 : memref<1x400xi32, #tpu.memory_space<vmem>> -> memref<400xi32, #tpu.memory_space<vmem>>
      %dma_wait3A_158 = tpu.memref_slice %arg3[%dma_wait3A_148, %add3A_90] : memref<2x320000xi32, #tpu.memory_space<hbm>> -> memref<1x400xi32, #tpu.memory_space<hbm>>
      %dma_wait3A_159 = tpu.memref_squeeze %dma_wait3A_158 : memref<1x400xi32, #tpu.memory_space<hbm>> -> memref<400xi32, #tpu.memory_space<hbm>>
      tpu.wait_dma2 semaphore(%arg12 : memref<!tpu.dma_semaphore, #tpu.memory_space<semaphore_mem>>) src(%dma_wait3A_159 : memref<400xi32, #tpu.memory_space<hbm>>) dst(%dma_wait3A_157 : memref<400xi32, #tpu.memory_space<vmem>>)
      %dma_wait3A_160 = arith.constant 1 : i32
      %dma_wait3A_161 = arith.constant 1 : i32
      %dma_wait3A_162 = arith.constant 0 : i32
      %dma_wait3A_163 = tpu.memref_slice %arg7[%dma_wait3A_161, %dma_wait3A_162] : memref<2x400xi32, #tpu.memory_space<vmem>> -> memref<1x400xi32, #tpu.memory_space<vmem>>
      %dma_wait3A_164 = tpu.memref_squeeze %dma_wait3A_163 : memref<1x400xi32, #tpu.memory_space<vmem>> -> memref<400xi32, #tpu.memory_space<vmem>>
      %dma_wait3A_165 = tpu.memref_slice %arg3[%dma_wait3A_160, %add3A_104] : memref<2x320000xi32, #tpu.memory_space<hbm>> -> memref<1x400xi32, #tpu.memory_space<hbm>>
      %dma_wait3A_166 = tpu.memref_squeeze %dma_wait3A_165 : memref<1x400xi32, #tpu.memory_space<hbm>> -> memref<400xi32, #tpu.memory_space<hbm>>
      %dma_wait3A_167 = arith.constant 0 : i32
      %dma_wait3A_168 = tpu.memref_slice %arg7[%dma_wait3A_161, %dma_wait3A_167] : memref<2x400xi32, #tpu.memory_space<vmem>> -> memref<1x400xi32, #tpu.memory_space<vmem>>
      %dma_wait3A_169 = tpu.memref_squeeze %dma_wait3A_168 : memref<1x400xi32, #tpu.memory_space<vmem>> -> memref<400xi32, #tpu.memory_space<vmem>>
      %dma_wait3A_170 = tpu.memref_slice %arg3[%dma_wait3A_160, %add3A_104] : memref<2x320000xi32, #tpu.memory_space<hbm>> -> memref<1x400xi32, #tpu.memory_space<hbm>>
      %dma_wait3A_171 = tpu.memref_squeeze %dma_wait3A_170 : memref<1x400xi32, #tpu.memory_space<hbm>> -> memref<400xi32, #tpu.memory_space<hbm>>
      tpu.wait_dma2 semaphore(%arg12 : memref<!tpu.dma_semaphore, #tpu.memory_space<semaphore_mem>>) src(%dma_wait3A_171 : memref<400xi32, #tpu.memory_space<hbm>>) dst(%dma_wait3A_169 : memref<400xi32, #tpu.memory_space<vmem>>)
      %dma_start3A_172 = arith.constant 0 : i32
      %dma_start3A_173 = arith.constant 0 : i32
      %dma_start3A_174 = tpu.memref_slice %arg7[%dma_start3A_172, %dma_start3A_173] : memref<2x400xi32, #tpu.memory_space<vmem>> -> memref<1x400xi32, #tpu.memory_space<vmem>>
      %dma_start3A_175 = tpu.memref_squeeze %dma_start3A_174 : memref<1x400xi32, #tpu.memory_space<vmem>> -> memref<400xi32, #tpu.memory_space<vmem>>
      %dma_start3A_176 = arith.constant 0 : i32
      %dma_start3A_177 = arith.constant 0 : i32
      %dma_start3A_178 = tpu.memref_slice %arg2[%dma_start3A_176, %dma_start3A_177] : memref<10000x64xf32, #tpu.memory_space<hbm>> -> memref<10000x64xf32, #tpu.memory_space<hbm>>
      tpu.enqueue_indirect_dma source(%dma_start3A_178 : memref<10000x64xf32, #tpu.memory_space<hbm>>) target(%arg9 : memref<400x64xf32, #tpu.memory_space<vmem>>) offsets(%dma_start3A_175 : memref<400xi32, #tpu.memory_space<vmem>>) semaphore(%arg14 : memref<!tpu.dma_semaphore, #tpu.memory_space<semaphore_mem>>)
      %dma_wait3A_179 = arith.constant 0 : i32
      %dma_wait3A_180 = arith.constant 0 : i32
      %dma_wait3A_181 = tpu.memref_slice %arg6[%dma_wait3A_179, %dma_wait3A_180] : memref<2x400xi32, #tpu.memory_space<vmem>> -> memref<1x400xi32, #tpu.memory_space<vmem>>
      %dma_wait3A_182 = tpu.memref_squeeze %dma_wait3A_181 : memref<1x400xi32, #tpu.memory_space<vmem>> -> memref<400xi32, #tpu.memory_space<vmem>>
      %dma_wait3A_183 = arith.constant 0 : i32
      %dma_wait3A_184 = arith.constant 0 : i32
      %dma_wait3A_185 = tpu.memref_slice %arg2[%dma_wait3A_183, %dma_wait3A_184] : memref<10000x64xf32, #tpu.memory_space<hbm>> -> memref<10000x64xf32, #tpu.memory_space<hbm>>
      tpu.wait_indirect_dma semaphore(%arg13 : memref<!tpu.dma_semaphore, #tpu.memory_space<semaphore_mem>>) src(%dma_wait3A_185 : memref<10000x64xf32, #tpu.memory_space<hbm>>) dst(%arg8 : memref<400x64xf32, #tpu.memory_space<vmem>>)
      %dma_start3A_186 = arith.constant 1 : i32
      %dma_start3A_187 = arith.constant 0 : i32
      %dma_start3A_188 = tpu.memref_slice %arg6[%dma_start3A_186, %dma_start3A_187] : memref<2x400xi32, #tpu.memory_space<vmem>> -> memref<1x400xi32, #tpu.memory_space<vmem>>
      %dma_start3A_189 = tpu.memref_squeeze %dma_start3A_188 : memref<1x400xi32, #tpu.memory_space<vmem>> -> memref<400xi32, #tpu.memory_space<vmem>>
      %dma_start3A_190 = arith.constant 0 : i32
      %dma_start3A_191 = arith.constant 0 : i32
      %dma_start3A_192 = tpu.memref_slice %arg10[%dma_start3A_190, %dma_start3A_191] : memref<10112x64xf32, #tpu.memory_space<vmem_shared>> -> memref<10112x64xf32, #tpu.memory_space<vmem_shared>>
      tpu.enqueue_indirect_dma source(%arg8 : memref<400x64xf32, #tpu.memory_space<vmem>>) target(%dma_start3A_192 : memref<10112x64xf32, #tpu.memory_space<vmem_shared>>) offsets(%dma_start3A_189 : memref<400xi32, #tpu.memory_space<vmem>>) semaphore(%arg15 : memref<!tpu.dma_semaphore, #tpu.memory_space<semaphore_mem>>) {add = true}
      %dma_wait3A_193 = arith.constant 0 : i32
      %dma_wait3A_194 = arith.constant 0 : i32
      %dma_wait3A_195 = tpu.memref_slice %arg7[%dma_wait3A_193, %dma_wait3A_194] : memref<2x400xi32, #tpu.memory_space<vmem>> -> memref<1x400xi32, #tpu.memory_space<vmem>>
      %dma_wait3A_196 = tpu.memref_squeeze %dma_wait3A_195 : memref<1x400xi32, #tpu.memory_space<vmem>> -> memref<400xi32, #tpu.memory_space<vmem>>
      %dma_wait3A_197 = arith.constant 0 : i32
      %dma_wait3A_198 = arith.constant 0 : i32
      %dma_wait3A_199 = tpu.memref_slice %arg2[%dma_wait3A_197, %dma_wait3A_198] : memref<10000x64xf32, #tpu.memory_space<hbm>> -> memref<10000x64xf32, #tpu.memory_space<hbm>>
      tpu.wait_indirect_dma semaphore(%arg14 : memref<!tpu.dma_semaphore, #tpu.memory_space<semaphore_mem>>) src(%dma_wait3A_199 : memref<10000x64xf32, #tpu.memory_space<hbm>>) dst(%arg9 : memref<400x64xf32, #tpu.memory_space<vmem>>)
      %dma_start3A_200 = arith.constant 1 : i32
      %dma_start3A_201 = arith.constant 0 : i32
      %dma_start3A_202 = tpu.memref_slice %arg7[%dma_start3A_200, %dma_start3A_201] : memref<2x400xi32, #tpu.memory_space<vmem>> -> memref<1x400xi32, #tpu.memory_space<vmem>>
      %dma_start3A_203 = tpu.memref_squeeze %dma_start3A_202 : memref<1x400xi32, #tpu.memory_space<vmem>> -> memref<400xi32, #tpu.memory_space<vmem>>
      %dma_start3A_204 = arith.constant 0 : i32
      %dma_start3A_205 = arith.constant 0 : i32
      %dma_start3A_206 = tpu.memref_slice %arg10[%dma_start3A_204, %dma_start3A_205] : memref<10112x64xf32, #tpu.memory_space<vmem_shared>> -> memref<10112x64xf32, #tpu.memory_space<vmem_shared>>
      tpu.enqueue_indirect_dma source(%arg9 : memref<400x64xf32, #tpu.memory_space<vmem>>) target(%dma_start3A_206 : memref<10112x64xf32, #tpu.memory_space<vmem_shared>>) offsets(%dma_start3A_203 : memref<400xi32, #tpu.memory_space<vmem>>) semaphore(%arg16 : memref<!tpu.dma_semaphore, #tpu.memory_space<semaphore_mem>>) {add = true}
    }
    %scan3A_11 = arith.constant 12 : i32
    %dma_wait3A = arith.constant 1 : i32
    %dma_wait3A_12 = arith.constant 0 : i32
    %dma_wait3A_13 = tpu.memref_slice %arg6[%dma_wait3A, %dma_wait3A_12] : memref<2x400xi32, #tpu.memory_space<vmem>> -> memref<1x400xi32, #tpu.memory_space<vmem>>
    %dma_wait3A_14 = tpu.memref_squeeze %dma_wait3A_13 : memref<1x400xi32, #tpu.memory_space<vmem>> -> memref<400xi32, #tpu.memory_space<vmem>>
    %dma_wait3A_15 = arith.constant 0 : i32
    %dma_wait3A_16 = arith.constant 0 : i32
    %dma_wait3A_17 = tpu.memref_slice %arg10[%dma_wait3A_15, %dma_wait3A_16] : memref<10112x64xf32, #tpu.memory_space<vmem_shared>> -> memref<10112x64xf32, #tpu.memory_space<vmem_shared>>
    tpu.wait_indirect_dma semaphore(%arg15 : memref<!tpu.dma_semaphore, #tpu.memory_space<semaphore_mem>>) src(%arg8 : memref<400x64xf32, #tpu.memory_space<vmem>>) dst(%dma_wait3A_17 : memref<10112x64xf32, #tpu.memory_space<vmem_shared>>)
    %add3A_18 = arith.constant 9600 : i32
    %add3A_19 = arith.addi %mul3A_2, %add3A_18 : i32
    "tpu.region"() ({
      %run_scoped3A = tpu.sem_alloc : memref<!tpu.dma_semaphore, #tpu.memory_space<semaphore_mem>>
      %dma_start3A_59 = arith.constant 0 : i32
      %dma_start3A_60 = tpu.memref_slice %arg3[%dma_start3A_59, %add3A_19] : memref<2x320000xi32, #tpu.memory_space<hbm>> -> memref<2x400xi32, #tpu.memory_space<hbm>>
      %dma_start3A_61 = arith.constant 0 : i32
      %dma_start3A_62 = tpu.memref_slice %arg3[%dma_start3A_61, %add3A_19] : memref<2x320000xi32, #tpu.memory_space<hbm>> -> memref<2x400xi32, #tpu.memory_space<hbm>>
      tpu.enqueue_dma source(%dma_start3A_62 : memref<2x400xi32, #tpu.memory_space<hbm>>) target(%arg6 : memref<2x400xi32, #tpu.memory_space<vmem>>) target_semaphore(%run_scoped3A : memref<!tpu.dma_semaphore, #tpu.memory_space<semaphore_mem>>)
      %dma_wait3A_63 = arith.constant 0 : i32
      %dma_wait3A_64 = tpu.memref_slice %arg3[%dma_wait3A_63, %add3A_19] : memref<2x320000xi32, #tpu.memory_space<hbm>> -> memref<2x400xi32, #tpu.memory_space<hbm>>
      %dma_wait3A_65 = arith.constant 0 : i32
      %dma_wait3A_66 = tpu.memref_slice %arg3[%dma_wait3A_65, %add3A_19] : memref<2x320000xi32, #tpu.memory_space<hbm>> -> memref<2x400xi32, #tpu.memory_space<hbm>>
      tpu.wait_dma2 semaphore(%run_scoped3A : memref<!tpu.dma_semaphore, #tpu.memory_space<semaphore_mem>>) src(%dma_wait3A_66 : memref<2x400xi32, #tpu.memory_space<hbm>>) dst(%arg6 : memref<2x400xi32, #tpu.memory_space<vmem>>)
      tpu.yield
    }) : () -> ()
    %dma_start3A = arith.constant 0 : i32
    %dma_start3A_20 = arith.constant 0 : i32
    %dma_start3A_21 = tpu.memref_slice %arg6[%dma_start3A, %dma_start3A_20] : memref<2x400xi32, #tpu.memory_space<vmem>> -> memref<1x400xi32, #tpu.memory_space<vmem>>
    %dma_start3A_22 = tpu.memref_squeeze %dma_start3A_21 : memref<1x400xi32, #tpu.memory_space<vmem>> -> memref<400xi32, #tpu.memory_space<vmem>>
    %dma_start3A_23 = arith.constant 0 : i32
    %dma_start3A_24 = arith.constant 0 : i32
    %dma_start3A_25 = tpu.memref_slice %arg2[%dma_start3A_23, %dma_start3A_24] : memref<10000x64xf32, #tpu.memory_space<hbm>> -> memref<10000x64xf32, #tpu.memory_space<hbm>>
    tpu.enqueue_indirect_dma source(%dma_start3A_25 : memref<10000x64xf32, #tpu.memory_space<hbm>>) target(%arg8 : memref<400x64xf32, #tpu.memory_space<vmem>>) offsets(%dma_start3A_22 : memref<400xi32, #tpu.memory_space<vmem>>) semaphore(%arg13 : memref<!tpu.dma_semaphore, #tpu.memory_space<semaphore_mem>>)
    %dma_wait3A_26 = arith.constant 0 : i32
    %dma_wait3A_27 = arith.constant 0 : i32
    %dma_wait3A_28 = tpu.memref_slice %arg6[%dma_wait3A_26, %dma_wait3A_27] : memref<2x400xi32, #tpu.memory_space<vmem>> -> memref<1x400xi32, #tpu.memory_space<vmem>>
    %dma_wait3A_29 = tpu.memref_squeeze %dma_wait3A_28 : memref<1x400xi32, #tpu.memory_space<vmem>> -> memref<400xi32, #tpu.memory_space<vmem>>
    %dma_wait3A_30 = arith.constant 0 : i32
    %dma_wait3A_31 = arith.constant 0 : i32
    %dma_wait3A_32 = tpu.memref_slice %arg2[%dma_wait3A_30, %dma_wait3A_31] : memref<10000x64xf32, #tpu.memory_space<hbm>> -> memref<10000x64xf32, #tpu.memory_space<hbm>>
    tpu.wait_indirect_dma semaphore(%arg13 : memref<!tpu.dma_semaphore, #tpu.memory_space<semaphore_mem>>) src(%dma_wait3A_32 : memref<10000x64xf32, #tpu.memory_space<hbm>>) dst(%arg8 : memref<400x64xf32, #tpu.memory_space<vmem>>)
    %dma_start3A_33 = arith.constant 1 : i32
    %dma_start3A_34 = arith.constant 0 : i32
    %dma_start3A_35 = tpu.memref_slice %arg6[%dma_start3A_33, %dma_start3A_34] : memref<2x400xi32, #tpu.memory_space<vmem>> -> memref<1x400xi32, #tpu.memory_space<vmem>>
    %dma_start3A_36 = tpu.memref_squeeze %dma_start3A_35 : memref<1x400xi32, #tpu.memory_space<vmem>> -> memref<400xi32, #tpu.memory_space<vmem>>
    %dma_start3A_37 = arith.constant 0 : i32
    %dma_start3A_38 = arith.constant 0 : i32
    %dma_start3A_39 = tpu.memref_slice %arg10[%dma_start3A_37, %dma_start3A_38] : memref<10112x64xf32, #tpu.memory_space<vmem_shared>> -> memref<10112x64xf32, #tpu.memory_space<vmem_shared>>
    tpu.enqueue_indirect_dma source(%arg8 : memref<400x64xf32, #tpu.memory_space<vmem>>) target(%dma_start3A_39 : memref<10112x64xf32, #tpu.memory_space<vmem_shared>>) offsets(%dma_start3A_36 : memref<400xi32, #tpu.memory_space<vmem>>) semaphore(%arg15 : memref<!tpu.dma_semaphore, #tpu.memory_space<semaphore_mem>>) {add = true}
    %dma_wait3A_40 = arith.constant 1 : i32
    %dma_wait3A_41 = arith.constant 0 : i32
    %dma_wait3A_42 = tpu.memref_slice %arg6[%dma_wait3A_40, %dma_wait3A_41] : memref<2x400xi32, #tpu.memory_space<vmem>> -> memref<1x400xi32, #tpu.memory_space<vmem>>
    %dma_wait3A_43 = tpu.memref_squeeze %dma_wait3A_42 : memref<1x400xi32, #tpu.memory_space<vmem>> -> memref<400xi32, #tpu.memory_space<vmem>>
    %dma_wait3A_44 = arith.constant 0 : i32
    %dma_wait3A_45 = arith.constant 0 : i32
    %dma_wait3A_46 = tpu.memref_slice %arg10[%dma_wait3A_44, %dma_wait3A_45] : memref<10112x64xf32, #tpu.memory_space<vmem_shared>> -> memref<10112x64xf32, #tpu.memory_space<vmem_shared>>
    tpu.wait_indirect_dma semaphore(%arg15 : memref<!tpu.dma_semaphore, #tpu.memory_space<semaphore_mem>>) src(%arg8 : memref<400x64xf32, #tpu.memory_space<vmem>>) dst(%dma_wait3A_46 : memref<10112x64xf32, #tpu.memory_space<vmem_shared>>)
    %dma_wait3A_47 = arith.constant 1 : i32
    %dma_wait3A_48 = arith.constant 0 : i32
    %dma_wait3A_49 = tpu.memref_slice %arg7[%dma_wait3A_47, %dma_wait3A_48] : memref<2x400xi32, #tpu.memory_space<vmem>> -> memref<1x400xi32, #tpu.memory_space<vmem>>
    %dma_wait3A_50 = tpu.memref_squeeze %dma_wait3A_49 : memref<1x400xi32, #tpu.memory_space<vmem>> -> memref<400xi32, #tpu.memory_space<vmem>>
    %dma_wait3A_51 = arith.constant 0 : i32
    %dma_wait3A_52 = arith.constant 0 : i32
    %dma_wait3A_53 = tpu.memref_slice %arg10[%dma_wait3A_51, %dma_wait3A_52] : memref<10112x64xf32, #tpu.memory_space<vmem_shared>> -> memref<10112x64xf32, #tpu.memory_space<vmem_shared>>
    tpu.wait_indirect_dma semaphore(%arg16 : memref<!tpu.dma_semaphore, #tpu.memory_space<semaphore_mem>>) src(%arg9 : memref<400x64xf32, #tpu.memory_space<vmem>>) dst(%dma_wait3A_53 : memref<10112x64xf32, #tpu.memory_space<vmem_shared>>)
    %barrier3A_54 = arith.constant 0 : index
    tpu.barrier barrier_id(%barrier3A_54)
    %mul3A_55 = arith.constant 632 : i32
    %mul3A_56 = arith.muli %arg1, %mul3A_55 : i32
    %mul3A_57 = arith.constant 632 : i32
    %mul3A_58 = arith.muli %arg1, %mul3A_57 : i32
    "tpu.region"() ({
      %run_scoped3A = tpu.sem_alloc : memref<!tpu.dma_semaphore, #tpu.memory_space<semaphore_mem>>
      %dma_start3A_59 = arith.constant 0 : i32
      %dma_start3A_60 = tpu.memref_slice %arg5[%arg0, %mul3A_58, %dma_start3A_59] : memref<2x10112x64xf32, #tpu.memory_space<hbm>> -> memref<1x632x64xf32, #tpu.memory_space<hbm>>
      %dma_start3A_61 = tpu.memref_squeeze %dma_start3A_60 : memref<1x632x64xf32, #tpu.memory_space<hbm>> -> memref<632x64xf32, #tpu.memory_space<hbm>>
      %dma_start3A_62 = arith.constant 0 : i32
      %dma_start3A_63 = tpu.memref_slice %arg10[%mul3A_56, %dma_start3A_62] : memref<10112x64xf32, #tpu.memory_space<vmem_shared>> -> memref<632x64xf32, #tpu.memory_space<vmem_shared>>
      tpu.enqueue_dma source(%dma_start3A_63 : memref<632x64xf32, #tpu.memory_space<vmem_shared>>) target(%dma_start3A_61 : memref<632x64xf32, #tpu.memory_space<hbm>>) target_semaphore(%run_scoped3A : memref<!tpu.dma_semaphore, #tpu.memory_space<semaphore_mem>>)
      %dma_wait3A_64 = arith.constant 0 : i32
      %dma_wait3A_65 = tpu.memref_slice %arg5[%arg0, %mul3A_58, %dma_wait3A_64] : memref<2x10112x64xf32, #tpu.memory_space<hbm>> -> memref<1x632x64xf32, #tpu.memory_space<hbm>>
      %dma_wait3A_66 = tpu.memref_squeeze %dma_wait3A_65 : memref<1x632x64xf32, #tpu.memory_space<hbm>> -> memref<632x64xf32, #tpu.memory_space<hbm>>
      %dma_wait3A_67 = arith.constant 0 : i32
      %dma_wait3A_68 = tpu.memref_slice %arg10[%mul3A_56, %dma_wait3A_67] : memref<10112x64xf32, #tpu.memory_space<vmem_shared>> -> memref<632x64xf32, #tpu.memory_space<vmem_shared>>
      tpu.wait_dma2 semaphore(%run_scoped3A : memref<!tpu.dma_semaphore, #tpu.memory_space<semaphore_mem>>) src(%dma_wait3A_68 : memref<632x64xf32, #tpu.memory_space<vmem_shared>>) dst(%dma_wait3A_66 : memref<632x64xf32, #tpu.memory_space<hbm>>)
      tpu.yield
    }) : () -> ()
    return
  }
}

#map = affine_map<(d0, d1) -> (0, 0)>
#map1 = affine_map<(d0, d1) -> (0, 0, 0)>
module attributes {stable_mosaic.version = 14 : i64} {
  func.func @_deg_body(%arg0: i32, %arg1: i32, %arg2: memref<2x320000xi32, #tpu.memory_space<hbm>>, %arg3: memref<1000x8xf32, #tpu.memory_space<hbm>>, %arg4: memref<10112x8xf32, #tpu.memory_space<hbm>>, %arg5: memref<2x10112x8xf32, #tpu.memory_space<hbm>>, %arg6: memref<1000x8xf32, #tpu.memory_space<vmem>>, %arg7: memref<1000xi32, #tpu.memory_space<vmem>>, %arg8: memref<1000xi32, #tpu.memory_space<vmem>>, %arg9: memref<10112x8xf32, #tpu.memory_space<vmem_shared>>, %arg10: memref<!tpu.dma_semaphore, #tpu.memory_space<semaphore_mem>>, %arg11: memref<!tpu.dma_semaphore, #tpu.memory_space<semaphore_mem>>) attributes {dimension_semantics = [#tpu.dimension_semantics<core_parallel>, #tpu.dimension_semantics<subcore_parallel>], iteration_bounds = array<i64: 2, 16>, scalar_prefetch = 0 : i64, scratch_operands = 6 : i64, tpu.core_type = #tpu.core_type<sc_vector_subcore>, window_params = [{transform_indices = #map}, {transform_indices = #map}, {transform_indices = #map}, {transform_indices = #map1}]} {
    %mul3A = arith.constant 16 : i32
    %mul3A_0 = arith.muli %arg0, %mul3A : i32
    %add3A = arith.addi %mul3A_0, %arg1 : i32
    %mul3A_1 = arith.constant 10000 : i32
    %mul3A_2 = arith.muli %add3A, %mul3A_1 : i32
    %mul3A_3 = arith.constant 632 : i32
    %mul3A_4 = arith.muli %arg1, %mul3A_3 : i32
    %mul3A_5 = arith.constant 632 : i32
    %mul3A_6 = arith.muli %arg1, %mul3A_5 : i32
    "tpu.region"() ({
      %run_scoped3A = tpu.sem_alloc : memref<!tpu.dma_semaphore, #tpu.memory_space<semaphore_mem>>
      %dma_start3A = arith.constant 0 : i32
      %dma_start3A_22 = tpu.memref_slice %arg9[%mul3A_6, %dma_start3A] : memref<10112x8xf32, #tpu.memory_space<vmem_shared>> -> memref<632x8xf32, #tpu.memory_space<vmem_shared>>
      %dma_start3A_23 = arith.constant 0 : i32
      %dma_start3A_24 = tpu.memref_slice %arg4[%mul3A_4, %dma_start3A_23] : memref<10112x8xf32, #tpu.memory_space<hbm>> -> memref<632x8xf32, #tpu.memory_space<hbm>>
      tpu.enqueue_dma source(%dma_start3A_24 : memref<632x8xf32, #tpu.memory_space<hbm>>) target(%dma_start3A_22 : memref<632x8xf32, #tpu.memory_space<vmem_shared>>) target_semaphore(%run_scoped3A : memref<!tpu.dma_semaphore, #tpu.memory_space<semaphore_mem>>)
      %dma_wait3A_25 = arith.constant 0 : i32
      %dma_wait3A_26 = tpu.memref_slice %arg9[%mul3A_6, %dma_wait3A_25] : memref<10112x8xf32, #tpu.memory_space<vmem_shared>> -> memref<632x8xf32, #tpu.memory_space<vmem_shared>>
      %dma_wait3A_27 = arith.constant 0 : i32
      %dma_wait3A_28 = tpu.memref_slice %arg4[%mul3A_4, %dma_wait3A_27] : memref<10112x8xf32, #tpu.memory_space<hbm>> -> memref<632x8xf32, #tpu.memory_space<hbm>>
      tpu.wait_dma2 semaphore(%run_scoped3A : memref<!tpu.dma_semaphore, #tpu.memory_space<semaphore_mem>>) src(%dma_wait3A_28 : memref<632x8xf32, #tpu.memory_space<hbm>>) dst(%dma_wait3A_26 : memref<632x8xf32, #tpu.memory_space<vmem_shared>>)
      tpu.yield
    }) : () -> ()
    "tpu.region"() ({
      %run_scoped3A = tpu.sem_alloc : memref<!tpu.dma_semaphore, #tpu.memory_space<semaphore_mem>>
      tpu.enqueue_dma source(%arg3 : memref<1000x8xf32, #tpu.memory_space<hbm>>) target(%arg6 : memref<1000x8xf32, #tpu.memory_space<vmem>>) target_semaphore(%run_scoped3A : memref<!tpu.dma_semaphore, #tpu.memory_space<semaphore_mem>>)
      tpu.wait_dma2 semaphore(%run_scoped3A : memref<!tpu.dma_semaphore, #tpu.memory_space<semaphore_mem>>) src(%arg3 : memref<1000x8xf32, #tpu.memory_space<hbm>>) dst(%arg6 : memref<1000x8xf32, #tpu.memory_space<vmem>>)
      tpu.yield
    }) : () -> ()
    %barrier3A = arith.constant 0 : index
    tpu.barrier barrier_id(%barrier3A)
    %scan3A = arith.constant 0 : i32
    %scan3A_7 = arith.constant 0 : i32
    %scan3A_8 = arith.constant 5 : i32
    %scan3A_9 = arith.addi %scan3A_7, %scan3A_8 : i32
    %scan3A_10 = arith.constant 1 : i32
    scf.for %scan3A_22 = %scan3A_7 to %scan3A_9 step %scan3A_10  : i32 {
      %mul3A_23 = arith.constant 2000 : i32
      %mul3A_24 = arith.muli %scan3A_22, %mul3A_23 : i32
      %add3A_25 = arith.addi %mul3A_2, %mul3A_24 : i32
      %gt3A = arith.constant 0 : i32
      %gt3A_26 = arith.cmpi sgt, %scan3A_22, %gt3A : i32
      %convert_element_type3A = arith.extui %gt3A_26 : i1 to i32
      %cond3A = arith.constant 0 : i32
      %cond3A_27 = arith.cmpi ne, %convert_element_type3A, %cond3A : i32
      scf.if %cond3A_27 {
        %dma_wait3A_36 = arith.constant 0 : i32
        %dma_wait3A_37 = arith.constant 0 : i32
        %dma_wait3A_38 = tpu.memref_slice %arg9[%dma_wait3A_36, %dma_wait3A_37] : memref<10112x8xf32, #tpu.memory_space<vmem_shared>> -> memref<10112x8xf32, #tpu.memory_space<vmem_shared>>
        tpu.wait_indirect_dma semaphore(%arg10 : memref<!tpu.dma_semaphore, #tpu.memory_space<semaphore_mem>>) src(%arg6 : memref<1000x8xf32, #tpu.memory_space<vmem>>) dst(%dma_wait3A_38 : memref<10112x8xf32, #tpu.memory_space<vmem_shared>>)
        %dma_wait3A_39 = arith.constant 0 : i32
        %dma_wait3A_40 = arith.constant 0 : i32
        %dma_wait3A_41 = tpu.memref_slice %arg9[%dma_wait3A_39, %dma_wait3A_40] : memref<10112x8xf32, #tpu.memory_space<vmem_shared>> -> memref<10112x8xf32, #tpu.memory_space<vmem_shared>>
        tpu.wait_indirect_dma semaphore(%arg11 : memref<!tpu.dma_semaphore, #tpu.memory_space<semaphore_mem>>) src(%arg6 : memref<1000x8xf32, #tpu.memory_space<vmem>>) dst(%dma_wait3A_41 : memref<10112x8xf32, #tpu.memory_space<vmem_shared>>)
      } else {
      }
      %run_scoped3A = arith.constant 1 : i32
      "tpu.region"() ({
        %run_scoped3A_36 = tpu.sem_alloc : memref<!tpu.dma_semaphore, #tpu.memory_space<semaphore_mem>>
        %dma_start3A_37 = tpu.memref_slice %arg2[%run_scoped3A, %add3A_25] : memref<2x320000xi32, #tpu.memory_space<hbm>> -> memref<1x1000xi32, #tpu.memory_space<hbm>>
        %dma_start3A_38 = tpu.memref_squeeze %dma_start3A_37 : memref<1x1000xi32, #tpu.memory_space<hbm>> -> memref<1000xi32, #tpu.memory_space<hbm>>
        %dma_start3A_39 = tpu.memref_slice %arg2[%run_scoped3A, %add3A_25] : memref<2x320000xi32, #tpu.memory_space<hbm>> -> memref<1x1000xi32, #tpu.memory_space<hbm>>
        %dma_start3A_40 = tpu.memref_squeeze %dma_start3A_39 : memref<1x1000xi32, #tpu.memory_space<hbm>> -> memref<1000xi32, #tpu.memory_space<hbm>>
        tpu.enqueue_dma source(%dma_start3A_40 : memref<1000xi32, #tpu.memory_space<hbm>>) target(%arg7 : memref<1000xi32, #tpu.memory_space<vmem>>) target_semaphore(%run_scoped3A_36 : memref<!tpu.dma_semaphore, #tpu.memory_space<semaphore_mem>>)
        %dma_wait3A_41 = tpu.memref_slice %arg2[%run_scoped3A, %add3A_25] : memref<2x320000xi32, #tpu.memory_space<hbm>> -> memref<1x1000xi32, #tpu.memory_space<hbm>>
        %dma_wait3A_42 = tpu.memref_squeeze %dma_wait3A_41 : memref<1x1000xi32, #tpu.memory_space<hbm>> -> memref<1000xi32, #tpu.memory_space<hbm>>
        %dma_wait3A_43 = tpu.memref_slice %arg2[%run_scoped3A, %add3A_25] : memref<2x320000xi32, #tpu.memory_space<hbm>> -> memref<1x1000xi32, #tpu.memory_space<hbm>>
        %dma_wait3A_44 = tpu.memref_squeeze %dma_wait3A_43 : memref<1x1000xi32, #tpu.memory_space<hbm>> -> memref<1000xi32, #tpu.memory_space<hbm>>
        tpu.wait_dma2 semaphore(%run_scoped3A_36 : memref<!tpu.dma_semaphore, #tpu.memory_space<semaphore_mem>>) src(%dma_wait3A_44 : memref<1000xi32, #tpu.memory_space<hbm>>) dst(%arg7 : memref<1000xi32, #tpu.memory_space<vmem>>)
        tpu.yield
      }) : () -> ()
      %dma_start3A = arith.constant 0 : i32
      %dma_start3A_28 = arith.constant 0 : i32
      %dma_start3A_29 = tpu.memref_slice %arg9[%dma_start3A, %dma_start3A_28] : memref<10112x8xf32, #tpu.memory_space<vmem_shared>> -> memref<10112x8xf32, #tpu.memory_space<vmem_shared>>
      tpu.enqueue_indirect_dma source(%arg6 : memref<1000x8xf32, #tpu.memory_space<vmem>>) target(%dma_start3A_29 : memref<10112x8xf32, #tpu.memory_space<vmem_shared>>) offsets(%arg7 : memref<1000xi32, #tpu.memory_space<vmem>>) semaphore(%arg10 : memref<!tpu.dma_semaphore, #tpu.memory_space<semaphore_mem>>) {add = true}
      %add3A_30 = arith.constant 1000 : i32
      %add3A_31 = arith.addi %add3A_25, %add3A_30 : i32
      %run_scoped3A_32 = arith.constant 1 : i32
      "tpu.region"() ({
        %run_scoped3A_36 = tpu.sem_alloc : memref<!tpu.dma_semaphore, #tpu.memory_space<semaphore_mem>>
        %dma_start3A_37 = tpu.memref_slice %arg2[%run_scoped3A_32, %add3A_31] : memref<2x320000xi32, #tpu.memory_space<hbm>> -> memref<1x1000xi32, #tpu.memory_space<hbm>>
        %dma_start3A_38 = tpu.memref_squeeze %dma_start3A_37 : memref<1x1000xi32, #tpu.memory_space<hbm>> -> memref<1000xi32, #tpu.memory_space<hbm>>
        %dma_start3A_39 = tpu.memref_slice %arg2[%run_scoped3A_32, %add3A_31] : memref<2x320000xi32, #tpu.memory_space<hbm>> -> memref<1x1000xi32, #tpu.memory_space<hbm>>
        %dma_start3A_40 = tpu.memref_squeeze %dma_start3A_39 : memref<1x1000xi32, #tpu.memory_space<hbm>> -> memref<1000xi32, #tpu.memory_space<hbm>>
        tpu.enqueue_dma source(%dma_start3A_40 : memref<1000xi32, #tpu.memory_space<hbm>>) target(%arg8 : memref<1000xi32, #tpu.memory_space<vmem>>) target_semaphore(%run_scoped3A_36 : memref<!tpu.dma_semaphore, #tpu.memory_space<semaphore_mem>>)
        %dma_wait3A_41 = tpu.memref_slice %arg2[%run_scoped3A_32, %add3A_31] : memref<2x320000xi32, #tpu.memory_space<hbm>> -> memref<1x1000xi32, #tpu.memory_space<hbm>>
        %dma_wait3A_42 = tpu.memref_squeeze %dma_wait3A_41 : memref<1x1000xi32, #tpu.memory_space<hbm>> -> memref<1000xi32, #tpu.memory_space<hbm>>
        %dma_wait3A_43 = tpu.memref_slice %arg2[%run_scoped3A_32, %add3A_31] : memref<2x320000xi32, #tpu.memory_space<hbm>> -> memref<1x1000xi32, #tpu.memory_space<hbm>>
        %dma_wait3A_44 = tpu.memref_squeeze %dma_wait3A_43 : memref<1x1000xi32, #tpu.memory_space<hbm>> -> memref<1000xi32, #tpu.memory_space<hbm>>
        tpu.wait_dma2 semaphore(%run_scoped3A_36 : memref<!tpu.dma_semaphore, #tpu.memory_space<semaphore_mem>>) src(%dma_wait3A_44 : memref<1000xi32, #tpu.memory_space<hbm>>) dst(%arg8 : memref<1000xi32, #tpu.memory_space<vmem>>)
        tpu.yield
      }) : () -> ()
      %dma_start3A_33 = arith.constant 0 : i32
      %dma_start3A_34 = arith.constant 0 : i32
      %dma_start3A_35 = tpu.memref_slice %arg9[%dma_start3A_33, %dma_start3A_34] : memref<10112x8xf32, #tpu.memory_space<vmem_shared>> -> memref<10112x8xf32, #tpu.memory_space<vmem_shared>>
      tpu.enqueue_indirect_dma source(%arg6 : memref<1000x8xf32, #tpu.memory_space<vmem>>) target(%dma_start3A_35 : memref<10112x8xf32, #tpu.memory_space<vmem_shared>>) offsets(%arg8 : memref<1000xi32, #tpu.memory_space<vmem>>) semaphore(%arg11 : memref<!tpu.dma_semaphore, #tpu.memory_space<semaphore_mem>>) {add = true}
    }
    %scan3A_11 = arith.constant 5 : i32
    %dma_wait3A = arith.constant 0 : i32
    %dma_wait3A_12 = arith.constant 0 : i32
    %dma_wait3A_13 = tpu.memref_slice %arg9[%dma_wait3A, %dma_wait3A_12] : memref<10112x8xf32, #tpu.memory_space<vmem_shared>> -> memref<10112x8xf32, #tpu.memory_space<vmem_shared>>
    tpu.wait_indirect_dma semaphore(%arg10 : memref<!tpu.dma_semaphore, #tpu.memory_space<semaphore_mem>>) src(%arg6 : memref<1000x8xf32, #tpu.memory_space<vmem>>) dst(%dma_wait3A_13 : memref<10112x8xf32, #tpu.memory_space<vmem_shared>>)
    %dma_wait3A_14 = arith.constant 0 : i32
    %dma_wait3A_15 = arith.constant 0 : i32
    %dma_wait3A_16 = tpu.memref_slice %arg9[%dma_wait3A_14, %dma_wait3A_15] : memref<10112x8xf32, #tpu.memory_space<vmem_shared>> -> memref<10112x8xf32, #tpu.memory_space<vmem_shared>>
    tpu.wait_indirect_dma semaphore(%arg11 : memref<!tpu.dma_semaphore, #tpu.memory_space<semaphore_mem>>) src(%arg6 : memref<1000x8xf32, #tpu.memory_space<vmem>>) dst(%dma_wait3A_16 : memref<10112x8xf32, #tpu.memory_space<vmem_shared>>)
    %barrier3A_17 = arith.constant 0 : index
    tpu.barrier barrier_id(%barrier3A_17)
    %mul3A_18 = arith.constant 632 : i32
    %mul3A_19 = arith.muli %arg1, %mul3A_18 : i32
    %mul3A_20 = arith.constant 632 : i32
    %mul3A_21 = arith.muli %arg1, %mul3A_20 : i32
    "tpu.region"() ({
      %run_scoped3A = tpu.sem_alloc : memref<!tpu.dma_semaphore, #tpu.memory_space<semaphore_mem>>
      %dma_start3A = arith.constant 0 : i32
      %dma_start3A_22 = tpu.memref_slice %arg5[%arg0, %mul3A_21, %dma_start3A] : memref<2x10112x8xf32, #tpu.memory_space<hbm>> -> memref<1x632x8xf32, #tpu.memory_space<hbm>>
      %dma_start3A_23 = tpu.memref_squeeze %dma_start3A_22 : memref<1x632x8xf32, #tpu.memory_space<hbm>> -> memref<632x8xf32, #tpu.memory_space<hbm>>
      %dma_start3A_24 = arith.constant 0 : i32
      %dma_start3A_25 = tpu.memref_slice %arg9[%mul3A_19, %dma_start3A_24] : memref<10112x8xf32, #tpu.memory_space<vmem_shared>> -> memref<632x8xf32, #tpu.memory_space<vmem_shared>>
      tpu.enqueue_dma source(%dma_start3A_25 : memref<632x8xf32, #tpu.memory_space<vmem_shared>>) target(%dma_start3A_23 : memref<632x8xf32, #tpu.memory_space<hbm>>) target_semaphore(%run_scoped3A : memref<!tpu.dma_semaphore, #tpu.memory_space<semaphore_mem>>)
      %dma_wait3A_26 = arith.constant 0 : i32
      %dma_wait3A_27 = tpu.memref_slice %arg5[%arg0, %mul3A_21, %dma_wait3A_26] : memref<2x10112x8xf32, #tpu.memory_space<hbm>> -> memref<1x632x8xf32, #tpu.memory_space<hbm>>
      %dma_wait3A_28 = tpu.memref_squeeze %dma_wait3A_27 : memref<1x632x8xf32, #tpu.memory_space<hbm>> -> memref<632x8xf32, #tpu.memory_space<hbm>>
      %dma_wait3A_29 = arith.constant 0 : i32
      %dma_wait3A_30 = tpu.memref_slice %arg9[%mul3A_19, %dma_wait3A_29] : memref<10112x8xf32, #tpu.memory_space<vmem_shared>> -> memref<632x8xf32, #tpu.memory_space<vmem_shared>>
      tpu.wait_dma2 semaphore(%run_scoped3A : memref<!tpu.dma_semaphore, #tpu.memory_space<semaphore_mem>>) src(%dma_wait3A_30 : memref<632x8xf32, #tpu.memory_space<vmem_shared>>) dst(%dma_wait3A_28 : memref<632x8xf32, #tpu.memory_space<hbm>>)
      tpu.yield
    }) : () -> ()
    return
  }
}

#map = affine_map<(d0, d1) -> (0, 0)>
#map1 = affine_map<(d0, d1) -> (0, 0, 0)>
module attributes {stable_mosaic.version = 14 : i64} {
  func.func @_agg_body(%arg0: i32, %arg1: i32, %arg2: memref<10000x64xf32, #tpu.memory_space<hbm>>, %arg3: memref<2x320000xi32, #tpu.memory_space<hbm>>, %arg4: memref<10112x64xf32, #tpu.memory_space<hbm>>, %arg5: memref<2x10112x64xf32, #tpu.memory_space<hbm>>, %arg6: memref<2x400xi32, #tpu.memory_space<vmem>>, %arg7: memref<2x400xi32, #tpu.memory_space<vmem>>, %arg8: memref<400x64xf32, #tpu.memory_space<vmem>>, %arg9: memref<400x64xf32, #tpu.memory_space<vmem>>, %arg10: memref<10112x64xf32, #tpu.memory_space<vmem_shared>>, %arg11: memref<!tpu.dma_semaphore, #tpu.memory_space<semaphore_mem>>, %arg12: memref<!tpu.dma_semaphore, #tpu.memory_space<semaphore_mem>>, %arg13: memref<!tpu.dma_semaphore, #tpu.memory_space<semaphore_mem>>, %arg14: memref<!tpu.dma_semaphore, #tpu.memory_space<semaphore_mem>>, %arg15: memref<!tpu.dma_semaphore, #tpu.memory_space<semaphore_mem>>, %arg16: memref<!tpu.dma_semaphore, #tpu.memory_space<semaphore_mem>>) attributes {dimension_semantics = [#tpu.dimension_semantics<core_parallel>, #tpu.dimension_semantics<subcore_parallel>], iteration_bounds = array<i64: 2, 16>, scalar_prefetch = 0 : i64, scratch_operands = 11 : i64, tpu.core_type = #tpu.core_type<sc_vector_subcore>, window_params = [{transform_indices = #map}, {transform_indices = #map}, {transform_indices = #map}, {transform_indices = #map1}]} {
    %mul3A = arith.constant 16 : i32
    %mul3A_0 = arith.muli %arg0, %mul3A : i32
    %add3A = arith.addi %mul3A_0, %arg1 : i32
    %mul3A_1 = arith.constant 10000 : i32
    %mul3A_2 = arith.muli %add3A, %mul3A_1 : i32
    %mul3A_3 = arith.constant 632 : i32
    %mul3A_4 = arith.muli %arg1, %mul3A_3 : i32
    %mul3A_5 = arith.constant 632 : i32
    %mul3A_6 = arith.muli %arg1, %mul3A_5 : i32
    "tpu.region"() ({
      %run_scoped3A = tpu.sem_alloc : memref<!tpu.dma_semaphore, #tpu.memory_space<semaphore_mem>>
      %dma_start3A_59 = arith.constant 0 : i32
      %dma_start3A_60 = tpu.memref_slice %arg10[%mul3A_6, %dma_start3A_59] : memref<10112x64xf32, #tpu.memory_space<vmem_shared>> -> memref<632x64xf32, #tpu.memory_space<vmem_shared>>
      %dma_start3A_61 = arith.constant 0 : i32
      %dma_start3A_62 = tpu.memref_slice %arg4[%mul3A_4, %dma_start3A_61] : memref<10112x64xf32, #tpu.memory_space<hbm>> -> memref<632x64xf32, #tpu.memory_space<hbm>>
      tpu.enqueue_dma source(%dma_start3A_62 : memref<632x64xf32, #tpu.memory_space<hbm>>) target(%dma_start3A_60 : memref<632x64xf32, #tpu.memory_space<vmem_shared>>) target_semaphore(%run_scoped3A : memref<!tpu.dma_semaphore, #tpu.memory_space<semaphore_mem>>)
      %dma_wait3A_63 = arith.constant 0 : i32
      %dma_wait3A_64 = tpu.memref_slice %arg10[%mul3A_6, %dma_wait3A_63] : memref<10112x64xf32, #tpu.memory_space<vmem_shared>> -> memref<632x64xf32, #tpu.memory_space<vmem_shared>>
      %dma_wait3A_65 = arith.constant 0 : i32
      %dma_wait3A_66 = tpu.memref_slice %arg4[%mul3A_4, %dma_wait3A_65] : memref<10112x64xf32, #tpu.memory_space<hbm>> -> memref<632x64xf32, #tpu.memory_space<hbm>>
      tpu.wait_dma2 semaphore(%run_scoped3A : memref<!tpu.dma_semaphore, #tpu.memory_space<semaphore_mem>>) src(%dma_wait3A_66 : memref<632x64xf32, #tpu.memory_space<hbm>>) dst(%dma_wait3A_64 : memref<632x64xf32, #tpu.memory_space<vmem_shared>>)
      tpu.yield
    }) : () -> ()
    %barrier3A = arith.constant 0 : index
    tpu.barrier barrier_id(%barrier3A)
    %scan3A = arith.constant 0 : i32
    %scan3A_7 = arith.constant 0 : i32
    %scan3A_8 = arith.constant 12 : i32
    %scan3A_9 = arith.addi %scan3A_7, %scan3A_8 : i32
    %scan3A_10 = arith.constant 1 : i32
    scf.for %scan3A_59 = %scan3A_7 to %scan3A_9 step %scan3A_10  : i32 {
      %mul3A_60 = arith.constant 800 : i32
      %mul3A_61 = arith.muli %scan3A_59, %mul3A_60 : i32
      %add3A_62 = arith.addi %mul3A_2, %mul3A_61 : i32
      %gt3A = arith.constant 0 : i32
      %gt3A_63 = arith.cmpi sgt, %scan3A_59, %gt3A : i32
      %convert_element_type3A = arith.extui %gt3A_63 : i1 to i32
      %cond3A = arith.constant 0 : i32
      %cond3A_64 = arith.cmpi ne, %convert_element_type3A, %cond3A : i32
      scf.if %cond3A_64 {
        %dma_wait3A_207 = arith.constant 1 : i32
        %dma_wait3A_208 = arith.constant 0 : i32
        %dma_wait3A_209 = tpu.memref_slice %arg6[%dma_wait3A_207, %dma_wait3A_208] : memref<2x400xi32, #tpu.memory_space<vmem>> -> memref<1x400xi32, #tpu.memory_space<vmem>>
        %dma_wait3A_210 = tpu.memref_squeeze %dma_wait3A_209 : memref<1x400xi32, #tpu.memory_space<vmem>> -> memref<400xi32, #tpu.memory_space<vmem>>
        %dma_wait3A_211 = arith.constant 0 : i32
        %dma_wait3A_212 = arith.constant 0 : i32
        %dma_wait3A_213 = tpu.memref_slice %arg10[%dma_wait3A_211, %dma_wait3A_212] : memref<10112x64xf32, #tpu.memory_space<vmem_shared>> -> memref<10112x64xf32, #tpu.memory_space<vmem_shared>>
        tpu.wait_indirect_dma semaphore(%arg15 : memref<!tpu.dma_semaphore, #tpu.memory_space<semaphore_mem>>) src(%arg8 : memref<400x64xf32, #tpu.memory_space<vmem>>) dst(%dma_wait3A_213 : memref<10112x64xf32, #tpu.memory_space<vmem_shared>>)
        %dma_wait3A_214 = arith.constant 1 : i32
        %dma_wait3A_215 = arith.constant 0 : i32
        %dma_wait3A_216 = tpu.memref_slice %arg7[%dma_wait3A_214, %dma_wait3A_215] : memref<2x400xi32, #tpu.memory_space<vmem>> -> memref<1x400xi32, #tpu.memory_space<vmem>>
        %dma_wait3A_217 = tpu.memref_squeeze %dma_wait3A_216 : memref<1x400xi32, #tpu.memory_space<vmem>> -> memref<400xi32, #tpu.memory_space<vmem>>
        %dma_wait3A_218 = arith.constant 0 : i32
        %dma_wait3A_219 = arith.constant 0 : i32
        %dma_wait3A_220 = tpu.memref_slice %arg10[%dma_wait3A_218, %dma_wait3A_219] : memref<10112x64xf32, #tpu.memory_space<vmem_shared>> -> memref<10112x64xf32, #tpu.memory_space<vmem_shared>>
        tpu.wait_indirect_dma semaphore(%arg16 : memref<!tpu.dma_semaphore, #tpu.memory_space<semaphore_mem>>) src(%arg9 : memref<400x64xf32, #tpu.memory_space<vmem>>) dst(%dma_wait3A_220 : memref<10112x64xf32, #tpu.memory_space<vmem_shared>>)
      } else {
      }
      %dma_start3A_65 = arith.constant 0 : i32
      %dma_start3A_66 = arith.constant 0 : i32
      %dma_start3A_67 = arith.constant 0 : i32
      %dma_start3A_68 = tpu.memref_slice %arg6[%dma_start3A_66, %dma_start3A_67] : memref<2x400xi32, #tpu.memory_space<vmem>> -> memref<1x400xi32, #tpu.memory_space<vmem>>
      %dma_start3A_69 = tpu.memref_squeeze %dma_start3A_68 : memref<1x400xi32, #tpu.memory_space<vmem>> -> memref<400xi32, #tpu.memory_space<vmem>>
      %dma_start3A_70 = tpu.memref_slice %arg3[%dma_start3A_65, %add3A_62] : memref<2x320000xi32, #tpu.memory_space<hbm>> -> memref<1x400xi32, #tpu.memory_space<hbm>>
      %dma_start3A_71 = tpu.memref_squeeze %dma_start3A_70 : memref<1x400xi32, #tpu.memory_space<hbm>> -> memref<400xi32, #tpu.memory_space<hbm>>
      %dma_start3A_72 = arith.constant 0 : i32
      %dma_start3A_73 = tpu.memref_slice %arg6[%dma_start3A_66, %dma_start3A_72] : memref<2x400xi32, #tpu.memory_space<vmem>> -> memref<1x400xi32, #tpu.memory_space<vmem>>
      %dma_start3A_74 = tpu.memref_squeeze %dma_start3A_73 : memref<1x400xi32, #tpu.memory_space<vmem>> -> memref<400xi32, #tpu.memory_space<vmem>>
      %dma_start3A_75 = tpu.memref_slice %arg3[%dma_start3A_65, %add3A_62] : memref<2x320000xi32, #tpu.memory_space<hbm>> -> memref<1x400xi32, #tpu.memory_space<hbm>>
      %dma_start3A_76 = tpu.memref_squeeze %dma_start3A_75 : memref<1x400xi32, #tpu.memory_space<hbm>> -> memref<400xi32, #tpu.memory_space<hbm>>
      tpu.enqueue_dma source(%dma_start3A_76 : memref<400xi32, #tpu.memory_space<hbm>>) target(%dma_start3A_74 : memref<400xi32, #tpu.memory_space<vmem>>) target_semaphore(%arg11 : memref<!tpu.dma_semaphore, #tpu.memory_space<semaphore_mem>>)
      %dma_start3A_77 = arith.constant 1 : i32
      %dma_start3A_78 = arith.constant 1 : i32
      %dma_start3A_79 = arith.constant 0 : i32
      %dma_start3A_80 = tpu.memref_slice %arg6[%dma_start3A_78, %dma_start3A_79] : memref<2x400xi32, #tpu.memory_space<vmem>> -> memref<1x400xi32, #tpu.memory_space<vmem>>
      %dma_start3A_81 = tpu.memref_squeeze %dma_start3A_80 : memref<1x400xi32, #tpu.memory_space<vmem>> -> memref<400xi32, #tpu.memory_space<vmem>>
      %dma_start3A_82 = tpu.memref_slice %arg3[%dma_start3A_77, %add3A_62] : memref<2x320000xi32, #tpu.memory_space<hbm>> -> memref<1x400xi32, #tpu.memory_space<hbm>>
      %dma_start3A_83 = tpu.memref_squeeze %dma_start3A_82 : memref<1x400xi32, #tpu.memory_space<hbm>> -> memref<400xi32, #tpu.memory_space<hbm>>
      %dma_start3A_84 = arith.constant 0 : i32
      %dma_start3A_85 = tpu.memref_slice %arg6[%dma_start3A_78, %dma_start3A_84] : memref<2x400xi32, #tpu.memory_space<vmem>> -> memref<1x400xi32, #tpu.memory_space<vmem>>
      %dma_start3A_86 = tpu.memref_squeeze %dma_start3A_85 : memref<1x400xi32, #tpu.memory_space<vmem>> -> memref<400xi32, #tpu.memory_space<vmem>>
      %dma_start3A_87 = tpu.memref_slice %arg3[%dma_start3A_77, %add3A_62] : memref<2x320000xi32, #tpu.memory_space<hbm>> -> memref<1x400xi32, #tpu.memory_space<hbm>>
      %dma_start3A_88 = tpu.memref_squeeze %dma_start3A_87 : memref<1x400xi32, #tpu.memory_space<hbm>> -> memref<400xi32, #tpu.memory_space<hbm>>
      tpu.enqueue_dma source(%dma_start3A_88 : memref<400xi32, #tpu.memory_space<hbm>>) target(%dma_start3A_86 : memref<400xi32, #tpu.memory_space<vmem>>) target_semaphore(%arg11 : memref<!tpu.dma_semaphore, #tpu.memory_space<semaphore_mem>>)
      %add3A_89 = arith.constant 400 : i32
      %add3A_90 = arith.addi %add3A_62, %add3A_89 : i32
      %dma_start3A_91 = arith.constant 0 : i32
      %dma_start3A_92 = arith.constant 0 : i32
      %dma_start3A_93 = arith.constant 0 : i32
      %dma_start3A_94 = tpu.memref_slice %arg7[%dma_start3A_92, %dma_start3A_93] : memref<2x400xi32, #tpu.memory_space<vmem>> -> memref<1x400xi32, #tpu.memory_space<vmem>>
      %dma_start3A_95 = tpu.memref_squeeze %dma_start3A_94 : memref<1x400xi32, #tpu.memory_space<vmem>> -> memref<400xi32, #tpu.memory_space<vmem>>
      %dma_start3A_96 = tpu.memref_slice %arg3[%dma_start3A_91, %add3A_90] : memref<2x320000xi32, #tpu.memory_space<hbm>> -> memref<1x400xi32, #tpu.memory_space<hbm>>
      %dma_start3A_97 = tpu.memref_squeeze %dma_start3A_96 : memref<1x400xi32, #tpu.memory_space<hbm>> -> memref<400xi32, #tpu.memory_space<hbm>>
      %dma_start3A_98 = arith.constant 0 : i32
      %dma_start3A_99 = tpu.memref_slice %arg7[%dma_start3A_92, %dma_start3A_98] : memref<2x400xi32, #tpu.memory_space<vmem>> -> memref<1x400xi32, #tpu.memory_space<vmem>>
      %dma_start3A_100 = tpu.memref_squeeze %dma_start3A_99 : memref<1x400xi32, #tpu.memory_space<vmem>> -> memref<400xi32, #tpu.memory_space<vmem>>
      %dma_start3A_101 = tpu.memref_slice %arg3[%dma_start3A_91, %add3A_90] : memref<2x320000xi32, #tpu.memory_space<hbm>> -> memref<1x400xi32, #tpu.memory_space<hbm>>
      %dma_start3A_102 = tpu.memref_squeeze %dma_start3A_101 : memref<1x400xi32, #tpu.memory_space<hbm>> -> memref<400xi32, #tpu.memory_space<hbm>>
      tpu.enqueue_dma source(%dma_start3A_102 : memref<400xi32, #tpu.memory_space<hbm>>) target(%dma_start3A_100 : memref<400xi32, #tpu.memory_space<vmem>>) target_semaphore(%arg12 : memref<!tpu.dma_semaphore, #tpu.memory_space<semaphore_mem>>)
      %add3A_103 = arith.constant 400 : i32
      %add3A_104 = arith.addi %add3A_62, %add3A_103 : i32
      %dma_start3A_105 = arith.constant 1 : i32
      %dma_start3A_106 = arith.constant 1 : i32
      %dma_start3A_107 = arith.constant 0 : i32
      %dma_start3A_108 = tpu.memref_slice %arg7[%dma_start3A_106, %dma_start3A_107] : memref<2x400xi32, #tpu.memory_space<vmem>> -> memref<1x400xi32, #tpu.memory_space<vmem>>
      %dma_start3A_109 = tpu.memref_squeeze %dma_start3A_108 : memref<1x400xi32, #tpu.memory_space<vmem>> -> memref<400xi32, #tpu.memory_space<vmem>>
      %dma_start3A_110 = tpu.memref_slice %arg3[%dma_start3A_105, %add3A_104] : memref<2x320000xi32, #tpu.memory_space<hbm>> -> memref<1x400xi32, #tpu.memory_space<hbm>>
      %dma_start3A_111 = tpu.memref_squeeze %dma_start3A_110 : memref<1x400xi32, #tpu.memory_space<hbm>> -> memref<400xi32, #tpu.memory_space<hbm>>
      %dma_start3A_112 = arith.constant 0 : i32
      %dma_start3A_113 = tpu.memref_slice %arg7[%dma_start3A_106, %dma_start3A_112] : memref<2x400xi32, #tpu.memory_space<vmem>> -> memref<1x400xi32, #tpu.memory_space<vmem>>
      %dma_start3A_114 = tpu.memref_squeeze %dma_start3A_113 : memref<1x400xi32, #tpu.memory_space<vmem>> -> memref<400xi32, #tpu.memory_space<vmem>>
      %dma_start3A_115 = tpu.memref_slice %arg3[%dma_start3A_105, %add3A_104] : memref<2x320000xi32, #tpu.memory_space<hbm>> -> memref<1x400xi32, #tpu.memory_space<hbm>>
      %dma_start3A_116 = tpu.memref_squeeze %dma_start3A_115 : memref<1x400xi32, #tpu.memory_space<hbm>> -> memref<400xi32, #tpu.memory_space<hbm>>
      tpu.enqueue_dma source(%dma_start3A_116 : memref<400xi32, #tpu.memory_space<hbm>>) target(%dma_start3A_114 : memref<400xi32, #tpu.memory_space<vmem>>) target_semaphore(%arg12 : memref<!tpu.dma_semaphore, #tpu.memory_space<semaphore_mem>>)
      %dma_wait3A_117 = arith.constant 0 : i32
      %dma_wait3A_118 = arith.constant 0 : i32
      %dma_wait3A_119 = arith.constant 0 : i32
      %dma_wait3A_120 = tpu.memref_slice %arg6[%dma_wait3A_118, %dma_wait3A_119] : memref<2x400xi32, #tpu.memory_space<vmem>> -> memref<1x400xi32, #tpu.memory_space<vmem>>
      %dma_wait3A_121 = tpu.memref_squeeze %dma_wait3A_120 : memref<1x400xi32, #tpu.memory_space<vmem>> -> memref<400xi32, #tpu.memory_space<vmem>>
      %dma_wait3A_122 = tpu.memref_slice %arg3[%dma_wait3A_117, %add3A_62] : memref<2x320000xi32, #tpu.memory_space<hbm>> -> memref<1x400xi32, #tpu.memory_space<hbm>>
      %dma_wait3A_123 = tpu.memref_squeeze %dma_wait3A_122 : memref<1x400xi32, #tpu.memory_space<hbm>> -> memref<400xi32, #tpu.memory_space<hbm>>
      %dma_wait3A_124 = arith.constant 0 : i32
      %dma_wait3A_125 = tpu.memref_slice %arg6[%dma_wait3A_118, %dma_wait3A_124] : memref<2x400xi32, #tpu.memory_space<vmem>> -> memref<1x400xi32, #tpu.memory_space<vmem>>
      %dma_wait3A_126 = tpu.memref_squeeze %dma_wait3A_125 : memref<1x400xi32, #tpu.memory_space<vmem>> -> memref<400xi32, #tpu.memory_space<vmem>>
      %dma_wait3A_127 = tpu.memref_slice %arg3[%dma_wait3A_117, %add3A_62] : memref<2x320000xi32, #tpu.memory_space<hbm>> -> memref<1x400xi32, #tpu.memory_space<hbm>>
      %dma_wait3A_128 = tpu.memref_squeeze %dma_wait3A_127 : memref<1x400xi32, #tpu.memory_space<hbm>> -> memref<400xi32, #tpu.memory_space<hbm>>
      tpu.wait_dma2 semaphore(%arg11 : memref<!tpu.dma_semaphore, #tpu.memory_space<semaphore_mem>>) src(%dma_wait3A_128 : memref<400xi32, #tpu.memory_space<hbm>>) dst(%dma_wait3A_126 : memref<400xi32, #tpu.memory_space<vmem>>)
      %dma_wait3A_129 = arith.constant 1 : i32
      %dma_wait3A_130 = arith.constant 1 : i32
      %dma_wait3A_131 = arith.constant 0 : i32
      %dma_wait3A_132 = tpu.memref_slice %arg6[%dma_wait3A_130, %dma_wait3A_131] : memref<2x400xi32, #tpu.memory_space<vmem>> -> memref<1x400xi32, #tpu.memory_space<vmem>>
      %dma_wait3A_133 = tpu.memref_squeeze %dma_wait3A_132 : memref<1x400xi32, #tpu.memory_space<vmem>> -> memref<400xi32, #tpu.memory_space<vmem>>
      %dma_wait3A_134 = tpu.memref_slice %arg3[%dma_wait3A_129, %add3A_62] : memref<2x320000xi32, #tpu.memory_space<hbm>> -> memref<1x400xi32, #tpu.memory_space<hbm>>
      %dma_wait3A_135 = tpu.memref_squeeze %dma_wait3A_134 : memref<1x400xi32, #tpu.memory_space<hbm>> -> memref<400xi32, #tpu.memory_space<hbm>>
      %dma_wait3A_136 = arith.constant 0 : i32
      %dma_wait3A_137 = tpu.memref_slice %arg6[%dma_wait3A_130, %dma_wait3A_136] : memref<2x400xi32, #tpu.memory_space<vmem>> -> memref<1x400xi32, #tpu.memory_space<vmem>>
      %dma_wait3A_138 = tpu.memref_squeeze %dma_wait3A_137 : memref<1x400xi32, #tpu.memory_space<vmem>> -> memref<400xi32, #tpu.memory_space<vmem>>
      %dma_wait3A_139 = tpu.memref_slice %arg3[%dma_wait3A_129, %add3A_62] : memref<2x320000xi32, #tpu.memory_space<hbm>> -> memref<1x400xi32, #tpu.memory_space<hbm>>
      %dma_wait3A_140 = tpu.memref_squeeze %dma_wait3A_139 : memref<1x400xi32, #tpu.memory_space<hbm>> -> memref<400xi32, #tpu.memory_space<hbm>>
      tpu.wait_dma2 semaphore(%arg11 : memref<!tpu.dma_semaphore, #tpu.memory_space<semaphore_mem>>) src(%dma_wait3A_140 : memref<400xi32, #tpu.memory_space<hbm>>) dst(%dma_wait3A_138 : memref<400xi32, #tpu.memory_space<vmem>>)
      %dma_start3A_141 = arith.constant 0 : i32
      %dma_start3A_142 = arith.constant 0 : i32
      %dma_start3A_143 = tpu.memref_slice %arg6[%dma_start3A_141, %dma_start3A_142] : memref<2x400xi32, #tpu.memory_space<vmem>> -> memref<1x400xi32, #tpu.memory_space<vmem>>
      %dma_start3A_144 = tpu.memref_squeeze %dma_start3A_143 : memref<1x400xi32, #tpu.memory_space<vmem>> -> memref<400xi32, #tpu.memory_space<vmem>>
      %dma_start3A_145 = arith.constant 0 : i32
      %dma_start3A_146 = arith.constant 0 : i32
      %dma_start3A_147 = tpu.memref_slice %arg2[%dma_start3A_145, %dma_start3A_146] : memref<10000x64xf32, #tpu.memory_space<hbm>> -> memref<10000x64xf32, #tpu.memory_space<hbm>>
      tpu.enqueue_indirect_dma source(%dma_start3A_147 : memref<10000x64xf32, #tpu.memory_space<hbm>>) target(%arg8 : memref<400x64xf32, #tpu.memory_space<vmem>>) offsets(%dma_start3A_144 : memref<400xi32, #tpu.memory_space<vmem>>) semaphore(%arg13 : memref<!tpu.dma_semaphore, #tpu.memory_space<semaphore_mem>>)
      %dma_wait3A_148 = arith.constant 0 : i32
      %dma_wait3A_149 = arith.constant 0 : i32
      %dma_wait3A_150 = arith.constant 0 : i32
      %dma_wait3A_151 = tpu.memref_slice %arg7[%dma_wait3A_149, %dma_wait3A_150] : memref<2x400xi32, #tpu.memory_space<vmem>> -> memref<1x400xi32, #tpu.memory_space<vmem>>
      %dma_wait3A_152 = tpu.memref_squeeze %dma_wait3A_151 : memref<1x400xi32, #tpu.memory_space<vmem>> -> memref<400xi32, #tpu.memory_space<vmem>>
      %dma_wait3A_153 = tpu.memref_slice %arg3[%dma_wait3A_148, %add3A_90] : memref<2x320000xi32, #tpu.memory_space<hbm>> -> memref<1x400xi32, #tpu.memory_space<hbm>>
      %dma_wait3A_154 = tpu.memref_squeeze %dma_wait3A_153 : memref<1x400xi32, #tpu.memory_space<hbm>> -> memref<400xi32, #tpu.memory_space<hbm>>
      %dma_wait3A_155 = arith.constant 0 : i32
      %dma_wait3A_156 = tpu.memref_slice %arg7[%dma_wait3A_149, %dma_wait3A_155] : memref<2x400xi32, #tpu.memory_space<vmem>> -> memref<1x400xi32, #tpu.memory_space<vmem>>
      %dma_wait3A_157 = tpu.memref_squeeze %dma_wait3A_156 : memref<1x400xi32, #tpu.memory_space<vmem>> -> memref<400xi32, #tpu.memory_space<vmem>>
      %dma_wait3A_158 = tpu.memref_slice %arg3[%dma_wait3A_148, %add3A_90] : memref<2x320000xi32, #tpu.memory_space<hbm>> -> memref<1x400xi32, #tpu.memory_space<hbm>>
      %dma_wait3A_159 = tpu.memref_squeeze %dma_wait3A_158 : memref<1x400xi32, #tpu.memory_space<hbm>> -> memref<400xi32, #tpu.memory_space<hbm>>
      tpu.wait_dma2 semaphore(%arg12 : memref<!tpu.dma_semaphore, #tpu.memory_space<semaphore_mem>>) src(%dma_wait3A_159 : memref<400xi32, #tpu.memory_space<hbm>>) dst(%dma_wait3A_157 : memref<400xi32, #tpu.memory_space<vmem>>)
      %dma_wait3A_160 = arith.constant 1 : i32
      %dma_wait3A_161 = arith.constant 1 : i32
      %dma_wait3A_162 = arith.constant 0 : i32
      %dma_wait3A_163 = tpu.memref_slice %arg7[%dma_wait3A_161, %dma_wait3A_162] : memref<2x400xi32, #tpu.memory_space<vmem>> -> memref<1x400xi32, #tpu.memory_space<vmem>>
      %dma_wait3A_164 = tpu.memref_squeeze %dma_wait3A_163 : memref<1x400xi32, #tpu.memory_space<vmem>> -> memref<400xi32, #tpu.memory_space<vmem>>
      %dma_wait3A_165 = tpu.memref_slice %arg3[%dma_wait3A_160, %add3A_104] : memref<2x320000xi32, #tpu.memory_space<hbm>> -> memref<1x400xi32, #tpu.memory_space<hbm>>
      %dma_wait3A_166 = tpu.memref_squeeze %dma_wait3A_165 : memref<1x400xi32, #tpu.memory_space<hbm>> -> memref<400xi32, #tpu.memory_space<hbm>>
      %dma_wait3A_167 = arith.constant 0 : i32
      %dma_wait3A_168 = tpu.memref_slice %arg7[%dma_wait3A_161, %dma_wait3A_167] : memref<2x400xi32, #tpu.memory_space<vmem>> -> memref<1x400xi32, #tpu.memory_space<vmem>>
      %dma_wait3A_169 = tpu.memref_squeeze %dma_wait3A_168 : memref<1x400xi32, #tpu.memory_space<vmem>> -> memref<400xi32, #tpu.memory_space<vmem>>
      %dma_wait3A_170 = tpu.memref_slice %arg3[%dma_wait3A_160, %add3A_104] : memref<2x320000xi32, #tpu.memory_space<hbm>> -> memref<1x400xi32, #tpu.memory_space<hbm>>
      %dma_wait3A_171 = tpu.memref_squeeze %dma_wait3A_170 : memref<1x400xi32, #tpu.memory_space<hbm>> -> memref<400xi32, #tpu.memory_space<hbm>>
      tpu.wait_dma2 semaphore(%arg12 : memref<!tpu.dma_semaphore, #tpu.memory_space<semaphore_mem>>) src(%dma_wait3A_171 : memref<400xi32, #tpu.memory_space<hbm>>) dst(%dma_wait3A_169 : memref<400xi32, #tpu.memory_space<vmem>>)
      %dma_start3A_172 = arith.constant 0 : i32
      %dma_start3A_173 = arith.constant 0 : i32
      %dma_start3A_174 = tpu.memref_slice %arg7[%dma_start3A_172, %dma_start3A_173] : memref<2x400xi32, #tpu.memory_space<vmem>> -> memref<1x400xi32, #tpu.memory_space<vmem>>
      %dma_start3A_175 = tpu.memref_squeeze %dma_start3A_174 : memref<1x400xi32, #tpu.memory_space<vmem>> -> memref<400xi32, #tpu.memory_space<vmem>>
      %dma_start3A_176 = arith.constant 0 : i32
      %dma_start3A_177 = arith.constant 0 : i32
      %dma_start3A_178 = tpu.memref_slice %arg2[%dma_start3A_176, %dma_start3A_177] : memref<10000x64xf32, #tpu.memory_space<hbm>> -> memref<10000x64xf32, #tpu.memory_space<hbm>>
      tpu.enqueue_indirect_dma source(%dma_start3A_178 : memref<10000x64xf32, #tpu.memory_space<hbm>>) target(%arg9 : memref<400x64xf32, #tpu.memory_space<vmem>>) offsets(%dma_start3A_175 : memref<400xi32, #tpu.memory_space<vmem>>) semaphore(%arg14 : memref<!tpu.dma_semaphore, #tpu.memory_space<semaphore_mem>>)
      %dma_wait3A_179 = arith.constant 0 : i32
      %dma_wait3A_180 = arith.constant 0 : i32
      %dma_wait3A_181 = tpu.memref_slice %arg6[%dma_wait3A_179, %dma_wait3A_180] : memref<2x400xi32, #tpu.memory_space<vmem>> -> memref<1x400xi32, #tpu.memory_space<vmem>>
      %dma_wait3A_182 = tpu.memref_squeeze %dma_wait3A_181 : memref<1x400xi32, #tpu.memory_space<vmem>> -> memref<400xi32, #tpu.memory_space<vmem>>
      %dma_wait3A_183 = arith.constant 0 : i32
      %dma_wait3A_184 = arith.constant 0 : i32
      %dma_wait3A_185 = tpu.memref_slice %arg2[%dma_wait3A_183, %dma_wait3A_184] : memref<10000x64xf32, #tpu.memory_space<hbm>> -> memref<10000x64xf32, #tpu.memory_space<hbm>>
      tpu.wait_indirect_dma semaphore(%arg13 : memref<!tpu.dma_semaphore, #tpu.memory_space<semaphore_mem>>) src(%dma_wait3A_185 : memref<10000x64xf32, #tpu.memory_space<hbm>>) dst(%arg8 : memref<400x64xf32, #tpu.memory_space<vmem>>)
      %dma_start3A_186 = arith.constant 1 : i32
      %dma_start3A_187 = arith.constant 0 : i32
      %dma_start3A_188 = tpu.memref_slice %arg6[%dma_start3A_186, %dma_start3A_187] : memref<2x400xi32, #tpu.memory_space<vmem>> -> memref<1x400xi32, #tpu.memory_space<vmem>>
      %dma_start3A_189 = tpu.memref_squeeze %dma_start3A_188 : memref<1x400xi32, #tpu.memory_space<vmem>> -> memref<400xi32, #tpu.memory_space<vmem>>
      %dma_start3A_190 = arith.constant 0 : i32
      %dma_start3A_191 = arith.constant 0 : i32
      %dma_start3A_192 = tpu.memref_slice %arg10[%dma_start3A_190, %dma_start3A_191] : memref<10112x64xf32, #tpu.memory_space<vmem_shared>> -> memref<10112x64xf32, #tpu.memory_space<vmem_shared>>
      tpu.enqueue_indirect_dma source(%arg8 : memref<400x64xf32, #tpu.memory_space<vmem>>) target(%dma_start3A_192 : memref<10112x64xf32, #tpu.memory_space<vmem_shared>>) offsets(%dma_start3A_189 : memref<400xi32, #tpu.memory_space<vmem>>) semaphore(%arg15 : memref<!tpu.dma_semaphore, #tpu.memory_space<semaphore_mem>>) {add = true}
      %dma_wait3A_193 = arith.constant 0 : i32
      %dma_wait3A_194 = arith.constant 0 : i32
      %dma_wait3A_195 = tpu.memref_slice %arg7[%dma_wait3A_193, %dma_wait3A_194] : memref<2x400xi32, #tpu.memory_space<vmem>> -> memref<1x400xi32, #tpu.memory_space<vmem>>
      %dma_wait3A_196 = tpu.memref_squeeze %dma_wait3A_195 : memref<1x400xi32, #tpu.memory_space<vmem>> -> memref<400xi32, #tpu.memory_space<vmem>>
      %dma_wait3A_197 = arith.constant 0 : i32
      %dma_wait3A_198 = arith.constant 0 : i32
      %dma_wait3A_199 = tpu.memref_slice %arg2[%dma_wait3A_197, %dma_wait3A_198] : memref<10000x64xf32, #tpu.memory_space<hbm>> -> memref<10000x64xf32, #tpu.memory_space<hbm>>
      tpu.wait_indirect_dma semaphore(%arg14 : memref<!tpu.dma_semaphore, #tpu.memory_space<semaphore_mem>>) src(%dma_wait3A_199 : memref<10000x64xf32, #tpu.memory_space<hbm>>) dst(%arg9 : memref<400x64xf32, #tpu.memory_space<vmem>>)
      %dma_start3A_200 = arith.constant 1 : i32
      %dma_start3A_201 = arith.constant 0 : i32
      %dma_start3A_202 = tpu.memref_slice %arg7[%dma_start3A_200, %dma_start3A_201] : memref<2x400xi32, #tpu.memory_space<vmem>> -> memref<1x400xi32, #tpu.memory_space<vmem>>
      %dma_start3A_203 = tpu.memref_squeeze %dma_start3A_202 : memref<1x400xi32, #tpu.memory_space<vmem>> -> memref<400xi32, #tpu.memory_space<vmem>>
      %dma_start3A_204 = arith.constant 0 : i32
      %dma_start3A_205 = arith.constant 0 : i32
      %dma_start3A_206 = tpu.memref_slice %arg10[%dma_start3A_204, %dma_start3A_205] : memref<10112x64xf32, #tpu.memory_space<vmem_shared>> -> memref<10112x64xf32, #tpu.memory_space<vmem_shared>>
      tpu.enqueue_indirect_dma source(%arg9 : memref<400x64xf32, #tpu.memory_space<vmem>>) target(%dma_start3A_206 : memref<10112x64xf32, #tpu.memory_space<vmem_shared>>) offsets(%dma_start3A_203 : memref<400xi32, #tpu.memory_space<vmem>>) semaphore(%arg16 : memref<!tpu.dma_semaphore, #tpu.memory_space<semaphore_mem>>) {add = true}
    }
    %scan3A_11 = arith.constant 12 : i32
    %dma_wait3A = arith.constant 1 : i32
    %dma_wait3A_12 = arith.constant 0 : i32
    %dma_wait3A_13 = tpu.memref_slice %arg6[%dma_wait3A, %dma_wait3A_12] : memref<2x400xi32, #tpu.memory_space<vmem>> -> memref<1x400xi32, #tpu.memory_space<vmem>>
    %dma_wait3A_14 = tpu.memref_squeeze %dma_wait3A_13 : memref<1x400xi32, #tpu.memory_space<vmem>> -> memref<400xi32, #tpu.memory_space<vmem>>
    %dma_wait3A_15 = arith.constant 0 : i32
    %dma_wait3A_16 = arith.constant 0 : i32
    %dma_wait3A_17 = tpu.memref_slice %arg10[%dma_wait3A_15, %dma_wait3A_16] : memref<10112x64xf32, #tpu.memory_space<vmem_shared>> -> memref<10112x64xf32, #tpu.memory_space<vmem_shared>>
    tpu.wait_indirect_dma semaphore(%arg15 : memref<!tpu.dma_semaphore, #tpu.memory_space<semaphore_mem>>) src(%arg8 : memref<400x64xf32, #tpu.memory_space<vmem>>) dst(%dma_wait3A_17 : memref<10112x64xf32, #tpu.memory_space<vmem_shared>>)
    %add3A_18 = arith.constant 9600 : i32
    %add3A_19 = arith.addi %mul3A_2, %add3A_18 : i32
    "tpu.region"() ({
      %run_scoped3A = tpu.sem_alloc : memref<!tpu.dma_semaphore, #tpu.memory_space<semaphore_mem>>
      %dma_start3A_59 = arith.constant 0 : i32
      %dma_start3A_60 = tpu.memref_slice %arg3[%dma_start3A_59, %add3A_19] : memref<2x320000xi32, #tpu.memory_space<hbm>> -> memref<2x400xi32, #tpu.memory_space<hbm>>
      %dma_start3A_61 = arith.constant 0 : i32
      %dma_start3A_62 = tpu.memref_slice %arg3[%dma_start3A_61, %add3A_19] : memref<2x320000xi32, #tpu.memory_space<hbm>> -> memref<2x400xi32, #tpu.memory_space<hbm>>
      tpu.enqueue_dma source(%dma_start3A_62 : memref<2x400xi32, #tpu.memory_space<hbm>>) target(%arg6 : memref<2x400xi32, #tpu.memory_space<vmem>>) target_semaphore(%run_scoped3A : memref<!tpu.dma_semaphore, #tpu.memory_space<semaphore_mem>>)
      %dma_wait3A_63 = arith.constant 0 : i32
      %dma_wait3A_64 = tpu.memref_slice %arg3[%dma_wait3A_63, %add3A_19] : memref<2x320000xi32, #tpu.memory_space<hbm>> -> memref<2x400xi32, #tpu.memory_space<hbm>>
      %dma_wait3A_65 = arith.constant 0 : i32
      %dma_wait3A_66 = tpu.memref_slice %arg3[%dma_wait3A_65, %add3A_19] : memref<2x320000xi32, #tpu.memory_space<hbm>> -> memref<2x400xi32, #tpu.memory_space<hbm>>
      tpu.wait_dma2 semaphore(%run_scoped3A : memref<!tpu.dma_semaphore, #tpu.memory_space<semaphore_mem>>) src(%dma_wait3A_66 : memref<2x400xi32, #tpu.memory_space<hbm>>) dst(%arg6 : memref<2x400xi32, #tpu.memory_space<vmem>>)
      tpu.yield
    }) : () -> ()
    %dma_start3A = arith.constant 0 : i32
    %dma_start3A_20 = arith.constant 0 : i32
    %dma_start3A_21 = tpu.memref_slice %arg6[%dma_start3A, %dma_start3A_20] : memref<2x400xi32, #tpu.memory_space<vmem>> -> memref<1x400xi32, #tpu.memory_space<vmem>>
    %dma_start3A_22 = tpu.memref_squeeze %dma_start3A_21 : memref<1x400xi32, #tpu.memory_space<vmem>> -> memref<400xi32, #tpu.memory_space<vmem>>
    %dma_start3A_23 = arith.constant 0 : i32
    %dma_start3A_24 = arith.constant 0 : i32
    %dma_start3A_25 = tpu.memref_slice %arg2[%dma_start3A_23, %dma_start3A_24] : memref<10000x64xf32, #tpu.memory_space<hbm>> -> memref<10000x64xf32, #tpu.memory_space<hbm>>
    tpu.enqueue_indirect_dma source(%dma_start3A_25 : memref<10000x64xf32, #tpu.memory_space<hbm>>) target(%arg8 : memref<400x64xf32, #tpu.memory_space<vmem>>) offsets(%dma_start3A_22 : memref<400xi32, #tpu.memory_space<vmem>>) semaphore(%arg13 : memref<!tpu.dma_semaphore, #tpu.memory_space<semaphore_mem>>)
    %dma_wait3A_26 = arith.constant 0 : i32
    %dma_wait3A_27 = arith.constant 0 : i32
    %dma_wait3A_28 = tpu.memref_slice %arg6[%dma_wait3A_26, %dma_wait3A_27] : memref<2x400xi32, #tpu.memory_space<vmem>> -> memref<1x400xi32, #tpu.memory_space<vmem>>
    %dma_wait3A_29 = tpu.memref_squeeze %dma_wait3A_28 : memref<1x400xi32, #tpu.memory_space<vmem>> -> memref<400xi32, #tpu.memory_space<vmem>>
    %dma_wait3A_30 = arith.constant 0 : i32
    %dma_wait3A_31 = arith.constant 0 : i32
    %dma_wait3A_32 = tpu.memref_slice %arg2[%dma_wait3A_30, %dma_wait3A_31] : memref<10000x64xf32, #tpu.memory_space<hbm>> -> memref<10000x64xf32, #tpu.memory_space<hbm>>
    tpu.wait_indirect_dma semaphore(%arg13 : memref<!tpu.dma_semaphore, #tpu.memory_space<semaphore_mem>>) src(%dma_wait3A_32 : memref<10000x64xf32, #tpu.memory_space<hbm>>) dst(%arg8 : memref<400x64xf32, #tpu.memory_space<vmem>>)
    %dma_start3A_33 = arith.constant 1 : i32
    %dma_start3A_34 = arith.constant 0 : i32
    %dma_start3A_35 = tpu.memref_slice %arg6[%dma_start3A_33, %dma_start3A_34] : memref<2x400xi32, #tpu.memory_space<vmem>> -> memref<1x400xi32, #tpu.memory_space<vmem>>
    %dma_start3A_36 = tpu.memref_squeeze %dma_start3A_35 : memref<1x400xi32, #tpu.memory_space<vmem>> -> memref<400xi32, #tpu.memory_space<vmem>>
    %dma_start3A_37 = arith.constant 0 : i32
    %dma_start3A_38 = arith.constant 0 : i32
    %dma_start3A_39 = tpu.memref_slice %arg10[%dma_start3A_37, %dma_start3A_38] : memref<10112x64xf32, #tpu.memory_space<vmem_shared>> -> memref<10112x64xf32, #tpu.memory_space<vmem_shared>>
    tpu.enqueue_indirect_dma source(%arg8 : memref<400x64xf32, #tpu.memory_space<vmem>>) target(%dma_start3A_39 : memref<10112x64xf32, #tpu.memory_space<vmem_shared>>) offsets(%dma_start3A_36 : memref<400xi32, #tpu.memory_space<vmem>>) semaphore(%arg15 : memref<!tpu.dma_semaphore, #tpu.memory_space<semaphore_mem>>) {add = true}
    %dma_wait3A_40 = arith.constant 1 : i32
    %dma_wait3A_41 = arith.constant 0 : i32
    %dma_wait3A_42 = tpu.memref_slice %arg6[%dma_wait3A_40, %dma_wait3A_41] : memref<2x400xi32, #tpu.memory_space<vmem>> -> memref<1x400xi32, #tpu.memory_space<vmem>>
    %dma_wait3A_43 = tpu.memref_squeeze %dma_wait3A_42 : memref<1x400xi32, #tpu.memory_space<vmem>> -> memref<400xi32, #tpu.memory_space<vmem>>
    %dma_wait3A_44 = arith.constant 0 : i32
    %dma_wait3A_45 = arith.constant 0 : i32
    %dma_wait3A_46 = tpu.memref_slice %arg10[%dma_wait3A_44, %dma_wait3A_45] : memref<10112x64xf32, #tpu.memory_space<vmem_shared>> -> memref<10112x64xf32, #tpu.memory_space<vmem_shared>>
    tpu.wait_indirect_dma semaphore(%arg15 : memref<!tpu.dma_semaphore, #tpu.memory_space<semaphore_mem>>) src(%arg8 : memref<400x64xf32, #tpu.memory_space<vmem>>) dst(%dma_wait3A_46 : memref<10112x64xf32, #tpu.memory_space<vmem_shared>>)
    %dma_wait3A_47 = arith.constant 1 : i32
    %dma_wait3A_48 = arith.constant 0 : i32
    %dma_wait3A_49 = tpu.memref_slice %arg7[%dma_wait3A_47, %dma_wait3A_48] : memref<2x400xi32, #tpu.memory_space<vmem>> -> memref<1x400xi32, #tpu.memory_space<vmem>>
    %dma_wait3A_50 = tpu.memref_squeeze %dma_wait3A_49 : memref<1x400xi32, #tpu.memory_space<vmem>> -> memref<400xi32, #tpu.memory_space<vmem>>
    %dma_wait3A_51 = arith.constant 0 : i32
    %dma_wait3A_52 = arith.constant 0 : i32
    %dma_wait3A_53 = tpu.memref_slice %arg10[%dma_wait3A_51, %dma_wait3A_52] : memref<10112x64xf32, #tpu.memory_space<vmem_shared>> -> memref<10112x64xf32, #tpu.memory_space<vmem_shared>>
    tpu.wait_indirect_dma semaphore(%arg16 : memref<!tpu.dma_semaphore, #tpu.memory_space<semaphore_mem>>) src(%arg9 : memref<400x64xf32, #tpu.memory_space<vmem>>) dst(%dma_wait3A_53 : memref<10112x64xf32, #tpu.memory_space<vmem_shared>>)
    %barrier3A_54 = arith.constant 0 : index
    tpu.barrier barrier_id(%barrier3A_54)
    %mul3A_55 = arith.constant 632 : i32
    %mul3A_56 = arith.muli %arg1, %mul3A_55 : i32
    %mul3A_57 = arith.constant 632 : i32
    %mul3A_58 = arith.muli %arg1, %mul3A_57 : i32
    "tpu.region"() ({
      %run_scoped3A = tpu.sem_alloc : memref<!tpu.dma_semaphore, #tpu.memory_space<semaphore_mem>>
      %dma_start3A_59 = arith.constant 0 : i32
      %dma_start3A_60 = tpu.memref_slice %arg5[%arg0, %mul3A_58, %dma_start3A_59] : memref<2x10112x64xf32, #tpu.memory_space<hbm>> -> memref<1x632x64xf32, #tpu.memory_space<hbm>>
      %dma_start3A_61 = tpu.memref_squeeze %dma_start3A_60 : memref<1x632x64xf32, #tpu.memory_space<hbm>> -> memref<632x64xf32, #tpu.memory_space<hbm>>
      %dma_start3A_62 = arith.constant 0 : i32
      %dma_start3A_63 = tpu.memref_slice %arg10[%mul3A_56, %dma_start3A_62] : memref<10112x64xf32, #tpu.memory_space<vmem_shared>> -> memref<632x64xf32, #tpu.memory_space<vmem_shared>>
      tpu.enqueue_dma source(%dma_start3A_63 : memref<632x64xf32, #tpu.memory_space<vmem_shared>>) target(%dma_start3A_61 : memref<632x64xf32, #tpu.memory_space<hbm>>) target_semaphore(%run_scoped3A : memref<!tpu.dma_semaphore, #tpu.memory_space<semaphore_mem>>)
      %dma_wait3A_64 = arith.constant 0 : i32
      %dma_wait3A_65 = tpu.memref_slice %arg5[%arg0, %mul3A_58, %dma_wait3A_64] : memref<2x10112x64xf32, #tpu.memory_space<hbm>> -> memref<1x632x64xf32, #tpu.memory_space<hbm>>
      %dma_wait3A_66 = tpu.memref_squeeze %dma_wait3A_65 : memref<1x632x64xf32, #tpu.memory_space<hbm>> -> memref<632x64xf32, #tpu.memory_space<hbm>>
      %dma_wait3A_67 = arith.constant 0 : i32
      %dma_wait3A_68 = tpu.memref_slice %arg10[%mul3A_56, %dma_wait3A_67] : memref<10112x64xf32, #tpu.memory_space<vmem_shared>> -> memref<632x64xf32, #tpu.memory_space<vmem_shared>>
      tpu.wait_dma2 semaphore(%run_scoped3A : memref<!tpu.dma_semaphore, #tpu.memory_space<semaphore_mem>>) src(%dma_wait3A_68 : memref<632x64xf32, #tpu.memory_space<vmem_shared>>) dst(%dma_wait3A_66 : memref<632x64xf32, #tpu.memory_space<hbm>>)
      tpu.yield
    }) : () -> ()
    return
  }
}

#map = affine_map<(d0, d1) -> (0, 0)>
#map1 = affine_map<(d0, d1) -> (0, 0, 0)>
module attributes {stable_mosaic.version = 14 : i64} {
  func.func @_agg_body(%arg0: i32, %arg1: i32, %arg2: memref<10000x32xf32, #tpu.memory_space<hbm>>, %arg3: memref<2x320000xi32, #tpu.memory_space<hbm>>, %arg4: memref<10112x32xf32, #tpu.memory_space<hbm>>, %arg5: memref<2x10112x32xf32, #tpu.memory_space<hbm>>, %arg6: memref<2x1000xi32, #tpu.memory_space<vmem>>, %arg7: memref<2x1000xi32, #tpu.memory_space<vmem>>, %arg8: memref<1000x32xf32, #tpu.memory_space<vmem>>, %arg9: memref<1000x32xf32, #tpu.memory_space<vmem>>, %arg10: memref<10112x32xf32, #tpu.memory_space<vmem_shared>>, %arg11: memref<!tpu.dma_semaphore, #tpu.memory_space<semaphore_mem>>, %arg12: memref<!tpu.dma_semaphore, #tpu.memory_space<semaphore_mem>>, %arg13: memref<!tpu.dma_semaphore, #tpu.memory_space<semaphore_mem>>, %arg14: memref<!tpu.dma_semaphore, #tpu.memory_space<semaphore_mem>>, %arg15: memref<!tpu.dma_semaphore, #tpu.memory_space<semaphore_mem>>, %arg16: memref<!tpu.dma_semaphore, #tpu.memory_space<semaphore_mem>>) attributes {dimension_semantics = [#tpu.dimension_semantics<core_parallel>, #tpu.dimension_semantics<subcore_parallel>], iteration_bounds = array<i64: 2, 16>, scalar_prefetch = 0 : i64, scratch_operands = 11 : i64, tpu.core_type = #tpu.core_type<sc_vector_subcore>, window_params = [{transform_indices = #map}, {transform_indices = #map}, {transform_indices = #map}, {transform_indices = #map1}]} {
    %mul3A = arith.constant 16 : i32
    %mul3A_0 = arith.muli %arg0, %mul3A : i32
    %add3A = arith.addi %mul3A_0, %arg1 : i32
    %mul3A_1 = arith.constant 10000 : i32
    %mul3A_2 = arith.muli %add3A, %mul3A_1 : i32
    %mul3A_3 = arith.constant 632 : i32
    %mul3A_4 = arith.muli %arg1, %mul3A_3 : i32
    %mul3A_5 = arith.constant 632 : i32
    %mul3A_6 = arith.muli %arg1, %mul3A_5 : i32
    "tpu.region"() ({
      %run_scoped3A = tpu.sem_alloc : memref<!tpu.dma_semaphore, #tpu.memory_space<semaphore_mem>>
      %dma_start3A = arith.constant 0 : i32
      %dma_start3A_30 = tpu.memref_slice %arg10[%mul3A_6, %dma_start3A] : memref<10112x32xf32, #tpu.memory_space<vmem_shared>> -> memref<632x32xf32, #tpu.memory_space<vmem_shared>>
      %dma_start3A_31 = arith.constant 0 : i32
      %dma_start3A_32 = tpu.memref_slice %arg4[%mul3A_4, %dma_start3A_31] : memref<10112x32xf32, #tpu.memory_space<hbm>> -> memref<632x32xf32, #tpu.memory_space<hbm>>
      tpu.enqueue_dma source(%dma_start3A_32 : memref<632x32xf32, #tpu.memory_space<hbm>>) target(%dma_start3A_30 : memref<632x32xf32, #tpu.memory_space<vmem_shared>>) target_semaphore(%run_scoped3A : memref<!tpu.dma_semaphore, #tpu.memory_space<semaphore_mem>>)
      %dma_wait3A_33 = arith.constant 0 : i32
      %dma_wait3A_34 = tpu.memref_slice %arg10[%mul3A_6, %dma_wait3A_33] : memref<10112x32xf32, #tpu.memory_space<vmem_shared>> -> memref<632x32xf32, #tpu.memory_space<vmem_shared>>
      %dma_wait3A_35 = arith.constant 0 : i32
      %dma_wait3A_36 = tpu.memref_slice %arg4[%mul3A_4, %dma_wait3A_35] : memref<10112x32xf32, #tpu.memory_space<hbm>> -> memref<632x32xf32, #tpu.memory_space<hbm>>
      tpu.wait_dma2 semaphore(%run_scoped3A : memref<!tpu.dma_semaphore, #tpu.memory_space<semaphore_mem>>) src(%dma_wait3A_36 : memref<632x32xf32, #tpu.memory_space<hbm>>) dst(%dma_wait3A_34 : memref<632x32xf32, #tpu.memory_space<vmem_shared>>)
      tpu.yield
    }) : () -> ()
    %barrier3A = arith.constant 0 : index
    tpu.barrier barrier_id(%barrier3A)
    %scan3A = arith.constant 0 : i32
    %scan3A_7 = arith.constant 0 : i32
    %scan3A_8 = arith.constant 5 : i32
    %scan3A_9 = arith.addi %scan3A_7, %scan3A_8 : i32
    %scan3A_10 = arith.constant 1 : i32
    scf.for %scan3A_30 = %scan3A_7 to %scan3A_9 step %scan3A_10  : i32 {
      %mul3A_31 = arith.constant 2000 : i32
      %mul3A_32 = arith.muli %scan3A_30, %mul3A_31 : i32
      %add3A_33 = arith.addi %mul3A_2, %mul3A_32 : i32
      %gt3A = arith.constant 0 : i32
      %gt3A_34 = arith.cmpi sgt, %scan3A_30, %gt3A : i32
      %convert_element_type3A = arith.extui %gt3A_34 : i1 to i32
      %cond3A = arith.constant 0 : i32
      %cond3A_35 = arith.cmpi ne, %convert_element_type3A, %cond3A : i32
      scf.if %cond3A_35 {
        %dma_wait3A_177 = arith.constant 1 : i32
        %dma_wait3A_178 = arith.constant 0 : i32
        %dma_wait3A_179 = tpu.memref_slice %arg6[%dma_wait3A_177, %dma_wait3A_178] : memref<2x1000xi32, #tpu.memory_space<vmem>> -> memref<1x1000xi32, #tpu.memory_space<vmem>>
        %dma_wait3A_180 = tpu.memref_squeeze %dma_wait3A_179 : memref<1x1000xi32, #tpu.memory_space<vmem>> -> memref<1000xi32, #tpu.memory_space<vmem>>
        %dma_wait3A_181 = arith.constant 0 : i32
        %dma_wait3A_182 = arith.constant 0 : i32
        %dma_wait3A_183 = tpu.memref_slice %arg10[%dma_wait3A_181, %dma_wait3A_182] : memref<10112x32xf32, #tpu.memory_space<vmem_shared>> -> memref<10112x32xf32, #tpu.memory_space<vmem_shared>>
        tpu.wait_indirect_dma semaphore(%arg15 : memref<!tpu.dma_semaphore, #tpu.memory_space<semaphore_mem>>) src(%arg8 : memref<1000x32xf32, #tpu.memory_space<vmem>>) dst(%dma_wait3A_183 : memref<10112x32xf32, #tpu.memory_space<vmem_shared>>)
        %dma_wait3A_184 = arith.constant 1 : i32
        %dma_wait3A_185 = arith.constant 0 : i32
        %dma_wait3A_186 = tpu.memref_slice %arg7[%dma_wait3A_184, %dma_wait3A_185] : memref<2x1000xi32, #tpu.memory_space<vmem>> -> memref<1x1000xi32, #tpu.memory_space<vmem>>
        %dma_wait3A_187 = tpu.memref_squeeze %dma_wait3A_186 : memref<1x1000xi32, #tpu.memory_space<vmem>> -> memref<1000xi32, #tpu.memory_space<vmem>>
        %dma_wait3A_188 = arith.constant 0 : i32
        %dma_wait3A_189 = arith.constant 0 : i32
        %dma_wait3A_190 = tpu.memref_slice %arg10[%dma_wait3A_188, %dma_wait3A_189] : memref<10112x32xf32, #tpu.memory_space<vmem_shared>> -> memref<10112x32xf32, #tpu.memory_space<vmem_shared>>
        tpu.wait_indirect_dma semaphore(%arg16 : memref<!tpu.dma_semaphore, #tpu.memory_space<semaphore_mem>>) src(%arg9 : memref<1000x32xf32, #tpu.memory_space<vmem>>) dst(%dma_wait3A_190 : memref<10112x32xf32, #tpu.memory_space<vmem_shared>>)
      } else {
      }
      %dma_start3A = arith.constant 0 : i32
      %dma_start3A_36 = arith.constant 0 : i32
      %dma_start3A_37 = arith.constant 0 : i32
      %dma_start3A_38 = tpu.memref_slice %arg6[%dma_start3A_36, %dma_start3A_37] : memref<2x1000xi32, #tpu.memory_space<vmem>> -> memref<1x1000xi32, #tpu.memory_space<vmem>>
      %dma_start3A_39 = tpu.memref_squeeze %dma_start3A_38 : memref<1x1000xi32, #tpu.memory_space<vmem>> -> memref<1000xi32, #tpu.memory_space<vmem>>
      %dma_start3A_40 = tpu.memref_slice %arg3[%dma_start3A, %add3A_33] : memref<2x320000xi32, #tpu.memory_space<hbm>> -> memref<1x1000xi32, #tpu.memory_space<hbm>>
      %dma_start3A_41 = tpu.memref_squeeze %dma_start3A_40 : memref<1x1000xi32, #tpu.memory_space<hbm>> -> memref<1000xi32, #tpu.memory_space<hbm>>
      %dma_start3A_42 = arith.constant 0 : i32
      %dma_start3A_43 = tpu.memref_slice %arg6[%dma_start3A_36, %dma_start3A_42] : memref<2x1000xi32, #tpu.memory_space<vmem>> -> memref<1x1000xi32, #tpu.memory_space<vmem>>
      %dma_start3A_44 = tpu.memref_squeeze %dma_start3A_43 : memref<1x1000xi32, #tpu.memory_space<vmem>> -> memref<1000xi32, #tpu.memory_space<vmem>>
      %dma_start3A_45 = tpu.memref_slice %arg3[%dma_start3A, %add3A_33] : memref<2x320000xi32, #tpu.memory_space<hbm>> -> memref<1x1000xi32, #tpu.memory_space<hbm>>
      %dma_start3A_46 = tpu.memref_squeeze %dma_start3A_45 : memref<1x1000xi32, #tpu.memory_space<hbm>> -> memref<1000xi32, #tpu.memory_space<hbm>>
      tpu.enqueue_dma source(%dma_start3A_46 : memref<1000xi32, #tpu.memory_space<hbm>>) target(%dma_start3A_44 : memref<1000xi32, #tpu.memory_space<vmem>>) target_semaphore(%arg11 : memref<!tpu.dma_semaphore, #tpu.memory_space<semaphore_mem>>)
      %dma_start3A_47 = arith.constant 1 : i32
      %dma_start3A_48 = arith.constant 1 : i32
      %dma_start3A_49 = arith.constant 0 : i32
      %dma_start3A_50 = tpu.memref_slice %arg6[%dma_start3A_48, %dma_start3A_49] : memref<2x1000xi32, #tpu.memory_space<vmem>> -> memref<1x1000xi32, #tpu.memory_space<vmem>>
      %dma_start3A_51 = tpu.memref_squeeze %dma_start3A_50 : memref<1x1000xi32, #tpu.memory_space<vmem>> -> memref<1000xi32, #tpu.memory_space<vmem>>
      %dma_start3A_52 = tpu.memref_slice %arg3[%dma_start3A_47, %add3A_33] : memref<2x320000xi32, #tpu.memory_space<hbm>> -> memref<1x1000xi32, #tpu.memory_space<hbm>>
      %dma_start3A_53 = tpu.memref_squeeze %dma_start3A_52 : memref<1x1000xi32, #tpu.memory_space<hbm>> -> memref<1000xi32, #tpu.memory_space<hbm>>
      %dma_start3A_54 = arith.constant 0 : i32
      %dma_start3A_55 = tpu.memref_slice %arg6[%dma_start3A_48, %dma_start3A_54] : memref<2x1000xi32, #tpu.memory_space<vmem>> -> memref<1x1000xi32, #tpu.memory_space<vmem>>
      %dma_start3A_56 = tpu.memref_squeeze %dma_start3A_55 : memref<1x1000xi32, #tpu.memory_space<vmem>> -> memref<1000xi32, #tpu.memory_space<vmem>>
      %dma_start3A_57 = tpu.memref_slice %arg3[%dma_start3A_47, %add3A_33] : memref<2x320000xi32, #tpu.memory_space<hbm>> -> memref<1x1000xi32, #tpu.memory_space<hbm>>
      %dma_start3A_58 = tpu.memref_squeeze %dma_start3A_57 : memref<1x1000xi32, #tpu.memory_space<hbm>> -> memref<1000xi32, #tpu.memory_space<hbm>>
      tpu.enqueue_dma source(%dma_start3A_58 : memref<1000xi32, #tpu.memory_space<hbm>>) target(%dma_start3A_56 : memref<1000xi32, #tpu.memory_space<vmem>>) target_semaphore(%arg11 : memref<!tpu.dma_semaphore, #tpu.memory_space<semaphore_mem>>)
      %add3A_59 = arith.constant 1000 : i32
      %add3A_60 = arith.addi %add3A_33, %add3A_59 : i32
      %dma_start3A_61 = arith.constant 0 : i32
      %dma_start3A_62 = arith.constant 0 : i32
      %dma_start3A_63 = arith.constant 0 : i32
      %dma_start3A_64 = tpu.memref_slice %arg7[%dma_start3A_62, %dma_start3A_63] : memref<2x1000xi32, #tpu.memory_space<vmem>> -> memref<1x1000xi32, #tpu.memory_space<vmem>>
      %dma_start3A_65 = tpu.memref_squeeze %dma_start3A_64 : memref<1x1000xi32, #tpu.memory_space<vmem>> -> memref<1000xi32, #tpu.memory_space<vmem>>
      %dma_start3A_66 = tpu.memref_slice %arg3[%dma_start3A_61, %add3A_60] : memref<2x320000xi32, #tpu.memory_space<hbm>> -> memref<1x1000xi32, #tpu.memory_space<hbm>>
      %dma_start3A_67 = tpu.memref_squeeze %dma_start3A_66 : memref<1x1000xi32, #tpu.memory_space<hbm>> -> memref<1000xi32, #tpu.memory_space<hbm>>
      %dma_start3A_68 = arith.constant 0 : i32
      %dma_start3A_69 = tpu.memref_slice %arg7[%dma_start3A_62, %dma_start3A_68] : memref<2x1000xi32, #tpu.memory_space<vmem>> -> memref<1x1000xi32, #tpu.memory_space<vmem>>
      %dma_start3A_70 = tpu.memref_squeeze %dma_start3A_69 : memref<1x1000xi32, #tpu.memory_space<vmem>> -> memref<1000xi32, #tpu.memory_space<vmem>>
      %dma_start3A_71 = tpu.memref_slice %arg3[%dma_start3A_61, %add3A_60] : memref<2x320000xi32, #tpu.memory_space<hbm>> -> memref<1x1000xi32, #tpu.memory_space<hbm>>
      %dma_start3A_72 = tpu.memref_squeeze %dma_start3A_71 : memref<1x1000xi32, #tpu.memory_space<hbm>> -> memref<1000xi32, #tpu.memory_space<hbm>>
      tpu.enqueue_dma source(%dma_start3A_72 : memref<1000xi32, #tpu.memory_space<hbm>>) target(%dma_start3A_70 : memref<1000xi32, #tpu.memory_space<vmem>>) target_semaphore(%arg12 : memref<!tpu.dma_semaphore, #tpu.memory_space<semaphore_mem>>)
      %add3A_73 = arith.constant 1000 : i32
      %add3A_74 = arith.addi %add3A_33, %add3A_73 : i32
      %dma_start3A_75 = arith.constant 1 : i32
      %dma_start3A_76 = arith.constant 1 : i32
      %dma_start3A_77 = arith.constant 0 : i32
      %dma_start3A_78 = tpu.memref_slice %arg7[%dma_start3A_76, %dma_start3A_77] : memref<2x1000xi32, #tpu.memory_space<vmem>> -> memref<1x1000xi32, #tpu.memory_space<vmem>>
      %dma_start3A_79 = tpu.memref_squeeze %dma_start3A_78 : memref<1x1000xi32, #tpu.memory_space<vmem>> -> memref<1000xi32, #tpu.memory_space<vmem>>
      %dma_start3A_80 = tpu.memref_slice %arg3[%dma_start3A_75, %add3A_74] : memref<2x320000xi32, #tpu.memory_space<hbm>> -> memref<1x1000xi32, #tpu.memory_space<hbm>>
      %dma_start3A_81 = tpu.memref_squeeze %dma_start3A_80 : memref<1x1000xi32, #tpu.memory_space<hbm>> -> memref<1000xi32, #tpu.memory_space<hbm>>
      %dma_start3A_82 = arith.constant 0 : i32
      %dma_start3A_83 = tpu.memref_slice %arg7[%dma_start3A_76, %dma_start3A_82] : memref<2x1000xi32, #tpu.memory_space<vmem>> -> memref<1x1000xi32, #tpu.memory_space<vmem>>
      %dma_start3A_84 = tpu.memref_squeeze %dma_start3A_83 : memref<1x1000xi32, #tpu.memory_space<vmem>> -> memref<1000xi32, #tpu.memory_space<vmem>>
      %dma_start3A_85 = tpu.memref_slice %arg3[%dma_start3A_75, %add3A_74] : memref<2x320000xi32, #tpu.memory_space<hbm>> -> memref<1x1000xi32, #tpu.memory_space<hbm>>
      %dma_start3A_86 = tpu.memref_squeeze %dma_start3A_85 : memref<1x1000xi32, #tpu.memory_space<hbm>> -> memref<1000xi32, #tpu.memory_space<hbm>>
      tpu.enqueue_dma source(%dma_start3A_86 : memref<1000xi32, #tpu.memory_space<hbm>>) target(%dma_start3A_84 : memref<1000xi32, #tpu.memory_space<vmem>>) target_semaphore(%arg12 : memref<!tpu.dma_semaphore, #tpu.memory_space<semaphore_mem>>)
      %dma_wait3A_87 = arith.constant 0 : i32
      %dma_wait3A_88 = arith.constant 0 : i32
      %dma_wait3A_89 = arith.constant 0 : i32
      %dma_wait3A_90 = tpu.memref_slice %arg6[%dma_wait3A_88, %dma_wait3A_89] : memref<2x1000xi32, #tpu.memory_space<vmem>> -> memref<1x1000xi32, #tpu.memory_space<vmem>>
      %dma_wait3A_91 = tpu.memref_squeeze %dma_wait3A_90 : memref<1x1000xi32, #tpu.memory_space<vmem>> -> memref<1000xi32, #tpu.memory_space<vmem>>
      %dma_wait3A_92 = tpu.memref_slice %arg3[%dma_wait3A_87, %add3A_33] : memref<2x320000xi32, #tpu.memory_space<hbm>> -> memref<1x1000xi32, #tpu.memory_space<hbm>>
      %dma_wait3A_93 = tpu.memref_squeeze %dma_wait3A_92 : memref<1x1000xi32, #tpu.memory_space<hbm>> -> memref<1000xi32, #tpu.memory_space<hbm>>
      %dma_wait3A_94 = arith.constant 0 : i32
      %dma_wait3A_95 = tpu.memref_slice %arg6[%dma_wait3A_88, %dma_wait3A_94] : memref<2x1000xi32, #tpu.memory_space<vmem>> -> memref<1x1000xi32, #tpu.memory_space<vmem>>
      %dma_wait3A_96 = tpu.memref_squeeze %dma_wait3A_95 : memref<1x1000xi32, #tpu.memory_space<vmem>> -> memref<1000xi32, #tpu.memory_space<vmem>>
      %dma_wait3A_97 = tpu.memref_slice %arg3[%dma_wait3A_87, %add3A_33] : memref<2x320000xi32, #tpu.memory_space<hbm>> -> memref<1x1000xi32, #tpu.memory_space<hbm>>
      %dma_wait3A_98 = tpu.memref_squeeze %dma_wait3A_97 : memref<1x1000xi32, #tpu.memory_space<hbm>> -> memref<1000xi32, #tpu.memory_space<hbm>>
      tpu.wait_dma2 semaphore(%arg11 : memref<!tpu.dma_semaphore, #tpu.memory_space<semaphore_mem>>) src(%dma_wait3A_98 : memref<1000xi32, #tpu.memory_space<hbm>>) dst(%dma_wait3A_96 : memref<1000xi32, #tpu.memory_space<vmem>>)
      %dma_wait3A_99 = arith.constant 1 : i32
      %dma_wait3A_100 = arith.constant 1 : i32
      %dma_wait3A_101 = arith.constant 0 : i32
      %dma_wait3A_102 = tpu.memref_slice %arg6[%dma_wait3A_100, %dma_wait3A_101] : memref<2x1000xi32, #tpu.memory_space<vmem>> -> memref<1x1000xi32, #tpu.memory_space<vmem>>
      %dma_wait3A_103 = tpu.memref_squeeze %dma_wait3A_102 : memref<1x1000xi32, #tpu.memory_space<vmem>> -> memref<1000xi32, #tpu.memory_space<vmem>>
      %dma_wait3A_104 = tpu.memref_slice %arg3[%dma_wait3A_99, %add3A_33] : memref<2x320000xi32, #tpu.memory_space<hbm>> -> memref<1x1000xi32, #tpu.memory_space<hbm>>
      %dma_wait3A_105 = tpu.memref_squeeze %dma_wait3A_104 : memref<1x1000xi32, #tpu.memory_space<hbm>> -> memref<1000xi32, #tpu.memory_space<hbm>>
      %dma_wait3A_106 = arith.constant 0 : i32
      %dma_wait3A_107 = tpu.memref_slice %arg6[%dma_wait3A_100, %dma_wait3A_106] : memref<2x1000xi32, #tpu.memory_space<vmem>> -> memref<1x1000xi32, #tpu.memory_space<vmem>>
      %dma_wait3A_108 = tpu.memref_squeeze %dma_wait3A_107 : memref<1x1000xi32, #tpu.memory_space<vmem>> -> memref<1000xi32, #tpu.memory_space<vmem>>
      %dma_wait3A_109 = tpu.memref_slice %arg3[%dma_wait3A_99, %add3A_33] : memref<2x320000xi32, #tpu.memory_space<hbm>> -> memref<1x1000xi32, #tpu.memory_space<hbm>>
      %dma_wait3A_110 = tpu.memref_squeeze %dma_wait3A_109 : memref<1x1000xi32, #tpu.memory_space<hbm>> -> memref<1000xi32, #tpu.memory_space<hbm>>
      tpu.wait_dma2 semaphore(%arg11 : memref<!tpu.dma_semaphore, #tpu.memory_space<semaphore_mem>>) src(%dma_wait3A_110 : memref<1000xi32, #tpu.memory_space<hbm>>) dst(%dma_wait3A_108 : memref<1000xi32, #tpu.memory_space<vmem>>)
      %dma_start3A_111 = arith.constant 0 : i32
      %dma_start3A_112 = arith.constant 0 : i32
      %dma_start3A_113 = tpu.memref_slice %arg6[%dma_start3A_111, %dma_start3A_112] : memref<2x1000xi32, #tpu.memory_space<vmem>> -> memref<1x1000xi32, #tpu.memory_space<vmem>>
      %dma_start3A_114 = tpu.memref_squeeze %dma_start3A_113 : memref<1x1000xi32, #tpu.memory_space<vmem>> -> memref<1000xi32, #tpu.memory_space<vmem>>
      %dma_start3A_115 = arith.constant 0 : i32
      %dma_start3A_116 = arith.constant 0 : i32
      %dma_start3A_117 = tpu.memref_slice %arg2[%dma_start3A_115, %dma_start3A_116] : memref<10000x32xf32, #tpu.memory_space<hbm>> -> memref<10000x32xf32, #tpu.memory_space<hbm>>
      tpu.enqueue_indirect_dma source(%dma_start3A_117 : memref<10000x32xf32, #tpu.memory_space<hbm>>) target(%arg8 : memref<1000x32xf32, #tpu.memory_space<vmem>>) offsets(%dma_start3A_114 : memref<1000xi32, #tpu.memory_space<vmem>>) semaphore(%arg13 : memref<!tpu.dma_semaphore, #tpu.memory_space<semaphore_mem>>)
      %dma_wait3A_118 = arith.constant 0 : i32
      %dma_wait3A_119 = arith.constant 0 : i32
      %dma_wait3A_120 = arith.constant 0 : i32
      %dma_wait3A_121 = tpu.memref_slice %arg7[%dma_wait3A_119, %dma_wait3A_120] : memref<2x1000xi32, #tpu.memory_space<vmem>> -> memref<1x1000xi32, #tpu.memory_space<vmem>>
      %dma_wait3A_122 = tpu.memref_squeeze %dma_wait3A_121 : memref<1x1000xi32, #tpu.memory_space<vmem>> -> memref<1000xi32, #tpu.memory_space<vmem>>
      %dma_wait3A_123 = tpu.memref_slice %arg3[%dma_wait3A_118, %add3A_60] : memref<2x320000xi32, #tpu.memory_space<hbm>> -> memref<1x1000xi32, #tpu.memory_space<hbm>>
      %dma_wait3A_124 = tpu.memref_squeeze %dma_wait3A_123 : memref<1x1000xi32, #tpu.memory_space<hbm>> -> memref<1000xi32, #tpu.memory_space<hbm>>
      %dma_wait3A_125 = arith.constant 0 : i32
      %dma_wait3A_126 = tpu.memref_slice %arg7[%dma_wait3A_119, %dma_wait3A_125] : memref<2x1000xi32, #tpu.memory_space<vmem>> -> memref<1x1000xi32, #tpu.memory_space<vmem>>
      %dma_wait3A_127 = tpu.memref_squeeze %dma_wait3A_126 : memref<1x1000xi32, #tpu.memory_space<vmem>> -> memref<1000xi32, #tpu.memory_space<vmem>>
      %dma_wait3A_128 = tpu.memref_slice %arg3[%dma_wait3A_118, %add3A_60] : memref<2x320000xi32, #tpu.memory_space<hbm>> -> memref<1x1000xi32, #tpu.memory_space<hbm>>
      %dma_wait3A_129 = tpu.memref_squeeze %dma_wait3A_128 : memref<1x1000xi32, #tpu.memory_space<hbm>> -> memref<1000xi32, #tpu.memory_space<hbm>>
      tpu.wait_dma2 semaphore(%arg12 : memref<!tpu.dma_semaphore, #tpu.memory_space<semaphore_mem>>) src(%dma_wait3A_129 : memref<1000xi32, #tpu.memory_space<hbm>>) dst(%dma_wait3A_127 : memref<1000xi32, #tpu.memory_space<vmem>>)
      %dma_wait3A_130 = arith.constant 1 : i32
      %dma_wait3A_131 = arith.constant 1 : i32
      %dma_wait3A_132 = arith.constant 0 : i32
      %dma_wait3A_133 = tpu.memref_slice %arg7[%dma_wait3A_131, %dma_wait3A_132] : memref<2x1000xi32, #tpu.memory_space<vmem>> -> memref<1x1000xi32, #tpu.memory_space<vmem>>
      %dma_wait3A_134 = tpu.memref_squeeze %dma_wait3A_133 : memref<1x1000xi32, #tpu.memory_space<vmem>> -> memref<1000xi32, #tpu.memory_space<vmem>>
      %dma_wait3A_135 = tpu.memref_slice %arg3[%dma_wait3A_130, %add3A_74] : memref<2x320000xi32, #tpu.memory_space<hbm>> -> memref<1x1000xi32, #tpu.memory_space<hbm>>
      %dma_wait3A_136 = tpu.memref_squeeze %dma_wait3A_135 : memref<1x1000xi32, #tpu.memory_space<hbm>> -> memref<1000xi32, #tpu.memory_space<hbm>>
      %dma_wait3A_137 = arith.constant 0 : i32
      %dma_wait3A_138 = tpu.memref_slice %arg7[%dma_wait3A_131, %dma_wait3A_137] : memref<2x1000xi32, #tpu.memory_space<vmem>> -> memref<1x1000xi32, #tpu.memory_space<vmem>>
      %dma_wait3A_139 = tpu.memref_squeeze %dma_wait3A_138 : memref<1x1000xi32, #tpu.memory_space<vmem>> -> memref<1000xi32, #tpu.memory_space<vmem>>
      %dma_wait3A_140 = tpu.memref_slice %arg3[%dma_wait3A_130, %add3A_74] : memref<2x320000xi32, #tpu.memory_space<hbm>> -> memref<1x1000xi32, #tpu.memory_space<hbm>>
      %dma_wait3A_141 = tpu.memref_squeeze %dma_wait3A_140 : memref<1x1000xi32, #tpu.memory_space<hbm>> -> memref<1000xi32, #tpu.memory_space<hbm>>
      tpu.wait_dma2 semaphore(%arg12 : memref<!tpu.dma_semaphore, #tpu.memory_space<semaphore_mem>>) src(%dma_wait3A_141 : memref<1000xi32, #tpu.memory_space<hbm>>) dst(%dma_wait3A_139 : memref<1000xi32, #tpu.memory_space<vmem>>)
      %dma_start3A_142 = arith.constant 0 : i32
      %dma_start3A_143 = arith.constant 0 : i32
      %dma_start3A_144 = tpu.memref_slice %arg7[%dma_start3A_142, %dma_start3A_143] : memref<2x1000xi32, #tpu.memory_space<vmem>> -> memref<1x1000xi32, #tpu.memory_space<vmem>>
      %dma_start3A_145 = tpu.memref_squeeze %dma_start3A_144 : memref<1x1000xi32, #tpu.memory_space<vmem>> -> memref<1000xi32, #tpu.memory_space<vmem>>
      %dma_start3A_146 = arith.constant 0 : i32
      %dma_start3A_147 = arith.constant 0 : i32
      %dma_start3A_148 = tpu.memref_slice %arg2[%dma_start3A_146, %dma_start3A_147] : memref<10000x32xf32, #tpu.memory_space<hbm>> -> memref<10000x32xf32, #tpu.memory_space<hbm>>
      tpu.enqueue_indirect_dma source(%dma_start3A_148 : memref<10000x32xf32, #tpu.memory_space<hbm>>) target(%arg9 : memref<1000x32xf32, #tpu.memory_space<vmem>>) offsets(%dma_start3A_145 : memref<1000xi32, #tpu.memory_space<vmem>>) semaphore(%arg14 : memref<!tpu.dma_semaphore, #tpu.memory_space<semaphore_mem>>)
      %dma_wait3A_149 = arith.constant 0 : i32
      %dma_wait3A_150 = arith.constant 0 : i32
      %dma_wait3A_151 = tpu.memref_slice %arg6[%dma_wait3A_149, %dma_wait3A_150] : memref<2x1000xi32, #tpu.memory_space<vmem>> -> memref<1x1000xi32, #tpu.memory_space<vmem>>
      %dma_wait3A_152 = tpu.memref_squeeze %dma_wait3A_151 : memref<1x1000xi32, #tpu.memory_space<vmem>> -> memref<1000xi32, #tpu.memory_space<vmem>>
      %dma_wait3A_153 = arith.constant 0 : i32
      %dma_wait3A_154 = arith.constant 0 : i32
      %dma_wait3A_155 = tpu.memref_slice %arg2[%dma_wait3A_153, %dma_wait3A_154] : memref<10000x32xf32, #tpu.memory_space<hbm>> -> memref<10000x32xf32, #tpu.memory_space<hbm>>
      tpu.wait_indirect_dma semaphore(%arg13 : memref<!tpu.dma_semaphore, #tpu.memory_space<semaphore_mem>>) src(%dma_wait3A_155 : memref<10000x32xf32, #tpu.memory_space<hbm>>) dst(%arg8 : memref<1000x32xf32, #tpu.memory_space<vmem>>)
      %dma_start3A_156 = arith.constant 1 : i32
      %dma_start3A_157 = arith.constant 0 : i32
      %dma_start3A_158 = tpu.memref_slice %arg6[%dma_start3A_156, %dma_start3A_157] : memref<2x1000xi32, #tpu.memory_space<vmem>> -> memref<1x1000xi32, #tpu.memory_space<vmem>>
      %dma_start3A_159 = tpu.memref_squeeze %dma_start3A_158 : memref<1x1000xi32, #tpu.memory_space<vmem>> -> memref<1000xi32, #tpu.memory_space<vmem>>
      %dma_start3A_160 = arith.constant 0 : i32
      %dma_start3A_161 = arith.constant 0 : i32
      %dma_start3A_162 = tpu.memref_slice %arg10[%dma_start3A_160, %dma_start3A_161] : memref<10112x32xf32, #tpu.memory_space<vmem_shared>> -> memref<10112x32xf32, #tpu.memory_space<vmem_shared>>
      tpu.enqueue_indirect_dma source(%arg8 : memref<1000x32xf32, #tpu.memory_space<vmem>>) target(%dma_start3A_162 : memref<10112x32xf32, #tpu.memory_space<vmem_shared>>) offsets(%dma_start3A_159 : memref<1000xi32, #tpu.memory_space<vmem>>) semaphore(%arg15 : memref<!tpu.dma_semaphore, #tpu.memory_space<semaphore_mem>>) {add = true}
      %dma_wait3A_163 = arith.constant 0 : i32
      %dma_wait3A_164 = arith.constant 0 : i32
      %dma_wait3A_165 = tpu.memref_slice %arg7[%dma_wait3A_163, %dma_wait3A_164] : memref<2x1000xi32, #tpu.memory_space<vmem>> -> memref<1x1000xi32, #tpu.memory_space<vmem>>
      %dma_wait3A_166 = tpu.memref_squeeze %dma_wait3A_165 : memref<1x1000xi32, #tpu.memory_space<vmem>> -> memref<1000xi32, #tpu.memory_space<vmem>>
      %dma_wait3A_167 = arith.constant 0 : i32
      %dma_wait3A_168 = arith.constant 0 : i32
      %dma_wait3A_169 = tpu.memref_slice %arg2[%dma_wait3A_167, %dma_wait3A_168] : memref<10000x32xf32, #tpu.memory_space<hbm>> -> memref<10000x32xf32, #tpu.memory_space<hbm>>
      tpu.wait_indirect_dma semaphore(%arg14 : memref<!tpu.dma_semaphore, #tpu.memory_space<semaphore_mem>>) src(%dma_wait3A_169 : memref<10000x32xf32, #tpu.memory_space<hbm>>) dst(%arg9 : memref<1000x32xf32, #tpu.memory_space<vmem>>)
      %dma_start3A_170 = arith.constant 1 : i32
      %dma_start3A_171 = arith.constant 0 : i32
      %dma_start3A_172 = tpu.memref_slice %arg7[%dma_start3A_170, %dma_start3A_171] : memref<2x1000xi32, #tpu.memory_space<vmem>> -> memref<1x1000xi32, #tpu.memory_space<vmem>>
      %dma_start3A_173 = tpu.memref_squeeze %dma_start3A_172 : memref<1x1000xi32, #tpu.memory_space<vmem>> -> memref<1000xi32, #tpu.memory_space<vmem>>
      %dma_start3A_174 = arith.constant 0 : i32
      %dma_start3A_175 = arith.constant 0 : i32
      %dma_start3A_176 = tpu.memref_slice %arg10[%dma_start3A_174, %dma_start3A_175] : memref<10112x32xf32, #tpu.memory_space<vmem_shared>> -> memref<10112x32xf32, #tpu.memory_space<vmem_shared>>
      tpu.enqueue_indirect_dma source(%arg9 : memref<1000x32xf32, #tpu.memory_space<vmem>>) target(%dma_start3A_176 : memref<10112x32xf32, #tpu.memory_space<vmem_shared>>) offsets(%dma_start3A_173 : memref<1000xi32, #tpu.memory_space<vmem>>) semaphore(%arg16 : memref<!tpu.dma_semaphore, #tpu.memory_space<semaphore_mem>>) {add = true}
    }
    %scan3A_11 = arith.constant 5 : i32
    %dma_wait3A = arith.constant 1 : i32
    %dma_wait3A_12 = arith.constant 0 : i32
    %dma_wait3A_13 = tpu.memref_slice %arg6[%dma_wait3A, %dma_wait3A_12] : memref<2x1000xi32, #tpu.memory_space<vmem>> -> memref<1x1000xi32, #tpu.memory_space<vmem>>
    %dma_wait3A_14 = tpu.memref_squeeze %dma_wait3A_13 : memref<1x1000xi32, #tpu.memory_space<vmem>> -> memref<1000xi32, #tpu.memory_space<vmem>>
    %dma_wait3A_15 = arith.constant 0 : i32
    %dma_wait3A_16 = arith.constant 0 : i32
    %dma_wait3A_17 = tpu.memref_slice %arg10[%dma_wait3A_15, %dma_wait3A_16] : memref<10112x32xf32, #tpu.memory_space<vmem_shared>> -> memref<10112x32xf32, #tpu.memory_space<vmem_shared>>
    tpu.wait_indirect_dma semaphore(%arg15 : memref<!tpu.dma_semaphore, #tpu.memory_space<semaphore_mem>>) src(%arg8 : memref<1000x32xf32, #tpu.memory_space<vmem>>) dst(%dma_wait3A_17 : memref<10112x32xf32, #tpu.memory_space<vmem_shared>>)
    %dma_wait3A_18 = arith.constant 1 : i32
    %dma_wait3A_19 = arith.constant 0 : i32
    %dma_wait3A_20 = tpu.memref_slice %arg7[%dma_wait3A_18, %dma_wait3A_19] : memref<2x1000xi32, #tpu.memory_space<vmem>> -> memref<1x1000xi32, #tpu.memory_space<vmem>>
    %dma_wait3A_21 = tpu.memref_squeeze %dma_wait3A_20 : memref<1x1000xi32, #tpu.memory_space<vmem>> -> memref<1000xi32, #tpu.memory_space<vmem>>
    %dma_wait3A_22 = arith.constant 0 : i32
    %dma_wait3A_23 = arith.constant 0 : i32
    %dma_wait3A_24 = tpu.memref_slice %arg10[%dma_wait3A_22, %dma_wait3A_23] : memref<10112x32xf32, #tpu.memory_space<vmem_shared>> -> memref<10112x32xf32, #tpu.memory_space<vmem_shared>>
    tpu.wait_indirect_dma semaphore(%arg16 : memref<!tpu.dma_semaphore, #tpu.memory_space<semaphore_mem>>) src(%arg9 : memref<1000x32xf32, #tpu.memory_space<vmem>>) dst(%dma_wait3A_24 : memref<10112x32xf32, #tpu.memory_space<vmem_shared>>)
    %barrier3A_25 = arith.constant 0 : index
    tpu.barrier barrier_id(%barrier3A_25)
    %mul3A_26 = arith.constant 632 : i32
    %mul3A_27 = arith.muli %arg1, %mul3A_26 : i32
    %mul3A_28 = arith.constant 632 : i32
    %mul3A_29 = arith.muli %arg1, %mul3A_28 : i32
    "tpu.region"() ({
      %run_scoped3A = tpu.sem_alloc : memref<!tpu.dma_semaphore, #tpu.memory_space<semaphore_mem>>
      %dma_start3A = arith.constant 0 : i32
      %dma_start3A_30 = tpu.memref_slice %arg5[%arg0, %mul3A_29, %dma_start3A] : memref<2x10112x32xf32, #tpu.memory_space<hbm>> -> memref<1x632x32xf32, #tpu.memory_space<hbm>>
      %dma_start3A_31 = tpu.memref_squeeze %dma_start3A_30 : memref<1x632x32xf32, #tpu.memory_space<hbm>> -> memref<632x32xf32, #tpu.memory_space<hbm>>
      %dma_start3A_32 = arith.constant 0 : i32
      %dma_start3A_33 = tpu.memref_slice %arg10[%mul3A_27, %dma_start3A_32] : memref<10112x32xf32, #tpu.memory_space<vmem_shared>> -> memref<632x32xf32, #tpu.memory_space<vmem_shared>>
      tpu.enqueue_dma source(%dma_start3A_33 : memref<632x32xf32, #tpu.memory_space<vmem_shared>>) target(%dma_start3A_31 : memref<632x32xf32, #tpu.memory_space<hbm>>) target_semaphore(%run_scoped3A : memref<!tpu.dma_semaphore, #tpu.memory_space<semaphore_mem>>)
      %dma_wait3A_34 = arith.constant 0 : i32
      %dma_wait3A_35 = tpu.memref_slice %arg5[%arg0, %mul3A_29, %dma_wait3A_34] : memref<2x10112x32xf32, #tpu.memory_space<hbm>> -> memref<1x632x32xf32, #tpu.memory_space<hbm>>
      %dma_wait3A_36 = tpu.memref_squeeze %dma_wait3A_35 : memref<1x632x32xf32, #tpu.memory_space<hbm>> -> memref<632x32xf32, #tpu.memory_space<hbm>>
      %dma_wait3A_37 = arith.constant 0 : i32
      %dma_wait3A_38 = tpu.memref_slice %arg10[%mul3A_27, %dma_wait3A_37] : memref<10112x32xf32, #tpu.memory_space<vmem_shared>> -> memref<632x32xf32, #tpu.memory_space<vmem_shared>>
      tpu.wait_dma2 semaphore(%run_scoped3A : memref<!tpu.dma_semaphore, #tpu.memory_space<semaphore_mem>>) src(%dma_wait3A_38 : memref<632x32xf32, #tpu.memory_space<vmem_shared>>) dst(%dma_wait3A_36 : memref<632x32xf32, #tpu.memory_space<hbm>>)
      tpu.yield
    }) : () -> ()
    return
  }
}

module attributes {stable_mosaic.version = 14 : i64} {
  func.func @_pre_tc(%arg0: i32, %arg1: memref<2000x128xf32, #tpu.memory_space<vmem>>, %arg2: memref<2x2000x8xf32, #tpu.memory_space<vmem>>, %arg3: memref<128x128xf32, #tpu.memory_space<vmem>>, %arg4: memref<2000x64xf32, #tpu.memory_space<vmem>>, %arg5: memref<2000x64xf32, #tpu.memory_space<vmem>>, %arg6: memref<2000x1xf32, #tpu.memory_space<vmem>>) attributes {dimension_semantics = [#tpu.dimension_semantics<arbitrary>], iteration_bounds = array<i64: 5>, scalar_prefetch = 0 : i64, scratch_operands = 0 : i64, tpu.core_type = #tpu.core_type<tc>, window_params = [{transform_indices = @transform_0, window_bounds = array<i64: 2000, 128>}, {transform_indices = @transform_1, window_bounds = array<i64: 2, 2000, 8>}, {pipeline_mode = #tpu.pipeline_mode<synchronous>, transform_indices = @transform_2, window_bounds = array<i64: 128, 128>}, {transform_indices = @transform_3, window_bounds = array<i64: 2000, 64>}, {transform_indices = @transform_4, window_bounds = array<i64: 2000, 64>}, {transform_indices = @transform_5, window_bounds = array<i64: 2000, 1>}]} {
    %get3A = arith.constant 0 : index
    %get3A_0 = arith.constant 0 : index
    %get3A_1 = arith.constant 0 : index
    %get3A_2 = vector.load %arg2[%get3A, %get3A_0, %get3A_1] : memref<2x2000x8xf32, #tpu.memory_space<vmem>>, vector<2x2000x8xf32>
    %reduce_sum3A = arith.constant dense<0.000000e+00> : vector<2000xf32>
    %reduce_sum3A_3 = vector.multi_reduction <add>, %get3A_2, %reduce_sum3A [0, 2] : vector<2x2000x8xf32> to vector<2000xf32>
    %mul3A = arith.constant 1.250000e-01 : f32
    %mul3A_4 = vector.broadcast %mul3A : f32 to vector<2000xf32>
    %mul3A_5 = arith.mulf %reduce_sum3A_3, %mul3A_4 : vector<2000xf32>
    %add3A = arith.constant 1.000000e+00 : f32
    %add3A_6 = vector.broadcast %add3A : f32 to vector<2000xf32>
    %add3A_7 = arith.addf %mul3A_5, %add3A_6 : vector<2000xf32>
    %sqrt3A = math.sqrt %add3A_7 : vector<2000xf32>
    %div3A = arith.constant 1.000000e+00 : f32
    %div3A_8 = vector.broadcast %div3A : f32 to vector<2000xf32>
    %div3A_9 = arith.divf %div3A_8, %sqrt3A : vector<2000xf32>
    %broadcast_in_dim3A = vector.shape_cast %div3A_9 : vector<2000xf32> to vector<2000x1xf32>
    %swap3A = arith.constant 0 : index
    %swap3A_10 = arith.constant 0 : index
    %swap3A_11 = vector.load %arg6[%swap3A, %swap3A_10] : memref<2000x1xf32, #tpu.memory_space<vmem>>, vector<2000x1xf32>
    tpu.vector_store %arg6[%swap3A, %swap3A_10], %broadcast_in_dim3A {strides = array<i32>} : memref<2000x1xf32, #tpu.memory_space<vmem>>, vector<2000x1xf32>,
    %get3A_12 = arith.constant 0 : index
    %get3A_13 = arith.constant 0 : index
    %get3A_14 = vector.load %arg1[%get3A_12, %get3A_13] : memref<2000x128xf32, #tpu.memory_space<vmem>>, vector<2000x128xf32>
    %get3A_15 = arith.constant 0 : index
    %get3A_16 = arith.constant 0 : index
    %get3A_17 = vector.load %arg3[%get3A_15, %get3A_16] : memref<128x128xf32, #tpu.memory_space<vmem>>, vector<128x128xf32>
    %dot_general3A = arith.constant dense<0.000000e+00> : vector<2000x128xf32>
    %dot_general3A_18 = tpu.matmul %get3A_14, %get3A_17, %dot_general3A {dimension_numbers = #tpu.dot_dimension_numbers<[1], [0], [0], [1], [0, 0, 1, 1], [], []>, transpose_lhs_hint = false} : vector<2000x128xf32>, vector<128x128xf32>, vector<2000x128xf32> -> vector<2000x128xf32>
    %mul3A_19 = vector.broadcast %broadcast_in_dim3A : vector<2000x1xf32> to vector<2000x128xf32>
    %mul3A_20 = arith.mulf %dot_general3A_18, %mul3A_19 : vector<2000x128xf32>
    %slice3A = vector.extract_strided_slice %mul3A_20 {offsets = [0, 0], sizes = [2000, 64], strides = [1, 1]} : vector<2000x128xf32> to vector<2000x64xf32>
    %swap3A_21 = arith.constant 0 : index
    %swap3A_22 = arith.constant 0 : index
    %swap3A_23 = vector.load %arg4[%swap3A_21, %swap3A_22] : memref<2000x64xf32, #tpu.memory_space<vmem>>, vector<2000x64xf32>
    tpu.vector_store %arg4[%swap3A_21, %swap3A_22], %slice3A {strides = array<i32>} : memref<2000x64xf32, #tpu.memory_space<vmem>>, vector<2000x64xf32>,
    %slice3A_24 = vector.extract_strided_slice %mul3A_20 {offsets = [0, 64], sizes = [2000, 64], strides = [1, 1]} : vector<2000x128xf32> to vector<2000x64xf32>
    %swap3A_25 = arith.constant 0 : index
    %swap3A_26 = arith.constant 0 : index
    %swap3A_27 = vector.load %arg5[%swap3A_25, %swap3A_26] : memref<2000x64xf32, #tpu.memory_space<vmem>>, vector<2000x64xf32>
    tpu.vector_store %arg5[%swap3A_25, %swap3A_26], %slice3A_24 {strides = array<i32>} : memref<2000x64xf32, #tpu.memory_space<vmem>>, vector<2000x64xf32>,
    return
  }
  func.func @transform_0(%arg0: i32) -> (i32, i32) {
    %c0_i32 = arith.constant 0 : i32
    %c0_i32_0 = arith.constant 0 : i32
    return %arg0, %c0_i32 : i32, i32
  }
  func.func @transform_1(%arg0: i32) -> (i32, i32, i32) {
    %c0_i32 = arith.constant 0 : i32
    %c0_i32_0 = arith.constant 0 : i32
    %c0_i32_1 = arith.constant 0 : i32
    return %c0_i32, %arg0, %c0_i32_0 : i32, i32, i32
  }
  func.func @transform_2(%arg0: i32) -> (i32, i32) {
    %c0_i32 = arith.constant 0 : i32
    %c0_i32_0 = arith.constant 0 : i32
    %c0_i32_1 = arith.constant 0 : i32
    return %c0_i32, %c0_i32_0 : i32, i32
  }
  func.func @transform_3(%arg0: i32) -> (i32, i32) {
    %c0_i32 = arith.constant 0 : i32
    %c0_i32_0 = arith.constant 0 : i32
    return %arg0, %c0_i32 : i32, i32
  }
  func.func @transform_4(%arg0: i32) -> (i32, i32) {
    %c0_i32 = arith.constant 0 : i32
    %c0_i32_0 = arith.constant 0 : i32
    return %arg0, %c0_i32 : i32, i32
  }
  func.func @transform_5(%arg0: i32) -> (i32, i32) {
    %c0_i32 = arith.constant 0 : i32
    %c0_i32_0 = arith.constant 0 : i32
    return %arg0, %c0_i32 : i32, i32
  }
}

module attributes {stable_mosaic.version = 14 : i64} {
  func.func @_mid1_tc(%arg0: i32, %arg1: memref<2x2000x64xf32, #tpu.memory_space<vmem>>, %arg2: memref<2x2000x64xf32, #tpu.memory_space<vmem>>, %arg3: memref<2000x64xf32, #tpu.memory_space<vmem>>, %arg4: memref<2000x64xf32, #tpu.memory_space<vmem>>, %arg5: memref<2000x1xf32, #tpu.memory_space<vmem>>, %arg6: memref<1x64xf32, #tpu.memory_space<vmem>>, %arg7: memref<1x64xf32, #tpu.memory_space<vmem>>, %arg8: memref<64x64xf32, #tpu.memory_space<vmem>>, %arg9: memref<64x64xf32, #tpu.memory_space<vmem>>, %arg10: memref<2000x64xf32, #tpu.memory_space<vmem>>) attributes {dimension_semantics = [#tpu.dimension_semantics<arbitrary>], iteration_bounds = array<i64: 5>, scalar_prefetch = 0 : i64, scratch_operands = 0 : i64, tpu.core_type = #tpu.core_type<tc>, window_params = [{transform_indices = @transform_0, window_bounds = array<i64: 2, 2000, 64>}, {transform_indices = @transform_1, window_bounds = array<i64: 2, 2000, 64>}, {transform_indices = @transform_2, window_bounds = array<i64: 2000, 64>}, {transform_indices = @transform_3, window_bounds = array<i64: 2000, 64>}, {transform_indices = @transform_4, window_bounds = array<i64: 2000, 1>}, {pipeline_mode = #tpu.pipeline_mode<synchronous>, transform_indices = @transform_5, window_bounds = array<i64: 1, 64>}, {pipeline_mode = #tpu.pipeline_mode<synchronous>, transform_indices = @transform_6, window_bounds = array<i64: 1, 64>}, {pipeline_mode = #tpu.pipeline_mode<synchronous>, transform_indices = @transform_7, window_bounds = array<i64: 64, 64>}, {pipeline_mode = #tpu.pipeline_mode<synchronous>, transform_indices = @transform_8, window_bounds = array<i64: 64, 64>}, {transform_indices = @transform_9, window_bounds = array<i64: 2000, 64>}]} {
    %get3A = arith.constant 0 : index
    %get3A_0 = arith.constant 0 : index
    %get3A_1 = vector.load %arg5[%get3A, %get3A_0] : memref<2000x1xf32, #tpu.memory_space<vmem>>, vector<2000x1xf32>
    %get3A_2 = arith.constant 0 : index
    %get3A_3 = arith.constant 0 : index
    %get3A_4 = arith.constant 0 : index
    %get3A_5 = vector.load %arg1[%get3A_2, %get3A_3, %get3A_4] : memref<2x2000x64xf32, #tpu.memory_space<vmem>>, vector<1x2000x64xf32>
    %get3A_6 = vector.shape_cast %get3A_5 : vector<1x2000x64xf32> to vector<2000x64xf32>
    %get3A_7 = arith.constant 1 : index
    %get3A_8 = arith.constant 0 : index
    %get3A_9 = arith.constant 0 : index
    %get3A_10 = vector.load %arg1[%get3A_7, %get3A_8, %get3A_9] : memref<2x2000x64xf32, #tpu.memory_space<vmem>>, vector<1x2000x64xf32>
    %get3A_11 = vector.shape_cast %get3A_10 : vector<1x2000x64xf32> to vector<2000x64xf32>
    %add3A = arith.addf %get3A_6, %get3A_11 : vector<2000x64xf32>
    %get3A_12 = arith.constant 0 : index
    %get3A_13 = arith.constant 0 : index
    %get3A_14 = vector.load %arg3[%get3A_12, %get3A_13] : memref<2000x64xf32, #tpu.memory_space<vmem>>, vector<2000x64xf32>
    %add3A_15 = arith.addf %add3A, %get3A_14 : vector<2000x64xf32>
    %mul3A = vector.broadcast %get3A_1 : vector<2000x1xf32> to vector<2000x64xf32>
    %mul3A_16 = arith.mulf %add3A_15, %mul3A : vector<2000x64xf32>
    %get3A_17 = arith.constant 0 : index
    %get3A_18 = arith.constant 0 : index
    %get3A_19 = vector.load %arg6[%get3A_17, %get3A_18] : memref<1x64xf32, #tpu.memory_space<vmem>>, vector<1x64xf32>
    %add3A_20 = vector.broadcast %get3A_19 : vector<1x64xf32> to vector<2000x64xf32>
    %add3A_21 = arith.addf %mul3A_16, %add3A_20 : vector<2000x64xf32>
    %max3A = arith.constant 0.000000e+00 : f32
    %max3A_22 = vector.broadcast %max3A : f32 to vector<2000x64xf32>
    %max3A_23 = arith.maximumf %add3A_21, %max3A_22 : vector<2000x64xf32>
    %get3A_24 = arith.constant 0 : index
    %get3A_25 = arith.constant 0 : index
    %get3A_26 = arith.constant 0 : index
    %get3A_27 = vector.load %arg2[%get3A_24, %get3A_25, %get3A_26] : memref<2x2000x64xf32, #tpu.memory_space<vmem>>, vector<1x2000x64xf32>
    %get3A_28 = vector.shape_cast %get3A_27 : vector<1x2000x64xf32> to vector<2000x64xf32>
    %get3A_29 = arith.constant 1 : index
    %get3A_30 = arith.constant 0 : index
    %get3A_31 = arith.constant 0 : index
    %get3A_32 = vector.load %arg2[%get3A_29, %get3A_30, %get3A_31] : memref<2x2000x64xf32, #tpu.memory_space<vmem>>, vector<1x2000x64xf32>
    %get3A_33 = vector.shape_cast %get3A_32 : vector<1x2000x64xf32> to vector<2000x64xf32>
    %add3A_34 = arith.addf %get3A_28, %get3A_33 : vector<2000x64xf32>
    %get3A_35 = arith.constant 0 : index
    %get3A_36 = arith.constant 0 : index
    %get3A_37 = vector.load %arg4[%get3A_35, %get3A_36] : memref<2000x64xf32, #tpu.memory_space<vmem>>, vector<2000x64xf32>
    %add3A_38 = arith.addf %add3A_34, %get3A_37 : vector<2000x64xf32>
    %mul3A_39 = vector.broadcast %get3A_1 : vector<2000x1xf32> to vector<2000x64xf32>
    %mul3A_40 = arith.mulf %add3A_38, %mul3A_39 : vector<2000x64xf32>
    %get3A_41 = arith.constant 0 : index
    %get3A_42 = arith.constant 0 : index
    %get3A_43 = vector.load %arg7[%get3A_41, %get3A_42] : memref<1x64xf32, #tpu.memory_space<vmem>>, vector<1x64xf32>
    %add3A_44 = vector.broadcast %get3A_43 : vector<1x64xf32> to vector<2000x64xf32>
    %add3A_45 = arith.addf %mul3A_40, %add3A_44 : vector<2000x64xf32>
    %max3A_46 = arith.constant 0.000000e+00 : f32
    %max3A_47 = vector.broadcast %max3A_46 : f32 to vector<2000x64xf32>
    %max3A_48 = arith.maximumf %add3A_45, %max3A_47 : vector<2000x64xf32>
    %get3A_49 = arith.constant 0 : index
    %get3A_50 = arith.constant 0 : index
    %get3A_51 = vector.load %arg8[%get3A_49, %get3A_50] : memref<64x64xf32, #tpu.memory_space<vmem>>, vector<64x64xf32>
    %dot_general3A = arith.constant dense<0.000000e+00> : vector<2000x64xf32>
    %dot_general3A_52 = tpu.matmul %max3A_23, %get3A_51, %dot_general3A {dimension_numbers = #tpu.dot_dimension_numbers<[1], [0], [0], [1], [0, 0, 1, 1], [], []>, transpose_lhs_hint = false} : vector<2000x64xf32>, vector<64x64xf32>, vector<2000x64xf32> -> vector<2000x64xf32>
    %get3A_53 = arith.constant 0 : index
    %get3A_54 = arith.constant 0 : index
    %get3A_55 = vector.load %arg9[%get3A_53, %get3A_54] : memref<64x64xf32, #tpu.memory_space<vmem>>, vector<64x64xf32>
    %dot_general3A_56 = arith.constant dense<0.000000e+00> : vector<2000x64xf32>
    %dot_general3A_57 = tpu.matmul %max3A_48, %get3A_55, %dot_general3A_56 {dimension_numbers = #tpu.dot_dimension_numbers<[1], [0], [0], [1], [0, 0, 1, 1], [], []>, transpose_lhs_hint = false} : vector<2000x64xf32>, vector<64x64xf32>, vector<2000x64xf32> -> vector<2000x64xf32>
    %add3A_58 = arith.addf %dot_general3A_52, %dot_general3A_57 : vector<2000x64xf32>
    %mul3A_59 = vector.broadcast %get3A_1 : vector<2000x1xf32> to vector<2000x64xf32>
    %mul3A_60 = arith.mulf %add3A_58, %mul3A_59 : vector<2000x64xf32>
    %swap3A = arith.constant 0 : index
    %swap3A_61 = arith.constant 0 : index
    %swap3A_62 = vector.load %arg10[%swap3A, %swap3A_61] : memref<2000x64xf32, #tpu.memory_space<vmem>>, vector<2000x64xf32>
    tpu.vector_store %arg10[%swap3A, %swap3A_61], %mul3A_60 {strides = array<i32>} : memref<2000x64xf32, #tpu.memory_space<vmem>>, vector<2000x64xf32>,
    return
  }
  func.func @transform_0(%arg0: i32) -> (i32, i32, i32) {
    %c0_i32 = arith.constant 0 : i32
    %c0_i32_0 = arith.constant 0 : i32
    %c0_i32_1 = arith.constant 0 : i32
    return %c0_i32, %arg0, %c0_i32_0 : i32, i32, i32
  }
  func.func @transform_1(%arg0: i32) -> (i32, i32, i32) {
    %c0_i32 = arith.constant 0 : i32
    %c0_i32_0 = arith.constant 0 : i32
    %c0_i32_1 = arith.constant 0 : i32
    return %c0_i32, %arg0, %c0_i32_0 : i32, i32, i32
  }
  func.func @transform_2(%arg0: i32) -> (i32, i32) {
    %c0_i32 = arith.constant 0 : i32
    %c0_i32_0 = arith.constant 0 : i32
    return %arg0, %c0_i32 : i32, i32
  }
  func.func @transform_3(%arg0: i32) -> (i32, i32) {
    %c0_i32 = arith.constant 0 : i32
    %c0_i32_0 = arith.constant 0 : i32
    return %arg0, %c0_i32 : i32, i32
  }
  func.func @transform_4(%arg0: i32) -> (i32, i32) {
    %c0_i32 = arith.constant 0 : i32
    %c0_i32_0 = arith.constant 0 : i32
    return %arg0, %c0_i32 : i32, i32
  }
  func.func @transform_5(%arg0: i32) -> (i32, i32) {
    %c0_i32 = arith.constant 0 : i32
    %c0_i32_0 = arith.constant 0 : i32
    %c0_i32_1 = arith.constant 0 : i32
    return %c0_i32, %c0_i32_0 : i32, i32
  }
  func.func @transform_6(%arg0: i32) -> (i32, i32) {
    %c0_i32 = arith.constant 0 : i32
    %c0_i32_0 = arith.constant 0 : i32
    %c0_i32_1 = arith.constant 0 : i32
    return %c0_i32, %c0_i32_0 : i32, i32
  }
  func.func @transform_7(%arg0: i32) -> (i32, i32) {
    %c0_i32 = arith.constant 0 : i32
    %c0_i32_0 = arith.constant 0 : i32
    %c0_i32_1 = arith.constant 0 : i32
    return %c0_i32, %c0_i32_0 : i32, i32
  }
  func.func @transform_8(%arg0: i32) -> (i32, i32) {
    %c0_i32 = arith.constant 0 : i32
    %c0_i32_0 = arith.constant 0 : i32
    %c0_i32_1 = arith.constant 0 : i32
    return %c0_i32, %c0_i32_0 : i32, i32
  }
  func.func @transform_9(%arg0: i32) -> (i32, i32) {
    %c0_i32 = arith.constant 0 : i32
    %c0_i32_0 = arith.constant 0 : i32
    return %arg0, %c0_i32 : i32, i32
  }
}

module attributes {stable_mosaic.version = 14 : i64} {
  func.func @_mid_tc(%arg0: i32, %arg1: memref<2x2000x64xf32, #tpu.memory_space<vmem>>, %arg2: memref<2000x64xf32, #tpu.memory_space<vmem>>, %arg3: memref<2000x1xf32, #tpu.memory_space<vmem>>, %arg4: memref<1x64xf32, #tpu.memory_space<vmem>>, %arg5: memref<64x32xf32, #tpu.memory_space<vmem>>, %arg6: memref<2000x32xf32, #tpu.memory_space<vmem>>) attributes {dimension_semantics = [#tpu.dimension_semantics<arbitrary>], iteration_bounds = array<i64: 5>, scalar_prefetch = 0 : i64, scratch_operands = 0 : i64, tpu.core_type = #tpu.core_type<tc>, window_params = [{transform_indices = @transform_0, window_bounds = array<i64: 2, 2000, 64>}, {transform_indices = @transform_1, window_bounds = array<i64: 2000, 64>}, {transform_indices = @transform_2, window_bounds = array<i64: 2000, 1>}, {pipeline_mode = #tpu.pipeline_mode<synchronous>, transform_indices = @transform_3, window_bounds = array<i64: 1, 64>}, {pipeline_mode = #tpu.pipeline_mode<synchronous>, transform_indices = @transform_4, window_bounds = array<i64: 64, 32>}, {transform_indices = @transform_5, window_bounds = array<i64: 2000, 32>}]} {
    %get3A = arith.constant 0 : index
    %get3A_0 = arith.constant 0 : index
    %get3A_1 = vector.load %arg3[%get3A, %get3A_0] : memref<2000x1xf32, #tpu.memory_space<vmem>>, vector<2000x1xf32>
    %get3A_2 = arith.constant 0 : index
    %get3A_3 = arith.constant 0 : index
    %get3A_4 = arith.constant 0 : index
    %get3A_5 = vector.load %arg1[%get3A_2, %get3A_3, %get3A_4] : memref<2x2000x64xf32, #tpu.memory_space<vmem>>, vector<1x2000x64xf32>
    %get3A_6 = vector.shape_cast %get3A_5 : vector<1x2000x64xf32> to vector<2000x64xf32>
    %get3A_7 = arith.constant 1 : index
    %get3A_8 = arith.constant 0 : index
    %get3A_9 = arith.constant 0 : index
    %get3A_10 = vector.load %arg1[%get3A_7, %get3A_8, %get3A_9] : memref<2x2000x64xf32, #tpu.memory_space<vmem>>, vector<1x2000x64xf32>
    %get3A_11 = vector.shape_cast %get3A_10 : vector<1x2000x64xf32> to vector<2000x64xf32>
    %add3A = arith.addf %get3A_6, %get3A_11 : vector<2000x64xf32>
    %get3A_12 = arith.constant 0 : index
    %get3A_13 = arith.constant 0 : index
    %get3A_14 = vector.load %arg2[%get3A_12, %get3A_13] : memref<2000x64xf32, #tpu.memory_space<vmem>>, vector<2000x64xf32>
    %add3A_15 = arith.addf %add3A, %get3A_14 : vector<2000x64xf32>
    %mul3A = vector.broadcast %get3A_1 : vector<2000x1xf32> to vector<2000x64xf32>
    %mul3A_16 = arith.mulf %add3A_15, %mul3A : vector<2000x64xf32>
    %get3A_17 = arith.constant 0 : index
    %get3A_18 = arith.constant 0 : index
    %get3A_19 = vector.load %arg4[%get3A_17, %get3A_18] : memref<1x64xf32, #tpu.memory_space<vmem>>, vector<1x64xf32>
    %add3A_20 = vector.broadcast %get3A_19 : vector<1x64xf32> to vector<2000x64xf32>
    %add3A_21 = arith.addf %mul3A_16, %add3A_20 : vector<2000x64xf32>
    %max3A = arith.constant 0.000000e+00 : f32
    %max3A_22 = vector.broadcast %max3A : f32 to vector<2000x64xf32>
    %max3A_23 = arith.maximumf %add3A_21, %max3A_22 : vector<2000x64xf32>
    %get3A_24 = arith.constant 0 : index
    %get3A_25 = arith.constant 0 : index
    %get3A_26 = vector.load %arg5[%get3A_24, %get3A_25] : memref<64x32xf32, #tpu.memory_space<vmem>>, vector<64x32xf32>
    %dot_general3A = arith.constant dense<0.000000e+00> : vector<2000x32xf32>
    %dot_general3A_27 = tpu.matmul %max3A_23, %get3A_26, %dot_general3A {dimension_numbers = #tpu.dot_dimension_numbers<[1], [0], [0], [1], [0, 0, 1, 1], [], []>, transpose_lhs_hint = false} : vector<2000x64xf32>, vector<64x32xf32>, vector<2000x32xf32> -> vector<2000x32xf32>
    %mul3A_28 = vector.broadcast %get3A_1 : vector<2000x1xf32> to vector<2000x32xf32>
    %mul3A_29 = arith.mulf %dot_general3A_27, %mul3A_28 : vector<2000x32xf32>
    %swap3A = arith.constant 0 : index
    %swap3A_30 = arith.constant 0 : index
    %swap3A_31 = vector.load %arg6[%swap3A, %swap3A_30] : memref<2000x32xf32, #tpu.memory_space<vmem>>, vector<2000x32xf32>
    tpu.vector_store %arg6[%swap3A, %swap3A_30], %mul3A_29 {strides = array<i32>} : memref<2000x32xf32, #tpu.memory_space<vmem>>, vector<2000x32xf32>,
    return
  }
  func.func @transform_0(%arg0: i32) -> (i32, i32, i32) {
    %c0_i32 = arith.constant 0 : i32
    %c0_i32_0 = arith.constant 0 : i32
    %c0_i32_1 = arith.constant 0 : i32
    return %c0_i32, %arg0, %c0_i32_0 : i32, i32, i32
  }
  func.func @transform_1(%arg0: i32) -> (i32, i32) {
    %c0_i32 = arith.constant 0 : i32
    %c0_i32_0 = arith.constant 0 : i32
    return %arg0, %c0_i32 : i32, i32
  }
  func.func @transform_2(%arg0: i32) -> (i32, i32) {
    %c0_i32 = arith.constant 0 : i32
    %c0_i32_0 = arith.constant 0 : i32
    return %arg0, %c0_i32 : i32, i32
  }
  func.func @transform_3(%arg0: i32) -> (i32, i32) {
    %c0_i32 = arith.constant 0 : i32
    %c0_i32_0 = arith.constant 0 : i32
    %c0_i32_1 = arith.constant 0 : i32
    return %c0_i32, %c0_i32_0 : i32, i32
  }
  func.func @transform_4(%arg0: i32) -> (i32, i32) {
    %c0_i32 = arith.constant 0 : i32
    %c0_i32_0 = arith.constant 0 : i32
    %c0_i32_1 = arith.constant 0 : i32
    return %c0_i32, %c0_i32_0 : i32, i32
  }
  func.func @transform_5(%arg0: i32) -> (i32, i32) {
    %c0_i32 = arith.constant 0 : i32
    %c0_i32_0 = arith.constant 0 : i32
    return %arg0, %c0_i32 : i32, i32
  }
}

module attributes {stable_mosaic.version = 14 : i64} {
  func.func @_fin_tc(%arg0: i32, %arg1: memref<2x2000x32xf32, #tpu.memory_space<vmem>>, %arg2: memref<2000x32xf32, #tpu.memory_space<vmem>>, %arg3: memref<2000x1xf32, #tpu.memory_space<vmem>>, %arg4: memref<1x32xf32, #tpu.memory_space<vmem>>, %arg5: memref<32x1xf32, #tpu.memory_space<vmem>>, %arg6: memref<1x1xf32, #tpu.memory_space<vmem>>, %arg7: memref<2000x1xf32, #tpu.memory_space<vmem>>) attributes {dimension_semantics = [#tpu.dimension_semantics<arbitrary>], iteration_bounds = array<i64: 5>, scalar_prefetch = 0 : i64, scratch_operands = 0 : i64, tpu.core_type = #tpu.core_type<tc>, window_params = [{transform_indices = @transform_0, window_bounds = array<i64: 2, 2000, 32>}, {transform_indices = @transform_1, window_bounds = array<i64: 2000, 32>}, {transform_indices = @transform_2, window_bounds = array<i64: 2000, 1>}, {pipeline_mode = #tpu.pipeline_mode<synchronous>, transform_indices = @transform_3, window_bounds = array<i64: 1, 32>}, {pipeline_mode = #tpu.pipeline_mode<synchronous>, transform_indices = @transform_4, window_bounds = array<i64: 32, 1>}, {pipeline_mode = #tpu.pipeline_mode<synchronous>, transform_indices = @transform_5, window_bounds = array<i64: 1, 1>}, {transform_indices = @transform_6, window_bounds = array<i64: 2000, 1>}]} {
    %get3A = arith.constant 0 : index
    %get3A_0 = arith.constant 0 : index
    %get3A_1 = vector.load %arg3[%get3A, %get3A_0] : memref<2000x1xf32, #tpu.memory_space<vmem>>, vector<2000x1xf32>
    %get3A_2 = arith.constant 0 : index
    %get3A_3 = arith.constant 0 : index
    %get3A_4 = arith.constant 0 : index
    %get3A_5 = vector.load %arg1[%get3A_2, %get3A_3, %get3A_4] : memref<2x2000x32xf32, #tpu.memory_space<vmem>>, vector<1x2000x32xf32>
    %get3A_6 = vector.shape_cast %get3A_5 : vector<1x2000x32xf32> to vector<2000x32xf32>
    %get3A_7 = arith.constant 1 : index
    %get3A_8 = arith.constant 0 : index
    %get3A_9 = arith.constant 0 : index
    %get3A_10 = vector.load %arg1[%get3A_7, %get3A_8, %get3A_9] : memref<2x2000x32xf32, #tpu.memory_space<vmem>>, vector<1x2000x32xf32>
    %get3A_11 = vector.shape_cast %get3A_10 : vector<1x2000x32xf32> to vector<2000x32xf32>
    %add3A = arith.addf %get3A_6, %get3A_11 : vector<2000x32xf32>
    %get3A_12 = arith.constant 0 : index
    %get3A_13 = arith.constant 0 : index
    %get3A_14 = vector.load %arg2[%get3A_12, %get3A_13] : memref<2000x32xf32, #tpu.memory_space<vmem>>, vector<2000x32xf32>
    %add3A_15 = arith.addf %add3A, %get3A_14 : vector<2000x32xf32>
    %mul3A = vector.broadcast %get3A_1 : vector<2000x1xf32> to vector<2000x32xf32>
    %mul3A_16 = arith.mulf %add3A_15, %mul3A : vector<2000x32xf32>
    %get3A_17 = arith.constant 0 : index
    %get3A_18 = arith.constant 0 : index
    %get3A_19 = vector.load %arg4[%get3A_17, %get3A_18] : memref<1x32xf32, #tpu.memory_space<vmem>>, vector<1x32xf32>
    %add3A_20 = vector.broadcast %get3A_19 : vector<1x32xf32> to vector<2000x32xf32>
    %add3A_21 = arith.addf %mul3A_16, %add3A_20 : vector<2000x32xf32>
    %max3A = arith.constant 0.000000e+00 : f32
    %max3A_22 = vector.broadcast %max3A : f32 to vector<2000x32xf32>
    %max3A_23 = arith.maximumf %add3A_21, %max3A_22 : vector<2000x32xf32>
    %get3A_24 = arith.constant 0 : index
    %get3A_25 = arith.constant 0 : index
    %get3A_26 = vector.load %arg5[%get3A_24, %get3A_25] : memref<32x1xf32, #tpu.memory_space<vmem>>, vector<32x1xf32>
    %dot_general3A = arith.constant dense<0.000000e+00> : vector<2000x1xf32>
    %dot_general3A_27 = tpu.matmul %max3A_23, %get3A_26, %dot_general3A {dimension_numbers = #tpu.dot_dimension_numbers<[1], [0], [0], [1], [0, 0, 1, 1], [], []>, transpose_lhs_hint = false} : vector<2000x32xf32>, vector<32x1xf32>, vector<2000x1xf32> -> vector<2000x1xf32>
    %get3A_28 = arith.constant 0 : index
    %get3A_29 = arith.constant 0 : index
    %get3A_30 = vector.load %arg6[%get3A_28, %get3A_29] : memref<1x1xf32, #tpu.memory_space<vmem>>, vector<1x1xf32>
    %add3A_31 = vector.broadcast %get3A_30 : vector<1x1xf32> to vector<2000x1xf32>
    %add3A_32 = arith.addf %dot_general3A_27, %add3A_31 : vector<2000x1xf32>
    %swap3A = arith.constant 0 : index
    %swap3A_33 = arith.constant 0 : index
    %swap3A_34 = vector.load %arg7[%swap3A, %swap3A_33] : memref<2000x1xf32, #tpu.memory_space<vmem>>, vector<2000x1xf32>
    tpu.vector_store %arg7[%swap3A, %swap3A_33], %add3A_32 {strides = array<i32>} : memref<2000x1xf32, #tpu.memory_space<vmem>>, vector<2000x1xf32>,
    return
  }
  func.func @transform_0(%arg0: i32) -> (i32, i32, i32) {
    %c0_i32 = arith.constant 0 : i32
    %c0_i32_0 = arith.constant 0 : i32
    %c0_i32_1 = arith.constant 0 : i32
    return %c0_i32, %arg0, %c0_i32_0 : i32, i32, i32
  }
  func.func @transform_1(%arg0: i32) -> (i32, i32) {
    %c0_i32 = arith.constant 0 : i32
    %c0_i32_0 = arith.constant 0 : i32
    return %arg0, %c0_i32 : i32, i32
  }
  func.func @transform_2(%arg0: i32) -> (i32, i32) {
    %c0_i32 = arith.constant 0 : i32
    %c0_i32_0 = arith.constant 0 : i32
    return %arg0, %c0_i32 : i32, i32
  }
  func.func @transform_3(%arg0: i32) -> (i32, i32) {
    %c0_i32 = arith.constant 0 : i32
    %c0_i32_0 = arith.constant 0 : i32
    %c0_i32_1 = arith.constant 0 : i32
    return %c0_i32, %c0_i32_0 : i32, i32
  }
  func.func @transform_4(%arg0: i32) -> (i32, i32) {
    %c0_i32 = arith.constant 0 : i32
    %c0_i32_0 = arith.constant 0 : i32
    %c0_i32_1 = arith.constant 0 : i32
    return %c0_i32, %c0_i32_0 : i32, i32
  }
  func.func @transform_5(%arg0: i32) -> (i32, i32) {
    %c0_i32 = arith.constant 0 : i32
    %c0_i32_0 = arith.constant 0 : i32
    %c0_i32_1 = arith.constant 0 : i32
    return %c0_i32, %c0_i32_0 : i32, i32
  }
  func.func @transform_6(%arg0: i32) -> (i32, i32) {
    %c0_i32 = arith.constant 0 : i32
    %c0_i32_0 = arith.constant 0 : i32
    return %arg0, %c0_i32 : i32, i32
  }
}

</mosaic_0001>

<sc_bundles>
// kernel: kernel.11.cloned.1.call-start
scs
__scs_entry_jumppad:
0x0: {  	(pc) =	sbr.rel $0x88, $3  }
0x1: {  	(tag) =	ssettag $0x0;
	lr =	simm.s32 $0x1  }
0x2: {  	[smem:$0x3F97] =	sst lr;
	_ =	strace $0xD0000000  }
0x3: {  	_ = 	snop  }
0x4: {  	_ = 	snop  }
0x5: {  	_ = 	snop  }
0x6: {  	_ = 	snop  }
0x7: {  	_ = 	snop  }
__scs_overlays_trampoline_lowered:
0x8: {  	[smem:$0x3FA6] =	sst s0  }
0x9: {  	[smem:$0x3FA7] =	sst s1  }
0xa: {  	[smem:$0x3FA8] =	sst s2  }
0xb: {  	[smem:$0x3FA9] =	sst s3  }
0xc: {  	[smem:$0x3FAA] =	sst s4  }
0xd: {  	[smem:$0x3FAB] =	sst s5  }
0xe: {  	[smem:$0x3FAC] =	sst s6  }
0xf: {  	[smem:$0x3FAD] =	sst s7  }
0x10: {  	[smem:$0x3FAE] =	sst s8  }
0x11: {  	[smem:$0x3FAF] =	sst s9;
	s0 =	simm.s32 @!p0 $0x0  }
0x12: {  	s1 =	sld [smem:$0x3F95];
	s0 =	simm.s32 @p0 $0x1  }
0x13: {  	[smem:$0x3FB0] =	sst s0;
	s0 =	simm.s32 @!p1 $0x0  }
0x14: {  	s2 =	sld [smem:$0x3F94];
	s0 =	simm.s32 @p1 $0x1  }
0x15: {  	[smem:$0x3FB1] =	sst s0;
	s0 =	simm.s32 @!p2 $0x0  }
0x16: {  	s3 =	sld [smem:$0x3FDB];
	s0 =	simm.s32 @p2 $0x1  }
0x17: {  	s4 =	simm.s32 $0x1BF5;
	[smem:$0x3FB3] =	sst s0  }
0x18: {  	s0 =	sld [smem:$0x3F96];
	_ =	swait.ge [sflag:s4], $0x0  }
0x19: {  	s7 =	sld [smem:$0x3F97]  }
0x1a: {  	s8 =	sadd.s32 $0xFFFFE003, lr  }
0x1b: {  	s9 =	sadd.s32 $0xFFFFFEF7, lr;
	s5 =	simm.s32 $0xFFFFFFFF;
	p2 =	slt.u32 s8, $0xFFFFF086  }
0x1c: {  	p1 =	slt.u32 s9, $0xF7A;
	s5 =	simm.s32 @!p2 $0x0  }
0x1d: {  	s5 =	simm.s32 @p1 $0x1;
	p0 =	seq.s32 s7, s2  }
0x1e: {  	s7 =	smul.u32 @!p0 $0xF7A, s2;
	p2 =	seq.s32 @!p0 s5, $0x0  }
0x1f: {  	s9 =	smul.u32 $0xF7A, s1;
	s8 =	simm.s32 @!p0 $0x1BF5;
	p2 =	por !p2, p0  }
0x20: {  	[sflag:s8] =	ssyncset.s32 @!p0 $0xFFFFF086;
	s6 =	sadd.s32 @!p0 s3, s7;
	s7 =	simm.s32 @!p0 $0x108  }
0x21: {  	s3 =	sadd.s32 s3, s9;
	s6 =	sadd.s32 @!p0 $0x88, s6;
	s7 =	simm.s32 @p2 $0x1082  }
0x22: {  	[simem:s7], [sflag:s8] =	dma.local @!p0 [hbm:s6], $0xF7A  }
0x23: {  	s9 =	sor.u32 $0xD0000000, s2;
	s6 =	simm.s32 $0x108;
	_ =	swait.ge @!p0 [sflag:s8], $0x0  }
0x24: {  	s3 =	sadd.s32 $0x88, s3;
	s6 =	simm.s32 @!p1 $0x1082;
	[sflag:s4] =	ssyncset.s32 $0xFFFFF086  }
0x25: {  	[simem:s6], [sflag:s4] =	dma.local [hbm:s3], $0xF7A  }
0x26: {  	[smem:$0x3F97] =	sst s1;
	(tag) =	ssettag s2;
	_ =	strace s9  }
0x27: {  	s1 =	sld [smem:$0x3FA7]  }
0x28: {  	s2 =	sld [smem:$0x3FA8]  }
0x29: {  	s4 =	sld [smem:$0x3FAA]  }
0x2a: {  	p0 =	seq.s32 s5, $0x0;
	s5 =	sld [smem:$0x3FAB]  }
0x2b: {  	s6 =	sld [smem:$0x3FAC]  }
0x2c: {  	s7 =	sld [smem:$0x3FAD]  }
0x2d: {  	s3 =	simm.s32 $0x108;
	s8 =	sld [smem:$0x3FAE]  }
0x2e: {  	s3 =	simm.s32 @!p0 $0x1082;
	s9 =	sld [smem:$0x3FAF]  }
0x2f: {  	lr =	sadd.s32 s0, s3;
	s0 =	sld [smem:$0x3FA6]  }
0x30: {  	s3 =	sld [smem:$0x3FA9]  }
0x31: {  	[smem:$0x3FB2] =	sst s10  }
0x32: {  	s10 =	sld [smem:$0x3FB0];
	_ =	sdelay $0x3  }
0x33: {  	p0 =	seq.s32 s10, $0x1;
	s10 =	sld [smem:$0x3FB2];
	_ =	sdelay $0x3  }
0x34: {  	[smem:$0x3FB2] =	sst s10  }
0x35: {  	s10 =	sld [smem:$0x3FB1];
	_ =	sdelay $0x3  }
0x36: {  	p1 =	seq.s32 s10, $0x1;
	s10 =	sld [smem:$0x3FB2];
	_ =	sdelay $0x3  }
0x37: {  	[smem:$0x3FB2] =	sst s10  }
0x38: {  	s10 =	sld [smem:$0x3FB3]  }
0x39: {  	_ = 	snop;
	(pc) =	sbr.ind lr, $3  }
0x3a: {  	_ = 	snop  }
0x3b: {  	_ = 	snop  }
0x3c: {  	p2 =	seq.s32 s10, $0x1;
	s10 =	sld [smem:$0x3FB2]  }
0x3d: {  	_ =	shalt  }
0x3e: {  	_ =	shalt  }
0x3f: {  	_ =	shalt  }
0x40: {  	_ =	shalt  }
0x41: {  	_ =	shalt  }
0x42: {  	_ =	shalt  }
0x43: {  	_ =	shalt  }
0x44: {  	_ =	shalt  }
0x45: {  	_ =	shalt  }
0x46: {  	_ =	shalt  }
0x47: {  	_ =	shalt  }
0x48: {  	_ =	shalt  }
0x49: {  	_ =	shalt  }
0x4a: {  	_ =	shalt  }
0x4b: {  	_ =	shalt  }
0x4c: {  	_ =	shalt  }
0x4d: {  	_ =	shalt  }
0x4e: {  	_ =	shalt  }
0x4f: {  	_ =	shalt  }
0x50: {  	_ =	shalt  }
0x51: {  	_ =	shalt  }
0x52: {  	_ =	shalt  }
0x53: {  	_ =	shalt  }
0x54: {  	_ =	shalt  }
0x55: {  	_ =	shalt  }
0x56: {  	_ =	shalt  }
0x57: {  	_ =	shalt  }
0x58: {  	_ =	shalt  }
0x59: {  	_ =	shalt  }
0x5a: {  	_ =	shalt  }
0x5b: {  	_ =	shalt  }
0x5c: {  	_ =	shalt  }
0x5d: {  	_ =	shalt  }
0x5e: {  	_ =	shalt  }
0x5f: {  	_ =	shalt  }
0x60: {  	_ =	shalt  }
0x61: {  	_ =	shalt  }
0x62: {  	_ =	shalt  }
0x63: {  	_ =	shalt  }
0x64: {  	_ =	shalt  }
0x65: {  	_ =	shalt  }
0x66: {  	_ =	shalt  }
0x67: {  	_ =	shalt  }
0x68: {  	_ =	shalt  }
0x69: {  	_ =	shalt  }
0x6a: {  	_ =	shalt  }
0x6b: {  	_ =	shalt  }
0x6c: {  	_ =	shalt  }
0x6d: {  	_ =	shalt  }
0x6e: {  	_ =	shalt  }
0x6f: {  	_ =	shalt  }
0x70: {  	_ =	shalt  }
0x71: {  	_ =	shalt  }
0x72: {  	_ =	shalt  }
0x73: {  	_ =	shalt  }
0x74: {  	_ =	shalt  }
0x75: {  	_ =	shalt  }
0x76: {  	_ =	shalt  }
0x77: {  	_ =	shalt  }
0x78: {  	_ =	shalt  }
0x79: {  	_ =	shalt  }
0x7a: {  	_ =	shalt  }
0x7b: {  	_ =	shalt  }
0x7c: {  	_ =	shalt  }
0x7d: {  	_ =	shalt  }
0x7e: {  	_ =	shalt  }
0x7f: {  	_ =	shalt  }
0x80: {  	_ =	shalt  }
0x81: {  	_ =	shalt  }
0x82: {  	_ =	shalt  }
0x83: {  	_ =	shalt  }
0x84: {  	_ =	shalt  }
0x85: {  	_ =	shalt  }
0x86: {  	_ =	shalt  }
0x87: {  	_ =	shalt  }
.Lfunc_end0:
.L_simem_size_0:
called_computation_lowered:
.L_overlay_start_0:
0x88: {  	s2 =	sld [smem:$0x3FD9]  }
0x89: {  	s3 =	sld [smem:$0x3FFE];
	_ =	sdelay $0x1  }
0x8a: {  	s1 =	srdreg.scid  }
0x8b: {  	s0 =	sand.u32 $0x1, s1  }
0x8c: {  	s17 =	sshll.u32 s0, $0xA;
	s2 =	sadd.s32 s3, s2  }
0x8d: {  	s2 =	sadd.s32 s2, s17  }
0x8e: {  	[smem:$0x3FBE] =	sst s2  }
0x8f: {  	_ = 	snop  }
0x90: {  	s2 =	sld [smem:$0x3FD0];
	(tm) =	ssettm $0x1  }
0x91: {  	s18 =	sld [smem:$0x3FFB];
	_ =	sdelay $0x3  }
0x92: {  	_ =	strace s18  }
0x93: {  	s3 =	sld [smem:$0x3FFC];
	_ =	sdelay $0x3  }
0x94: {  	_ =	strace s3  }
0x95: {  	s3 =	sld [smem:$0x3FFD];
	_ =	sdelay $0x3  }
0x96: {  	_ =	strace s3  }
0x97: {  	_ =	strace $0x8FFFFFFF  }
0x98: {  	s19 =	sld [smem:$0x3FDB];
	_ =	sdelay $0x1  }
0x99: {  	s4 =	simm.s32 $_scs_section_size  }
0x9a: {  	s5 =	simm.s32 $_size__tile_overlayer_lowered;
	s6 =	simm.s32 $_tile_overlayer_lowered  }
0x9b: {  	s22 =	simm.s32 $0x1BFF;
	s21 =	sshll.u32 s6, $0x1;
	s3 =	sadd.s32 s4, s19  }
0x9c: {  	s7 =	simm.s32 $0x0;
	s20 =	sshll.u32 s5, $0x1;
	s5 =	sadd.s32 s21, s3  }
0x9d: {  	[timem:s7], [sflag:s22] =	dma.local [hbm:s5], s20  }
0x9e: {  	_ =	swait.ge [sflag:s22], s20  }
0x9f: {  	s4 =	ssub.s32 $0x0, s20;
	[sflag:s22] =	ssyncset.done $0x0  }
0xa0: {  	[sflag:s22] =	ssyncadd.s32 s4;
	_ =	sdelay $0x1  }
0xa1: {  	s23 =	simm.s32 $0x1B8B  }
0xa2: {  	_ =	swait.ge [sflag:s23], $0x1  }
0xa3: {  	[sflag:s23] =	ssyncset.done $0x0  }
0xa4: {  	s25 =	simm.s32 $0x1B8E;
	s24 =	sld [smem:$0x3FFE];
	[sflag:s23] =	ssyncadd.s32 $0xFFFFFFFF  }
0xa5: {  	s26 =	simm.s32 $execute0_lowered;
	[smem:$0x3FD2] =	sst s25  }
0xa6: {  	s5 =	sshll.u32 s26, $0x1;
	_ =	strace $0x80000046;
	[dreg:$0x1] =	wrdreg $0xFFFFFFFF  }
0xa7: {  	s28 =	simm.s32 $_size_execute0_lowered;
	s3 =	sadd.s32 s3, s5;
	[dreg:$0x0] =	wrdreg $0x0  }
0xa8: {  	s5 =	sshll.u32 s28, $0x1;
	[dreg:$0x2] =	wrdreg s3  }
0xa9: {  	[dreg:$0x3] =	wrdreg s5  }
0xaa: {  	[dreg:$0x4] =	wrdreg $0xC0  }
0xab: {  	_ =	task [dreg:s7], $0x5FFFF  }
0xac: {  	[dreg:$0x1] =	wrdreg $0xFFFFFFFF  }
0xad: {  	[dreg:$0x0] =	wrdreg $0x60  }
0xae: {  	[dreg:$0x2] =	wrdreg s24  }
0xaf: {  	[dreg:$0x3] =	wrdreg s2  }
0xb0: {  	[dreg:$0x4] =	wrdreg $0x27100  }
0xb1: {  	[dreg:$0x5] =	wrdreg $0x9  }
0xb2: {  	_ =	task.clear_ibuf [dreg:s7], $0x6FFFF;
	_ =	strace $0x90000046  }
0xb3: {  	s29 =	simm.s32 $0x9;
	_ =	strace $0x80000048  }
0xb4: {  	_ =	swait.ge [sflag:s29], $0x1  }
0xb5: {  	[sflag:s29] =	ssyncadd.s32 $0xFFFFFFFF  }
0xb6: {  	_ =	strace $0x90000048  }
0xb7: {  	_ =	sfence  }
0xb8: {  	s30 =	sld [smem:$0x0];
	_ =	sdelay $0x2  }
0xb9: {  	s31 =	sshll.u32 s1, $0xD;
	s1 =	sshrl.u32 s1, $0x2  }
0xba: {  	s3 =	sand.u32 $0x4000, s31;
	s1 =	sadd.s32 s1, s30  }
0xbb: {  	s0 =	sor.u32 s3, s0;
	s1 =	sshll.u32 s1, $0x11  }
0xbc: {  	s0 =	sor.u32 s1, s0  }
0xbd: {  	s0 =	sadd.s32 $0x8F2B, s0  }
0xbe: {  	[sflag:s0] =	ssyncadd.remote.s32 $0x1  }
0xbf: {  	_ =	sfence.sel $0xFFFF  }
0xc0: {  	[dreg:$0x0] =	wrdreg $0xFFFFFFFF;
	(pc) =	sbr.abs _section_cstart, $3  }
0xc1: {  	[dreg:$0x1] =	wrdreg $0xFFFFFFFF  }
0xc2: {  	_ =	task.clear_ibuf [dreg:s7], $0x2FFFF;
	_ =	strace $0x9FFFFFFF  }
0xc3: {  	(tm) =	ssettm $0x7FFFFFFF  }
tec
execute0_lowered:
.L_overlay_start_1:
0x0: {  	(tag) =	ssettag $0x1  }
0x1: {  	s24 =	rddreg [dreg:$0x0]  }
0x2: {  	s2 =	rddreg [dreg:$0x1]  }
0x3: {  	s3 =	rddreg [dreg:$0x2]  }
0x4: {  	s0 =	stileid.u32;
	s1 =	rddreg [dreg:$0x3]  }
0x5: {  	s4 =	simm.s32 $0x0;
	s6 =	srdreg.scid;
	s25 =	smul.u32 $0x13C0, s0  }
0x6: {  	[smem:$0x7FF] =	sst s4;
	s26 =	sand.u32 $0x1, s6  }
0x7: {  	s28 =	sshll.u32 s0, $0x6;
	_ =	strace $0x80000047;
	s5 =	sshrl.u32 s25, $0x3  }
0x8: {  	s6 =	sor.u32 $0x1C03, s28;
	s7 =	sadd.s32 s25, s3;
	s5 =	sadd.s32 s5, s24  }
0x9: {  	s8 =	sshrl.u32 s7, $0x3;
	s7 =	simm.s32 $0x3;
	s5 =	sadd.s32 $0x16A00, s5  }
0xa: {  	[spmem:s8], [sflag:s6] =	dma.local [hbm:s5], $0x278  }
0xb: {  	s9 =	sshll.u32 s26, $0x4;
	_ =	swait.ge [sflag:s7], $0x278  }
0xc: {  	s9 =	sor.u32 s0, s9;
	[sflag:s7] =	ssyncset.done $0x0  }
0xd: {  	s28 =	smul.u32 $0x2710, s9;
	[sflag:s7] =	ssyncadd.s32 $0xFFFFFD88  }
0xe: {  	[tilespmem:s4], [sflag:$0x3] =	stream.linear.gather [hbm4b:s2+s4], $0x1F40, $0x38;
	[tilespmem:$0x3AD0] =	vst v63  }
0xf: {  	_ =	swait.ge [sflag:s7], $0x1F40  }
0x10: {  	s23 =	sadd.s32 $0x3000, s24;
	s9 =	sshrl.u32 s28, $0x3;
	[sflag:s7] =	ssyncset.done $0x0  }
0x11: {  	s22 =	sadd.s32 s23, s9;
	[sflag:s7] =	ssyncadd.s32 $0xFFFFE0C0  }
0x12: {  	s10 =	simm.s32 $0x1F40;
	s9 =	sadd.s32 $0x9C40, s22;
	[bflag:$0x0] =	sbarrier.arrive $0xFFFF  }
0x13: {  	[tilespmem:s10], [sflag:$0x3] =	stream.linear.gather [hbm4b:s9+s4], $0x3E8, $0x38;
	[tilespmem:$0x3AD0] =	vst v63  }
0x14: {  	_ =	swait.ge [sflag:s7], $0x3E8  }
0x15: {  	s11 =	sadd.s32 $0x4E5E8, s28;
	[sflag:s7] =	ssyncset.done $0x0  }
0x16: {  	s12 =	sshrl.u32 s11, $0x3;
	s11 =	simm.s32 $0x3E8;
	[sflag:s7] =	ssyncadd.s32 $0xFFFFFC18  }
0x17: {  	[spmem:s3] =	stream.indirect.scatter.add.f32 [tilespmem:s4], [sflag:$0x1], $0x8, s10, s11, $0xb8;
	[tilespmem:$0x3AD0] =	vst v63  }
0x18: {  	s13 =	simm.s32 $0x2328;
	s12 =	sadd.s32 s23, s12  }
0x19: {  	[tilespmem:s13], [sflag:$0x3] =	stream.linear.gather [hbm4b:s12+s4], $0x3E8, $0x38;
	[tilespmem:$0x3AD0] =	vst v63  }
0x1a: {  	_ =	swait.ge [sflag:s7], $0x3E8  }
0x1b: {  	[sflag:s7] =	ssyncset.done $0x0  }
0x1c: {  	s14 =	simm.s32 $0x1;
	[sflag:s7] =	ssyncadd.s32 $0xFFFFFC18  }
0x1d: {  	[spmem:s3] =	stream.indirect.scatter.add.f32 [tilespmem:s4], [sflag:$0x2], $0x8, s13, s11, $0xb8;
	[tilespmem:$0x3AD0] =	vst v63  }
0x1e: {  	_ =	swait.ge [sflag:s14], $0x1F40  }
0x1f: {  	[sflag:s14] =	ssyncset.done $0x0  }
0x20: {  	s15 =	simm.s32 $0x2;
	[sflag:s14] =	ssyncadd.s32 $0xFFFFE0C0  }
0x21: {  	_ =	swait.ge [sflag:s15], $0x1F40  }
0x22: {  	[sflag:s15] =	ssyncset.done $0x0  }
0x23: {  	s16 =	sadd.s32 $0x9D3A, s22;
	[sflag:s15] =	ssyncadd.s32 $0xFFFFE0C0  }
0x24: {  	[tilespmem:s10], [sflag:$0x3] =	stream.linear.gather [hbm4b:s16+s4], $0x3E8, $0x38;
	[tilespmem:$0x3AD0] =	vst v63  }
0x25: {  	_ =	swait.ge [sflag:s7], $0x3E8  }
0x26: {  	s17 =	sadd.s32 $0x4EDB8, s28;
	[sflag:s7] =	ssyncset.done $0x0  }
0x27: {  	s17 =	sshrl.u32 s17, $0x3;
	[sflag:s7] =	ssyncadd.s32 $0xFFFFFC18  }
0x28: {  	[spmem:s3] =	stream.indirect.scatter.add.f32 [tilespmem:s4], [sflag:$0x1], $0x8, s10, s11, $0xb8;
	[tilespmem:$0x3AD0] =	vst v63  }
0x29: {  	s17 =	sadd.s32 s23, s17  }
0x2a: {  	[tilespmem:s13], [sflag:$0x3] =	stream.linear.gather [hbm4b:s17+s4], $0x3E8, $0x38;
	[tilespmem:$0x3AD0] =	vst v63  }
0x2b: {  	_ =	swait.ge [sflag:s7], $0x3E8  }
0x2c: {  	[sflag:s7] =	ssyncset.done $0x0  }
0x2d: {  	[sflag:s7] =	ssyncadd.s32 $0xFFFFFC18  }
0x2e: {  	[spmem:s3] =	stream.indirect.scatter.add.f32 [tilespmem:s4], [sflag:$0x2], $0x8, s13, s11, $0xb8;
	[tilespmem:$0x3AD0] =	vst v63  }
0x2f: {  	_ =	swait.ge [sflag:s14], $0x1F40  }
0x30: {  	[sflag:s14] =	ssyncset.done $0x0  }
0x31: {  	[sflag:s14] =	ssyncadd.s32 $0xFFFFE0C0  }
0x32: {  	_ =	swait.ge [sflag:s15], $0x1F40  }
0x33: {  	[sflag:s15] =	ssyncset.done $0x0  }
0x34: {  	s18 =	sadd.s32 $0x9E34, s22;
	[sflag:s15] =	ssyncadd.s32 $0xFFFFE0C0  }
0x35: {  	[tilespmem:s10], [sflag:$0x3] =	stream.linear.gather [hbm4b:s18+s4], $0x3E8, $0x38;
	[tilespmem:$0x3AD0] =	vst v63  }
0x36: {  	_ =	swait.ge [sflag:s7], $0x3E8  }
0x37: {  	s19 =	sadd.s32 $0x4F588, s28;
	[sflag:s7] =	ssyncset.done $0x0  }
0x38: {  	s19 =	sshrl.u32 s19, $0x3;
	[sflag:s7] =	ssyncadd.s32 $0xFFFFFC18  }
0x39: {  	[spmem:s3] =	stream.indirect.scatter.add.f32 [tilespmem:s4], [sflag:$0x1], $0x8, s10, s11, $0xb8;
	[tilespmem:$0x3AD0] =	vst v63  }
0x3a: {  	s19 =	sadd.s32 s23, s19  }
0x3b: {  	[tilespmem:s13], [sflag:$0x3] =	stream.linear.gather [hbm4b:s19+s4], $0x3E8, $0x38;
	[tilespmem:$0x3AD0] =	vst v63  }
0x3c: {  	_ =	swait.ge [sflag:s7], $0x3E8  }
0x3d: {  	[sflag:s7] =	ssyncset.done $0x0  }
0x3e: {  	[sflag:s7] =	ssyncadd.s32 $0xFFFFFC18  }
0x3f: {  	[spmem:s3] =	stream.indirect.scatter.add.f32 [tilespmem:s4], [sflag:$0x2], $0x8, s13, s11, $0xb8;
	[tilespmem:$0x3AD0] =	vst v63  }
0x40: {  	_ =	swait.ge [sflag:s14], $0x1F40  }
0x41: {  	[sflag:s14] =	ssyncset.done $0x0  }
0x42: {  	[sflag:s14] =	ssyncadd.s32 $0xFFFFE0C0  }
0x43: {  	_ =	swait.ge [sflag:s15], $0x1F40  }
0x44: {  	[sflag:s15] =	ssyncset.done $0x0  }
0x45: {  	s20 =	sadd.s32 $0x9F2E, s22;
	[sflag:s15] =	ssyncadd.s32 $0xFFFFE0C0  }
0x46: {  	[tilespmem:s10], [sflag:$0x3] =	stream.linear.gather [hbm4b:s20+s4], $0x3E8, $0x38;
	[tilespmem:$0x3AD0] =	vst v63  }
0x47: {  	_ =	swait.ge [sflag:s7], $0x3E8  }
0x48: {  	s21 =	sadd.s32 $0x4FD58, s28;
	[sflag:s7] =	ssyncset.done $0x0  }
0x49: {  	s21 =	sshrl.u32 s21, $0x3;
	[sflag:s7] =	ssyncadd.s32 $0xFFFFFC18  }
0x4a: {  	[spmem:s3] =	stream.indirect.scatter.add.f32 [tilespmem:s4], [sflag:$0x1], $0x8, s10, s11, $0xb8;
	[tilespmem:$0x3AD0] =	vst v63  }
0x4b: {  	s21 =	sadd.s32 s23, s21  }
0x4c: {  	[tilespmem:s13], [sflag:$0x3] =	stream.linear.gather [hbm4b:s21+s4], $0x3E8, $0x38;
	[tilespmem:$0x3AD0] =	vst v63  }
0x4d: {  	_ =	swait.ge [sflag:s7], $0x3E8  }
0x4e: {  	[sflag:s7] =	ssyncset.done $0x0  }
0x4f: {  	[sflag:s7] =	ssyncadd.s32 $0xFFFFFC18  }
0x50: {  	[spmem:s3] =	stream.indirect.scatter.add.f32 [tilespmem:s4], [sflag:$0x2], $0x8, s13, s11, $0xb8;
	[tilespmem:$0x3AD0] =	vst v63  }
0x51: {  	_ =	swait.ge [sflag:s14], $0x1F40  }
0x52: {  	[sflag:s14] =	ssyncset.done $0x0  }
0x53: {  	[sflag:s14] =	ssyncadd.s32 $0xFFFFE0C0  }
0x54: {  	_ =	swait.ge [sflag:s15], $0x1F40  }
0x55: {  	[sflag:s15] =	ssyncset.done $0x0  }
0x56: {  	s22 =	sadd.s32 $0xA028, s22;
	[sflag:s15] =	ssyncadd.s32 $0xFFFFE0C0  }
0x57: {  	[tilespmem:s10], [sflag:$0x3] =	stream.linear.gather [hbm4b:s22+s4], $0x3E8, $0x38;
	[tilespmem:$0x3AD0] =	vst v63  }
0x58: {  	_ =	swait.ge [sflag:s7], $0x3E8  }
0x59: {  	s28 =	sadd.s32 $0x50528, s28;
	[sflag:s7] =	ssyncset.done $0x0  }
0x5a: {  	s28 =	sshrl.u32 s28, $0x3;
	[sflag:s7] =	ssyncadd.s32 $0xFFFFFC18  }
0x5b: {  	[spmem:s3] =	stream.indirect.scatter.add.f32 [tilespmem:s4], [sflag:$0x1], $0x8, s10, s11, $0xb8;
	[tilespmem:$0x3AD0] =	vst v63  }
0x5c: {  	s23 =	sadd.s32 s23, s28  }
0x5d: {  	[tilespmem:s13], [sflag:$0x3] =	stream.linear.gather [hbm4b:s23+s4], $0x3E8, $0x38;
	[tilespmem:$0x3AD0] =	vst v63  }
0x5e: {  	_ =	swait.ge [sflag:s7], $0x3E8  }
0x5f: {  	[sflag:s7] =	ssyncset.done $0x0  }
0x60: {  	s29 =	smul.u32 $0x13C00, s26;
	[sflag:s7] =	ssyncadd.s32 $0xFFFFFC18  }
0x61: {  	[spmem:s3] =	stream.indirect.scatter.add.f32 [tilespmem:s4], [sflag:$0x2], $0x8, s13, s11, $0xb8;
	[tilespmem:$0x3AD0] =	vst v63  }
0x62: {  	s26 =	ssub.s32 $0x2, s26;
	_ =	swait.ge [sflag:s14], $0x1F40  }
0x63: {  	s30 =	sshrl.u32 s26, $0x1;
	s25 =	sadd.s32 s25, s29;
	[sflag:s14] =	ssyncset.done $0x0  }
0x64: {  	s31 =	ssub.s32 s26, s30;
	s25 =	sshrl.u32 s25, $0x3;
	[sflag:s14] =	ssyncadd.s32 $0xFFFFE0C0  }
0x65: {  	s24 =	sadd.s32 s25, s24;
	s25 =	smax.u32 s31, $0x1;
	_ =	swait.ge [sflag:s15], $0x1F40  }
0x66: {  	p0 =	sne.s32 s25, $0x1;
	[sflag:s15] =	ssyncset.done $0x0  }
.Ltmp0:
0x67: {  	[sflag:s15] =	ssyncadd.s32 $0xFFFFE0C0;
	(pc) =	sbr.rel @!p0 .LBB2_2-.Ltmp0, $4  }
0x68: {  	s24 =	sadd.s32 $0x19200, s24;
	[bflag:$0x0] =	sbarrier.arrive $0xFFFF  }
0x69: {  	[hbm:s24], [sflag:s6] =	dma.local [spmem:s8], $0x278  }
0x6a: {  	_ =	swait.ge [sflag:s7], $0x278  }
0x6b: {  	s25 =	sadd.s32 $0xFFFFFFFF, s25;
	[sflag:s7] =	ssyncset.done $0x0  }
.LBB2_1:
0x6c: {  	p0 =	sne.s32 s25, $0x1;
	s25 =	sadd.s32 $0xFFFFFFFF, s25;
	[sflag:s7] =	ssyncadd.s32 $0xFFFFFD88  }
0x6d: {  	[spmem:s8], [sflag:s6] =	dma.local [hbm:s5], $0x278  }
0x6e: {  	_ =	swait.ge [sflag:s7], $0x278  }
0x6f: {  	[sflag:s7] =	ssyncset.done $0x0  }
0x70: {  	[sflag:s7] =	ssyncadd.s32 $0xFFFFFD88  }
0x71: {  	[tilespmem:s4], [sflag:$0x3] =	stream.linear.gather [hbm4b:s2+s4], $0x1F40, $0x38;
	[tilespmem:$0x3AD0] =	vst v63  }
0x72: {  	_ =	swait.ge [sflag:s7], $0x1F40  }
0x73: {  	[sflag:s7] =	ssyncset.done $0x0  }
0x74: {  	[sflag:s7] =	ssyncadd.s32 $0xFFFFE0C0  }
0x75: {  	[bflag:$0x0] =	sbarrier.arrive $0xFFFF  }
0x76: {  	[tilespmem:s10], [sflag:$0x3] =	stream.linear.gather [hbm4b:s9+s4], $0x3E8, $0x38;
	[tilespmem:$0x3AD0] =	vst v63  }
0x77: {  	_ =	swait.ge [sflag:s7], $0x3E8  }
0x78: {  	[sflag:s7] =	ssyncset.done $0x0  }
0x79: {  	[sflag:s7] =	ssyncadd.s32 $0xFFFFFC18  }
0x7a: {  	[spmem:s3] =	stream.indirect.scatter.add.f32 [tilespmem:s4], [sflag:$0x1], $0x8, s10, s11, $0xb8;
	[tilespmem:$0x3AD0] =	vst v63  }
0x7b: {  	_ = 	snop  }
0x7c: {  	[tilespmem:s13], [sflag:$0x3] =	stream.linear.gather [hbm4b:s12+s4], $0x3E8, $0x38;
	[tilespmem:$0x3AD0] =	vst v63  }
0x7d: {  	_ =	swait.ge [sflag:s7], $0x3E8  }
0x7e: {  	[sflag:s7] =	ssyncset.done $0x0  }
0x7f: {  	[sflag:s7] =	ssyncadd.s32 $0xFFFFFC18  }
0x80: {  	[spmem:s3] =	stream.indirect.scatter.add.f32 [tilespmem:s4], [sflag:$0x2], $0x8, s13, s11, $0xb8;
	[tilespmem:$0x3AD0] =	vst v63  }
0x81: {  	_ =	swait.ge [sflag:s14], $0x1F40  }
0x82: {  	[sflag:s14] =	ssyncset.done $0x0  }
0x83: {  	[sflag:s14] =	ssyncadd.s32 $0xFFFFE0C0  }
0x84: {  	_ =	swait.ge [sflag:s15], $0x1F40  }
0x85: {  	[sflag:s15] =	ssyncset.done $0x0  }
0x86: {  	[sflag:s15] =	ssyncadd.s32 $0xFFFFE0C0  }
0x87: {  	[tilespmem:s10], [sflag:$0x3] =	stream.linear.gather [hbm4b:s16+s4], $0x3E8, $0x38;
	[tilespmem:$0x3AD0] =	vst v63  }
0x88: {  	_ =	swait.ge [sflag:s7], $0x3E8  }
0x89: {  	[sflag:s7] =	ssyncset.done $0x0  }
0x8a: {  	[sflag:s7] =	ssyncadd.s32 $0xFFFFFC18  }
0x8b: {  	[spmem:s3] =	stream.indirect.scatter.add.f32 [tilespmem:s4], [sflag:$0x1], $0x8, s10, s11, $0xb8;
	[tilespmem:$0x3AD0] =	vst v63  }
0x8c: {  	_ = 	snop  }
0x8d: {  	[tilespmem:s13], [sflag:$0x3] =	stream.linear.gather [hbm4b:s17+s4], $0x3E8, $0x38;
	[tilespmem:$0x3AD0] =	vst v63  }
0x8e: {  	_ =	swait.ge [sflag:s7], $0x3E8  }
0x8f: {  	[sflag:s7] =	ssyncset.done $0x0  }
0x90: {  	[sflag:s7] =	ssyncadd.s32 $0xFFFFFC18  }
0x91: {  	[spmem:s3] =	stream.indirect.scatter.add.f32 [tilespmem:s4], [sflag:$0x2], $0x8, s13, s11, $0xb8;
	[tilespmem:$0x3AD0] =	vst v63  }
0x92: {  	_ =	swait.ge [sflag:s14], $0x1F40  }
0x93: {  	[sflag:s14] =	ssyncset.done $0x0  }
0x94: {  	[sflag:s14] =	ssyncadd.s32 $0xFFFFE0C0  }
0x95: {  	_ =	swait.ge [sflag:s15], $0x1F40  }
0x96: {  	[sflag:s15] =	ssyncset.done $0x0  }
0x97: {  	[sflag:s15] =	ssyncadd.s32 $0xFFFFE0C0  }
0x98: {  	[tilespmem:s10], [sflag:$0x3] =	stream.linear.gather [hbm4b:s18+s4], $0x3E8, $0x38;
	[tilespmem:$0x3AD0] =	vst v63  }
0x99: {  	_ =	swait.ge [sflag:s7], $0x3E8  }
0x9a: {  	[sflag:s7] =	ssyncset.done $0x0  }
0x9b: {  	[sflag:s7] =	ssyncadd.s32 $0xFFFFFC18  }
0x9c: {  	[spmem:s3] =	stream.indirect.scatter.add.f32 [tilespmem:s4], [sflag:$0x1], $0x8, s10, s11, $0xb8;
	[tilespmem:$0x3AD0] =	vst v63  }
0x9d: {  	_ = 	snop  }
0x9e: {  	[tilespmem:s13], [sflag:$0x3] =	stream.linear.gather [hbm4b:s19+s4], $0x3E8, $0x38;
	[tilespmem:$0x3AD0] =	vst v63  }
0x9f: {  	_ =	swait.ge [sflag:s7], $0x3E8  }
0xa0: {  	[sflag:s7] =	ssyncset.done $0x0  }
0xa1: {  	[sflag:s7] =	ssyncadd.s32 $0xFFFFFC18  }
0xa2: {  	[spmem:s3] =	stream.indirect.scatter.add.f32 [tilespmem:s4], [sflag:$0x2], $0x8, s13, s11, $0xb8;
	[tilespmem:$0x3AD0] =	vst v63  }
0xa3: {  	_ =	swait.ge [sflag:s14], $0x1F40  }
0xa4: {  	[sflag:s14] =	ssyncset.done $0x0  }
0xa5: {  	[sflag:s14] =	ssyncadd.s32 $0xFFFFE0C0  }
0xa6: {  	_ =	swait.ge [sflag:s15], $0x1F40  }
0xa7: {  	[sflag:s15] =	ssyncset.done $0x0  }
0xa8: {  	[sflag:s15] =	ssyncadd.s32 $0xFFFFE0C0  }
0xa9: {  	[tilespmem:s10], [sflag:$0x3] =	stream.linear.gather [hbm4b:s20+s4], $0x3E8, $0x38;
	[tilespmem:$0x3AD0] =	vst v63  }
0xaa: {  	_ =	swait.ge [sflag:s7], $0x3E8  }
0xab: {  	[sflag:s7] =	ssyncset.done $0x0  }
0xac: {  	[sflag:s7] =	ssyncadd.s32 $0xFFFFFC18  }
0xad: {  	[spmem:s3] =	stream.indirect.scatter.add.f32 [tilespmem:s4], [sflag:$0x1], $0x8, s10, s11, $0xb8;
	[tilespmem:$0x3AD0] =	vst v63  }
0xae: {  	_ = 	snop  }
0xaf: {  	[tilespmem:s13], [sflag:$0x3] =	stream.linear.gather [hbm4b:s21+s4], $0x3E8, $0x38;
	[tilespmem:$0x3AD0] =	vst v63  }
0xb0: {  	_ =	swait.ge [sflag:s7], $0x3E8  }
0xb1: {  	[sflag:s7] =	ssyncset.done $0x0  }
0xb2: {  	[sflag:s7] =	ssyncadd.s32 $0xFFFFFC18  }
0xb3: {  	[spmem:s3] =	stream.indirect.scatter.add.f32 [tilespmem:s4], [sflag:$0x2], $0x8, s13, s11, $0xb8;
	[tilespmem:$0x3AD0] =	vst v63  }
0xb4: {  	_ =	swait.ge [sflag:s14], $0x1F40  }
0xb5: {  	[sflag:s14] =	ssyncset.done $0x0  }
0xb6: {  	[sflag:s14] =	ssyncadd.s32 $0xFFFFE0C0  }
0xb7: {  	_ =	swait.ge [sflag:s15], $0x1F40  }
0xb8: {  	[sflag:s15] =	ssyncset.done $0x0  }
0xb9: {  	[sflag:s15] =	ssyncadd.s32 $0xFFFFE0C0  }
0xba: {  	[tilespmem:s10], [sflag:$0x3] =	stream.linear.gather [hbm4b:s22+s4], $0x3E8, $0x38;
	[tilespmem:$0x3AD0] =	vst v63  }
0xbb: {  	_ =	swait.ge [sflag:s7], $0x3E8  }
0xbc: {  	[sflag:s7] =	ssyncset.done $0x0  }
0xbd: {  	[sflag:s7] =	ssyncadd.s32 $0xFFFFFC18  }
0xbe: {  	[spmem:s3] =	stream.indirect.scatter.add.f32 [tilespmem:s4], [sflag:$0x1], $0x8, s10, s11, $0xb8;
	[tilespmem:$0x3AD0] =	vst v63  }
0xbf: {  	_ = 	snop  }
0xc0: {  	[tilespmem:s13], [sflag:$0x3] =	stream.linear.gather [hbm4b:s23+s4], $0x3E8, $0x38;
	[tilespmem:$0x3AD0] =	vst v63  }
0xc1: {  	_ =	swait.ge [sflag:s7], $0x3E8  }
0xc2: {  	[sflag:s7] =	ssyncset.done $0x0  }
0xc3: {  	[sflag:s7] =	ssyncadd.s32 $0xFFFFFC18  }
0xc4: {  	[spmem:s3] =	stream.indirect.scatter.add.f32 [tilespmem:s4], [sflag:$0x2], $0x8, s13, s11, $0xb8;
	[tilespmem:$0x3AD0] =	vst v63  }
0xc5: {  	_ =	swait.ge [sflag:s14], $0x1F40  }
0xc6: {  	[sflag:s14] =	ssyncset.done $0x0  }
0xc7: {  	[sflag:s14] =	ssyncadd.s32 $0xFFFFE0C0  }
0xc8: {  	_ =	swait.ge [sflag:s15], $0x1F40  }
0xc9: {  	[sflag:s15] =	ssyncset.done $0x0  }
.Ltmp1:
0xca: {  	[sflag:s15] =	ssyncadd.s32 $0xFFFFE0C0;
	(pc) =	sbr.rel @p0 .LBB2_1-.Ltmp1, $4  }
0xcb: {  	[bflag:$0x0] =	sbarrier.arrive $0xFFFF  }
0xcc: {  	[hbm:s24], [sflag:s6] =	dma.local [spmem:s8], $0x278  }
0xcd: {  	_ =	swait.ge [sflag:s7], $0x278  }
0xce: {  	[sflag:s7] =	ssyncset.done $0x0  }
.LBB2_2:
0xcf: {  	[sflag:s7] =	ssyncadd.s32 $0xFFFFFD88  }
0xd0: {  	_ =	sfence.sel $0x180000  }
0xd1: {  	[bflag:$0x0] =	sbarrier.arrive $0xFFFF  }
0xd2: {  	p0 =	sne.s32 s0, $0x0;
	_ =	strace $0x90000047  }
0xd3: {  	s0 =	sadd.s32 @!p0 $0x100000, s1;
	[bflag:$0x2] =	sbarrier.arrive $0xFFFF  }
0xd4: {  	[sflag:s0] =	ssyncadd.tile.s32 @!p0 $0x1;
	_ =	shalt  }
.Lfunc_end2:
_tile_overlayer_lowered:
.L_overlay_start_2:
0xd5: {  	(tag) =	ssettag $0x2  }
0xd6: {  	s0 =	rddreg [dreg:$0x0];
	s2 =	stileid.u32  }
0xd7: {  	s1 =	rddreg [dreg:$0x1];
	p0 =	sne.s32 s2, $0x0  }
0xd8: {  	s3 =	rddreg [dreg:$0x2];
	[bflag:$0x3] =	sbarrier.arrive $0xFFFF;
	s2 =	simm.s32 @!p0 $0x1C03  }
0xd9: {  	[timem:s3], [sflag:s2] =	dma.local @!p0 [hbm:s0], s1  }
0xda: {  	s0 =	simm.s32 @!p0 $0x3  }
0xdb: {  	_ =	swait.ge @!p0 [sflag:s0], s1  }
0xdc: {  	s1 =	ssub.s32 @!p0 $0x0, s1;
	[sflag:s0] =	ssyncset.done @!p0 $0x0  }
0xdd: {  	[sflag:s0] =	ssyncadd.s32 @!p0 s1  }
0xde: {  	[bflag:$0x3] =	sbarrier.arrive $0xFFFF  }
0xdf: {  	_ =	shalt  }

// kernel: kernel.14.cloned.1.call-start
scs
__scs_entry_jumppad:
0x0: {  	(pc) =	sbr.rel $0x88, $3  }
0x1: {  	(tag) =	ssettag $0x0;
	lr =	simm.s32 $0x1  }
0x2: {  	[smem:$0x3F97] =	sst lr;
	_ =	strace $0xD0000000  }
0x3: {  	_ = 	snop  }
0x4: {  	_ = 	snop  }
0x5: {  	_ = 	snop  }
0x6: {  	_ = 	snop  }
0x7: {  	_ = 	snop  }
__scs_overlays_trampoline_lowered:
0x8: {  	[smem:$0x3FA6] =	sst s0  }
0x9: {  	[smem:$0x3FA7] =	sst s1  }
0xa: {  	[smem:$0x3FA8] =	sst s2  }
0xb: {  	[smem:$0x3FA9] =	sst s3  }
0xc: {  	[smem:$0x3FAA] =	sst s4  }
0xd: {  	[smem:$0x3FAB] =	sst s5  }
0xe: {  	[smem:$0x3FAC] =	sst s6  }
0xf: {  	[smem:$0x3FAD] =	sst s7  }
0x10: {  	[smem:$0x3FAE] =	sst s8  }
0x11: {  	[smem:$0x3FAF] =	sst s9;
	s0 =	simm.s32 @!p0 $0x0  }
0x12: {  	s1 =	sld [smem:$0x3F95];
	s0 =	simm.s32 @p0 $0x1  }
0x13: {  	[smem:$0x3FB0] =	sst s0;
	s0 =	simm.s32 @!p1 $0x0  }
0x14: {  	s2 =	sld [smem:$0x3F94];
	s0 =	simm.s32 @p1 $0x1  }
0x15: {  	[smem:$0x3FB1] =	sst s0;
	s0 =	simm.s32 @!p2 $0x0  }
0x16: {  	s3 =	sld [smem:$0x3FDB];
	s0 =	simm.s32 @p2 $0x1  }
0x17: {  	s4 =	simm.s32 $0x1BF5;
	[smem:$0x3FB3] =	sst s0  }
0x18: {  	s0 =	sld [smem:$0x3F96];
	_ =	swait.ge [sflag:s4], $0x0  }
0x19: {  	s7 =	sld [smem:$0x3F97]  }
0x1a: {  	s8 =	sadd.s32 $0xFFFFE003, lr  }
0x1b: {  	s9 =	sadd.s32 $0xFFFFFEF7, lr;
	s5 =	simm.s32 $0xFFFFFFFF;
	p2 =	slt.u32 s8, $0xFFFFF086  }
0x1c: {  	p1 =	slt.u32 s9, $0xF7A;
	s5 =	simm.s32 @!p2 $0x0  }
0x1d: {  	s5 =	simm.s32 @p1 $0x1;
	p0 =	seq.s32 s7, s2  }
0x1e: {  	s7 =	smul.u32 @!p0 $0xF7A, s2;
	p2 =	seq.s32 @!p0 s5, $0x0  }
0x1f: {  	s9 =	smul.u32 $0xF7A, s1;
	s8 =	simm.s32 @!p0 $0x1BF5;
	p2 =	por !p2, p0  }
0x20: {  	[sflag:s8] =	ssyncset.s32 @!p0 $0xFFFFF086;
	s6 =	sadd.s32 @!p0 s3, s7;
	s7 =	simm.s32 @!p0 $0x108  }
0x21: {  	s3 =	sadd.s32 s3, s9;
	s6 =	sadd.s32 @!p0 $0x88, s6;
	s7 =	simm.s32 @p2 $0x1082  }
0x22: {  	[simem:s7], [sflag:s8] =	dma.local @!p0 [hbm:s6], $0xF7A  }
0x23: {  	s9 =	sor.u32 $0xD0000000, s2;
	s6 =	simm.s32 $0x108;
	_ =	swait.ge @!p0 [sflag:s8], $0x0  }
0x24: {  	s3 =	sadd.s32 $0x88, s3;
	s6 =	simm.s32 @!p1 $0x1082;
	[sflag:s4] =	ssyncset.s32 $0xFFFFF086  }
0x25: {  	[simem:s6], [sflag:s4] =	dma.local [hbm:s3], $0xF7A  }
0x26: {  	[smem:$0x3F97] =	sst s1;
	(tag) =	ssettag s2;
	_ =	strace s9  }
0x27: {  	s1 =	sld [smem:$0x3FA7]  }
0x28: {  	s2 =	sld [smem:$0x3FA8]  }
0x29: {  	s4 =	sld [smem:$0x3FAA]  }
0x2a: {  	p0 =	seq.s32 s5, $0x0;
	s5 =	sld [smem:$0x3FAB]  }
0x2b: {  	s6 =	sld [smem:$0x3FAC]  }
0x2c: {  	s7 =	sld [smem:$0x3FAD]  }
0x2d: {  	s3 =	simm.s32 $0x108;
	s8 =	sld [smem:$0x3FAE]  }
0x2e: {  	s3 =	simm.s32 @!p0 $0x1082;
	s9 =	sld [smem:$0x3FAF]  }
0x2f: {  	lr =	sadd.s32 s0, s3;
	s0 =	sld [smem:$0x3FA6]  }
0x30: {  	s3 =	sld [smem:$0x3FA9]  }
0x31: {  	[smem:$0x3FB2] =	sst s10  }
0x32: {  	s10 =	sld [smem:$0x3FB0];
	_ =	sdelay $0x3  }
0x33: {  	p0 =	seq.s32 s10, $0x1;
	s10 =	sld [smem:$0x3FB2];
	_ =	sdelay $0x3  }
0x34: {  	[smem:$0x3FB2] =	sst s10  }
0x35: {  	s10 =	sld [smem:$0x3FB1];
	_ =	sdelay $0x3  }
0x36: {  	p1 =	seq.s32 s10, $0x1;
	s10 =	sld [smem:$0x3FB2];
	_ =	sdelay $0x3  }
0x37: {  	[smem:$0x3FB2] =	sst s10  }
0x38: {  	s10 =	sld [smem:$0x3FB3]  }
0x39: {  	_ = 	snop;
	(pc) =	sbr.ind lr, $3  }
0x3a: {  	_ = 	snop  }
0x3b: {  	_ = 	snop  }
0x3c: {  	p2 =	seq.s32 s10, $0x1;
	s10 =	sld [smem:$0x3FB2]  }
0x3d: {  	_ =	shalt  }
0x3e: {  	_ =	shalt  }
0x3f: {  	_ =	shalt  }
0x40: {  	_ =	shalt  }
0x41: {  	_ =	shalt  }
0x42: {  	_ =	shalt  }
0x43: {  	_ =	shalt  }
0x44: {  	_ =	shalt  }
0x45: {  	_ =	shalt  }
0x46: {  	_ =	shalt  }
0x47: {  	_ =	shalt  }
0x48: {  	_ =	shalt  }
0x49: {  	_ =	shalt  }
0x4a: {  	_ =	shalt  }
0x4b: {  	_ =	shalt  }
0x4c: {  	_ =	shalt  }
0x4d: {  	_ =	shalt  }
0x4e: {  	_ =	shalt  }
0x4f: {  	_ =	shalt  }
0x50: {  	_ =	shalt  }
0x51: {  	_ =	shalt  }
0x52: {  	_ =	shalt  }
0x53: {  	_ =	shalt  }
0x54: {  	_ =	shalt  }
0x55: {  	_ =	shalt  }
0x56: {  	_ =	shalt  }
0x57: {  	_ =	shalt  }
0x58: {  	_ =	shalt  }
0x59: {  	_ =	shalt  }
0x5a: {  	_ =	shalt  }
0x5b: {  	_ =	shalt  }
0x5c: {  	_ =	shalt  }
0x5d: {  	_ =	shalt  }
0x5e: {  	_ =	shalt  }
0x5f: {  	_ =	shalt  }
0x60: {  	_ =	shalt  }
0x61: {  	_ =	shalt  }
0x62: {  	_ =	shalt  }
0x63: {  	_ =	shalt  }
0x64: {  	_ =	shalt  }
0x65: {  	_ =	shalt  }
0x66: {  	_ =	shalt  }
0x67: {  	_ =	shalt  }
0x68: {  	_ =	shalt  }
0x69: {  	_ =	shalt  }
0x6a: {  	_ =	shalt  }
0x6b: {  	_ =	shalt  }
0x6c: {  	_ =	shalt  }
0x6d: {  	_ =	shalt  }
0x6e: {  	_ =	shalt  }
0x6f: {  	_ =	shalt  }
0x70: {  	_ =	shalt  }
0x71: {  	_ =	shalt  }
0x72: {  	_ =	shalt  }
0x73: {  	_ =	shalt  }
0x74: {  	_ =	shalt  }
0x75: {  	_ =	shalt  }
0x76: {  	_ =	shalt  }
0x77: {  	_ =	shalt  }
0x78: {  	_ =	shalt  }
0x79: {  	_ =	shalt  }
0x7a: {  	_ =	shalt  }
0x7b: {  	_ =	shalt  }
0x7c: {  	_ =	shalt  }
0x7d: {  	_ =	shalt  }
0x7e: {  	_ =	shalt  }
0x7f: {  	_ =	shalt  }
0x80: {  	_ =	shalt  }
0x81: {  	_ =	shalt  }
0x82: {  	_ =	shalt  }
0x83: {  	_ =	shalt  }
0x84: {  	_ =	shalt  }
0x85: {  	_ =	shalt  }
0x86: {  	_ =	shalt  }
0x87: {  	_ =	shalt  }
.Lfunc_end0:
.L_simem_size_0:
called_computation.1_lowered:
.L_overlay_start_0:
0x88: {  	s2 =	sld [smem:$0x3FD9]  }
0x89: {  	s3 =	sld [smem:$0x3FFE];
	_ =	sdelay $0x1  }
0x8a: {  	s1 =	srdreg.scid  }
0x8b: {  	s0 =	sand.u32 $0x1, s1  }
0x8c: {  	s17 =	sshll.u32 s0, $0xA;
	s2 =	sadd.s32 s3, s2  }
0x8d: {  	s2 =	sadd.s32 s2, s17  }
0x8e: {  	[smem:$0x3FBE] =	sst s2  }
0x8f: {  	_ = 	snop  }
0x90: {  	(tm) =	ssettm $0x1  }
0x91: {  	s18 =	sld [smem:$0x3FFB];
	_ =	sdelay $0x3  }
0x92: {  	_ =	strace s18  }
0x93: {  	s2 =	sld [smem:$0x3FFC];
	_ =	sdelay $0x3  }
0x94: {  	_ =	strace s2  }
0x95: {  	s2 =	sld [smem:$0x3FFD];
	_ =	sdelay $0x3  }
0x96: {  	_ =	strace s2  }
0x97: {  	_ =	strace $0x8FFFFFFF  }
0x98: {  	s19 =	sld [smem:$0x3FDB];
	_ =	sdelay $0x1  }
0x99: {  	s20 =	simm.s32 $_scs_section_size  }
0x9a: {  	s4 =	simm.s32 $_size__tile_overlayer_lowered;
	s5 =	simm.s32 $_tile_overlayer_lowered  }
0x9b: {  	s6 =	simm.s32 $0x1BFF;
	s21 =	sshll.u32 s5, $0x1;
	s3 =	sadd.s32 s20, s19  }
0x9c: {  	s22 =	simm.s32 $0x0;
	s4 =	sshll.u32 s4, $0x1;
	s5 =	sadd.s32 s21, s3  }
0x9d: {  	[timem:s22], [sflag:s6] =	dma.local [hbm:s5], s4  }
0x9e: {  	_ =	swait.ge [sflag:s6], s4  }
0x9f: {  	s4 =	ssub.s32 $0x0, s4;
	[sflag:s6] =	ssyncset.done $0x0  }
0xa0: {  	[sflag:s6] =	ssyncadd.s32 s4;
	_ =	sdelay $0x1  }
0xa1: {  	s23 =	simm.s32 $0x1B8B  }
0xa2: {  	_ =	swait.ge [sflag:s23], $0x1  }
0xa3: {  	[sflag:s23] =	ssyncset.done $0x0  }
0xa4: {  	[sflag:s23] =	ssyncadd.s32 $0xFFFFFFFF  }
0xa5: {  	s4 =	sld [smem:$0x0]  }
0xa6: {  	s5 =	sand.u32 $0xFFFFFFFE, s1  }
0xa7: {  	p0 =	sne.s32 s1, s5  }
0xa8: {  	s5 =	sshll.u32 @p0 s5, $0xE  }
0xa9: {  	s5 =	sadd.s32 @p0 $0x11B8D, s5;
	s6 =	sshll.u32 @p0 s4, $0x11  }
0xaa: {  	s5 =	sor.u32 @p0 s6, s5  }
0xab: {  	[sflag:s5] =	ssyncadd.remote.s32 @p0 $0x1;
	_ =	sdelay $0x1  }
0xac: {  	s5 =	simm.s32 @p0 $0x1B8D  }
0xad: {  	_ =	swait.eq @p0 [sflag:s5], $0x1  }
0xae: {  	[sflag:s5] =	ssyncadd.s32 @p0 $0xFFFFFFFF  }
0xaf: {  	s6 =	sshll.u32 @!p0 s1, $0xE  }
0xb0: {  	s6 =	sor.u32 @!p0 $0x4000, s6;
	s5 =	simm.s32 @!p0 $0x1B8D  }
0xb1: {  	s4 =	sshll.u32 @!p0 s4, $0x11;
	s6 =	sadd.s32 @!p0 $0x11B8D, s6;
	_ =	swait.eq @!p0 [sflag:s5], $0x1  }
0xb2: {  	s4 =	sor.u32 @!p0 s4, s6;
	[sflag:s5] =	ssyncadd.s32 @!p0 $0xFFFFFFFF  }
0xb3: {  	s25 =	simm.s32 $0x1B8E;
	s24 =	sld [smem:$0x3FFE];
	[sflag:s4] =	ssyncadd.remote.s32 @!p0 $0x1  }
0xb4: {  	s26 =	simm.s32 $execute0_lowered;
	[smem:$0x3FD2] =	sst s25  }
0xb5: {  	s5 =	sshll.u32 s26, $0x1;
	_ =	strace $0x8000004C;
	[dreg:$0x1] =	wrdreg $0xFFFFFFFF  }
0xb6: {  	s28 =	simm.s32 $_size_execute0_lowered;
	s3 =	sadd.s32 s3, s5;
	[dreg:$0x0] =	wrdreg $0x0  }
0xb7: {  	s5 =	sshll.u32 s28, $0x1;
	[dreg:$0x2] =	wrdreg s3  }
0xb8: {  	[dreg:$0x3] =	wrdreg s5  }
0xb9: {  	[dreg:$0x4] =	wrdreg $0xC0  }
0xba: {  	_ =	task [dreg:s22], $0x5FFFF  }
0xbb: {  	[dreg:$0x1] =	wrdreg $0xFFFFFFFF  }
0xbc: {  	[dreg:$0x0] =	wrdreg $0x60  }
0xbd: {  	[dreg:$0x2] =	wrdreg s24  }
0xbe: {  	[dreg:$0x3] =	wrdreg $0xCE400  }
0xbf: {  	[dreg:$0x4] =	wrdreg $0x9  }
0xc0: {  	_ =	task.clear_ibuf [dreg:s22], $0x5FFFF;
	_ =	strace $0x9000004C  }
0xc1: {  	s29 =	simm.s32 $0x9;
	_ =	strace $0x8000004E  }
0xc2: {  	_ =	swait.ge [sflag:s29], $0x1  }
0xc3: {  	[sflag:s29] =	ssyncadd.s32 $0xFFFFFFFF  }
0xc4: {  	_ =	strace $0x9000004E  }
0xc5: {  	_ =	sfence  }
0xc6: {  	s30 =	sld [smem:$0x0];
	_ =	sdelay $0x2  }
0xc7: {  	s31 =	sshll.u32 s1, $0xD;
	s1 =	sshrl.u32 s1, $0x2  }
0xc8: {  	s4 =	sand.u32 $0x4000, s31;
	s1 =	sadd.s32 s1, s30  }
0xc9: {  	s0 =	sor.u32 s4, s0;
	s1 =	sshll.u32 s1, $0x11  }
0xca: {  	s0 =	sor.u32 s1, s0  }
0xcb: {  	s0 =	sadd.s32 $0x8F2B, s0  }
0xcc: {  	[sflag:s0] =	ssyncadd.remote.s32 $0x1  }
0xcd: {  	_ =	sfence.sel $0xFFFF  }
0xce: {  	[dreg:$0x0] =	wrdreg $0xFFFFFFFF;
	(pc) =	sbr.abs _section_cstart, $3  }
0xcf: {  	[dreg:$0x1] =	wrdreg $0xFFFFFFFF  }
0xd0: {  	_ =	task.clear_ibuf [dreg:s22], $0x2FFFF;
	_ =	strace $0x9FFFFFFF  }
0xd1: {  	(tm) =	ssettm $0x7FFFFFFF  }
tec
execute0_lowered:
.L_overlay_start_1:
0x0: {  	(tag) =	ssettag $0x1  }
0x1: {  	s0 =	rddreg [dreg:$0x0]  }
0x2: {  	s2 =	rddreg [dreg:$0x1];
	s3 =	simm.s32 $0x0  }
0x3: {  	s12 =	stileid.u32;
	s4 =	srdreg.scid;
	s28 =	simm.s32 $0x6A40  }
0x4: {  	s29 =	simm.s32 $0x3;
	s30 =	simm.s32 $0x4;
	s31 =	simm.s32 $0x5  }
0x5: {  	[smem:$0x7FF] =	sst s3;
	s1 =	smul.u32 $0x9E00, s12;
	s6 =	sand.u32 $0x1, s4  }
0x6: {  	s4 =	sadd.s32 $0x65800, s0;
	s5 =	sadd.s32 $0x3000, s0;
	s21 =	smul.u32 $0x2710, s12  }
0x7: {  	s20 =	sshll.u32 s12, $0x6;
	_ =	strace $0x8000004D;
	s8 =	smul.u32 $0x9E000, s6  }
0x8: {  	s9 =	sshll.u32 s6, $0x4;
	s10 =	ssub.s32 $0x2, s6;
	s6 =	smul.u32 $0x27100, s6  }
0x9: {  	s7 =	sshrl.u32 s1, $0x3;
	s9 =	sor.u32 s12, s9;
	s11 =	sshrl.u32 s10, $0x1  }
0xa: {  	s7 =	sadd.s32 s7, s0;
	s8 =	sadd.s32 s1, s8;
	s9 =	smul.u32 $0x2710, s9  }
0xb: {  	s11 =	ssub.s32 s10, s11;
	s1 =	sadd.s32 s1, s2;
	s24 =	sadd.s32 s21, s6  }
0xc: {  	s21 =	simm.s32 $0x190;
	s8 =	sshrl.u32 s8, $0x3;
	s7 =	sadd.s32 $0x2A400, s7  }
0xd: {  	s23 =	smax.u32 s11, $0x1;
	s6 =	sadd.s32 $0x4E6B0, s24;
	s16 =	sadd.s32 $0x4B0, s24  }
0xe: {  	s0 =	sadd.s32 s8, s0;
	[dreg:$0x3] =	wrdreg s7;
	s19 =	sshrl.u32 s9, $0x3  }
0xf: {  	s8 =	sor.u32 $0x1C07, s20;
	[dreg:$0x6] =	wrdreg s23;
	s6 =	sshrl.u32 s6, $0x3  }
0x10: {  	s9 =	sadd.s32 $0x4E520, s24;
	s26 =	sshrl.u32 s16, $0x3;
	s16 =	sadd.s32 $0x320, s24  }
0x11: {  	s20 =	simm.s32 $0x7;
	s23 =	simm.s32 $0x4B0;
	s24 =	simm.s32 $0x1  }
0x12: {  	s7 =	sadd.s32 s5, s19;
	s0 =	sadd.s32 $0x79200, s0;
	s15 =	sadd.s32 s6, s5  }
0x13: {  	s25 =	sshrl.u32 s9, $0x3;
	s18 =	sadd.s32 s26, s5;
	s19 =	sshrl.u32 s1, $0x3  }
0x14: {  	s26 =	simm.s32 $0x2;
	s1 =	simm.s32 $0x0;
	s22 =	sadd.s32 $0x4B0, s7  }
0x15: {  	[dreg:$0x5] =	wrdreg s0;
	s12 =	sadd.s32 $0x9C40, s7;
	s13 =	sadd.s32 $0x32, s7  }
0x16: {  	s14 =	sadd.s32 $0x9C72, s7;
	s17 =	sadd.s32 s25, s5;
	s25 =	simm.s32 $0x640  }
0x17: {  	s0 =	simm.s32 $0x6;
	[dreg:$0x4] =	wrdreg s22;
	s22 =	simm.s32 $0x320  }
.LBB2_1:
0x18: {  	s6 =	rddreg [dreg:$0x3]  }
0x19: {  	[spmem:s19], [sflag:s8] =	dma.local [hbm:s6], $0x13C0  }
0x1a: {  	_ =	swait.ge [sflag:s20], $0x13C0  }
0x1b: {  	[sflag:s20] =	ssyncset.done $0x0  }
0x1c: {  	[sflag:s20] =	ssyncadd.s32 $0xFFFFEC40  }
0x1d: {  	[bflag:$0x0] =	sbarrier.arrive $0xFFFF  }
0x1e: {  	[tilespmem:s3], [sflag:$0x1] =	stream.linear.gather [hbm4b:s7+s3], $0x190, $0x38;
	[tilespmem:$0x16C40] =	vst v63  }
0x1f: {  	_ = 	snop  }
0x20: {  	[tilespmem:s21], [sflag:$0x1] =	stream.linear.gather [hbm4b:s12+s3], $0x190, $0x38;
	[tilespmem:$0x16C40] =	vst v63  }
0x21: {  	_ = 	snop  }
0x22: {  	[tilespmem:s22], [sflag:$0x2] =	stream.linear.gather [hbm4b:s13+s3], $0x190, $0x38;
	[tilespmem:$0x16C40] =	vst v63  }
0x23: {  	_ = 	snop  }
0x24: {  	[tilespmem:s23], [sflag:$0x2] =	stream.linear.gather [hbm4b:s14+s3], $0x190, $0x38;
	[tilespmem:$0x16C40] =	vst v63  }
0x25: {  	_ =	swait.ge [sflag:s24], $0x190  }
0x26: {  	[sflag:s24] =	ssyncset.done $0x0  }
0x27: {  	[sflag:s24] =	ssyncadd.s32 $0xFFFFFE70  }
0x28: {  	_ =	swait.ge [sflag:s24], $0x190  }
0x29: {  	[sflag:s24] =	ssyncset.done $0x0  }
0x2a: {  	[sflag:s24] =	ssyncadd.s32 $0xFFFFFE70  }
0x2b: {  	[tilespmem:s25], [sflag:$0x3] =	stream.indirect.gather [hbm4b:s4+s21], $0x40, s3, s21, $0xb8;
	[tilespmem:$0x16C40] =	vst v63  }
0x2c: {  	_ =	swait.ge [sflag:s26], $0x190  }
0x2d: {  	[sflag:s26] =	ssyncset.done $0x0  }
0x2e: {  	[sflag:s26] =	ssyncadd.s32 $0xFFFFFE70  }
0x2f: {  	_ =	swait.ge [sflag:s26], $0x190  }
0x30: {  	[sflag:s26] =	ssyncset.done $0x0  }
0x31: {  	[sflag:s26] =	ssyncadd.s32 $0xFFFFFE70  }
0x32: {  	[tilespmem:s28], [sflag:$0x4] =	stream.indirect.gather [hbm4b:s4+s21], $0x40, s22, s21, $0xb8;
	[tilespmem:$0x16C40] =	vst v63  }
0x33: {  	_ =	swait.ge [sflag:s29], $0x6400  }
0x34: {  	[sflag:s29] =	ssyncset.done $0x0  }
0x35: {  	[sflag:s29] =	ssyncadd.s32 $0xFFFF9C00  }
0x36: {  	[spmem:s2] =	stream.indirect.scatter.add.f32 [tilespmem:s25], [sflag:$0x5], $0x40, s21, s21, $0xb8;
	[tilespmem:$0x16C40] =	vst v63  }
0x37: {  	_ =	swait.ge [sflag:s30], $0x6400  }
0x38: {  	[sflag:s30] =	ssyncset.done $0x0  }
0x39: {  	[sflag:s30] =	ssyncadd.s32 $0xFFFF9C00  }
0x3a: {  	[spmem:s2] =	stream.indirect.scatter.add.f32 [tilespmem:s28], [sflag:$0x6], $0x40, s23, s21, $0xb8;
	[tilespmem:$0x16C40] =	vst v63  }
0x3b: {  	_ =	swait.ge [sflag:s31], $0x6400  }
0x3c: {  	[sflag:s31] =	ssyncset.done $0x0  }
0x3d: {  	[sflag:s31] =	ssyncadd.s32 $0xFFFF9C00  }
0x3e: {  	_ =	swait.ge [sflag:s0], $0x6400  }
0x3f: {  	s11 =	sshrl.u32 s16, $0x3;
	[sflag:s0] =	ssyncset.done $0x0  }
0x40: {  	s6 =	sadd.s32 s5, s11;
	[sflag:s0] =	ssyncadd.s32 $0xFFFF9C00  }
0x41: {  	[tilespmem:s3], [sflag:$0x1] =	stream.linear.gather [hbm4b:s6+s3], $0x190, $0x38;
	[tilespmem:$0x16C40] =	vst v63  }
0x42: {  	s9 =	sadd.s32 $0x0, s17  }
0x43: {  	[tilespmem:s21], [sflag:$0x1] =	stream.linear.gather [hbm4b:s9+s3], $0x190, $0x38;
	[tilespmem:$0x16C40] =	vst v63  }
0x44: {  	s10 =	sadd.s32 $0x0, s18  }
0x45: {  	[tilespmem:s22], [sflag:$0x2] =	stream.linear.gather [hbm4b:s10+s3], $0x190, $0x38;
	[tilespmem:$0x16C40] =	vst v63  }
0x46: {  	s11 =	sadd.s32 $0x0, s15  }
0x47: {  	[tilespmem:s23], [sflag:$0x2] =	stream.linear.gather [hbm4b:s11+s3], $0x190, $0x38;
	[tilespmem:$0x16C40] =	vst v63  }
0x48: {  	_ =	swait.ge [sflag:s24], $0x190  }
0x49: {  	[sflag:s24] =	ssyncset.done $0x0  }
0x4a: {  	[sflag:s24] =	ssyncadd.s32 $0xFFFFFE70  }
0x4b: {  	_ =	swait.ge [sflag:s24], $0x190  }
0x4c: {  	[sflag:s24] =	ssyncset.done $0x0  }
0x4d: {  	[sflag:s24] =	ssyncadd.s32 $0xFFFFFE70  }
0x4e: {  	[tilespmem:s25], [sflag:$0x3] =	stream.indirect.gather [hbm4b:s4+s21], $0x40, s3, s21, $0xb8;
	[tilespmem:$0x16C40] =	vst v63  }
0x4f: {  	_ =	swait.ge [sflag:s26], $0x190  }
0x50: {  	[sflag:s26] =	ssyncset.done $0x0  }
0x51: {  	[sflag:s26] =	ssyncadd.s32 $0xFFFFFE70  }
0x52: {  	_ =	swait.ge [sflag:s26], $0x190  }
0x53: {  	[sflag:s26] =	ssyncset.done $0x0  }
0x54: {  	[sflag:s26] =	ssyncadd.s32 $0xFFFFFE70  }
0x55: {  	[tilespmem:s28], [sflag:$0x4] =	stream.indirect.gather [hbm4b:s4+s21], $0x40, s22, s21, $0xb8;
	[tilespmem:$0x16C40] =	vst v63  }
0x56: {  	_ =	swait.ge [sflag:s29], $0x6400  }
0x57: {  	[sflag:s29] =	ssyncset.done $0x0  }
0x58: {  	[sflag:s29] =	ssyncadd.s32 $0xFFFF9C00  }
0x59: {  	[spmem:s2] =	stream.indirect.scatter.add.f32 [tilespmem:s25], [sflag:$0x5], $0x40, s21, s21, $0xb8;
	[tilespmem:$0x16C40] =	vst v63  }
0x5a: {  	_ =	swait.ge [sflag:s30], $0x6400  }
0x5b: {  	[sflag:s30] =	ssyncset.done $0x0  }
0x5c: {  	s6 =	simm.s32 $0x64;
	s9 =	sadd.s32 $0x320, s16;
	[sflag:s30] =	ssyncadd.s32 $0xFFFF9C00  }
.LBB2_2:
0x5d: {  	[spmem:s2] =	stream.indirect.scatter.add.f32 [tilespmem:s28], [sflag:$0x6], $0x40, s23, s21, $0xb8;
	[tilespmem:$0x16C40] =	vst v63  }
0x5e: {  	s10 =	smov.u32 s6  }
0x5f: {  	p0 =	sne.s32 s6, $0x3E8;
	s6 =	sadd.s32 $0x64, s6;
	_ =	swait.ge [sflag:s31], $0x6400  }
0x60: {  	[sflag:s31] =	ssyncset.done $0x0  }
0x61: {  	[sflag:s31] =	ssyncadd.s32 $0xFFFF9C00  }
0x62: {  	_ =	swait.ge [sflag:s0], $0x6400  }
0x63: {  	s11 =	sshrl.u32 s9, $0x3;
	[sflag:s0] =	ssyncset.done $0x0  }
0x64: {  	s11 =	sadd.s32 s5, s11;
	[sflag:s0] =	ssyncadd.s32 $0xFFFF9C00  }
0x65: {  	[tilespmem:s3], [sflag:$0x1] =	stream.linear.gather [hbm4b:s11+s3], $0x190, $0x38;
	[tilespmem:$0x16C40] =	vst v63  }
0x66: {  	s11 =	sadd.s32 s10, s17  }
0x67: {  	[tilespmem:s21], [sflag:$0x1] =	stream.linear.gather [hbm4b:s11+s3], $0x190, $0x38;
	[tilespmem:$0x16C40] =	vst v63  }
0x68: {  	s11 =	sadd.s32 s10, s18  }
0x69: {  	[tilespmem:s22], [sflag:$0x2] =	stream.linear.gather [hbm4b:s11+s3], $0x190, $0x38;
	[tilespmem:$0x16C40] =	vst v63  }
0x6a: {  	s10 =	sadd.s32 s10, s15  }
0x6b: {  	[tilespmem:s23], [sflag:$0x2] =	stream.linear.gather [hbm4b:s10+s3], $0x190, $0x38;
	[tilespmem:$0x16C40] =	vst v63  }
0x6c: {  	_ =	swait.ge [sflag:s24], $0x190  }
0x6d: {  	[sflag:s24] =	ssyncset.done $0x0  }
0x6e: {  	[sflag:s24] =	ssyncadd.s32 $0xFFFFFE70  }
0x6f: {  	_ =	swait.ge [sflag:s24], $0x190  }
0x70: {  	[sflag:s24] =	ssyncset.done $0x0  }
0x71: {  	[sflag:s24] =	ssyncadd.s32 $0xFFFFFE70  }
0x72: {  	[tilespmem:s25], [sflag:$0x3] =	stream.indirect.gather [hbm4b:s4+s21], $0x40, s3, s21, $0xb8;
	[tilespmem:$0x16C40] =	vst v63  }
0x73: {  	_ =	swait.ge [sflag:s26], $0x190  }
0x74: {  	[sflag:s26] =	ssyncset.done $0x0  }
0x75: {  	[sflag:s26] =	ssyncadd.s32 $0xFFFFFE70  }
0x76: {  	_ =	swait.ge [sflag:s26], $0x190  }
0x77: {  	[sflag:s26] =	ssyncset.done $0x0  }
0x78: {  	[sflag:s26] =	ssyncadd.s32 $0xFFFFFE70  }
0x79: {  	[tilespmem:s28], [sflag:$0x4] =	stream.indirect.gather [hbm4b:s4+s21], $0x40, s22, s21, $0xb8;
	[tilespmem:$0x16C40] =	vst v63  }
0x7a: {  	_ =	swait.ge [sflag:s29], $0x6400  }
0x7b: {  	[sflag:s29] =	ssyncset.done $0x0  }
.Ltmp0:
0x7c: {  	[sflag:s29] =	ssyncadd.s32 $0xFFFF9C00;
	(pc) =	sbr.rel @p0 .LBB2_2-.Ltmp0, $4  }
0x7d: {  	[spmem:s2] =	stream.indirect.scatter.add.f32 [tilespmem:s25], [sflag:$0x5], $0x40, s21, s21, $0xb8;
	[tilespmem:$0x16C40] =	vst v63  }
0x7e: {  	_ =	swait.ge [sflag:s30], $0x6400  }
0x7f: {  	[sflag:s30] =	ssyncset.done $0x0  }
0x80: {  	s9 =	sadd.s32 $0x320, s9;
	[sflag:s30] =	ssyncadd.s32 $0xFFFF9C00  }
0x81: {  	[spmem:s2] =	stream.indirect.scatter.add.f32 [tilespmem:s28], [sflag:$0x6], $0x40, s23, s21, $0xb8;
	[tilespmem:$0x16C40] =	vst v63  }
0x82: {  	_ =	swait.ge [sflag:s31], $0x6400  }
0x83: {  	[sflag:s31] =	ssyncset.done $0x0  }
0x84: {  	s9 =	simm.s32 $0x4E200;
	s6 =	rddreg [dreg:$0x4];
	[sflag:s31] =	ssyncadd.s32 $0xFFFF9C00  }
0x85: {  	[tilespmem:s3], [sflag:$0x7] =	stream.strided.gather [hbm4b:s6+s21], $0x320, s9, s21, $0x38;
	[tilespmem:$0x16C40] =	vst v63  }
0x86: {  	_ =	swait.ge [sflag:s20], $0x320  }
0x87: {  	[sflag:s20] =	ssyncset.done $0x0  }
0x88: {  	[sflag:s20] =	ssyncadd.s32 $0xFFFFFCE0  }
0x89: {  	[tilespmem:s25], [sflag:$0x3] =	stream.indirect.gather [hbm4b:s4+s21], $0x40, s3, s21, $0xb8;
	[tilespmem:$0x16C40] =	vst v63  }
0x8a: {  	_ =	swait.ge [sflag:s29], $0x6400  }
0x8b: {  	[sflag:s29] =	ssyncset.done $0x0  }
0x8c: {  	[sflag:s29] =	ssyncadd.s32 $0xFFFF9C00  }
0x8d: {  	[spmem:s2] =	stream.indirect.scatter.add.f32 [tilespmem:s25], [sflag:$0x5], $0x40, s21, s21, $0xb8;
	[tilespmem:$0x16C40] =	vst v63  }
0x8e: {  	_ =	swait.ge [sflag:s31], $0x6400  }
0x8f: {  	[sflag:s31] =	ssyncset.done $0x0  }
0x90: {  	[sflag:s31] =	ssyncadd.s32 $0xFFFF9C00  }
0x91: {  	_ =	swait.ge [sflag:s0], $0x6400  }
0x92: {  	[sflag:s0] =	ssyncset.done $0x0  }
0x93: {  	[sflag:s0] =	ssyncadd.s32 $0xFFFF9C00  }
0x94: {  	[bflag:$0x0] =	sbarrier.arrive $0xFFFF  }
0x95: {  	s10 =	rddreg [dreg:$0x5]  }
0x96: {  	[hbm:s10], [sflag:s8] =	dma.local [spmem:s19], $0x13C0  }
0x97: {  	_ =	swait.ge [sflag:s20], $0x13C0  }
0x98: {  	s1 =	sadd.s32 $0x1, s1;
	s11 =	rddreg [dreg:$0x6]  }
0x99: {  	p0 =	sne.s32 s1, s11  }
.Ltmp1:
0x9a: {  	_ = 	snop;
	(pc) =	sbr.rel @p0 .LBB2_1-.Ltmp1, $3  }
0x9b: {  	_ =	sdelay $0x1  }
0x9c: {  	[sflag:s20] =	ssyncset.done $0x0  }
0x9d: {  	[sflag:s20] =	ssyncadd.s32 $0xFFFFEC40  }
0x9e: {  	_ =	sfence.sel $0x180000  }
0x9f: {  	[bflag:$0x0] =	sbarrier.arrive $0xFFFF  }
0xa0: {  	_ =	strace $0x9000004D  }
0xa1: {  	s0 =	stileid.u32;
	[bflag:$0x2] =	sbarrier.arrive $0xFFFF  }
0xa2: {  	p0 =	sne.s32 s0, $0x0;
	s0 =	rddreg [dreg:$0x2]  }
0xa3: {  	s0 =	sadd.s32 @!p0 $0x100000, s0  }
0xa4: {  	[sflag:s0] =	ssyncadd.tile.s32 @!p0 $0x1;
	_ =	shalt  }
.Lfunc_end2:
_tile_overlayer_lowered:
.L_overlay_start_2:
0xa5: {  	(tag) =	ssettag $0x2  }
0xa6: {  	s0 =	rddreg [dreg:$0x0];
	s2 =	stileid.u32  }
0xa7: {  	s1 =	rddreg [dreg:$0x1];
	p0 =	sne.s32 s2, $0x0  }
0xa8: {  	s3 =	rddreg [dreg:$0x2];
	[bflag:$0x3] =	sbarrier.arrive $0xFFFF;
	s2 =	simm.s32 @!p0 $0x1C07  }
0xa9: {  	[timem:s3], [sflag:s2] =	dma.local @!p0 [hbm:s0], s1  }
0xaa: {  	s0 =	simm.s32 @!p0 $0x7  }
0xab: {  	_ =	swait.ge @!p0 [sflag:s0], s1  }
0xac: {  	s1 =	ssub.s32 @!p0 $0x0, s1;
	[sflag:s0] =	ssyncset.done @!p0 $0x0  }
0xad: {  	[sflag:s0] =	ssyncadd.s32 @!p0 s1  }
0xae: {  	[bflag:$0x3] =	sbarrier.arrive $0xFFFF  }
0xaf: {  	_ =	shalt  }

// kernel: kernel.17.cloned.1.call-start
scs
__scs_entry_jumppad:
0x0: {  	(pc) =	sbr.rel $0x88, $3  }
0x1: {  	(tag) =	ssettag $0x0;
	lr =	simm.s32 $0x1  }
0x2: {  	[smem:$0x3F97] =	sst lr;
	_ =	strace $0xD0000000  }
0x3: {  	_ = 	snop  }
0x4: {  	_ = 	snop  }
0x5: {  	_ = 	snop  }
0x6: {  	_ = 	snop  }
0x7: {  	_ = 	snop  }
__scs_overlays_trampoline_lowered:
0x8: {  	[smem:$0x3FA6] =	sst s0  }
0x9: {  	[smem:$0x3FA7] =	sst s1  }
0xa: {  	[smem:$0x3FA8] =	sst s2  }
0xb: {  	[smem:$0x3FA9] =	sst s3  }
0xc: {  	[smem:$0x3FAA] =	sst s4  }
0xd: {  	[smem:$0x3FAB] =	sst s5  }
0xe: {  	[smem:$0x3FAC] =	sst s6  }
0xf: {  	[smem:$0x3FAD] =	sst s7  }
0x10: {  	[smem:$0x3FAE] =	sst s8  }
0x11: {  	[smem:$0x3FAF] =	sst s9;
	s0 =	simm.s32 @!p0 $0x0  }
0x12: {  	s1 =	sld [smem:$0x3F95];
	s0 =	simm.s32 @p0 $0x1  }
0x13: {  	[smem:$0x3FB0] =	sst s0;
	s0 =	simm.s32 @!p1 $0x0  }
0x14: {  	s2 =	sld [smem:$0x3F94];
	s0 =	simm.s32 @p1 $0x1  }
0x15: {  	[smem:$0x3FB1] =	sst s0;
	s0 =	simm.s32 @!p2 $0x0  }
0x16: {  	s3 =	sld [smem:$0x3FDB];
	s0 =	simm.s32 @p2 $0x1  }
0x17: {  	s4 =	simm.s32 $0x1BF5;
	[smem:$0x3FB3] =	sst s0  }
0x18: {  	s0 =	sld [smem:$0x3F96];
	_ =	swait.ge [sflag:s4], $0x0  }
0x19: {  	s7 =	sld [smem:$0x3F97]  }
0x1a: {  	s8 =	sadd.s32 $0xFFFFE003, lr  }
0x1b: {  	s9 =	sadd.s32 $0xFFFFFEF7, lr;
	s5 =	simm.s32 $0xFFFFFFFF;
	p2 =	slt.u32 s8, $0xFFFFF086  }
0x1c: {  	p1 =	slt.u32 s9, $0xF7A;
	s5 =	simm.s32 @!p2 $0x0  }
0x1d: {  	s5 =	simm.s32 @p1 $0x1;
	p0 =	seq.s32 s7, s2  }
0x1e: {  	s7 =	smul.u32 @!p0 $0xF7A, s2;
	p2 =	seq.s32 @!p0 s5, $0x0  }
0x1f: {  	s9 =	smul.u32 $0xF7A, s1;
	s8 =	simm.s32 @!p0 $0x1BF5;
	p2 =	por !p2, p0  }
0x20: {  	[sflag:s8] =	ssyncset.s32 @!p0 $0xFFFFF086;
	s6 =	sadd.s32 @!p0 s3, s7;
	s7 =	simm.s32 @!p0 $0x108  }
0x21: {  	s3 =	sadd.s32 s3, s9;
	s6 =	sadd.s32 @!p0 $0x88, s6;
	s7 =	simm.s32 @p2 $0x1082  }
0x22: {  	[simem:s7], [sflag:s8] =	dma.local @!p0 [hbm:s6], $0xF7A  }
0x23: {  	s9 =	sor.u32 $0xD0000000, s2;
	s6 =	simm.s32 $0x108;
	_ =	swait.ge @!p0 [sflag:s8], $0x0  }
0x24: {  	s3 =	sadd.s32 $0x88, s3;
	s6 =	simm.s32 @!p1 $0x1082;
	[sflag:s4] =	ssyncset.s32 $0xFFFFF086  }
0x25: {  	[simem:s6], [sflag:s4] =	dma.local [hbm:s3], $0xF7A  }
0x26: {  	[smem:$0x3F97] =	sst s1;
	(tag) =	ssettag s2;
	_ =	strace s9  }
0x27: {  	s1 =	sld [smem:$0x3FA7]  }
0x28: {  	s2 =	sld [smem:$0x3FA8]  }
0x29: {  	s4 =	sld [smem:$0x3FAA]  }
0x2a: {  	p0 =	seq.s32 s5, $0x0;
	s5 =	sld [smem:$0x3FAB]  }
0x2b: {  	s6 =	sld [smem:$0x3FAC]  }
0x2c: {  	s7 =	sld [smem:$0x3FAD]  }
0x2d: {  	s3 =	simm.s32 $0x108;
	s8 =	sld [smem:$0x3FAE]  }
0x2e: {  	s3 =	simm.s32 @!p0 $0x1082;
	s9 =	sld [smem:$0x3FAF]  }
0x2f: {  	lr =	sadd.s32 s0, s3;
	s0 =	sld [smem:$0x3FA6]  }
0x30: {  	s3 =	sld [smem:$0x3FA9]  }
0x31: {  	[smem:$0x3FB2] =	sst s10  }
0x32: {  	s10 =	sld [smem:$0x3FB0];
	_ =	sdelay $0x3  }
0x33: {  	p0 =	seq.s32 s10, $0x1;
	s10 =	sld [smem:$0x3FB2];
	_ =	sdelay $0x3  }
0x34: {  	[smem:$0x3FB2] =	sst s10  }
0x35: {  	s10 =	sld [smem:$0x3FB1];
	_ =	sdelay $0x3  }
0x36: {  	p1 =	seq.s32 s10, $0x1;
	s10 =	sld [smem:$0x3FB2];
	_ =	sdelay $0x3  }
0x37: {  	[smem:$0x3FB2] =	sst s10  }
0x38: {  	s10 =	sld [smem:$0x3FB3]  }
0x39: {  	_ = 	snop;
	(pc) =	sbr.ind lr, $3  }
0x3a: {  	_ = 	snop  }
0x3b: {  	_ = 	snop  }
0x3c: {  	p2 =	seq.s32 s10, $0x1;
	s10 =	sld [smem:$0x3FB2]  }
0x3d: {  	_ =	shalt  }
0x3e: {  	_ =	shalt  }
0x3f: {  	_ =	shalt  }
0x40: {  	_ =	shalt  }
0x41: {  	_ =	shalt  }
0x42: {  	_ =	shalt  }
0x43: {  	_ =	shalt  }
0x44: {  	_ =	shalt  }
0x45: {  	_ =	shalt  }
0x46: {  	_ =	shalt  }
0x47: {  	_ =	shalt  }
0x48: {  	_ =	shalt  }
0x49: {  	_ =	shalt  }
0x4a: {  	_ =	shalt  }
0x4b: {  	_ =	shalt  }
0x4c: {  	_ =	shalt  }
0x4d: {  	_ =	shalt  }
0x4e: {  	_ =	shalt  }
0x4f: {  	_ =	shalt  }
0x50: {  	_ =	shalt  }
0x51: {  	_ =	shalt  }
0x52: {  	_ =	shalt  }
0x53: {  	_ =	shalt  }
0x54: {  	_ =	shalt  }
0x55: {  	_ =	shalt  }
0x56: {  	_ =	shalt  }
0x57: {  	_ =	shalt  }
0x58: {  	_ =	shalt  }
0x59: {  	_ =	shalt  }
0x5a: {  	_ =	shalt  }
0x5b: {  	_ =	shalt  }
0x5c: {  	_ =	shalt  }
0x5d: {  	_ =	shalt  }
0x5e: {  	_ =	shalt  }
0x5f: {  	_ =	shalt  }
0x60: {  	_ =	shalt  }
0x61: {  	_ =	shalt  }
0x62: {  	_ =	shalt  }
0x63: {  	_ =	shalt  }
0x64: {  	_ =	shalt  }
0x65: {  	_ =	shalt  }
0x66: {  	_ =	shalt  }
0x67: {  	_ =	shalt  }
0x68: {  	_ =	shalt  }
0x69: {  	_ =	shalt  }
0x6a: {  	_ =	shalt  }
0x6b: {  	_ =	shalt  }
0x6c: {  	_ =	shalt  }
0x6d: {  	_ =	shalt  }
0x6e: {  	_ =	shalt  }
0x6f: {  	_ =	shalt  }
0x70: {  	_ =	shalt  }
0x71: {  	_ =	shalt  }
0x72: {  	_ =	shalt  }
0x73: {  	_ =	shalt  }
0x74: {  	_ =	shalt  }
0x75: {  	_ =	shalt  }
0x76: {  	_ =	shalt  }
0x77: {  	_ =	shalt  }
0x78: {  	_ =	shalt  }
0x79: {  	_ =	shalt  }
0x7a: {  	_ =	shalt  }
0x7b: {  	_ =	shalt  }
0x7c: {  	_ =	shalt  }
0x7d: {  	_ =	shalt  }
0x7e: {  	_ =	shalt  }
0x7f: {  	_ =	shalt  }
0x80: {  	_ =	shalt  }
0x81: {  	_ =	shalt  }
0x82: {  	_ =	shalt  }
0x83: {  	_ =	shalt  }
0x84: {  	_ =	shalt  }
0x85: {  	_ =	shalt  }
0x86: {  	_ =	shalt  }
0x87: {  	_ =	shalt  }
.Lfunc_end0:
.L_simem_size_0:
called_computation.2_lowered:
.L_overlay_start_0:
0x88: {  	s2 =	sld [smem:$0x3FD9]  }
0x89: {  	s3 =	sld [smem:$0x3FFE];
	_ =	sdelay $0x1  }
0x8a: {  	s1 =	srdreg.scid  }
0x8b: {  	s0 =	sand.u32 $0x1, s1  }
0x8c: {  	s16 =	sshll.u32 s0, $0xA;
	s2 =	sadd.s32 s3, s2  }
0x8d: {  	s2 =	sadd.s32 s2, s16  }
0x8e: {  	[smem:$0x3FBE] =	sst s2  }
0x8f: {  	_ = 	snop  }
0x90: {  	(tm) =	ssettm $0x1  }
0x91: {  	s17 =	sld [smem:$0x3FFB];
	_ =	sdelay $0x3  }
0x92: {  	_ =	strace s17  }
0x93: {  	s2 =	sld [smem:$0x3FFC];
	_ =	sdelay $0x3  }
0x94: {  	_ =	strace s2  }
0x95: {  	s2 =	sld [smem:$0x3FFD];
	_ =	sdelay $0x3  }
0x96: {  	_ =	strace s2  }
0x97: {  	_ =	strace $0x8FFFFFFF  }
0x98: {  	s18 =	sld [smem:$0x3FDB];
	_ =	sdelay $0x1  }
0x99: {  	s19 =	simm.s32 $_scs_section_size  }
0x9a: {  	s4 =	simm.s32 $_size__tile_overlayer_lowered;
	s5 =	simm.s32 $_tile_overlayer_lowered  }
0x9b: {  	s22 =	simm.s32 $0x1BFF;
	s21 =	sshll.u32 s5, $0x1;
	s2 =	sadd.s32 s19, s18  }
0x9c: {  	s6 =	simm.s32 $0x0;
	s20 =	sshll.u32 s4, $0x1;
	s4 =	sadd.s32 s21, s2  }
0x9d: {  	[timem:s6], [sflag:s22] =	dma.local [hbm:s4], s20  }
0x9e: {  	_ =	swait.ge [sflag:s22], s20  }
0x9f: {  	s3 =	ssub.s32 $0x0, s20;
	[sflag:s22] =	ssyncset.done $0x0  }
0xa0: {  	[sflag:s22] =	ssyncadd.s32 s3;
	_ =	sdelay $0x1  }
0xa1: {  	s23 =	simm.s32 $0x1B8B  }
0xa2: {  	_ =	swait.ge [sflag:s23], $0x1  }
0xa3: {  	[sflag:s23] =	ssyncset.done $0x0  }
0xa4: {  	s25 =	simm.s32 $0x1B8E;
	s24 =	sld [smem:$0x3FFE];
	[sflag:s23] =	ssyncadd.s32 $0xFFFFFFFF  }
0xa5: {  	s26 =	simm.s32 $execute0_lowered;
	[smem:$0x3FD2] =	sst s25  }
0xa6: {  	s4 =	sshll.u32 s26, $0x1;
	_ =	strace $0x80000049;
	[dreg:$0x1] =	wrdreg $0xFFFFFFFF  }
0xa7: {  	s28 =	simm.s32 $_size_execute0_lowered;
	s2 =	sadd.s32 s2, s4;
	[dreg:$0x0] =	wrdreg $0x0  }
0xa8: {  	s4 =	sshll.u32 s28, $0x1;
	[dreg:$0x2] =	wrdreg s2  }
0xa9: {  	[dreg:$0x3] =	wrdreg s4  }
0xaa: {  	[dreg:$0x4] =	wrdreg $0xC0  }
0xab: {  	_ =	task [dreg:s6], $0x5FFFF  }
0xac: {  	[dreg:$0x1] =	wrdreg $0xFFFFFFFF  }
0xad: {  	[dreg:$0x0] =	wrdreg $0x60  }
0xae: {  	[dreg:$0x2] =	wrdreg s24  }
0xaf: {  	[dreg:$0x3] =	wrdreg $0xCE400  }
0xb0: {  	[dreg:$0x4] =	wrdreg $0xA  }
0xb1: {  	_ =	task.clear_ibuf [dreg:s6], $0x5FFFF;
	_ =	strace $0x90000049  }
0xb2: {  	s29 =	simm.s32 $0xA;
	_ =	strace $0x8000004B  }
0xb3: {  	_ =	swait.ge [sflag:s29], $0x1  }
0xb4: {  	[sflag:s29] =	ssyncadd.s32 $0xFFFFFFFF  }
0xb5: {  	_ =	strace $0x9000004B  }
0xb6: {  	_ =	sfence  }
0xb7: {  	s30 =	sld [smem:$0x0];
	_ =	sdelay $0x2  }
0xb8: {  	s31 =	sshll.u32 s1, $0xD;
	s1 =	sshrl.u32 s1, $0x2  }
0xb9: {  	s3 =	sand.u32 $0x4000, s31;
	s1 =	sadd.s32 s1, s30  }
0xba: {  	s0 =	sor.u32 s3, s0;
	s1 =	sshll.u32 s1, $0x11  }
0xbb: {  	s0 =	sor.u32 s1, s0  }
0xbc: {  	s0 =	sadd.s32 $0x8F2B, s0  }
0xbd: {  	[sflag:s0] =	ssyncadd.remote.s32 $0x1  }
0xbe: {  	_ =	sfence.sel $0xFFFF  }
0xbf: {  	[dreg:$0x0] =	wrdreg $0xFFFFFFFF;
	(pc) =	sbr.abs _section_cstart, $3  }
0xc0: {  	[dreg:$0x1] =	wrdreg $0xFFFFFFFF  }
0xc1: {  	_ =	task.clear_ibuf [dreg:s6], $0x2FFFF;
	_ =	strace $0x9FFFFFFF  }
0xc2: {  	(tm) =	ssettm $0x7FFFFFFF  }
0xc3: {  	_ =	shalt  }
tec
execute0_lowered:
.L_overlay_start_1:
0x0: {  	(tag) =	ssettag $0x1  }
0x1: {  	s0 =	rddreg [dreg:$0x0]  }
0x2: {  	s2 =	rddreg [dreg:$0x1];
	s3 =	simm.s32 $0x0  }
0x3: {  	s12 =	stileid.u32;
	s4 =	srdreg.scid;
	s28 =	simm.s32 $0x6A40  }
0x4: {  	s29 =	simm.s32 $0x3;
	s30 =	simm.s32 $0x4;
	s31 =	simm.s32 $0x5  }
0x5: {  	[smem:$0x7FF] =	sst s3;
	s1 =	smul.u32 $0x9E00, s12;
	s6 =	sand.u32 $0x1, s4  }
0x6: {  	s4 =	sadd.s32 $0x16A00, s0;
	s5 =	sadd.s32 $0x3000, s0;
	s21 =	smul.u32 $0x2710, s12  }
0x7: {  	s20 =	sshll.u32 s12, $0x6;
	_ =	strace $0x8000004A;
	s8 =	smul.u32 $0x9E000, s6  }
0x8: {  	s9 =	sshll.u32 s6, $0x4;
	s10 =	ssub.s32 $0x2, s6;
	s6 =	smul.u32 $0x27100, s6  }
0x9: {  	s7 =	sshrl.u32 s1, $0x3;
	s9 =	sor.u32 s12, s9;
	s11 =	sshrl.u32 s10, $0x1  }
0xa: {  	s7 =	sadd.s32 s7, s0;
	s8 =	sadd.s32 s1, s8;
	s9 =	smul.u32 $0x2710, s9  }
0xb: {  	s11 =	ssub.s32 s10, s11;
	s1 =	sadd.s32 s1, s2;
	s24 =	sadd.s32 s21, s6  }
0xc: {  	s21 =	simm.s32 $0x190;
	s8 =	sshrl.u32 s8, $0x3;
	s7 =	sadd.s32 $0x2A400, s7  }
0xd: {  	s23 =	smax.u32 s11, $0x1;
	s6 =	sadd.s32 $0x4E6B0, s24;
	s16 =	sadd.s32 $0x4B0, s24  }
0xe: {  	s0 =	sadd.s32 s8, s0;
	[dreg:$0x3] =	wrdreg s7;
	s19 =	sshrl.u32 s9, $0x3  }
0xf: {  	s8 =	sor.u32 $0x1C07, s20;
	[dreg:$0x6] =	wrdreg s23;
	s6 =	sshrl.u32 s6, $0x3  }
0x10: {  	s9 =	sadd.s32 $0x4E520, s24;
	s26 =	sshrl.u32 s16, $0x3;
	s16 =	sadd.s32 $0x320, s24  }
0x11: {  	s20 =	simm.s32 $0x7;
	s23 =	simm.s32 $0x4B0;
	s24 =	simm.s32 $0x1  }
0x12: {  	s7 =	sadd.s32 s5, s19;
	s0 =	sadd.s32 $0x3E000, s0;
	s15 =	sadd.s32 s6, s5  }
0x13: {  	s25 =	sshrl.u32 s9, $0x3;
	s18 =	sadd.s32 s26, s5;
	s19 =	sshrl.u32 s1, $0x3  }
0x14: {  	s26 =	simm.s32 $0x2;
	s1 =	simm.s32 $0x0;
	s22 =	sadd.s32 $0x4B0, s7  }
0x15: {  	[dreg:$0x5] =	wrdreg s0;
	s12 =	sadd.s32 $0x9C40, s7;
	s13 =	sadd.s32 $0x32, s7  }
0x16: {  	s14 =	sadd.s32 $0x9C72, s7;
	s17 =	sadd.s32 s25, s5;
	s25 =	simm.s32 $0x640  }
0x17: {  	s0 =	simm.s32 $0x6;
	[dreg:$0x4] =	wrdreg s22;
	s22 =	simm.s32 $0x320  }
.LBB2_1:
0x18: {  	s6 =	rddreg [dreg:$0x3]  }
0x19: {  	[spmem:s19], [sflag:s8] =	dma.local [hbm:s6], $0x13C0  }
0x1a: {  	_ =	swait.ge [sflag:s20], $0x13C0  }
0x1b: {  	[sflag:s20] =	ssyncset.done $0x0  }
0x1c: {  	[sflag:s20] =	ssyncadd.s32 $0xFFFFEC40  }
0x1d: {  	[bflag:$0x0] =	sbarrier.arrive $0xFFFF  }
0x1e: {  	[tilespmem:s3], [sflag:$0x1] =	stream.linear.gather [hbm4b:s7+s3], $0x190, $0x38;
	[tilespmem:$0x16C40] =	vst v63  }
0x1f: {  	_ = 	snop  }
0x20: {  	[tilespmem:s21], [sflag:$0x1] =	stream.linear.gather [hbm4b:s12+s3], $0x190, $0x38;
	[tilespmem:$0x16C40] =	vst v63  }
0x21: {  	_ = 	snop  }
0x22: {  	[tilespmem:s22], [sflag:$0x2] =	stream.linear.gather [hbm4b:s13+s3], $0x190, $0x38;
	[tilespmem:$0x16C40] =	vst v63  }
0x23: {  	_ = 	snop  }
0x24: {  	[tilespmem:s23], [sflag:$0x2] =	stream.linear.gather [hbm4b:s14+s3], $0x190, $0x38;
	[tilespmem:$0x16C40] =	vst v63  }
0x25: {  	_ =	swait.ge [sflag:s24], $0x190  }
0x26: {  	[sflag:s24] =	ssyncset.done $0x0  }
0x27: {  	[sflag:s24] =	ssyncadd.s32 $0xFFFFFE70  }
0x28: {  	_ =	swait.ge [sflag:s24], $0x190  }
0x29: {  	[sflag:s24] =	ssyncset.done $0x0  }
0x2a: {  	[sflag:s24] =	ssyncadd.s32 $0xFFFFFE70  }
0x2b: {  	[tilespmem:s25], [sflag:$0x3] =	stream.indirect.gather [hbm4b:s4+s21], $0x40, s3, s21, $0xb8;
	[tilespmem:$0x16C40] =	vst v63  }
0x2c: {  	_ =	swait.ge [sflag:s26], $0x190  }
0x2d: {  	[sflag:s26] =	ssyncset.done $0x0  }
0x2e: {  	[sflag:s26] =	ssyncadd.s32 $0xFFFFFE70  }
0x2f: {  	_ =	swait.ge [sflag:s26], $0x190  }
0x30: {  	[sflag:s26] =	ssyncset.done $0x0  }
0x31: {  	[sflag:s26] =	ssyncadd.s32 $0xFFFFFE70  }
0x32: {  	[tilespmem:s28], [sflag:$0x4] =	stream.indirect.gather [hbm4b:s4+s21], $0x40, s22, s21, $0xb8;
	[tilespmem:$0x16C40] =	vst v63  }
0x33: {  	_ =	swait.ge [sflag:s29], $0x6400  }
0x34: {  	[sflag:s29] =	ssyncset.done $0x0  }
0x35: {  	[sflag:s29] =	ssyncadd.s32 $0xFFFF9C00  }
0x36: {  	[spmem:s2] =	stream.indirect.scatter.add.f32 [tilespmem:s25], [sflag:$0x5], $0x40, s21, s21, $0xb8;
	[tilespmem:$0x16C40] =	vst v63  }
0x37: {  	_ =	swait.ge [sflag:s30], $0x6400  }
0x38: {  	[sflag:s30] =	ssyncset.done $0x0  }
0x39: {  	[sflag:s30] =	ssyncadd.s32 $0xFFFF9C00  }
0x3a: {  	[spmem:s2] =	stream.indirect.scatter.add.f32 [tilespmem:s28], [sflag:$0x6], $0x40, s23, s21, $0xb8;
	[tilespmem:$0x16C40] =	vst v63  }
0x3b: {  	_ =	swait.ge [sflag:s31], $0x6400  }
0x3c: {  	[sflag:s31] =	ssyncset.done $0x0  }
0x3d: {  	[sflag:s31] =	ssyncadd.s32 $0xFFFF9C00  }
0x3e: {  	_ =	swait.ge [sflag:s0], $0x6400  }
0x3f: {  	s11 =	sshrl.u32 s16, $0x3;
	[sflag:s0] =	ssyncset.done $0x0  }
0x40: {  	s6 =	sadd.s32 s5, s11;
	[sflag:s0] =	ssyncadd.s32 $0xFFFF9C00  }
0x41: {  	[tilespmem:s3], [sflag:$0x1] =	stream.linear.gather [hbm4b:s6+s3], $0x190, $0x38;
	[tilespmem:$0x16C40] =	vst v63  }
0x42: {  	s9 =	sadd.s32 $0x0, s17  }
0x43: {  	[tilespmem:s21], [sflag:$0x1] =	stream.linear.gather [hbm4b:s9+s3], $0x190, $0x38;
	[tilespmem:$0x16C40] =	vst v63  }
0x44: {  	s10 =	sadd.s32 $0x0, s18  }
0x45: {  	[tilespmem:s22], [sflag:$0x2] =	stream.linear.gather [hbm4b:s10+s3], $0x190, $0x38;
	[tilespmem:$0x16C40] =	vst v63  }
0x46: {  	s11 =	sadd.s32 $0x0, s15  }
0x47: {  	[tilespmem:s23], [sflag:$0x2] =	stream.linear.gather [hbm4b:s11+s3], $0x190, $0x38;
	[tilespmem:$0x16C40] =	vst v63  }
0x48: {  	_ =	swait.ge [sflag:s24], $0x190  }
0x49: {  	[sflag:s24] =	ssyncset.done $0x0  }
0x4a: {  	[sflag:s24] =	ssyncadd.s32 $0xFFFFFE70  }
0x4b: {  	_ =	swait.ge [sflag:s24], $0x190  }
0x4c: {  	[sflag:s24] =	ssyncset.done $0x0  }
0x4d: {  	[sflag:s24] =	ssyncadd.s32 $0xFFFFFE70  }
0x4e: {  	[tilespmem:s25], [sflag:$0x3] =	stream.indirect.gather [hbm4b:s4+s21], $0x40, s3, s21, $0xb8;
	[tilespmem:$0x16C40] =	vst v63  }
0x4f: {  	_ =	swait.ge [sflag:s26], $0x190  }
0x50: {  	[sflag:s26] =	ssyncset.done $0x0  }
0x51: {  	[sflag:s26] =	ssyncadd.s32 $0xFFFFFE70  }
0x52: {  	_ =	swait.ge [sflag:s26], $0x190  }
0x53: {  	[sflag:s26] =	ssyncset.done $0x0  }
0x54: {  	[sflag:s26] =	ssyncadd.s32 $0xFFFFFE70  }
0x55: {  	[tilespmem:s28], [sflag:$0x4] =	stream.indirect.gather [hbm4b:s4+s21], $0x40, s22, s21, $0xb8;
	[tilespmem:$0x16C40] =	vst v63  }
0x56: {  	_ =	swait.ge [sflag:s29], $0x6400  }
0x57: {  	[sflag:s29] =	ssyncset.done $0x0  }
0x58: {  	[sflag:s29] =	ssyncadd.s32 $0xFFFF9C00  }
0x59: {  	[spmem:s2] =	stream.indirect.scatter.add.f32 [tilespmem:s25], [sflag:$0x5], $0x40, s21, s21, $0xb8;
	[tilespmem:$0x16C40] =	vst v63  }
0x5a: {  	_ =	swait.ge [sflag:s30], $0x6400  }
0x5b: {  	[sflag:s30] =	ssyncset.done $0x0  }
0x5c: {  	s6 =	simm.s32 $0x64;
	s9 =	sadd.s32 $0x320, s16;
	[sflag:s30] =	ssyncadd.s32 $0xFFFF9C00  }
.LBB2_2:
0x5d: {  	[spmem:s2] =	stream.indirect.scatter.add.f32 [tilespmem:s28], [sflag:$0x6], $0x40, s23, s21, $0xb8;
	[tilespmem:$0x16C40] =	vst v63  }
0x5e: {  	s10 =	smov.u32 s6  }
0x5f: {  	p0 =	sne.s32 s6, $0x3E8;
	s6 =	sadd.s32 $0x64, s6;
	_ =	swait.ge [sflag:s31], $0x6400  }
0x60: {  	[sflag:s31] =	ssyncset.done $0x0  }
0x61: {  	[sflag:s31] =	ssyncadd.s32 $0xFFFF9C00  }
0x62: {  	_ =	swait.ge [sflag:s0], $0x6400  }
0x63: {  	s11 =	sshrl.u32 s9, $0x3;
	[sflag:s0] =	ssyncset.done $0x0  }
0x64: {  	s11 =	sadd.s32 s5, s11;
	[sflag:s0] =	ssyncadd.s32 $0xFFFF9C00  }
0x65: {  	[tilespmem:s3], [sflag:$0x1] =	stream.linear.gather [hbm4b:s11+s3], $0x190, $0x38;
	[tilespmem:$0x16C40] =	vst v63  }
0x66: {  	s11 =	sadd.s32 s10, s17  }
0x67: {  	[tilespmem:s21], [sflag:$0x1] =	stream.linear.gather [hbm4b:s11+s3], $0x190, $0x38;
	[tilespmem:$0x16C40] =	vst v63  }
0x68: {  	s11 =	sadd.s32 s10, s18  }
0x69: {  	[tilespmem:s22], [sflag:$0x2] =	stream.linear.gather [hbm4b:s11+s3], $0x190, $0x38;
	[tilespmem:$0x16C40] =	vst v63  }
0x6a: {  	s10 =	sadd.s32 s10, s15  }
0x6b: {  	[tilespmem:s23], [sflag:$0x2] =	stream.linear.gather [hbm4b:s10+s3], $0x190, $0x38;
	[tilespmem:$0x16C40] =	vst v63  }
0x6c: {  	_ =	swait.ge [sflag:s24], $0x190  }
0x6d: {  	[sflag:s24] =	ssyncset.done $0x0  }
0x6e: {  	[sflag:s24] =	ssyncadd.s32 $0xFFFFFE70  }
0x6f: {  	_ =	swait.ge [sflag:s24], $0x190  }
0x70: {  	[sflag:s24] =	ssyncset.done $0x0  }
0x71: {  	[sflag:s24] =	ssyncadd.s32 $0xFFFFFE70  }
0x72: {  	[tilespmem:s25], [sflag:$0x3] =	stream.indirect.gather [hbm4b:s4+s21], $0x40, s3, s21, $0xb8;
	[tilespmem:$0x16C40] =	vst v63  }
0x73: {  	_ =	swait.ge [sflag:s26], $0x190  }
0x74: {  	[sflag:s26] =	ssyncset.done $0x0  }
0x75: {  	[sflag:s26] =	ssyncadd.s32 $0xFFFFFE70  }
0x76: {  	_ =	swait.ge [sflag:s26], $0x190  }
0x77: {  	[sflag:s26] =	ssyncset.done $0x0  }
0x78: {  	[sflag:s26] =	ssyncadd.s32 $0xFFFFFE70  }
0x79: {  	[tilespmem:s28], [sflag:$0x4] =	stream.indirect.gather [hbm4b:s4+s21], $0x40, s22, s21, $0xb8;
	[tilespmem:$0x16C40] =	vst v63  }
0x7a: {  	_ =	swait.ge [sflag:s29], $0x6400  }
0x7b: {  	[sflag:s29] =	ssyncset.done $0x0  }
.Ltmp0:
0x7c: {  	[sflag:s29] =	ssyncadd.s32 $0xFFFF9C00;
	(pc) =	sbr.rel @p0 .LBB2_2-.Ltmp0, $4  }
0x7d: {  	[spmem:s2] =	stream.indirect.scatter.add.f32 [tilespmem:s25], [sflag:$0x5], $0x40, s21, s21, $0xb8;
	[tilespmem:$0x16C40] =	vst v63  }
0x7e: {  	_ =	swait.ge [sflag:s30], $0x6400  }
0x7f: {  	[sflag:s30] =	ssyncset.done $0x0  }
0x80: {  	s9 =	sadd.s32 $0x320, s9;
	[sflag:s30] =	ssyncadd.s32 $0xFFFF9C00  }
0x81: {  	[spmem:s2] =	stream.indirect.scatter.add.f32 [tilespmem:s28], [sflag:$0x6], $0x40, s23, s21, $0xb8;
	[tilespmem:$0x16C40] =	vst v63  }
0x82: {  	_ =	swait.ge [sflag:s31], $0x6400  }
0x83: {  	[sflag:s31] =	ssyncset.done $0x0  }
0x84: {  	s9 =	simm.s32 $0x4E200;
	s6 =	rddreg [dreg:$0x4];
	[sflag:s31] =	ssyncadd.s32 $0xFFFF9C00  }
0x85: {  	[tilespmem:s3], [sflag:$0x7] =	stream.strided.gather [hbm4b:s6+s21], $0x320, s9, s21, $0x38;
	[tilespmem:$0x16C40] =	vst v63  }
0x86: {  	_ =	swait.ge [sflag:s20], $0x320  }
0x87: {  	[sflag:s20] =	ssyncset.done $0x0  }
0x88: {  	[sflag:s20] =	ssyncadd.s32 $0xFFFFFCE0  }
0x89: {  	[tilespmem:s25], [sflag:$0x3] =	stream.indirect.gather [hbm4b:s4+s21], $0x40, s3, s21, $0xb8;
	[tilespmem:$0x16C40] =	vst v63  }
0x8a: {  	_ =	swait.ge [sflag:s29], $0x6400  }
0x8b: {  	[sflag:s29] =	ssyncset.done $0x0  }
0x8c: {  	[sflag:s29] =	ssyncadd.s32 $0xFFFF9C00  }
0x8d: {  	[spmem:s2] =	stream.indirect.scatter.add.f32 [tilespmem:s25], [sflag:$0x5], $0x40, s21, s21, $0xb8;
	[tilespmem:$0x16C40] =	vst v63  }
0x8e: {  	_ =	swait.ge [sflag:s31], $0x6400  }
0x8f: {  	[sflag:s31] =	ssyncset.done $0x0  }
0x90: {  	[sflag:s31] =	ssyncadd.s32 $0xFFFF9C00  }
0x91: {  	_ =	swait.ge [sflag:s0], $0x6400  }
0x92: {  	[sflag:s0] =	ssyncset.done $0x0  }
0x93: {  	[sflag:s0] =	ssyncadd.s32 $0xFFFF9C00  }
0x94: {  	[bflag:$0x0] =	sbarrier.arrive $0xFFFF  }
0x95: {  	s10 =	rddreg [dreg:$0x5]  }
0x96: {  	[hbm:s10], [sflag:s8] =	dma.local [spmem:s19], $0x13C0  }
0x97: {  	_ =	swait.ge [sflag:s20], $0x13C0  }
0x98: {  	s1 =	sadd.s32 $0x1, s1;
	s11 =	rddreg [dreg:$0x6]  }
0x99: {  	p0 =	sne.s32 s1, s11  }
.Ltmp1:
0x9a: {  	_ = 	snop;
	(pc) =	sbr.rel @p0 .LBB2_1-.Ltmp1, $3  }
0x9b: {  	_ =	sdelay $0x1  }
0x9c: {  	[sflag:s20] =	ssyncset.done $0x0  }
0x9d: {  	[sflag:s20] =	ssyncadd.s32 $0xFFFFEC40  }
0x9e: {  	_ =	sfence.sel $0x180000  }
0x9f: {  	[bflag:$0x0] =	sbarrier.arrive $0xFFFF  }
0xa0: {  	_ =	strace $0x9000004A  }
0xa1: {  	s0 =	stileid.u32;
	[bflag:$0x2] =	sbarrier.arrive $0xFFFF  }
0xa2: {  	p0 =	sne.s32 s0, $0x0;
	s0 =	rddreg [dreg:$0x2]  }
0xa3: {  	s0 =	sadd.s32 @!p0 $0x100000, s0  }
0xa4: {  	[sflag:s0] =	ssyncadd.tile.s32 @!p0 $0x1;
	_ =	shalt  }
.Lfunc_end2:
_tile_overlayer_lowered:
.L_overlay_start_2:
0xa5: {  	(tag) =	ssettag $0x2  }
0xa6: {  	s0 =	rddreg [dreg:$0x0];
	s2 =	stileid.u32  }
0xa7: {  	s1 =	rddreg [dreg:$0x1];
	p0 =	sne.s32 s2, $0x0  }
0xa8: {  	s3 =	rddreg [dreg:$0x2];
	[bflag:$0x3] =	sbarrier.arrive $0xFFFF;
	s2 =	simm.s32 @!p0 $0x1C07  }
0xa9: {  	[timem:s3], [sflag:s2] =	dma.local @!p0 [hbm:s0], s1  }
0xaa: {  	s0 =	simm.s32 @!p0 $0x7  }
0xab: {  	_ =	swait.ge @!p0 [sflag:s0], s1  }
0xac: {  	s1 =	ssub.s32 @!p0 $0x0, s1;
	[sflag:s0] =	ssyncset.done @!p0 $0x0  }
0xad: {  	[sflag:s0] =	ssyncadd.s32 @!p0 s1  }
0xae: {  	[bflag:$0x3] =	sbarrier.arrive $0xFFFF  }
0xaf: {  	_ =	shalt  }

// kernel: kernel.20.cloned.1.call-start
scs
__scs_entry_jumppad:
0x0: {  	(pc) =	sbr.rel $0x88, $3  }
0x1: {  	(tag) =	ssettag $0x0;
	lr =	simm.s32 $0x1  }
0x2: {  	[smem:$0x3F97] =	sst lr;
	_ =	strace $0xD0000000  }
0x3: {  	_ = 	snop  }
0x4: {  	_ = 	snop  }
0x5: {  	_ = 	snop  }
0x6: {  	_ = 	snop  }
0x7: {  	_ = 	snop  }
__scs_overlays_trampoline_lowered:
0x8: {  	[smem:$0x3FA6] =	sst s0  }
0x9: {  	[smem:$0x3FA7] =	sst s1  }
0xa: {  	[smem:$0x3FA8] =	sst s2  }
0xb: {  	[smem:$0x3FA9] =	sst s3  }
0xc: {  	[smem:$0x3FAA] =	sst s4  }
0xd: {  	[smem:$0x3FAB] =	sst s5  }
0xe: {  	[smem:$0x3FAC] =	sst s6  }
0xf: {  	[smem:$0x3FAD] =	sst s7  }
0x10: {  	[smem:$0x3FAE] =	sst s8  }
0x11: {  	[smem:$0x3FAF] =	sst s9;
	s0 =	simm.s32 @!p0 $0x0  }
0x12: {  	s1 =	sld [smem:$0x3F95];
	s0 =	simm.s32 @p0 $0x1  }
0x13: {  	[smem:$0x3FB0] =	sst s0;
	s0 =	simm.s32 @!p1 $0x0  }
0x14: {  	s2 =	sld [smem:$0x3F94];
	s0 =	simm.s32 @p1 $0x1  }
0x15: {  	[smem:$0x3FB1] =	sst s0;
	s0 =	simm.s32 @!p2 $0x0  }
0x16: {  	s3 =	sld [smem:$0x3FDB];
	s0 =	simm.s32 @p2 $0x1  }
0x17: {  	s4 =	simm.s32 $0x1BF5;
	[smem:$0x3FB3] =	sst s0  }
0x18: {  	s0 =	sld [smem:$0x3F96];
	_ =	swait.ge [sflag:s4], $0x0  }
0x19: {  	s7 =	sld [smem:$0x3F97]  }
0x1a: {  	s8 =	sadd.s32 $0xFFFFE003, lr  }
0x1b: {  	s9 =	sadd.s32 $0xFFFFFEF7, lr;
	s5 =	simm.s32 $0xFFFFFFFF;
	p2 =	slt.u32 s8, $0xFFFFF086  }
0x1c: {  	p1 =	slt.u32 s9, $0xF7A;
	s5 =	simm.s32 @!p2 $0x0  }
0x1d: {  	s5 =	simm.s32 @p1 $0x1;
	p0 =	seq.s32 s7, s2  }
0x1e: {  	s7 =	smul.u32 @!p0 $0xF7A, s2;
	p2 =	seq.s32 @!p0 s5, $0x0  }
0x1f: {  	s9 =	smul.u32 $0xF7A, s1;
	s8 =	simm.s32 @!p0 $0x1BF5;
	p2 =	por !p2, p0  }
0x20: {  	[sflag:s8] =	ssyncset.s32 @!p0 $0xFFFFF086;
	s6 =	sadd.s32 @!p0 s3, s7;
	s7 =	simm.s32 @!p0 $0x108  }
0x21: {  	s3 =	sadd.s32 s3, s9;
	s6 =	sadd.s32 @!p0 $0x88, s6;
	s7 =	simm.s32 @p2 $0x1082  }
0x22: {  	[simem:s7], [sflag:s8] =	dma.local @!p0 [hbm:s6], $0xF7A  }
0x23: {  	s9 =	sor.u32 $0xD0000000, s2;
	s6 =	simm.s32 $0x108;
	_ =	swait.ge @!p0 [sflag:s8], $0x0  }
0x24: {  	s3 =	sadd.s32 $0x88, s3;
	s6 =	simm.s32 @!p1 $0x1082;
	[sflag:s4] =	ssyncset.s32 $0xFFFFF086  }
0x25: {  	[simem:s6], [sflag:s4] =	dma.local [hbm:s3], $0xF7A  }
0x26: {  	[smem:$0x3F97] =	sst s1;
	(tag) =	ssettag s2;
	_ =	strace s9  }
0x27: {  	s1 =	sld [smem:$0x3FA7]  }
0x28: {  	s2 =	sld [smem:$0x3FA8]  }
0x29: {  	s4 =	sld [smem:$0x3FAA]  }
0x2a: {  	p0 =	seq.s32 s5, $0x0;
	s5 =	sld [smem:$0x3FAB]  }
0x2b: {  	s6 =	sld [smem:$0x3FAC]  }
0x2c: {  	s7 =	sld [smem:$0x3FAD]  }
0x2d: {  	s3 =	simm.s32 $0x108;
	s8 =	sld [smem:$0x3FAE]  }
0x2e: {  	s3 =	simm.s32 @!p0 $0x1082;
	s9 =	sld [smem:$0x3FAF]  }
0x2f: {  	lr =	sadd.s32 s0, s3;
	s0 =	sld [smem:$0x3FA6]  }
0x30: {  	s3 =	sld [smem:$0x3FA9]  }
0x31: {  	[smem:$0x3FB2] =	sst s10  }
0x32: {  	s10 =	sld [smem:$0x3FB0];
	_ =	sdelay $0x3  }
0x33: {  	p0 =	seq.s32 s10, $0x1;
	s10 =	sld [smem:$0x3FB2];
	_ =	sdelay $0x3  }
0x34: {  	[smem:$0x3FB2] =	sst s10  }
0x35: {  	s10 =	sld [smem:$0x3FB1];
	_ =	sdelay $0x3  }
0x36: {  	p1 =	seq.s32 s10, $0x1;
	s10 =	sld [smem:$0x3FB2];
	_ =	sdelay $0x3  }
0x37: {  	[smem:$0x3FB2] =	sst s10  }
0x38: {  	s10 =	sld [smem:$0x3FB3]  }
0x39: {  	_ = 	snop;
	(pc) =	sbr.ind lr, $3  }
0x3a: {  	_ = 	snop  }
0x3b: {  	_ = 	snop  }
0x3c: {  	p2 =	seq.s32 s10, $0x1;
	s10 =	sld [smem:$0x3FB2]  }
0x3d: {  	_ =	shalt  }
0x3e: {  	_ =	shalt  }
0x3f: {  	_ =	shalt  }
0x40: {  	_ =	shalt  }
0x41: {  	_ =	shalt  }
0x42: {  	_ =	shalt  }
0x43: {  	_ =	shalt  }
0x44: {  	_ =	shalt  }
0x45: {  	_ =	shalt  }
0x46: {  	_ =	shalt  }
0x47: {  	_ =	shalt  }
0x48: {  	_ =	shalt  }
0x49: {  	_ =	shalt  }
0x4a: {  	_ =	shalt  }
0x4b: {  	_ =	shalt  }
0x4c: {  	_ =	shalt  }
0x4d: {  	_ =	shalt  }
0x4e: {  	_ =	shalt  }
0x4f: {  	_ =	shalt  }
0x50: {  	_ =	shalt  }
0x51: {  	_ =	shalt  }
0x52: {  	_ =	shalt  }
0x53: {  	_ =	shalt  }
0x54: {  	_ =	shalt  }
0x55: {  	_ =	shalt  }
0x56: {  	_ =	shalt  }
0x57: {  	_ =	shalt  }
0x58: {  	_ =	shalt  }
0x59: {  	_ =	shalt  }
0x5a: {  	_ =	shalt  }
0x5b: {  	_ =	shalt  }
0x5c: {  	_ =	shalt  }
0x5d: {  	_ =	shalt  }
0x5e: {  	_ =	shalt  }
0x5f: {  	_ =	shalt  }
0x60: {  	_ =	shalt  }
0x61: {  	_ =	shalt  }
0x62: {  	_ =	shalt  }
0x63: {  	_ =	shalt  }
0x64: {  	_ =	shalt  }
0x65: {  	_ =	shalt  }
0x66: {  	_ =	shalt  }
0x67: {  	_ =	shalt  }
0x68: {  	_ =	shalt  }
0x69: {  	_ =	shalt  }
0x6a: {  	_ =	shalt  }
0x6b: {  	_ =	shalt  }
0x6c: {  	_ =	shalt  }
0x6d: {  	_ =	shalt  }
0x6e: {  	_ =	shalt  }
0x6f: {  	_ =	shalt  }
0x70: {  	_ =	shalt  }
0x71: {  	_ =	shalt  }
0x72: {  	_ =	shalt  }
0x73: {  	_ =	shalt  }
0x74: {  	_ =	shalt  }
0x75: {  	_ =	shalt  }
0x76: {  	_ =	shalt  }
0x77: {  	_ =	shalt  }
0x78: {  	_ =	shalt  }
0x79: {  	_ =	shalt  }
0x7a: {  	_ =	shalt  }
0x7b: {  	_ =	shalt  }
0x7c: {  	_ =	shalt  }
0x7d: {  	_ =	shalt  }
0x7e: {  	_ =	shalt  }
0x7f: {  	_ =	shalt  }
0x80: {  	_ =	shalt  }
0x81: {  	_ =	shalt  }
0x82: {  	_ =	shalt  }
0x83: {  	_ =	shalt  }
0x84: {  	_ =	shalt  }
0x85: {  	_ =	shalt  }
0x86: {  	_ =	shalt  }
0x87: {  	_ =	shalt  }
.Lfunc_end0:
.L_simem_size_0:
called_computation.3_lowered:
.L_overlay_start_0:
0x88: {  	s2 =	sld [smem:$0x3FD9]  }
0x89: {  	s3 =	sld [smem:$0x3FFE];
	_ =	sdelay $0x1  }
0x8a: {  	s1 =	srdreg.scid  }
0x8b: {  	s0 =	sand.u32 $0x1, s1  }
0x8c: {  	s16 =	sshll.u32 s0, $0xA;
	s2 =	sadd.s32 s3, s2  }
0x8d: {  	s2 =	sadd.s32 s2, s16  }
0x8e: {  	[smem:$0x3FBE] =	sst s2  }
0x8f: {  	_ = 	snop  }
0x90: {  	(tm) =	ssettm $0x1  }
0x91: {  	s17 =	sld [smem:$0x3FFB];
	_ =	sdelay $0x3  }
0x92: {  	_ =	strace s17  }
0x93: {  	s2 =	sld [smem:$0x3FFC];
	_ =	sdelay $0x3  }
0x94: {  	_ =	strace s2  }
0x95: {  	s2 =	sld [smem:$0x3FFD];
	_ =	sdelay $0x3  }
0x96: {  	_ =	strace s2  }
0x97: {  	_ =	strace $0x8FFFFFFF  }
0x98: {  	s18 =	sld [smem:$0x3FDB];
	_ =	sdelay $0x1  }
0x99: {  	s19 =	simm.s32 $_scs_section_size  }
0x9a: {  	s4 =	simm.s32 $_size__tile_overlayer_lowered;
	s5 =	simm.s32 $_tile_overlayer_lowered  }
0x9b: {  	s22 =	simm.s32 $0x1BFF;
	s21 =	sshll.u32 s5, $0x1;
	s2 =	sadd.s32 s19, s18  }
0x9c: {  	s6 =	simm.s32 $0x0;
	s20 =	sshll.u32 s4, $0x1;
	s4 =	sadd.s32 s21, s2  }
0x9d: {  	[timem:s6], [sflag:s22] =	dma.local [hbm:s4], s20  }
0x9e: {  	_ =	swait.ge [sflag:s22], s20  }
0x9f: {  	s3 =	ssub.s32 $0x0, s20;
	[sflag:s22] =	ssyncset.done $0x0  }
0xa0: {  	[sflag:s22] =	ssyncadd.s32 s3;
	_ =	sdelay $0x1  }
0xa1: {  	s23 =	simm.s32 $0x1B8B  }
0xa2: {  	_ =	swait.ge [sflag:s23], $0x1  }
0xa3: {  	[sflag:s23] =	ssyncset.done $0x0  }
0xa4: {  	s25 =	simm.s32 $0x1B8E;
	s24 =	sld [smem:$0x3FFE];
	[sflag:s23] =	ssyncadd.s32 $0xFFFFFFFF  }
0xa5: {  	s26 =	simm.s32 $execute0_lowered;
	[smem:$0x3FD2] =	sst s25  }
0xa6: {  	s4 =	sshll.u32 s26, $0x1;
	_ =	strace $0x8000004F;
	[dreg:$0x1] =	wrdreg $0xFFFFFFFF  }
0xa7: {  	s28 =	simm.s32 $_size_execute0_lowered;
	s2 =	sadd.s32 s2, s4;
	[dreg:$0x0] =	wrdreg $0x0  }
0xa8: {  	s4 =	sshll.u32 s28, $0x1;
	[dreg:$0x2] =	wrdreg s2  }
0xa9: {  	[dreg:$0x3] =	wrdreg s4  }
0xaa: {  	[dreg:$0x4] =	wrdreg $0xC0  }
0xab: {  	_ =	task [dreg:s6], $0x5FFFF  }
0xac: {  	[dreg:$0x1] =	wrdreg $0xFFFFFFFF  }
0xad: {  	[dreg:$0x0] =	wrdreg $0x60  }
0xae: {  	[dreg:$0x2] =	wrdreg s24  }
0xaf: {  	[dreg:$0x3] =	wrdreg $0xCE400  }
0xb0: {  	[dreg:$0x4] =	wrdreg $0x9  }
0xb1: {  	_ =	task.clear_ibuf [dreg:s6], $0x5FFFF;
	_ =	strace $0x9000004F  }
0xb2: {  	s29 =	simm.s32 $0x9;
	_ =	strace $0x80000051  }
0xb3: {  	_ =	swait.ge [sflag:s29], $0x1  }
0xb4: {  	[sflag:s29] =	ssyncadd.s32 $0xFFFFFFFF  }
0xb5: {  	_ =	strace $0x90000051  }
0xb6: {  	_ =	sfence  }
0xb7: {  	s30 =	sld [smem:$0x0];
	_ =	sdelay $0x2  }
0xb8: {  	s31 =	sshll.u32 s1, $0xD;
	s1 =	sshrl.u32 s1, $0x2  }
0xb9: {  	s3 =	sand.u32 $0x4000, s31;
	s1 =	sadd.s32 s1, s30  }
0xba: {  	s0 =	sor.u32 s3, s0;
	s1 =	sshll.u32 s1, $0x11  }
0xbb: {  	s0 =	sor.u32 s1, s0  }
0xbc: {  	s0 =	sadd.s32 $0x8F2B, s0  }
0xbd: {  	[sflag:s0] =	ssyncadd.remote.s32 $0x1  }
0xbe: {  	_ =	sfence.sel $0xFFFF  }
0xbf: {  	[dreg:$0x0] =	wrdreg $0xFFFFFFFF;
	(pc) =	sbr.abs _section_cstart, $3  }
0xc0: {  	[dreg:$0x1] =	wrdreg $0xFFFFFFFF  }
0xc1: {  	_ =	task.clear_ibuf [dreg:s6], $0x2FFFF;
	_ =	strace $0x9FFFFFFF  }
0xc2: {  	(tm) =	ssettm $0x7FFFFFFF  }
0xc3: {  	_ =	shalt  }
tec
execute0_lowered:
.L_overlay_start_1:
0x0: {  	(tag) =	ssettag $0x1  }
0x1: {  	s0 =	rddreg [dreg:$0x0]  }
0x2: {  	s2 =	rddreg [dreg:$0x1];
	s3 =	simm.s32 $0x0  }
0x3: {  	s12 =	stileid.u32;
	s4 =	srdreg.scid;
	s28 =	simm.s32 $0x6A40  }
0x4: {  	s29 =	simm.s32 $0x3;
	s30 =	simm.s32 $0x4;
	s31 =	simm.s32 $0x5  }
0x5: {  	[smem:$0x7FF] =	sst s3;
	s1 =	smul.u32 $0x9E00, s12;
	s6 =	sand.u32 $0x1, s4  }
0x6: {  	s4 =	sadd.s32 $0x16A00, s0;
	s5 =	sadd.s32 $0x3000, s0;
	s21 =	smul.u32 $0x2710, s12  }
0x7: {  	s20 =	sshll.u32 s12, $0x6;
	_ =	strace $0x80000050;
	s8 =	smul.u32 $0x9E000, s6  }
0x8: {  	s9 =	sshll.u32 s6, $0x4;
	s10 =	ssub.s32 $0x2, s6;
	s6 =	smul.u32 $0x27100, s6  }
0x9: {  	s7 =	sshrl.u32 s1, $0x3;
	s9 =	sor.u32 s12, s9;
	s11 =	sshrl.u32 s10, $0x1  }
0xa: {  	s7 =	sadd.s32 s7, s0;
	s8 =	sadd.s32 s1, s8;
	s9 =	smul.u32 $0x2710, s9  }
0xb: {  	s11 =	ssub.s32 s10, s11;
	s1 =	sadd.s32 s1, s2;
	s24 =	sadd.s32 s21, s6  }
0xc: {  	s21 =	simm.s32 $0x190;
	s8 =	sshrl.u32 s8, $0x3;
	s7 =	sadd.s32 $0x2A400, s7  }
0xd: {  	s23 =	smax.u32 s11, $0x1;
	s6 =	sadd.s32 $0x4E6B0, s24;
	s16 =	sadd.s32 $0x4B0, s24  }
0xe: {  	s0 =	sadd.s32 s8, s0;
	[dreg:$0x3] =	wrdreg s7;
	s19 =	sshrl.u32 s9, $0x3  }
0xf: {  	s8 =	sor.u32 $0x1C07, s20;
	[dreg:$0x6] =	wrdreg s23;
	s6 =	sshrl.u32 s6, $0x3  }
0x10: {  	s9 =	sadd.s32 $0x4E520, s24;
	s26 =	sshrl.u32 s16, $0x3;
	s16 =	sadd.s32 $0x320, s24  }
0x11: {  	s20 =	simm.s32 $0x7;
	s23 =	simm.s32 $0x4B0;
	s24 =	simm.s32 $0x1  }
0x12: {  	s7 =	sadd.s32 s5, s19;
	s0 =	sadd.s32 $0x3E000, s0;
	s15 =	sadd.s32 s6, s5  }
0x13: {  	s25 =	sshrl.u32 s9, $0x3;
	s18 =	sadd.s32 s26, s5;
	s19 =	sshrl.u32 s1, $0x3  }
0x14: {  	s26 =	simm.s32 $0x2;
	s1 =	simm.s32 $0x0;
	s22 =	sadd.s32 $0x4B0, s7  }
0x15: {  	[dreg:$0x5] =	wrdreg s0;
	s12 =	sadd.s32 $0x9C40, s7;
	s13 =	sadd.s32 $0x32, s7  }
0x16: {  	s14 =	sadd.s32 $0x9C72, s7;
	s17 =	sadd.s32 s25, s5;
	s25 =	simm.s32 $0x640  }
0x17: {  	s0 =	simm.s32 $0x6;
	[dreg:$0x4] =	wrdreg s22;
	s22 =	simm.s32 $0x320  }
.LBB2_1:
0x18: {  	s6 =	rddreg [dreg:$0x3]  }
0x19: {  	[spmem:s19], [sflag:s8] =	dma.local [hbm:s6], $0x13C0  }
0x1a: {  	_ =	swait.ge [sflag:s20], $0x13C0  }
0x1b: {  	[sflag:s20] =	ssyncset.done $0x0  }
0x1c: {  	[sflag:s20] =	ssyncadd.s32 $0xFFFFEC40  }
0x1d: {  	[bflag:$0x0] =	sbarrier.arrive $0xFFFF  }
0x1e: {  	[tilespmem:s3], [sflag:$0x1] =	stream.linear.gather [hbm4b:s7+s3], $0x190, $0x38;
	[tilespmem:$0x16C40] =	vst v63  }
0x1f: {  	_ = 	snop  }
0x20: {  	[tilespmem:s21], [sflag:$0x1] =	stream.linear.gather [hbm4b:s12+s3], $0x190, $0x38;
	[tilespmem:$0x16C40] =	vst v63  }
0x21: {  	_ = 	snop  }
0x22: {  	[tilespmem:s22], [sflag:$0x2] =	stream.linear.gather [hbm4b:s13+s3], $0x190, $0x38;
	[tilespmem:$0x16C40] =	vst v63  }
0x23: {  	_ = 	snop  }
0x24: {  	[tilespmem:s23], [sflag:$0x2] =	stream.linear.gather [hbm4b:s14+s3], $0x190, $0x38;
	[tilespmem:$0x16C40] =	vst v63  }
0x25: {  	_ =	swait.ge [sflag:s24], $0x190  }
0x26: {  	[sflag:s24] =	ssyncset.done $0x0  }
0x27: {  	[sflag:s24] =	ssyncadd.s32 $0xFFFFFE70  }
0x28: {  	_ =	swait.ge [sflag:s24], $0x190  }
0x29: {  	[sflag:s24] =	ssyncset.done $0x0  }
0x2a: {  	[sflag:s24] =	ssyncadd.s32 $0xFFFFFE70  }
0x2b: {  	[tilespmem:s25], [sflag:$0x3] =	stream.indirect.gather [hbm4b:s4+s21], $0x40, s3, s21, $0xb8;
	[tilespmem:$0x16C40] =	vst v63  }
0x2c: {  	_ =	swait.ge [sflag:s26], $0x190  }
0x2d: {  	[sflag:s26] =	ssyncset.done $0x0  }
0x2e: {  	[sflag:s26] =	ssyncadd.s32 $0xFFFFFE70  }
0x2f: {  	_ =	swait.ge [sflag:s26], $0x190  }
0x30: {  	[sflag:s26] =	ssyncset.done $0x0  }
0x31: {  	[sflag:s26] =	ssyncadd.s32 $0xFFFFFE70  }
0x32: {  	[tilespmem:s28], [sflag:$0x4] =	stream.indirect.gather [hbm4b:s4+s21], $0x40, s22, s21, $0xb8;
	[tilespmem:$0x16C40] =	vst v63  }
0x33: {  	_ =	swait.ge [sflag:s29], $0x6400  }
0x34: {  	[sflag:s29] =	ssyncset.done $0x0  }
0x35: {  	[sflag:s29] =	ssyncadd.s32 $0xFFFF9C00  }
0x36: {  	[spmem:s2] =	stream.indirect.scatter.add.f32 [tilespmem:s25], [sflag:$0x5], $0x40, s21, s21, $0xb8;
	[tilespmem:$0x16C40] =	vst v63  }
0x37: {  	_ =	swait.ge [sflag:s30], $0x6400  }
0x38: {  	[sflag:s30] =	ssyncset.done $0x0  }
0x39: {  	[sflag:s30] =	ssyncadd.s32 $0xFFFF9C00  }
0x3a: {  	[spmem:s2] =	stream.indirect.scatter.add.f32 [tilespmem:s28], [sflag:$0x6], $0x40, s23, s21, $0xb8;
	[tilespmem:$0x16C40] =	vst v63  }
0x3b: {  	_ =	swait.ge [sflag:s31], $0x6400  }
0x3c: {  	[sflag:s31] =	ssyncset.done $0x0  }
0x3d: {  	[sflag:s31] =	ssyncadd.s32 $0xFFFF9C00  }
0x3e: {  	_ =	swait.ge [sflag:s0], $0x6400  }
0x3f: {  	s11 =	sshrl.u32 s16, $0x3;
	[sflag:s0] =	ssyncset.done $0x0  }
0x40: {  	s6 =	sadd.s32 s5, s11;
	[sflag:s0] =	ssyncadd.s32 $0xFFFF9C00  }
0x41: {  	[tilespmem:s3], [sflag:$0x1] =	stream.linear.gather [hbm4b:s6+s3], $0x190, $0x38;
	[tilespmem:$0x16C40] =	vst v63  }
0x42: {  	s9 =	sadd.s32 $0x0, s17  }
0x43: {  	[tilespmem:s21], [sflag:$0x1] =	stream.linear.gather [hbm4b:s9+s3], $0x190, $0x38;
	[tilespmem:$0x16C40] =	vst v63  }
0x44: {  	s10 =	sadd.s32 $0x0, s18  }
0x45: {  	[tilespmem:s22], [sflag:$0x2] =	stream.linear.gather [hbm4b:s10+s3], $0x190, $0x38;
	[tilespmem:$0x16C40] =	vst v63  }
0x46: {  	s11 =	sadd.s32 $0x0, s15  }
0x47: {  	[tilespmem:s23], [sflag:$0x2] =	stream.linear.gather [hbm4b:s11+s3], $0x190, $0x38;
	[tilespmem:$0x16C40] =	vst v63  }
0x48: {  	_ =	swait.ge [sflag:s24], $0x190  }
0x49: {  	[sflag:s24] =	ssyncset.done $0x0  }
0x4a: {  	[sflag:s24] =	ssyncadd.s32 $0xFFFFFE70  }
0x4b: {  	_ =	swait.ge [sflag:s24], $0x190  }
0x4c: {  	[sflag:s24] =	ssyncset.done $0x0  }
0x4d: {  	[sflag:s24] =	ssyncadd.s32 $0xFFFFFE70  }
0x4e: {  	[tilespmem:s25], [sflag:$0x3] =	stream.indirect.gather [hbm4b:s4+s21], $0x40, s3, s21, $0xb8;
	[tilespmem:$0x16C40] =	vst v63  }
0x4f: {  	_ =	swait.ge [sflag:s26], $0x190  }
0x50: {  	[sflag:s26] =	ssyncset.done $0x0  }
0x51: {  	[sflag:s26] =	ssyncadd.s32 $0xFFFFFE70  }
0x52: {  	_ =	swait.ge [sflag:s26], $0x190  }
0x53: {  	[sflag:s26] =	ssyncset.done $0x0  }
0x54: {  	[sflag:s26] =	ssyncadd.s32 $0xFFFFFE70  }
0x55: {  	[tilespmem:s28], [sflag:$0x4] =	stream.indirect.gather [hbm4b:s4+s21], $0x40, s22, s21, $0xb8;
	[tilespmem:$0x16C40] =	vst v63  }
0x56: {  	_ =	swait.ge [sflag:s29], $0x6400  }
0x57: {  	[sflag:s29] =	ssyncset.done $0x0  }
0x58: {  	[sflag:s29] =	ssyncadd.s32 $0xFFFF9C00  }
0x59: {  	[spmem:s2] =	stream.indirect.scatter.add.f32 [tilespmem:s25], [sflag:$0x5], $0x40, s21, s21, $0xb8;
	[tilespmem:$0x16C40] =	vst v63  }
0x5a: {  	_ =	swait.ge [sflag:s30], $0x6400  }
0x5b: {  	[sflag:s30] =	ssyncset.done $0x0  }
0x5c: {  	s6 =	simm.s32 $0x64;
	s9 =	sadd.s32 $0x320, s16;
	[sflag:s30] =	ssyncadd.s32 $0xFFFF9C00  }
.LBB2_2:
0x5d: {  	[spmem:s2] =	stream.indirect.scatter.add.f32 [tilespmem:s28], [sflag:$0x6], $0x40, s23, s21, $0xb8;
	[tilespmem:$0x16C40] =	vst v63  }
0x5e: {  	s10 =	smov.u32 s6  }
0x5f: {  	p0 =	sne.s32 s6, $0x3E8;
	s6 =	sadd.s32 $0x64, s6;
	_ =	swait.ge [sflag:s31], $0x6400  }
0x60: {  	[sflag:s31] =	ssyncset.done $0x0  }
0x61: {  	[sflag:s31] =	ssyncadd.s32 $0xFFFF9C00  }
0x62: {  	_ =	swait.ge [sflag:s0], $0x6400  }
0x63: {  	s11 =	sshrl.u32 s9, $0x3;
	[sflag:s0] =	ssyncset.done $0x0  }
0x64: {  	s11 =	sadd.s32 s5, s11;
	[sflag:s0] =	ssyncadd.s32 $0xFFFF9C00  }
0x65: {  	[tilespmem:s3], [sflag:$0x1] =	stream.linear.gather [hbm4b:s11+s3], $0x190, $0x38;
	[tilespmem:$0x16C40] =	vst v63  }
0x66: {  	s11 =	sadd.s32 s10, s17  }
0x67: {  	[tilespmem:s21], [sflag:$0x1] =	stream.linear.gather [hbm4b:s11+s3], $0x190, $0x38;
	[tilespmem:$0x16C40] =	vst v63  }
0x68: {  	s11 =	sadd.s32 s10, s18  }
0x69: {  	[tilespmem:s22], [sflag:$0x2] =	stream.linear.gather [hbm4b:s11+s3], $0x190, $0x38;
	[tilespmem:$0x16C40] =	vst v63  }
0x6a: {  	s10 =	sadd.s32 s10, s15  }
0x6b: {  	[tilespmem:s23], [sflag:$0x2] =	stream.linear.gather [hbm4b:s10+s3], $0x190, $0x38;
	[tilespmem:$0x16C40] =	vst v63  }
0x6c: {  	_ =	swait.ge [sflag:s24], $0x190  }
0x6d: {  	[sflag:s24] =	ssyncset.done $0x0  }
0x6e: {  	[sflag:s24] =	ssyncadd.s32 $0xFFFFFE70  }
0x6f: {  	_ =	swait.ge [sflag:s24], $0x190  }
0x70: {  	[sflag:s24] =	ssyncset.done $0x0  }
0x71: {  	[sflag:s24] =	ssyncadd.s32 $0xFFFFFE70  }
0x72: {  	[tilespmem:s25], [sflag:$0x3] =	stream.indirect.gather [hbm4b:s4+s21], $0x40, s3, s21, $0xb8;
	[tilespmem:$0x16C40] =	vst v63  }
0x73: {  	_ =	swait.ge [sflag:s26], $0x190  }
0x74: {  	[sflag:s26] =	ssyncset.done $0x0  }
0x75: {  	[sflag:s26] =	ssyncadd.s32 $0xFFFFFE70  }
0x76: {  	_ =	swait.ge [sflag:s26], $0x190  }
0x77: {  	[sflag:s26] =	ssyncset.done $0x0  }
0x78: {  	[sflag:s26] =	ssyncadd.s32 $0xFFFFFE70  }
0x79: {  	[tilespmem:s28], [sflag:$0x4] =	stream.indirect.gather [hbm4b:s4+s21], $0x40, s22, s21, $0xb8;
	[tilespmem:$0x16C40] =	vst v63  }
0x7a: {  	_ =	swait.ge [sflag:s29], $0x6400  }
0x7b: {  	[sflag:s29] =	ssyncset.done $0x0  }
.Ltmp0:
0x7c: {  	[sflag:s29] =	ssyncadd.s32 $0xFFFF9C00;
	(pc) =	sbr.rel @p0 .LBB2_2-.Ltmp0, $4  }
0x7d: {  	[spmem:s2] =	stream.indirect.scatter.add.f32 [tilespmem:s25], [sflag:$0x5], $0x40, s21, s21, $0xb8;
	[tilespmem:$0x16C40] =	vst v63  }
0x7e: {  	_ =	swait.ge [sflag:s30], $0x6400  }
0x7f: {  	[sflag:s30] =	ssyncset.done $0x0  }
0x80: {  	s9 =	sadd.s32 $0x320, s9;
	[sflag:s30] =	ssyncadd.s32 $0xFFFF9C00  }
0x81: {  	[spmem:s2] =	stream.indirect.scatter.add.f32 [tilespmem:s28], [sflag:$0x6], $0x40, s23, s21, $0xb8;
	[tilespmem:$0x16C40] =	vst v63  }
0x82: {  	_ =	swait.ge [sflag:s31], $0x6400  }
0x83: {  	[sflag:s31] =	ssyncset.done $0x0  }
0x84: {  	s9 =	simm.s32 $0x4E200;
	s6 =	rddreg [dreg:$0x4];
	[sflag:s31] =	ssyncadd.s32 $0xFFFF9C00  }
0x85: {  	[tilespmem:s3], [sflag:$0x7] =	stream.strided.gather [hbm4b:s6+s21], $0x320, s9, s21, $0x38;
	[tilespmem:$0x16C40] =	vst v63  }
0x86: {  	_ =	swait.ge [sflag:s20], $0x320  }
0x87: {  	[sflag:s20] =	ssyncset.done $0x0  }
0x88: {  	[sflag:s20] =	ssyncadd.s32 $0xFFFFFCE0  }
0x89: {  	[tilespmem:s25], [sflag:$0x3] =	stream.indirect.gather [hbm4b:s4+s21], $0x40, s3, s21, $0xb8;
	[tilespmem:$0x16C40] =	vst v63  }
0x8a: {  	_ =	swait.ge [sflag:s29], $0x6400  }
0x8b: {  	[sflag:s29] =	ssyncset.done $0x0  }
0x8c: {  	[sflag:s29] =	ssyncadd.s32 $0xFFFF9C00  }
0x8d: {  	[spmem:s2] =	stream.indirect.scatter.add.f32 [tilespmem:s25], [sflag:$0x5], $0x40, s21, s21, $0xb8;
	[tilespmem:$0x16C40] =	vst v63  }
0x8e: {  	_ =	swait.ge [sflag:s31], $0x6400  }
0x8f: {  	[sflag:s31] =	ssyncset.done $0x0  }
0x90: {  	[sflag:s31] =	ssyncadd.s32 $0xFFFF9C00  }
0x91: {  	_ =	swait.ge [sflag:s0], $0x6400  }
0x92: {  	[sflag:s0] =	ssyncset.done $0x0  }
0x93: {  	[sflag:s0] =	ssyncadd.s32 $0xFFFF9C00  }
0x94: {  	[bflag:$0x0] =	sbarrier.arrive $0xFFFF  }
0x95: {  	s10 =	rddreg [dreg:$0x5]  }
0x96: {  	[hbm:s10], [sflag:s8] =	dma.local [spmem:s19], $0x13C0  }
0x97: {  	_ =	swait.ge [sflag:s20], $0x13C0  }
0x98: {  	s1 =	sadd.s32 $0x1, s1;
	s11 =	rddreg [dreg:$0x6]  }
0x99: {  	p0 =	sne.s32 s1, s11  }
.Ltmp1:
0x9a: {  	_ = 	snop;
	(pc) =	sbr.rel @p0 .LBB2_1-.Ltmp1, $3  }
0x9b: {  	_ =	sdelay $0x1  }
0x9c: {  	[sflag:s20] =	ssyncset.done $0x0  }
0x9d: {  	[sflag:s20] =	ssyncadd.s32 $0xFFFFEC40  }
0x9e: {  	_ =	sfence.sel $0x180000  }
0x9f: {  	[bflag:$0x0] =	sbarrier.arrive $0xFFFF  }
0xa0: {  	_ =	strace $0x90000050  }
0xa1: {  	s0 =	stileid.u32;
	[bflag:$0x2] =	sbarrier.arrive $0xFFFF  }
0xa2: {  	p0 =	sne.s32 s0, $0x0;
	s0 =	rddreg [dreg:$0x2]  }
0xa3: {  	s0 =	sadd.s32 @!p0 $0x100000, s0  }
0xa4: {  	[sflag:s0] =	ssyncadd.tile.s32 @!p0 $0x1;
	_ =	shalt  }
.Lfunc_end2:
_tile_overlayer_lowered:
.L_overlay_start_2:
0xa5: {  	(tag) =	ssettag $0x2  }
0xa6: {  	s0 =	rddreg [dreg:$0x0];
	s2 =	stileid.u32  }
0xa7: {  	s1 =	rddreg [dreg:$0x1];
	p0 =	sne.s32 s2, $0x0  }
0xa8: {  	s3 =	rddreg [dreg:$0x2];
	[bflag:$0x3] =	sbarrier.arrive $0xFFFF;
	s2 =	simm.s32 @!p0 $0x1C07  }
0xa9: {  	[timem:s3], [sflag:s2] =	dma.local @!p0 [hbm:s0], s1  }
0xaa: {  	s0 =	simm.s32 @!p0 $0x7  }
0xab: {  	_ =	swait.ge @!p0 [sflag:s0], s1  }
0xac: {  	s1 =	ssub.s32 @!p0 $0x0, s1;
	[sflag:s0] =	ssyncset.done @!p0 $0x0  }
0xad: {  	[sflag:s0] =	ssyncadd.s32 @!p0 s1  }
0xae: {  	[bflag:$0x3] =	sbarrier.arrive $0xFFFF  }
0xaf: {  	_ =	shalt  }

// kernel: kernel.23.cloned.1.call-start
scs
__scs_entry_jumppad:
0x0: {  	(pc) =	sbr.rel $0x88, $3  }
0x1: {  	(tag) =	ssettag $0x0;
	lr =	simm.s32 $0x1  }
0x2: {  	[smem:$0x3F97] =	sst lr;
	_ =	strace $0xD0000000  }
0x3: {  	_ = 	snop  }
0x4: {  	_ = 	snop  }
0x5: {  	_ = 	snop  }
0x6: {  	_ = 	snop  }
0x7: {  	_ = 	snop  }
__scs_overlays_trampoline_lowered:
0x8: {  	[smem:$0x3FA6] =	sst s0  }
0x9: {  	[smem:$0x3FA7] =	sst s1  }
0xa: {  	[smem:$0x3FA8] =	sst s2  }
0xb: {  	[smem:$0x3FA9] =	sst s3  }
0xc: {  	[smem:$0x3FAA] =	sst s4  }
0xd: {  	[smem:$0x3FAB] =	sst s5  }
0xe: {  	[smem:$0x3FAC] =	sst s6  }
0xf: {  	[smem:$0x3FAD] =	sst s7  }
0x10: {  	[smem:$0x3FAE] =	sst s8  }
0x11: {  	[smem:$0x3FAF] =	sst s9;
	s0 =	simm.s32 @!p0 $0x0  }
0x12: {  	s1 =	sld [smem:$0x3F95];
	s0 =	simm.s32 @p0 $0x1  }
0x13: {  	[smem:$0x3FB0] =	sst s0;
	s0 =	simm.s32 @!p1 $0x0  }
0x14: {  	s2 =	sld [smem:$0x3F94];
	s0 =	simm.s32 @p1 $0x1  }
0x15: {  	[smem:$0x3FB1] =	sst s0;
	s0 =	simm.s32 @!p2 $0x0  }
0x16: {  	s3 =	sld [smem:$0x3FDB];
	s0 =	simm.s32 @p2 $0x1  }
0x17: {  	s4 =	simm.s32 $0x1BF5;
	[smem:$0x3FB3] =	sst s0  }
0x18: {  	s0 =	sld [smem:$0x3F96];
	_ =	swait.ge [sflag:s4], $0x0  }
0x19: {  	s7 =	sld [smem:$0x3F97]  }
0x1a: {  	s8 =	sadd.s32 $0xFFFFE003, lr  }
0x1b: {  	s9 =	sadd.s32 $0xFFFFFEF7, lr;
	s5 =	simm.s32 $0xFFFFFFFF;
	p2 =	slt.u32 s8, $0xFFFFF086  }
0x1c: {  	p1 =	slt.u32 s9, $0xF7A;
	s5 =	simm.s32 @!p2 $0x0  }
0x1d: {  	s5 =	simm.s32 @p1 $0x1;
	p0 =	seq.s32 s7, s2  }
0x1e: {  	s7 =	smul.u32 @!p0 $0xF7A, s2;
	p2 =	seq.s32 @!p0 s5, $0x0  }
0x1f: {  	s9 =	smul.u32 $0xF7A, s1;
	s8 =	simm.s32 @!p0 $0x1BF5;
	p2 =	por !p2, p0  }
0x20: {  	[sflag:s8] =	ssyncset.s32 @!p0 $0xFFFFF086;
	s6 =	sadd.s32 @!p0 s3, s7;
	s7 =	simm.s32 @!p0 $0x108  }
0x21: {  	s3 =	sadd.s32 s3, s9;
	s6 =	sadd.s32 @!p0 $0x88, s6;
	s7 =	simm.s32 @p2 $0x1082  }
0x22: {  	[simem:s7], [sflag:s8] =	dma.local @!p0 [hbm:s6], $0xF7A  }
0x23: {  	s9 =	sor.u32 $0xD0000000, s2;
	s6 =	simm.s32 $0x108;
	_ =	swait.ge @!p0 [sflag:s8], $0x0  }
0x24: {  	s3 =	sadd.s32 $0x88, s3;
	s6 =	simm.s32 @!p1 $0x1082;
	[sflag:s4] =	ssyncset.s32 $0xFFFFF086  }
0x25: {  	[simem:s6], [sflag:s4] =	dma.local [hbm:s3], $0xF7A  }
0x26: {  	[smem:$0x3F97] =	sst s1;
	(tag) =	ssettag s2;
	_ =	strace s9  }
0x27: {  	s1 =	sld [smem:$0x3FA7]  }
0x28: {  	s2 =	sld [smem:$0x3FA8]  }
0x29: {  	s4 =	sld [smem:$0x3FAA]  }
0x2a: {  	p0 =	seq.s32 s5, $0x0;
	s5 =	sld [smem:$0x3FAB]  }
0x2b: {  	s6 =	sld [smem:$0x3FAC]  }
0x2c: {  	s7 =	sld [smem:$0x3FAD]  }
0x2d: {  	s3 =	simm.s32 $0x108;
	s8 =	sld [smem:$0x3FAE]  }
0x2e: {  	s3 =	simm.s32 @!p0 $0x1082;
	s9 =	sld [smem:$0x3FAF]  }
0x2f: {  	lr =	sadd.s32 s0, s3;
	s0 =	sld [smem:$0x3FA6]  }
0x30: {  	s3 =	sld [smem:$0x3FA9]  }
0x31: {  	[smem:$0x3FB2] =	sst s10  }
0x32: {  	s10 =	sld [smem:$0x3FB0];
	_ =	sdelay $0x3  }
0x33: {  	p0 =	seq.s32 s10, $0x1;
	s10 =	sld [smem:$0x3FB2];
	_ =	sdelay $0x3  }
0x34: {  	[smem:$0x3FB2] =	sst s10  }
0x35: {  	s10 =	sld [smem:$0x3FB1];
	_ =	sdelay $0x3  }
0x36: {  	p1 =	seq.s32 s10, $0x1;
	s10 =	sld [smem:$0x3FB2];
	_ =	sdelay $0x3  }
0x37: {  	[smem:$0x3FB2] =	sst s10  }
0x38: {  	s10 =	sld [smem:$0x3FB3]  }
0x39: {  	_ = 	snop;
	(pc) =	sbr.ind lr, $3  }
0x3a: {  	_ = 	snop  }
0x3b: {  	_ = 	snop  }
0x3c: {  	p2 =	seq.s32 s10, $0x1;
	s10 =	sld [smem:$0x3FB2]  }
0x3d: {  	_ =	shalt  }
0x3e: {  	_ =	shalt  }
0x3f: {  	_ =	shalt  }
0x40: {  	_ =	shalt  }
0x41: {  	_ =	shalt  }
0x42: {  	_ =	shalt  }
0x43: {  	_ =	shalt  }
0x44: {  	_ =	shalt  }
0x45: {  	_ =	shalt  }
0x46: {  	_ =	shalt  }
0x47: {  	_ =	shalt  }
0x48: {  	_ =	shalt  }
0x49: {  	_ =	shalt  }
0x4a: {  	_ =	shalt  }
0x4b: {  	_ =	shalt  }
0x4c: {  	_ =	shalt  }
0x4d: {  	_ =	shalt  }
0x4e: {  	_ =	shalt  }
0x4f: {  	_ =	shalt  }
0x50: {  	_ =	shalt  }
0x51: {  	_ =	shalt  }
0x52: {  	_ =	shalt  }
0x53: {  	_ =	shalt  }
0x54: {  	_ =	shalt  }
0x55: {  	_ =	shalt  }
0x56: {  	_ =	shalt  }
0x57: {  	_ =	shalt  }
0x58: {  	_ =	shalt  }
0x59: {  	_ =	shalt  }
0x5a: {  	_ =	shalt  }
0x5b: {  	_ =	shalt  }
0x5c: {  	_ =	shalt  }
0x5d: {  	_ =	shalt  }
0x5e: {  	_ =	shalt  }
0x5f: {  	_ =	shalt  }
0x60: {  	_ =	shalt  }
0x61: {  	_ =	shalt  }
0x62: {  	_ =	shalt  }
0x63: {  	_ =	shalt  }
0x64: {  	_ =	shalt  }
0x65: {  	_ =	shalt  }
0x66: {  	_ =	shalt  }
0x67: {  	_ =	shalt  }
0x68: {  	_ =	shalt  }
0x69: {  	_ =	shalt  }
0x6a: {  	_ =	shalt  }
0x6b: {  	_ =	shalt  }
0x6c: {  	_ =	shalt  }
0x6d: {  	_ =	shalt  }
0x6e: {  	_ =	shalt  }
0x6f: {  	_ =	shalt  }
0x70: {  	_ =	shalt  }
0x71: {  	_ =	shalt  }
0x72: {  	_ =	shalt  }
0x73: {  	_ =	shalt  }
0x74: {  	_ =	shalt  }
0x75: {  	_ =	shalt  }
0x76: {  	_ =	shalt  }
0x77: {  	_ =	shalt  }
0x78: {  	_ =	shalt  }
0x79: {  	_ =	shalt  }
0x7a: {  	_ =	shalt  }
0x7b: {  	_ =	shalt  }
0x7c: {  	_ =	shalt  }
0x7d: {  	_ =	shalt  }
0x7e: {  	_ =	shalt  }
0x7f: {  	_ =	shalt  }
0x80: {  	_ =	shalt  }
0x81: {  	_ =	shalt  }
0x82: {  	_ =	shalt  }
0x83: {  	_ =	shalt  }
0x84: {  	_ =	shalt  }
0x85: {  	_ =	shalt  }
0x86: {  	_ =	shalt  }
0x87: {  	_ =	shalt  }
.Lfunc_end0:
.L_simem_size_0:
called_computation.4_lowered:
.L_overlay_start_0:
0x88: {  	s2 =	sld [smem:$0x3FD9]  }
0x89: {  	s3 =	sld [smem:$0x3FFE];
	_ =	sdelay $0x1  }
0x8a: {  	s1 =	srdreg.scid  }
0x8b: {  	s0 =	sand.u32 $0x1, s1  }
0x8c: {  	s16 =	sshll.u32 s0, $0xA;
	s2 =	sadd.s32 s3, s2  }
0x8d: {  	s2 =	sadd.s32 s2, s16  }
0x8e: {  	[smem:$0x3FBE] =	sst s2  }
0x8f: {  	_ = 	snop  }
0x90: {  	(tm) =	ssettm $0x1  }
0x91: {  	s17 =	sld [smem:$0x3FFB];
	_ =	sdelay $0x3  }
0x92: {  	_ =	strace s17  }
0x93: {  	s2 =	sld [smem:$0x3FFC];
	_ =	sdelay $0x3  }
0x94: {  	_ =	strace s2  }
0x95: {  	s2 =	sld [smem:$0x3FFD];
	_ =	sdelay $0x3  }
0x96: {  	_ =	strace s2  }
0x97: {  	_ =	strace $0x8FFFFFFF  }
0x98: {  	s18 =	sld [smem:$0x3FDB];
	_ =	sdelay $0x1  }
0x99: {  	s19 =	simm.s32 $_scs_section_size  }
0x9a: {  	s4 =	simm.s32 $_size__tile_overlayer_lowered;
	s5 =	simm.s32 $_tile_overlayer_lowered  }
0x9b: {  	s22 =	simm.s32 $0x1BFF;
	s21 =	sshll.u32 s5, $0x1;
	s2 =	sadd.s32 s19, s18  }
0x9c: {  	s6 =	simm.s32 $0x0;
	s20 =	sshll.u32 s4, $0x1;
	s4 =	sadd.s32 s21, s2  }
0x9d: {  	[timem:s6], [sflag:s22] =	dma.local [hbm:s4], s20  }
0x9e: {  	_ =	swait.ge [sflag:s22], s20  }
0x9f: {  	s3 =	ssub.s32 $0x0, s20;
	[sflag:s22] =	ssyncset.done $0x0  }
0xa0: {  	[sflag:s22] =	ssyncadd.s32 s3;
	_ =	sdelay $0x1  }
0xa1: {  	s23 =	simm.s32 $0x1B8B  }
0xa2: {  	_ =	swait.ge [sflag:s23], $0x1  }
0xa3: {  	[sflag:s23] =	ssyncset.done $0x0  }
0xa4: {  	s25 =	simm.s32 $0x1B8E;
	s24 =	sld [smem:$0x3FFE];
	[sflag:s23] =	ssyncadd.s32 $0xFFFFFFFF  }
0xa5: {  	s26 =	simm.s32 $execute0_lowered;
	[smem:$0x3FD2] =	sst s25  }
0xa6: {  	s4 =	sshll.u32 s26, $0x1;
	_ =	strace $0x80000052;
	[dreg:$0x1] =	wrdreg $0xFFFFFFFF  }
0xa7: {  	s28 =	simm.s32 $_size_execute0_lowered;
	s2 =	sadd.s32 s2, s4;
	[dreg:$0x0] =	wrdreg $0x0  }
0xa8: {  	s4 =	sshll.u32 s28, $0x1;
	[dreg:$0x2] =	wrdreg s2  }
0xa9: {  	[dreg:$0x3] =	wrdreg s4  }
0xaa: {  	[dreg:$0x4] =	wrdreg $0xC0  }
0xab: {  	_ =	task [dreg:s6], $0x5FFFF  }
0xac: {  	[dreg:$0x1] =	wrdreg $0xFFFFFFFF  }
0xad: {  	[dreg:$0x0] =	wrdreg $0x60  }
0xae: {  	[dreg:$0x2] =	wrdreg s24  }
0xaf: {  	[dreg:$0x3] =	wrdreg $0x109A00  }
0xb0: {  	[dreg:$0x4] =	wrdreg $0x9  }
0xb1: {  	_ =	task.clear_ibuf [dreg:s6], $0x5FFFF;
	_ =	strace $0x90000052  }
0xb2: {  	s29 =	simm.s32 $0x9;
	_ =	strace $0x80000054  }
0xb3: {  	_ =	swait.ge [sflag:s29], $0x1  }
0xb4: {  	[sflag:s29] =	ssyncadd.s32 $0xFFFFFFFF  }
0xb5: {  	_ =	strace $0x90000054  }
0xb6: {  	_ =	sfence  }
0xb7: {  	s30 =	sld [smem:$0x0];
	_ =	sdelay $0x2  }
0xb8: {  	s31 =	sshll.u32 s1, $0xD;
	s1 =	sshrl.u32 s1, $0x2  }
0xb9: {  	s3 =	sand.u32 $0x4000, s31;
	s1 =	sadd.s32 s1, s30  }
0xba: {  	s0 =	sor.u32 s3, s0;
	s1 =	sshll.u32 s1, $0x11  }
0xbb: {  	s0 =	sor.u32 s1, s0  }
0xbc: {  	s0 =	sadd.s32 $0x8F2B, s0  }
0xbd: {  	[sflag:s0] =	ssyncadd.remote.s32 $0x1  }
0xbe: {  	_ =	sfence.sel $0xFFFF  }
0xbf: {  	[dreg:$0x0] =	wrdreg $0xFFFFFFFF;
	(pc) =	sbr.abs _section_cstart, $3  }
0xc0: {  	[dreg:$0x1] =	wrdreg $0xFFFFFFFF  }
0xc1: {  	_ =	task.clear_ibuf [dreg:s6], $0x2FFFF;
	_ =	strace $0x9FFFFFFF  }
0xc2: {  	(tm) =	ssettm $0x7FFFFFFF  }
0xc3: {  	_ =	shalt  }
tec
execute0_lowered:
.L_overlay_start_1:
0x0: {  	(tag) =	ssettag $0x1  }
0x1: {  	s0 =	rddreg [dreg:$0x0]  }
0x2: {  	s2 =	rddreg [dreg:$0x1]  }
0x3: {  	s13 =	stileid.u32;
	s3 =	simm.s32 $0x0;
	s4 =	srdreg.scid  }
0x4: {  	s28 =	simm.s32 $0x3;
	s29 =	simm.s32 $0x4;
	s30 =	simm.s32 $0x5  }
0x5: {  	s31 =	simm.s32 $0x6;
	s1 =	smul.u32 $0x4F00, s13;
	[smem:$0x7FF] =	sst s3  }
0x6: {  	s6 =	sand.u32 $0x1, s4;
	s4 =	sadd.s32 $0x16A00, s0;
	s5 =	sadd.s32 $0x3000, s0  }
0x7: {  	s17 =	sshll.u32 s13, $0x6;
	s19 =	smul.u32 $0x2710, s13;
	_ =	strace $0x80000053  }
0x8: {  	s8 =	smul.u32 $0x4F000, s6;
	s9 =	ssub.s32 $0x2, s6;
	s10 =	sshll.u32 s6, $0x4  }
0x9: {  	s6 =	smul.u32 $0x27100, s6;
	s7 =	sshrl.u32 s1, $0x3;
	s11 =	sshrl.u32 s9, $0x1  }
0xa: {  	s10 =	sor.u32 s13, s10;
	s7 =	sadd.s32 s7, s0;
	s8 =	sadd.s32 s1, s8  }
0xb: {  	s11 =	ssub.s32 s9, s11;
	s12 =	smul.u32 $0x2710, s10;
	s1 =	sadd.s32 s1, s2  }
0xc: {  	s8 =	sshrl.u32 s8, $0x3;
	s7 =	sadd.s32 $0x20800, s7;
	s20 =	smax.u32 s11, $0x1  }
0xd: {  	s0 =	sadd.s32 s8, s0;
	[dreg:$0x3] =	wrdreg s7;
	s7 =	sor.u32 $0x1C07, s17  }
0xe: {  	s18 =	sshrl.u32 s12, $0x3;
	[dreg:$0x5] =	wrdreg s20;
	s21 =	sadd.s32 $0x3E8, s12  }
0xf: {  	s14 =	sadd.s32 $0x4E5E8, s12;
	s20 =	simm.s32 $0x3E8;
	s0 =	sadd.s32 $0x2A600, s0  }
0x10: {  	s9 =	sadd.s32 s5, s18;
	s13 =	sshrl.u32 s21, $0x3;
	s22 =	sshrl.u32 s14, $0x3  }
0x11: {  	s18 =	sshrl.u32 s1, $0x3;
	s21 =	simm.s32 $0x7D0;
	[dreg:$0x4] =	wrdreg s0  }
0x12: {  	s11 =	sadd.s32 $0x9C40, s9;
	s0 =	sadd.s32 s19, s6;
	s12 =	sadd.s32 s5, s13  }
0x13: {  	s13 =	sadd.s32 s5, s22;
	s19 =	simm.s32 $0x7;
	s22 =	simm.s32 $0xBB8  }
0x14: {  	s23 =	sadd.s32 $0x4EDB8, s0;
	s15 =	sadd.s32 $0x4E9D0, s0;
	s17 =	sadd.s32 $0xBB8, s0  }
0x15: {  	s24 =	sshrl.u32 s23, $0x3;
	s25 =	sshrl.u32 s15, $0x3;
	s15 =	sadd.s32 $0x7D0, s0  }
0x16: {  	s26 =	sshrl.u32 s17, $0x3;
	s23 =	simm.s32 $0x1;
	s0 =	simm.s32 $0x0  }
0x17: {  	s14 =	sadd.s32 s24, s5;
	s16 =	sadd.s32 s25, s5;
	s17 =	sadd.s32 s26, s5  }
0x18: {  	s24 =	simm.s32 $0xFA0;
	s25 =	simm.s32 $0x2;
	s26 =	simm.s32 $0x8CA0  }
.LBB2_1:
0x19: {  	s1 =	rddreg [dreg:$0x3]  }
0x1a: {  	[spmem:s18], [sflag:s7] =	dma.local [hbm:s1], $0x9E0  }
0x1b: {  	_ =	swait.ge [sflag:s19], $0x9E0  }
0x1c: {  	[sflag:s19] =	ssyncset.done $0x0  }
0x1d: {  	[sflag:s19] =	ssyncadd.s32 $0xFFFFF620  }
0x1e: {  	[bflag:$0x0] =	sbarrier.arrive $0xFFFF  }
0x1f: {  	[tilespmem:s3], [sflag:$0x1] =	stream.linear.gather [hbm4b:s9+s3], $0x3E8, $0x38;
	[tilespmem:$0x158A0] =	vst v63  }
0x20: {  	_ = 	snop  }
0x21: {  	[tilespmem:s20], [sflag:$0x1] =	stream.linear.gather [hbm4b:s11+s3], $0x3E8, $0x38;
	[tilespmem:$0x158A0] =	vst v63  }
0x22: {  	_ = 	snop  }
0x23: {  	[tilespmem:s21], [sflag:$0x2] =	stream.linear.gather [hbm4b:s12+s3], $0x3E8, $0x38;
	[tilespmem:$0x158A0] =	vst v63  }
0x24: {  	_ = 	snop  }
0x25: {  	[tilespmem:s22], [sflag:$0x2] =	stream.linear.gather [hbm4b:s13+s3], $0x3E8, $0x38;
	[tilespmem:$0x158A0] =	vst v63  }
0x26: {  	_ =	swait.ge [sflag:s23], $0x3E8  }
0x27: {  	[sflag:s23] =	ssyncset.done $0x0  }
0x28: {  	[sflag:s23] =	ssyncadd.s32 $0xFFFFFC18  }
0x29: {  	_ =	swait.ge [sflag:s23], $0x3E8  }
0x2a: {  	[sflag:s23] =	ssyncset.done $0x0  }
0x2b: {  	[sflag:s23] =	ssyncadd.s32 $0xFFFFFC18  }
0x2c: {  	[tilespmem:s24], [sflag:$0x3] =	stream.indirect.gather [hbm4b:s4+s20], $0x20, s3, s20, $0xb8;
	[tilespmem:$0x158A0] =	vst v63  }
0x2d: {  	_ =	swait.ge [sflag:s25], $0x3E8  }
0x2e: {  	[sflag:s25] =	ssyncset.done $0x0  }
0x2f: {  	[sflag:s25] =	ssyncadd.s32 $0xFFFFFC18  }
0x30: {  	_ =	swait.ge [sflag:s25], $0x3E8  }
0x31: {  	[sflag:s25] =	ssyncset.done $0x0  }
0x32: {  	[sflag:s25] =	ssyncadd.s32 $0xFFFFFC18  }
0x33: {  	[tilespmem:s26], [sflag:$0x4] =	stream.indirect.gather [hbm4b:s4+s20], $0x20, s21, s20, $0xb8;
	[tilespmem:$0x158A0] =	vst v63  }
0x34: {  	_ =	swait.ge [sflag:s28], $0x7D00  }
0x35: {  	[sflag:s28] =	ssyncset.done $0x0  }
0x36: {  	[sflag:s28] =	ssyncadd.s32 $0xFFFF8300  }
0x37: {  	[spmem:s2] =	stream.indirect.scatter.add.f32 [tilespmem:s24], [sflag:$0x5], $0x20, s20, s20, $0xb8;
	[tilespmem:$0x158A0] =	vst v63  }
0x38: {  	_ =	swait.ge [sflag:s29], $0x7D00  }
0x39: {  	[sflag:s29] =	ssyncset.done $0x0  }
0x3a: {  	[sflag:s29] =	ssyncadd.s32 $0xFFFF8300  }
0x3b: {  	[spmem:s2] =	stream.indirect.scatter.add.f32 [tilespmem:s26], [sflag:$0x6], $0x20, s22, s20, $0xb8;
	[tilespmem:$0x158A0] =	vst v63  }
0x3c: {  	_ =	swait.ge [sflag:s30], $0x7D00  }
0x3d: {  	[sflag:s30] =	ssyncset.done $0x0  }
0x3e: {  	[sflag:s30] =	ssyncadd.s32 $0xFFFF8300  }
0x3f: {  	_ =	swait.ge [sflag:s31], $0x7D00  }
0x40: {  	s10 =	sshrl.u32 s15, $0x3;
	[sflag:s31] =	ssyncset.done $0x0  }
0x41: {  	s1 =	sadd.s32 s5, s10;
	[sflag:s31] =	ssyncadd.s32 $0xFFFF8300  }
0x42: {  	[tilespmem:s3], [sflag:$0x1] =	stream.linear.gather [hbm4b:s1+s3], $0x3E8, $0x38;
	[tilespmem:$0x158A0] =	vst v63  }
0x43: {  	s6 =	sadd.s32 $0x0, s16  }
0x44: {  	[tilespmem:s20], [sflag:$0x1] =	stream.linear.gather [hbm4b:s6+s3], $0x3E8, $0x38;
	[tilespmem:$0x158A0] =	vst v63  }
0x45: {  	s8 =	sadd.s32 $0x0, s17  }
0x46: {  	[tilespmem:s21], [sflag:$0x2] =	stream.linear.gather [hbm4b:s8+s3], $0x3E8, $0x38;
	[tilespmem:$0x158A0] =	vst v63  }
0x47: {  	s10 =	sadd.s32 $0x0, s14  }
0x48: {  	[tilespmem:s22], [sflag:$0x2] =	stream.linear.gather [hbm4b:s10+s3], $0x3E8, $0x38;
	[tilespmem:$0x158A0] =	vst v63  }
0x49: {  	_ =	swait.ge [sflag:s23], $0x3E8  }
0x4a: {  	[sflag:s23] =	ssyncset.done $0x0  }
0x4b: {  	[sflag:s23] =	ssyncadd.s32 $0xFFFFFC18  }
0x4c: {  	_ =	swait.ge [sflag:s23], $0x3E8  }
0x4d: {  	[sflag:s23] =	ssyncset.done $0x0  }
0x4e: {  	[sflag:s23] =	ssyncadd.s32 $0xFFFFFC18  }
0x4f: {  	[tilespmem:s24], [sflag:$0x3] =	stream.indirect.gather [hbm4b:s4+s20], $0x20, s3, s20, $0xb8;
	[tilespmem:$0x158A0] =	vst v63  }
0x50: {  	_ =	swait.ge [sflag:s25], $0x3E8  }
0x51: {  	[sflag:s25] =	ssyncset.done $0x0  }
0x52: {  	[sflag:s25] =	ssyncadd.s32 $0xFFFFFC18  }
0x53: {  	_ =	swait.ge [sflag:s25], $0x3E8  }
0x54: {  	[sflag:s25] =	ssyncset.done $0x0  }
0x55: {  	[sflag:s25] =	ssyncadd.s32 $0xFFFFFC18  }
0x56: {  	[tilespmem:s26], [sflag:$0x4] =	stream.indirect.gather [hbm4b:s4+s20], $0x20, s21, s20, $0xb8;
	[tilespmem:$0x158A0] =	vst v63  }
0x57: {  	_ =	swait.ge [sflag:s28], $0x7D00  }
0x58: {  	[sflag:s28] =	ssyncset.done $0x0  }
0x59: {  	[sflag:s28] =	ssyncadd.s32 $0xFFFF8300  }
0x5a: {  	[spmem:s2] =	stream.indirect.scatter.add.f32 [tilespmem:s24], [sflag:$0x5], $0x20, s20, s20, $0xb8;
	[tilespmem:$0x158A0] =	vst v63  }
0x5b: {  	_ =	swait.ge [sflag:s29], $0x7D00  }
0x5c: {  	[sflag:s29] =	ssyncset.done $0x0  }
0x5d: {  	s1 =	simm.s32 $0xFA;
	s6 =	sadd.s32 $0x7D0, s15;
	[sflag:s29] =	ssyncadd.s32 $0xFFFF8300  }
.LBB2_2:
0x5e: {  	[spmem:s2] =	stream.indirect.scatter.add.f32 [tilespmem:s26], [sflag:$0x6], $0x20, s22, s20, $0xb8;
	[tilespmem:$0x158A0] =	vst v63  }
0x5f: {  	s8 =	smov.u32 s1  }
0x60: {  	p0 =	sne.s32 s1, $0x2EE;
	s1 =	sadd.s32 $0xFA, s1;
	_ =	swait.ge [sflag:s30], $0x7D00  }
0x61: {  	[sflag:s30] =	ssyncset.done $0x0  }
0x62: {  	[sflag:s30] =	ssyncadd.s32 $0xFFFF8300  }
0x63: {  	_ =	swait.ge [sflag:s31], $0x7D00  }
0x64: {  	s10 =	sshrl.u32 s6, $0x3;
	[sflag:s31] =	ssyncset.done $0x0  }
0x65: {  	s10 =	sadd.s32 s5, s10;
	[sflag:s31] =	ssyncadd.s32 $0xFFFF8300  }
0x66: {  	[tilespmem:s3], [sflag:$0x1] =	stream.linear.gather [hbm4b:s10+s3], $0x3E8, $0x38;
	[tilespmem:$0x158A0] =	vst v63  }
0x67: {  	s10 =	sadd.s32 s8, s16  }
0x68: {  	[tilespmem:s20], [sflag:$0x1] =	stream.linear.gather [hbm4b:s10+s3], $0x3E8, $0x38;
	[tilespmem:$0x158A0] =	vst v63  }
0x69: {  	s10 =	sadd.s32 s8, s17  }
0x6a: {  	[tilespmem:s21], [sflag:$0x2] =	stream.linear.gather [hbm4b:s10+s3], $0x3E8, $0x38;
	[tilespmem:$0x158A0] =	vst v63  }
0x6b: {  	s8 =	sadd.s32 s8, s14  }
0x6c: {  	[tilespmem:s22], [sflag:$0x2] =	stream.linear.gather [hbm4b:s8+s3], $0x3E8, $0x38;
	[tilespmem:$0x158A0] =	vst v63  }
0x6d: {  	_ =	swait.ge [sflag:s23], $0x3E8  }
0x6e: {  	[sflag:s23] =	ssyncset.done $0x0  }
0x6f: {  	[sflag:s23] =	ssyncadd.s32 $0xFFFFFC18  }
0x70: {  	_ =	swait.ge [sflag:s23], $0x3E8  }
0x71: {  	[sflag:s23] =	ssyncset.done $0x0  }
0x72: {  	[sflag:s23] =	ssyncadd.s32 $0xFFFFFC18  }
0x73: {  	[tilespmem:s24], [sflag:$0x3] =	stream.indirect.gather [hbm4b:s4+s20], $0x20, s3, s20, $0xb8;
	[tilespmem:$0x158A0] =	vst v63  }
0x74: {  	_ =	swait.ge [sflag:s25], $0x3E8  }
0x75: {  	[sflag:s25] =	ssyncset.done $0x0  }
0x76: {  	[sflag:s25] =	ssyncadd.s32 $0xFFFFFC18  }
0x77: {  	_ =	swait.ge [sflag:s25], $0x3E8  }
0x78: {  	[sflag:s25] =	ssyncset.done $0x0  }
0x79: {  	[sflag:s25] =	ssyncadd.s32 $0xFFFFFC18  }
0x7a: {  	[tilespmem:s26], [sflag:$0x4] =	stream.indirect.gather [hbm4b:s4+s20], $0x20, s21, s20, $0xb8;
	[tilespmem:$0x158A0] =	vst v63  }
0x7b: {  	_ =	swait.ge [sflag:s28], $0x7D00  }
0x7c: {  	[sflag:s28] =	ssyncset.done $0x0  }
.Ltmp0:
0x7d: {  	[sflag:s28] =	ssyncadd.s32 $0xFFFF8300;
	(pc) =	sbr.rel @p0 .LBB2_2-.Ltmp0, $4  }
0x7e: {  	[spmem:s2] =	stream.indirect.scatter.add.f32 [tilespmem:s24], [sflag:$0x5], $0x20, s20, s20, $0xb8;
	[tilespmem:$0x158A0] =	vst v63  }
0x7f: {  	_ =	swait.ge [sflag:s29], $0x7D00  }
0x80: {  	[sflag:s29] =	ssyncset.done $0x0  }
0x81: {  	s6 =	sadd.s32 $0x7D0, s6;
	[sflag:s29] =	ssyncadd.s32 $0xFFFF8300  }
0x82: {  	[spmem:s2] =	stream.indirect.scatter.add.f32 [tilespmem:s26], [sflag:$0x6], $0x20, s22, s20, $0xb8;
	[tilespmem:$0x158A0] =	vst v63  }
0x83: {  	_ =	swait.ge [sflag:s30], $0x7D00  }
0x84: {  	[sflag:s30] =	ssyncset.done $0x0  }
0x85: {  	[sflag:s30] =	ssyncadd.s32 $0xFFFF8300  }
0x86: {  	_ =	swait.ge [sflag:s31], $0x7D00  }
0x87: {  	[sflag:s31] =	ssyncset.done $0x0  }
0x88: {  	[sflag:s31] =	ssyncadd.s32 $0xFFFF8300  }
0x89: {  	[bflag:$0x0] =	sbarrier.arrive $0xFFFF  }
0x8a: {  	s1 =	rddreg [dreg:$0x4]  }
0x8b: {  	[hbm:s1], [sflag:s7] =	dma.local [spmem:s18], $0x9E0  }
0x8c: {  	_ =	swait.ge [sflag:s19], $0x9E0  }
0x8d: {  	s0 =	sadd.s32 $0x1, s0;
	s10 =	rddreg [dreg:$0x5]  }
0x8e: {  	p0 =	sne.s32 s0, s10  }
.Ltmp1:
0x8f: {  	_ = 	snop;
	(pc) =	sbr.rel @p0 .LBB2_1-.Ltmp1, $3  }
0x90: {  	_ =	sdelay $0x1  }
0x91: {  	[sflag:s19] =	ssyncset.done $0x0  }
0x92: {  	[sflag:s19] =	ssyncadd.s32 $0xFFFFF620  }
0x93: {  	_ =	sfence.sel $0x180000  }
0x94: {  	[bflag:$0x0] =	sbarrier.arrive $0xFFFF  }
0x95: {  	_ =	strace $0x90000053  }
0x96: {  	s0 =	stileid.u32;
	[bflag:$0x2] =	sbarrier.arrive $0xFFFF  }
0x97: {  	p0 =	sne.s32 s0, $0x0;
	s0 =	rddreg [dreg:$0x2]  }
0x98: {  	s0 =	sadd.s32 @!p0 $0x100000, s0  }
0x99: {  	[sflag:s0] =	ssyncadd.tile.s32 @!p0 $0x1;
	_ =	shalt  }
.Lfunc_end2:
_tile_overlayer_lowered:
.L_overlay_start_2:
0x9a: {  	(tag) =	ssettag $0x2  }
0x9b: {  	s0 =	rddreg [dreg:$0x0];
	s2 =	stileid.u32  }
0x9c: {  	s1 =	rddreg [dreg:$0x1];
	p0 =	sne.s32 s2, $0x0  }
0x9d: {  	s3 =	rddreg [dreg:$0x2];
	[bflag:$0x3] =	sbarrier.arrive $0xFFFF;
	s2 =	simm.s32 @!p0 $0x1C07  }
0x9e: {  	[timem:s3], [sflag:s2] =	dma.local @!p0 [hbm:s0], s1  }
0x9f: {  	s0 =	simm.s32 @!p0 $0x7  }
0xa0: {  	_ =	swait.ge @!p0 [sflag:s0], s1  }
0xa1: {  	s1 =	ssub.s32 @!p0 $0x0, s1;
	[sflag:s0] =	ssyncset.done @!p0 $0x0  }
0xa2: {  	[sflag:s0] =	ssyncadd.s32 @!p0 s1  }
0xa3: {  	[bflag:$0x3] =	sbarrier.arrive $0xFFFF  }
0xa4: {  	_ =	shalt  }

</sc_bundles>
